<compile_context>
chip_gen: v7x
topology: tpu7x:2x2x1
jax: 0.10.2.dev20260603
libtpu: 0.0.44.dev20260713+nightly
codegen_flags: <defaults>
</compile_context>

<pallas_src>
import functools

import jax
import jax.numpy as jnp
from jax import lax
from jax.experimental import pallas as pl
from jax.experimental.pallas import tpu as pltpu
from jax.experimental.pallas import tpu_sc as plsc

B = 16384
D = 64
NCORES = 2
NSUB = 16
NW = NCORES * NSUB
B_PER_W = B // NW
CB = 8
IDS_PER_CHUNK = CB * 10
N_CHUNKS = B_PER_W // CB
ID_ROWS_PER_W = B_PER_W // CB


def _sc_body(table_hbm, ids_hbm, out_hbm, ids_v, rows0, rows1, ob0, ob1,
             gsem0, gsem1, osem0, osem1):
  c = lax.axis_index("c")
  s = lax.axis_index("s")
  wid = c * NSUB + s
  id_row0 = wid * ID_ROWS_PER_W
  out_row0 = wid * B_PER_W

  pltpu.sync_copy(ids_hbm.at[pl.ds(id_row0, ID_ROWS_PER_W)], ids_v)

  rows = (rows0, rows1)
  obufs = (ob0, ob1)
  gsems = (gsem0, gsem1)
  osems = (osem0, osem1)

  def fire_gather(g, p):
    pltpu.async_copy(table_hbm.at[ids_v.at[g]], rows[p], gsems[p])

  def compute_chunk(g, p):
    rv = rows[p]
    ob = obufs[p]
    for e in range(CB):
      r0 = e * 10
      for cc in range(4):
        col = pl.ds(cc * 16, 16)
        h = (rv[r0 + 0, col] + rv[r0 + 1, col] + rv[r0 + 2, col]
             + rv[r0 + 3, col] + rv[r0 + 4, col])
        a = (rv[r0 + 5, col] + rv[r0 + 6, col] + rv[r0 + 7, col]
             + rv[r0 + 8, col] + rv[r0 + 9, col])
        ob[e, pl.ds(cc * 16, 16)] = h
        ob[e, pl.ds(64 + cc * 16, 16)] = a
    pltpu.async_copy(ob, out_hbm.at[pl.ds(out_row0 + g * CB, CB)], osems[p])

  fire_gather(0, 0)
  fire_gather(1, 1)

  def step(g2, carry):
    for p in range(2):
      g = g2 * 2 + p
      pltpu.make_async_copy(table_hbm.at[ids_v.at[g]], rows[p], gsems[p]).wait()
      @pl.when(g >= 2)
      def _():
        pltpu.make_async_copy(
            obufs[p], out_hbm.at[pl.ds(out_row0 + g * CB, CB)], osems[p]).wait()
      compute_chunk(g, p)
      @pl.when(g + 2 < N_CHUNKS)
      def _():
        pltpu.async_copy(table_hbm.at[ids_v.at[g + 2]], rows[p], gsems[p])
    return carry

  lax.fori_loop(0, N_CHUNKS // 2, step, 0)

  for p in range(2):
    g = N_CHUNKS - 2 + p
    pltpu.make_async_copy(
        obufs[p], out_hbm.at[pl.ds(out_row0 + g * CB, CB)], osems[p]).wait()


@jax.jit
def _run(table, ids2d):
  mesh = plsc.VectorSubcoreMesh(core_axis_name="c", subcore_axis_name="s")
  fn = pl.kernel(
      _sc_body,
      out_type=jax.ShapeDtypeStruct((B, 2 * D), jnp.float32),
      mesh=mesh,
      compiler_params=pltpu.CompilerParams(use_tc_tiling_on_sc=False),
      scratch_types=[
          pltpu.VMEM((ID_ROWS_PER_W, IDS_PER_CHUNK), jnp.int32),
          pltpu.VMEM((IDS_PER_CHUNK, D), jnp.float32),
          pltpu.VMEM((IDS_PER_CHUNK, D), jnp.float32),
          pltpu.VMEM((CB, 2 * D), jnp.float32),
          pltpu.VMEM((CB, 2 * D), jnp.float32),
          pltpu.SemaphoreType.DMA,
          pltpu.SemaphoreType.DMA,
          pltpu.SemaphoreType.DMA,
          pltpu.SemaphoreType.DMA,
      ],
  )
  return fn(table, ids2d)


def kernel(x, player_embedding):
  ids = x[:, :, 0].astype(jnp.int32).reshape(B * 10 // IDS_PER_CHUNK,
                                             IDS_PER_CHUNK)
  return _run(player_embedding, ids)

# --- scband reference (transcript-rebuilt; emitter-appended) ---
"""Pipeline reference for scband-lineup-predictor-just-embedding-67654324847014 (READ-ONLY COPY).

The authoritative reference and input builder live on the scoring server;
editing this copy changes nothing except your own understanding.
"""

import jax, jax.numpy as jnp
import numpy as np

B = 16384
N_PLAYERS = 1000000
EMB_DIM = 64
TABLE_ROWS = N_PLAYERS + 5


def setup_inputs(seed: int = 0) -> dict:
    key = jax.random.key(seed)
    kx, kt = jax.random.split(key)
    x = jax.random.randint(kx, (B, 10, 2), 0, N_PLAYERS)
    player_embedding = jax.random.normal(kt, (TABLE_ROWS, EMB_DIM), dtype=jnp.float32)
    return {"x": x, "player_embedding": player_embedding}


def reference(x, player_embedding):
    # x.split(1, dim=2) -> player_ids [B,10,1], player_ages [B,10,1]
    player_ids = x[:, :, 0:1]
    # embedding lookup -> [B, 10, 1, D]
    emb = jnp.take(player_embedding, player_ids, axis=0)
    home_x = emb[:, :5]
    away_x = emb[:, 5:]
    sum_home = jnp.sum(home_x, axis=1)  # [B, 1, D]
    sum_away = jnp.sum(away_x, axis=1)  # [B, 1, D]
    sum_home = sum_home.reshape(sum_home.shape[0], -1)
    sum_away = sum_away.reshape(sum_away.shape[0], -1)
    pred = jnp.concatenate((sum_home, sum_away), axis=1)  # [B, 2D]
    return pred

if __name__ == "__main__":
    import jax
    _d = setup_inputs()
    print(jax.jit(kernel)(*tuple(_d.values())))

</pallas_src>

<mosaic_0001>
#map = affine_map<(d0, d1) -> (0, 0)>
module attributes {stable_mosaic.version = 14 : i64} {
  func.func @_sc_body(%arg0: i32, %arg1: i32, %arg2: memref<1000005x64xf32, #tpu.memory_space<hbm>>, %arg3: memref<2048x80xi32, #tpu.memory_space<hbm>>, %arg4: memref<16384x128xf32, #tpu.memory_space<hbm>>, %arg5: memref<64x80xi32, #tpu.memory_space<vmem>>, %arg6: memref<80x64xf32, #tpu.memory_space<vmem>>, %arg7: memref<80x64xf32, #tpu.memory_space<vmem>>, %arg8: memref<8x128xf32, #tpu.memory_space<vmem>>, %arg9: memref<8x128xf32, #tpu.memory_space<vmem>>, %arg10: memref<!tpu.dma_semaphore, #tpu.memory_space<semaphore_mem>>, %arg11: memref<!tpu.dma_semaphore, #tpu.memory_space<semaphore_mem>>, %arg12: memref<!tpu.dma_semaphore, #tpu.memory_space<semaphore_mem>>, %arg13: memref<!tpu.dma_semaphore, #tpu.memory_space<semaphore_mem>>) attributes {dimension_semantics = [#tpu.dimension_semantics<core_parallel>, #tpu.dimension_semantics<subcore_parallel>], iteration_bounds = array<i64: 2, 16>, scalar_prefetch = 0 : i64, scratch_operands = 9 : i64, tpu.core_type = #tpu.core_type<sc_vector_subcore>, window_params = [{transform_indices = #map}, {transform_indices = #map}, {transform_indices = #map}]} {
    %mul3A = arith.constant 16 : i32
    %mul3A_0 = arith.muli %arg0, %mul3A : i32
    %add3A = arith.addi %mul3A_0, %arg1 : i32
    %mul3A_1 = arith.constant 64 : i32
    %mul3A_2 = arith.muli %add3A, %mul3A_1 : i32
    %mul3A_3 = arith.constant 512 : i32
    %mul3A_4 = arith.muli %add3A, %mul3A_3 : i32
    "tpu.region"() ({
      %run_scoped3A = tpu.sem_alloc : memref<!tpu.dma_semaphore, #tpu.memory_space<semaphore_mem>>
      %dma_start3A_34 = arith.constant 0 : i32
      %dma_start3A_35 = tpu.memref_slice %arg3[%mul3A_2, %dma_start3A_34] : memref<2048x80xi32, #tpu.memory_space<hbm>> -> memref<64x80xi32, #tpu.memory_space<hbm>>
      %dma_start3A_36 = arith.constant 0 : i32
      %dma_start3A_37 = tpu.memref_slice %arg3[%mul3A_2, %dma_start3A_36] : memref<2048x80xi32, #tpu.memory_space<hbm>> -> memref<64x80xi32, #tpu.memory_space<hbm>>
      tpu.enqueue_dma source(%dma_start3A_37 : memref<64x80xi32, #tpu.memory_space<hbm>>) target(%arg5 : memref<64x80xi32, #tpu.memory_space<vmem>>) target_semaphore(%run_scoped3A : memref<!tpu.dma_semaphore, #tpu.memory_space<semaphore_mem>>)
      %dma_wait3A_38 = arith.constant 0 : i32
      %dma_wait3A_39 = tpu.memref_slice %arg3[%mul3A_2, %dma_wait3A_38] : memref<2048x80xi32, #tpu.memory_space<hbm>> -> memref<64x80xi32, #tpu.memory_space<hbm>>
      %dma_wait3A_40 = arith.constant 0 : i32
      %dma_wait3A_41 = tpu.memref_slice %arg3[%mul3A_2, %dma_wait3A_40] : memref<2048x80xi32, #tpu.memory_space<hbm>> -> memref<64x80xi32, #tpu.memory_space<hbm>>
      tpu.wait_dma2 semaphore(%run_scoped3A : memref<!tpu.dma_semaphore, #tpu.memory_space<semaphore_mem>>) src(%dma_wait3A_41 : memref<64x80xi32, #tpu.memory_space<hbm>>) dst(%arg5 : memref<64x80xi32, #tpu.memory_space<vmem>>)
      tpu.yield
    }) : () -> ()
    %dma_start3A = arith.constant 0 : i32
    %dma_start3A_5 = arith.constant 0 : i32
    %dma_start3A_6 = tpu.memref_slice %arg5[%dma_start3A, %dma_start3A_5] : memref<64x80xi32, #tpu.memory_space<vmem>> -> memref<1x80xi32, #tpu.memory_space<vmem>>
    %dma_start3A_7 = tpu.memref_squeeze %dma_start3A_6 : memref<1x80xi32, #tpu.memory_space<vmem>> -> memref<80xi32, #tpu.memory_space<vmem>>
    %dma_start3A_8 = arith.constant 0 : i32
    %dma_start3A_9 = arith.constant 0 : i32
    %dma_start3A_10 = tpu.memref_slice %arg2[%dma_start3A_8, %dma_start3A_9] : memref<1000005x64xf32, #tpu.memory_space<hbm>> -> memref<1000005x64xf32, #tpu.memory_space<hbm>>
    tpu.enqueue_indirect_dma source(%dma_start3A_10 : memref<1000005x64xf32, #tpu.memory_space<hbm>>) target(%arg6 : memref<80x64xf32, #tpu.memory_space<vmem>>) offsets(%dma_start3A_7 : memref<80xi32, #tpu.memory_space<vmem>>) semaphore(%arg10 : memref<!tpu.dma_semaphore, #tpu.memory_space<semaphore_mem>>)
    %dma_start3A_11 = arith.constant 1 : i32
    %dma_start3A_12 = arith.constant 0 : i32
    %dma_start3A_13 = tpu.memref_slice %arg5[%dma_start3A_11, %dma_start3A_12] : memref<64x80xi32, #tpu.memory_space<vmem>> -> memref<1x80xi32, #tpu.memory_space<vmem>>
    %dma_start3A_14 = tpu.memref_squeeze %dma_start3A_13 : memref<1x80xi32, #tpu.memory_space<vmem>> -> memref<80xi32, #tpu.memory_space<vmem>>
    %dma_start3A_15 = arith.constant 0 : i32
    %dma_start3A_16 = arith.constant 0 : i32
    %dma_start3A_17 = tpu.memref_slice %arg2[%dma_start3A_15, %dma_start3A_16] : memref<1000005x64xf32, #tpu.memory_space<hbm>> -> memref<1000005x64xf32, #tpu.memory_space<hbm>>
    tpu.enqueue_indirect_dma source(%dma_start3A_17 : memref<1000005x64xf32, #tpu.memory_space<hbm>>) target(%arg7 : memref<80x64xf32, #tpu.memory_space<vmem>>) offsets(%dma_start3A_14 : memref<80xi32, #tpu.memory_space<vmem>>) semaphore(%arg11 : memref<!tpu.dma_semaphore, #tpu.memory_space<semaphore_mem>>)
    %scan3A = arith.constant 0 : i32
    %scan3A_18 = arith.constant 0 : i32
    %scan3A_19 = arith.constant 32 : i32
    %scan3A_20 = arith.addi %scan3A_18, %scan3A_19 : i32
    %scan3A_21 = arith.constant 1 : i32
    scf.for %scan3A_34 = %scan3A_18 to %scan3A_20 step %scan3A_21  : i32 {
      %mul3A_35 = arith.constant 2 : i32
      %mul3A_36 = arith.muli %scan3A_34, %mul3A_35 : i32
      %add3A_37 = arith.constant 0 : i32
      %add3A_38 = arith.addi %mul3A_36, %add3A_37 : i32
      %dma_wait3A_39 = arith.constant 0 : i32
      %dma_wait3A_40 = tpu.memref_slice %arg5[%add3A_38, %dma_wait3A_39] : memref<64x80xi32, #tpu.memory_space<vmem>> -> memref<1x80xi32, #tpu.memory_space<vmem>>
      %dma_wait3A_41 = tpu.memref_squeeze %dma_wait3A_40 : memref<1x80xi32, #tpu.memory_space<vmem>> -> memref<80xi32, #tpu.memory_space<vmem>>
      %dma_wait3A_42 = arith.constant 0 : i32
      %dma_wait3A_43 = arith.constant 0 : i32
      %dma_wait3A_44 = tpu.memref_slice %arg2[%dma_wait3A_42, %dma_wait3A_43] : memref<1000005x64xf32, #tpu.memory_space<hbm>> -> memref<1000005x64xf32, #tpu.memory_space<hbm>>
      tpu.wait_indirect_dma semaphore(%arg10 : memref<!tpu.dma_semaphore, #tpu.memory_space<semaphore_mem>>) src(%dma_wait3A_44 : memref<1000005x64xf32, #tpu.memory_space<hbm>>) dst(%arg6 : memref<80x64xf32, #tpu.memory_space<vmem>>)
      %ge3A = arith.constant 2 : i32
      %ge3A_45 = arith.cmpi sge, %add3A_38, %ge3A : i32
      %convert_element_type3A = arith.extui %ge3A_45 : i1 to i32
      %cond3A = arith.constant 0 : i32
      %cond3A_46 = arith.cmpi ne, %convert_element_type3A, %cond3A : i32
      scf.if %cond3A_46 {
        %mul3A_4567 = arith.constant 8 : i32
        %mul3A_4568 = arith.muli %add3A_38, %mul3A_4567 : i32
        %add3A_4569 = arith.addi %mul3A_4, %mul3A_4568 : i32
        %dma_wait3A_4570 = arith.constant 0 : i32
        %dma_wait3A_4571 = tpu.memref_slice %arg4[%add3A_4569, %dma_wait3A_4570] : memref<16384x128xf32, #tpu.memory_space<hbm>> -> memref<8x128xf32, #tpu.memory_space<hbm>>
        %dma_wait3A_4572 = arith.constant 0 : i32
        %dma_wait3A_4573 = tpu.memref_slice %arg4[%add3A_4569, %dma_wait3A_4572] : memref<16384x128xf32, #tpu.memory_space<hbm>> -> memref<8x128xf32, #tpu.memory_space<hbm>>
        tpu.wait_dma2 semaphore(%arg12 : memref<!tpu.dma_semaphore, #tpu.memory_space<semaphore_mem>>) src(%arg8 : memref<8x128xf32, #tpu.memory_space<vmem>>) dst(%dma_wait3A_4573 : memref<8x128xf32, #tpu.memory_space<hbm>>)
      } else {
      }
      %get3A = arith.constant 0 : i32
      %get3A_47 = arith.index_cast %get3A : i32 to index
      %get3A_48 = arith.constant 0 : index
      %get3A_49 = tpu.vector_load %arg6[%get3A_47, %get3A_48] {strides = array<i32>} : memref<80x64xf32, #tpu.memory_space<vmem>>, vector<1x16xf32>,
      %get3A_50 = vector.shape_cast %get3A_49 : vector<1x16xf32> to vector<16xf32>
      %get3A_51 = arith.constant 1 : i32
      %get3A_52 = arith.index_cast %get3A_51 : i32 to index
      %get3A_53 = arith.constant 0 : index
      %get3A_54 = tpu.vector_load %arg6[%get3A_52, %get3A_53] {strides = array<i32>} : memref<80x64xf32, #tpu.memory_space<vmem>>, vector<1x16xf32>,
      %get3A_55 = vector.shape_cast %get3A_54 : vector<1x16xf32> to vector<16xf32>
      %add3A_56 = arith.addf %get3A_50, %get3A_55 : vector<16xf32>
      %get3A_57 = arith.constant 2 : i32
      %get3A_58 = arith.index_cast %get3A_57 : i32 to index
      %get3A_59 = arith.constant 0 : index
      %get3A_60 = tpu.vector_load %arg6[%get3A_58, %get3A_59] {strides = array<i32>} : memref<80x64xf32, #tpu.memory_space<vmem>>, vector<1x16xf32>,
      %get3A_61 = vector.shape_cast %get3A_60 : vector<1x16xf32> to vector<16xf32>
      %add3A_62 = arith.addf %add3A_56, %get3A_61 : vector<16xf32>
      %get3A_63 = arith.constant 3 : i32
      %get3A_64 = arith.index_cast %get3A_63 : i32 to index
      %get3A_65 = arith.constant 0 : index
      %get3A_66 = tpu.vector_load %arg6[%get3A_64, %get3A_65] {strides = array<i32>} : memref<80x64xf32, #tpu.memory_space<vmem>>, vector<1x16xf32>,
      %get3A_67 = vector.shape_cast %get3A_66 : vector<1x16xf32> to vector<16xf32>
      %add3A_68 = arith.addf %add3A_62, %get3A_67 : vector<16xf32>
      %get3A_69 = arith.constant 4 : i32
      %get3A_70 = arith.index_cast %get3A_69 : i32 to index
      %get3A_71 = arith.constant 0 : index
      %get3A_72 = tpu.vector_load %arg6[%get3A_70, %get3A_71] {strides = array<i32>} : memref<80x64xf32, #tpu.memory_space<vmem>>, vector<1x16xf32>,
      %get3A_73 = vector.shape_cast %get3A_72 : vector<1x16xf32> to vector<16xf32>
      %add3A_74 = arith.addf %add3A_68, %get3A_73 : vector<16xf32>
      %get3A_75 = arith.constant 5 : i32
      %get3A_76 = arith.index_cast %get3A_75 : i32 to index
      %get3A_77 = arith.constant 0 : index
      %get3A_78 = tpu.vector_load %arg6[%get3A_76, %get3A_77] {strides = array<i32>} : memref<80x64xf32, #tpu.memory_space<vmem>>, vector<1x16xf32>,
      %get3A_79 = vector.shape_cast %get3A_78 : vector<1x16xf32> to vector<16xf32>
      %get3A_80 = arith.constant 6 : i32
      %get3A_81 = arith.index_cast %get3A_80 : i32 to index
      %get3A_82 = arith.constant 0 : index
      %get3A_83 = tpu.vector_load %arg6[%get3A_81, %get3A_82] {strides = array<i32>} : memref<80x64xf32, #tpu.memory_space<vmem>>, vector<1x16xf32>,
      %get3A_84 = vector.shape_cast %get3A_83 : vector<1x16xf32> to vector<16xf32>
      %add3A_85 = arith.addf %get3A_79, %get3A_84 : vector<16xf32>
      %get3A_86 = arith.constant 7 : i32
      %get3A_87 = arith.index_cast %get3A_86 : i32 to index
      %get3A_88 = arith.constant 0 : index
      %get3A_89 = tpu.vector_load %arg6[%get3A_87, %get3A_88] {strides = array<i32>} : memref<80x64xf32, #tpu.memory_space<vmem>>, vector<1x16xf32>,
      %get3A_90 = vector.shape_cast %get3A_89 : vector<1x16xf32> to vector<16xf32>
      %add3A_91 = arith.addf %add3A_85, %get3A_90 : vector<16xf32>
      %get3A_92 = arith.constant 8 : i32
      %get3A_93 = arith.index_cast %get3A_92 : i32 to index
      %get3A_94 = arith.constant 0 : index
      %get3A_95 = tpu.vector_load %arg6[%get3A_93, %get3A_94] {strides = array<i32>} : memref<80x64xf32, #tpu.memory_space<vmem>>, vector<1x16xf32>,
      %get3A_96 = vector.shape_cast %get3A_95 : vector<1x16xf32> to vector<16xf32>
      %add3A_97 = arith.addf %add3A_91, %get3A_96 : vector<16xf32>
      %get3A_98 = arith.constant 9 : i32
      %get3A_99 = arith.index_cast %get3A_98 : i32 to index
      %get3A_100 = arith.constant 0 : index
      %get3A_101 = tpu.vector_load %arg6[%get3A_99, %get3A_100] {strides = array<i32>} : memref<80x64xf32, #tpu.memory_space<vmem>>, vector<1x16xf32>,
      %get3A_102 = vector.shape_cast %get3A_101 : vector<1x16xf32> to vector<16xf32>
      %add3A_103 = arith.addf %add3A_97, %get3A_102 : vector<16xf32>
      %swap3A = arith.constant 0 : i32
      %swap3A_104 = arith.index_cast %swap3A : i32 to index
      %swap3A_105 = arith.constant 0 : index
      %swap3A_106 = tpu.vector_load %arg8[%swap3A_104, %swap3A_105] {strides = array<i32>} : memref<8x128xf32, #tpu.memory_space<vmem>>, vector<1x16xf32>,
      %swap3A_107 = vector.shape_cast %swap3A_106 : vector<1x16xf32> to vector<16xf32>
      %swap3A_108 = vector.shape_cast %add3A_74 : vector<16xf32> to vector<1x16xf32>
      tpu.vector_store %arg8[%swap3A_104, %swap3A_105], %swap3A_108 {strides = array<i32>} : memref<8x128xf32, #tpu.memory_space<vmem>>, vector<1x16xf32>,
      %swap3A_109 = arith.constant 0 : i32
      %swap3A_110 = arith.index_cast %swap3A_109 : i32 to index
      %swap3A_111 = arith.constant 64 : index
      %swap3A_112 = tpu.vector_load %arg8[%swap3A_110, %swap3A_111] {strides = array<i32>} : memref<8x128xf32, #tpu.memory_space<vmem>>, vector<1x16xf32>,
      %swap3A_113 = vector.shape_cast %swap3A_112 : vector<1x16xf32> to vector<16xf32>
      %swap3A_114 = vector.shape_cast %add3A_103 : vector<16xf32> to vector<1x16xf32>
      tpu.vector_store %arg8[%swap3A_110, %swap3A_111], %swap3A_114 {strides = array<i32>} : memref<8x128xf32, #tpu.memory_space<vmem>>, vector<1x16xf32>,
      %get3A_115 = arith.constant 0 : i32
      %get3A_116 = arith.index_cast %get3A_115 : i32 to index
      %get3A_117 = arith.constant 16 : index
      %get3A_118 = tpu.vector_load %arg6[%get3A_116, %get3A_117] {strides = array<i32>} : memref<80x64xf32, #tpu.memory_space<vmem>>, vector<1x16xf32>,
      %get3A_119 = vector.shape_cast %get3A_118 : vector<1x16xf32> to vector<16xf32>
      %get3A_120 = arith.constant 1 : i32
      %get3A_121 = arith.index_cast %get3A_120 : i32 to index
      %get3A_122 = arith.constant 16 : index
      %get3A_123 = tpu.vector_load %arg6[%get3A_121, %get3A_122] {strides = array<i32>} : memref<80x64xf32, #tpu.memory_space<vmem>>, vector<1x16xf32>,
      %get3A_124 = vector.shape_cast %get3A_123 : vector<1x16xf32> to vector<16xf32>
      %add3A_125 = arith.addf %get3A_119, %get3A_124 : vector<16xf32>
      %get3A_126 = arith.constant 2 : i32
      %get3A_127 = arith.index_cast %get3A_126 : i32 to index
      %get3A_128 = arith.constant 16 : index
      %get3A_129 = tpu.vector_load %arg6[%get3A_127, %get3A_128] {strides = array<i32>} : memref<80x64xf32, #tpu.memory_space<vmem>>, vector<1x16xf32>,
      %get3A_130 = vector.shape_cast %get3A_129 : vector<1x16xf32> to vector<16xf32>
      %add3A_131 = arith.addf %add3A_125, %get3A_130 : vector<16xf32>
      %get3A_132 = arith.constant 3 : i32
      %get3A_133 = arith.index_cast %get3A_132 : i32 to index
      %get3A_134 = arith.constant 16 : index
      %get3A_135 = tpu.vector_load %arg6[%get3A_133, %get3A_134] {strides = array<i32>} : memref<80x64xf32, #tpu.memory_space<vmem>>, vector<1x16xf32>,
      %get3A_136 = vector.shape_cast %get3A_135 : vector<1x16xf32> to vector<16xf32>
      %add3A_137 = arith.addf %add3A_131, %get3A_136 : vector<16xf32>
      %get3A_138 = arith.constant 4 : i32
      %get3A_139 = arith.index_cast %get3A_138 : i32 to index
      %get3A_140 = arith.constant 16 : index
      %get3A_141 = tpu.vector_load %arg6[%get3A_139, %get3A_140] {strides = array<i32>} : memref<80x64xf32, #tpu.memory_space<vmem>>, vector<1x16xf32>,
      %get3A_142 = vector.shape_cast %get3A_141 : vector<1x16xf32> to vector<16xf32>
      %add3A_143 = arith.addf %add3A_137, %get3A_142 : vector<16xf32>
      %get3A_144 = arith.constant 5 : i32
      %get3A_145 = arith.index_cast %get3A_144 : i32 to index
      %get3A_146 = arith.constant 16 : index
      %get3A_147 = tpu.vector_load %arg6[%get3A_145, %get3A_146] {strides = array<i32>} : memref<80x64xf32, #tpu.memory_space<vmem>>, vector<1x16xf32>,
      %get3A_148 = vector.shape_cast %get3A_147 : vector<1x16xf32> to vector<16xf32>
      %get3A_149 = arith.constant 6 : i32
      %get3A_150 = arith.index_cast %get3A_149 : i32 to index
      %get3A_151 = arith.constant 16 : index
      %get3A_152 = tpu.vector_load %arg6[%get3A_150, %get3A_151] {strides = array<i32>} : memref<80x64xf32, #tpu.memory_space<vmem>>, vector<1x16xf32>,
      %get3A_153 = vector.shape_cast %get3A_152 : vector<1x16xf32> to vector<16xf32>
      %add3A_154 = arith.addf %get3A_148, %get3A_153 : vector<16xf32>
      %get3A_155 = arith.constant 7 : i32
      %get3A_156 = arith.index_cast %get3A_155 : i32 to index
      %get3A_157 = arith.constant 16 : index
      %get3A_158 = tpu.vector_load %arg6[%get3A_156, %get3A_157] {strides = array<i32>} : memref<80x64xf32, #tpu.memory_space<vmem>>, vector<1x16xf32>,
      %get3A_159 = vector.shape_cast %get3A_158 : vector<1x16xf32> to vector<16xf32>
      %add3A_160 = arith.addf %add3A_154, %get3A_159 : vector<16xf32>
      %get3A_161 = arith.constant 8 : i32
      %get3A_162 = arith.index_cast %get3A_161 : i32 to index
      %get3A_163 = arith.constant 16 : index
      %get3A_164 = tpu.vector_load %arg6[%get3A_162, %get3A_163] {strides = array<i32>} : memref<80x64xf32, #tpu.memory_space<vmem>>, vector<1x16xf32>,
      %get3A_165 = vector.shape_cast %get3A_164 : vector<1x16xf32> to vector<16xf32>
      %add3A_166 = arith.addf %add3A_160, %get3A_165 : vector<16xf32>
      %get3A_167 = arith.constant 9 : i32
      %get3A_168 = arith.index_cast %get3A_167 : i32 to index
      %get3A_169 = arith.constant 16 : index
      %get3A_170 = tpu.vector_load %arg6[%get3A_168, %get3A_169] {strides = array<i32>} : memref<80x64xf32, #tpu.memory_space<vmem>>, vector<1x16xf32>,
      %get3A_171 = vector.shape_cast %get3A_170 : vector<1x16xf32> to vector<16xf32>
      %add3A_172 = arith.addf %add3A_166, %get3A_171 : vector<16xf32>
      %swap3A_173 = arith.constant 0 : i32
      %swap3A_174 = arith.index_cast %swap3A_173 : i32 to index
      %swap3A_175 = arith.constant 16 : index
      %swap3A_176 = tpu.vector_load %arg8[%swap3A_174, %swap3A_175] {strides = array<i32>} : memref<8x128xf32, #tpu.memory_space<vmem>>, vector<1x16xf32>,
      %swap3A_177 = vector.shape_cast %swap3A_176 : vector<1x16xf32> to vector<16xf32>
      %swap3A_178 = vector.shape_cast %add3A_143 : vector<16xf32> to vector<1x16xf32>
      tpu.vector_store %arg8[%swap3A_174, %swap3A_175], %swap3A_178 {strides = array<i32>} : memref<8x128xf32, #tpu.memory_space<vmem>>, vector<1x16xf32>,
      %swap3A_179 = arith.constant 0 : i32
      %swap3A_180 = arith.index_cast %swap3A_179 : i32 to index
      %swap3A_181 = arith.constant 80 : index
      %swap3A_182 = tpu.vector_load %arg8[%swap3A_180, %swap3A_181] {strides = array<i32>} : memref<8x128xf32, #tpu.memory_space<vmem>>, vector<1x16xf32>,
      %swap3A_183 = vector.shape_cast %swap3A_182 : vector<1x16xf32> to vector<16xf32>
      %swap3A_184 = vector.shape_cast %add3A_172 : vector<16xf32> to vector<1x16xf32>
      tpu.vector_store %arg8[%swap3A_180, %swap3A_181], %swap3A_184 {strides = array<i32>} : memref<8x128xf32, #tpu.memory_space<vmem>>, vector<1x16xf32>,
      %get3A_185 = arith.constant 0 : i32
      %get3A_186 = arith.index_cast %get3A_185 : i32 to index
      %get3A_187 = arith.constant 32 : index
      %get3A_188 = tpu.vector_load %arg6[%get3A_186, %get3A_187] {strides = array<i32>} : memref<80x64xf32, #tpu.memory_space<vmem>>, vector<1x16xf32>,
      %get3A_189 = vector.shape_cast %get3A_188 : vector<1x16xf32> to vector<16xf32>
      %get3A_190 = arith.constant 1 : i32
      %get3A_191 = arith.index_cast %get3A_190 : i32 to index
      %get3A_192 = arith.constant 32 : index
      %get3A_193 = tpu.vector_load %arg6[%get3A_191, %get3A_192] {strides = array<i32>} : memref<80x64xf32, #tpu.memory_space<vmem>>, vector<1x16xf32>,
      %get3A_194 = vector.shape_cast %get3A_193 : vector<1x16xf32> to vector<16xf32>
      %add3A_195 = arith.addf %get3A_189, %get3A_194 : vector<16xf32>
      %get3A_196 = arith.constant 2 : i32
      %get3A_197 = arith.index_cast %get3A_196 : i32 to index
      %get3A_198 = arith.constant 32 : index
      %get3A_199 = tpu.vector_load %arg6[%get3A_197, %get3A_198] {strides = array<i32>} : memref<80x64xf32, #tpu.memory_space<vmem>>, vector<1x16xf32>,
      %get3A_200 = vector.shape_cast %get3A_199 : vector<1x16xf32> to vector<16xf32>
      %add3A_201 = arith.addf %add3A_195, %get3A_200 : vector<16xf32>
      %get3A_202 = arith.constant 3 : i32
      %get3A_203 = arith.index_cast %get3A_202 : i32 to index
      %get3A_204 = arith.constant 32 : index
      %get3A_205 = tpu.vector_load %arg6[%get3A_203, %get3A_204] {strides = array<i32>} : memref<80x64xf32, #tpu.memory_space<vmem>>, vector<1x16xf32>,
      %get3A_206 = vector.shape_cast %get3A_205 : vector<1x16xf32> to vector<16xf32>
      %add3A_207 = arith.addf %add3A_201, %get3A_206 : vector<16xf32>
      %get3A_208 = arith.constant 4 : i32
      %get3A_209 = arith.index_cast %get3A_208 : i32 to index
      %get3A_210 = arith.constant 32 : index
      %get3A_211 = tpu.vector_load %arg6[%get3A_209, %get3A_210] {strides = array<i32>} : memref<80x64xf32, #tpu.memory_space<vmem>>, vector<1x16xf32>,
      %get3A_212 = vector.shape_cast %get3A_211 : vector<1x16xf32> to vector<16xf32>
      %add3A_213 = arith.addf %add3A_207, %get3A_212 : vector<16xf32>
      %get3A_214 = arith.constant 5 : i32
      %get3A_215 = arith.index_cast %get3A_214 : i32 to index
      %get3A_216 = arith.constant 32 : index
      %get3A_217 = tpu.vector_load %arg6[%get3A_215, %get3A_216] {strides = array<i32>} : memref<80x64xf32, #tpu.memory_space<vmem>>, vector<1x16xf32>,
      %get3A_218 = vector.shape_cast %get3A_217 : vector<1x16xf32> to vector<16xf32>
      %get3A_219 = arith.constant 6 : i32
      %get3A_220 = arith.index_cast %get3A_219 : i32 to index
      %get3A_221 = arith.constant 32 : index
      %get3A_222 = tpu.vector_load %arg6[%get3A_220, %get3A_221] {strides = array<i32>} : memref<80x64xf32, #tpu.memory_space<vmem>>, vector<1x16xf32>,
      %get3A_223 = vector.shape_cast %get3A_222 : vector<1x16xf32> to vector<16xf32>
      %add3A_224 = arith.addf %get3A_218, %get3A_223 : vector<16xf32>
      %get3A_225 = arith.constant 7 : i32
      %get3A_226 = arith.index_cast %get3A_225 : i32 to index
      %get3A_227 = arith.constant 32 : index
      %get3A_228 = tpu.vector_load %arg6[%get3A_226, %get3A_227] {strides = array<i32>} : memref<80x64xf32, #tpu.memory_space<vmem>>, vector<1x16xf32>,
      %get3A_229 = vector.shape_cast %get3A_228 : vector<1x16xf32> to vector<16xf32>
      %add3A_230 = arith.addf %add3A_224, %get3A_229 : vector<16xf32>
      %get3A_231 = arith.constant 8 : i32
      %get3A_232 = arith.index_cast %get3A_231 : i32 to index
      %get3A_233 = arith.constant 32 : index
      %get3A_234 = tpu.vector_load %arg6[%get3A_232, %get3A_233] {strides = array<i32>} : memref<80x64xf32, #tpu.memory_space<vmem>>, vector<1x16xf32>,
      %get3A_235 = vector.shape_cast %get3A_234 : vector<1x16xf32> to vector<16xf32>
      %add3A_236 = arith.addf %add3A_230, %get3A_235 : vector<16xf32>
      %get3A_237 = arith.constant 9 : i32
      %get3A_238 = arith.index_cast %get3A_237 : i32 to index
      %get3A_239 = arith.constant 32 : index
      %get3A_240 = tpu.vector_load %arg6[%get3A_238, %get3A_239] {strides = array<i32>} : memref<80x64xf32, #tpu.memory_space<vmem>>, vector<1x16xf32>,
      %get3A_241 = vector.shape_cast %get3A_240 : vector<1x16xf32> to vector<16xf32>
      %add3A_242 = arith.addf %add3A_236, %get3A_241 : vector<16xf32>
      %swap3A_243 = arith.constant 0 : i32
      %swap3A_244 = arith.index_cast %swap3A_243 : i32 to index
      %swap3A_245 = arith.constant 32 : index
      %swap3A_246 = tpu.vector_load %arg8[%swap3A_244, %swap3A_245] {strides = array<i32>} : memref<8x128xf32, #tpu.memory_space<vmem>>, vector<1x16xf32>,
      %swap3A_247 = vector.shape_cast %swap3A_246 : vector<1x16xf32> to vector<16xf32>
      %swap3A_248 = vector.shape_cast %add3A_213 : vector<16xf32> to vector<1x16xf32>
      tpu.vector_store %arg8[%swap3A_244, %swap3A_245], %swap3A_248 {strides = array<i32>} : memref<8x128xf32, #tpu.memory_space<vmem>>, vector<1x16xf32>,
      %swap3A_249 = arith.constant 0 : i32
      %swap3A_250 = arith.index_cast %swap3A_249 : i32 to index
      %swap3A_251 = arith.constant 96 : index
      %swap3A_252 = tpu.vector_load %arg8[%swap3A_250, %swap3A_251] {strides = array<i32>} : memref<8x128xf32, #tpu.memory_space<vmem>>, vector<1x16xf32>,
      %swap3A_253 = vector.shape_cast %swap3A_252 : vector<1x16xf32> to vector<16xf32>
      %swap3A_254 = vector.shape_cast %add3A_242 : vector<16xf32> to vector<1x16xf32>
      tpu.vector_store %arg8[%swap3A_250, %swap3A_251], %swap3A_254 {strides = array<i32>} : memref<8x128xf32, #tpu.memory_space<vmem>>, vector<1x16xf32>,
      %get3A_255 = arith.constant 0 : i32
      %get3A_256 = arith.index_cast %get3A_255 : i32 to index
      %get3A_257 = arith.constant 48 : index
      %get3A_258 = tpu.vector_load %arg6[%get3A_256, %get3A_257] {strides = array<i32>} : memref<80x64xf32, #tpu.memory_space<vmem>>, vector<1x16xf32>,
      %get3A_259 = vector.shape_cast %get3A_258 : vector<1x16xf32> to vector<16xf32>
      %get3A_260 = arith.constant 1 : i32
      %get3A_261 = arith.index_cast %get3A_260 : i32 to index
      %get3A_262 = arith.constant 48 : index
      %get3A_263 = tpu.vector_load %arg6[%get3A_261, %get3A_262] {strides = array<i32>} : memref<80x64xf32, #tpu.memory_space<vmem>>, vector<1x16xf32>,
      %get3A_264 = vector.shape_cast %get3A_263 : vector<1x16xf32> to vector<16xf32>
      %add3A_265 = arith.addf %get3A_259, %get3A_264 : vector<16xf32>
      %get3A_266 = arith.constant 2 : i32
      %get3A_267 = arith.index_cast %get3A_266 : i32 to index
      %get3A_268 = arith.constant 48 : index
      %get3A_269 = tpu.vector_load %arg6[%get3A_267, %get3A_268] {strides = array<i32>} : memref<80x64xf32, #tpu.memory_space<vmem>>, vector<1x16xf32>,
      %get3A_270 = vector.shape_cast %get3A_269 : vector<1x16xf32> to vector<16xf32>
      %add3A_271 = arith.addf %add3A_265, %get3A_270 : vector<16xf32>
      %get3A_272 = arith.constant 3 : i32
      %get3A_273 = arith.index_cast %get3A_272 : i32 to index
      %get3A_274 = arith.constant 48 : index
      %get3A_275 = tpu.vector_load %arg6[%get3A_273, %get3A_274] {strides = array<i32>} : memref<80x64xf32, #tpu.memory_space<vmem>>, vector<1x16xf32>,
      %get3A_276 = vector.shape_cast %get3A_275 : vector<1x16xf32> to vector<16xf32>
      %add3A_277 = arith.addf %add3A_271, %get3A_276 : vector<16xf32>
      %get3A_278 = arith.constant 4 : i32
      %get3A_279 = arith.index_cast %get3A_278 : i32 to index
      %get3A_280 = arith.constant 48 : index
      %get3A_281 = tpu.vector_load %arg6[%get3A_279, %get3A_280] {strides = array<i32>} : memref<80x64xf32, #tpu.memory_space<vmem>>, vector<1x16xf32>,
      %get3A_282 = vector.shape_cast %get3A_281 : vector<1x16xf32> to vector<16xf32>
      %add3A_283 = arith.addf %add3A_277, %get3A_282 : vector<16xf32>
      %get3A_284 = arith.constant 5 : i32
      %get3A_285 = arith.index_cast %get3A_284 : i32 to index
      %get3A_286 = arith.constant 48 : index
      %get3A_287 = tpu.vector_load %arg6[%get3A_285, %get3A_286] {strides = array<i32>} : memref<80x64xf32, #tpu.memory_space<vmem>>, vector<1x16xf32>,
      %get3A_288 = vector.shape_cast %get3A_287 : vector<1x16xf32> to vector<16xf32>
      %get3A_289 = arith.constant 6 : i32
      %get3A_290 = arith.index_cast %get3A_289 : i32 to index
      %get3A_291 = arith.constant 48 : index
      %get3A_292 = tpu.vector_load %arg6[%get3A_290, %get3A_291] {strides = array<i32>} : memref<80x64xf32, #tpu.memory_space<vmem>>, vector<1x16xf32>,
      %get3A_293 = vector.shape_cast %get3A_292 : vector<1x16xf32> to vector<16xf32>
      %add3A_294 = arith.addf %get3A_288, %get3A_293 : vector<16xf32>
      %get3A_295 = arith.constant 7 : i32
      %get3A_296 = arith.index_cast %get3A_295 : i32 to index
      %get3A_297 = arith.constant 48 : index
      %get3A_298 = tpu.vector_load %arg6[%get3A_296, %get3A_297] {strides = array<i32>} : memref<80x64xf32, #tpu.memory_space<vmem>>, vector<1x16xf32>,
      %get3A_299 = vector.shape_cast %get3A_298 : vector<1x16xf32> to vector<16xf32>
      %add3A_300 = arith.addf %add3A_294, %get3A_299 : vector<16xf32>
      %get3A_301 = arith.constant 8 : i32
      %get3A_302 = arith.index_cast %get3A_301 : i32 to index
      %get3A_303 = arith.constant 48 : index
      %get3A_304 = tpu.vector_load %arg6[%get3A_302, %get3A_303] {strides = array<i32>} : memref<80x64xf32, #tpu.memory_space<vmem>>, vector<1x16xf32>,
      %get3A_305 = vector.shape_cast %get3A_304 : vector<1x16xf32> to vector<16xf32>
      %add3A_306 = arith.addf %add3A_300, %get3A_305 : vector<16xf32>
      %get3A_307 = arith.constant 9 : i32
      %get3A_308 = arith.index_cast %get3A_307 : i32 to index
      %get3A_309 = arith.constant 48 : index
      %get3A_310 = tpu.vector_load %arg6[%get3A_308, %get3A_309] {strides = array<i32>} : memref<80x64xf32, #tpu.memory_space<vmem>>, vector<1x16xf32>,
      %get3A_311 = vector.shape_cast %get3A_310 : vector<1x16xf32> to vector<16xf32>
      %add3A_312 = arith.addf %add3A_306, %get3A_311 : vector<16xf32>
      %swap3A_313 = arith.constant 0 : i32
      %swap3A_314 = arith.index_cast %swap3A_313 : i32 to index
      %swap3A_315 = arith.constant 48 : index
      %swap3A_316 = tpu.vector_load %arg8[%swap3A_314, %swap3A_315] {strides = array<i32>} : memref<8x128xf32, #tpu.memory_space<vmem>>, vector<1x16xf32>,
      %swap3A_317 = vector.shape_cast %swap3A_316 : vector<1x16xf32> to vector<16xf32>
      %swap3A_318 = vector.shape_cast %add3A_283 : vector<16xf32> to vector<1x16xf32>
      tpu.vector_store %arg8[%swap3A_314, %swap3A_315], %swap3A_318 {strides = array<i32>} : memref<8x128xf32, #tpu.memory_space<vmem>>, vector<1x16xf32>,
      %swap3A_319 = arith.constant 0 : i32
      %swap3A_320 = arith.index_cast %swap3A_319 : i32 to index
      %swap3A_321 = arith.constant 112 : index
      %swap3A_322 = tpu.vector_load %arg8[%swap3A_320, %swap3A_321] {strides = array<i32>} : memref<8x128xf32, #tpu.memory_space<vmem>>, vector<1x16xf32>,
      %swap3A_323 = vector.shape_cast %swap3A_322 : vector<1x16xf32> to vector<16xf32>
      %swap3A_324 = vector.shape_cast %add3A_312 : vector<16xf32> to vector<1x16xf32>
      tpu.vector_store %arg8[%swap3A_320, %swap3A_321], %swap3A_324 {strides = array<i32>} : memref<8x128xf32, #tpu.memory_space<vmem>>, vector<1x16xf32>,
      %get3A_325 = arith.constant 10 : i32
      %get3A_326 = arith.index_cast %get3A_325 : i32 to index
      %get3A_327 = arith.constant 0 : index
      %get3A_328 = tpu.vector_load %arg6[%get3A_326, %get3A_327] {strides = array<i32>} : memref<80x64xf32, #tpu.memory_space<vmem>>, vector<1x16xf32>,
      %get3A_329 = vector.shape_cast %get3A_328 : vector<1x16xf32> to vector<16xf32>
      %get3A_330 = arith.constant 11 : i32
      %get3A_331 = arith.index_cast %get3A_330 : i32 to index
      %get3A_332 = arith.constant 0 : index
      %get3A_333 = tpu.vector_load %arg6[%get3A_331, %get3A_332] {strides = array<i32>} : memref<80x64xf32, #tpu.memory_space<vmem>>, vector<1x16xf32>,
      %get3A_334 = vector.shape_cast %get3A_333 : vector<1x16xf32> to vector<16xf32>
      %add3A_335 = arith.addf %get3A_329, %get3A_334 : vector<16xf32>
      %get3A_336 = arith.constant 12 : i32
      %get3A_337 = arith.index_cast %get3A_336 : i32 to index
      %get3A_338 = arith.constant 0 : index
      %get3A_339 = tpu.vector_load %arg6[%get3A_337, %get3A_338] {strides = array<i32>} : memref<80x64xf32, #tpu.memory_space<vmem>>, vector<1x16xf32>,
      %get3A_340 = vector.shape_cast %get3A_339 : vector<1x16xf32> to vector<16xf32>
      %add3A_341 = arith.addf %add3A_335, %get3A_340 : vector<16xf32>
      %get3A_342 = arith.constant 13 : i32
      %get3A_343 = arith.index_cast %get3A_342 : i32 to index
      %get3A_344 = arith.constant 0 : index
      %get3A_345 = tpu.vector_load %arg6[%get3A_343, %get3A_344] {strides = array<i32>} : memref<80x64xf32, #tpu.memory_space<vmem>>, vector<1x16xf32>,
      %get3A_346 = vector.shape_cast %get3A_345 : vector<1x16xf32> to vector<16xf32>
      %add3A_347 = arith.addf %add3A_341, %get3A_346 : vector<16xf32>
      %get3A_348 = arith.constant 14 : i32
      %get3A_349 = arith.index_cast %get3A_348 : i32 to index
      %get3A_350 = arith.constant 0 : index
      %get3A_351 = tpu.vector_load %arg6[%get3A_349, %get3A_350] {strides = array<i32>} : memref<80x64xf32, #tpu.memory_space<vmem>>, vector<1x16xf32>,
      %get3A_352 = vector.shape_cast %get3A_351 : vector<1x16xf32> to vector<16xf32>
      %add3A_353 = arith.addf %add3A_347, %get3A_352 : vector<16xf32>
      %get3A_354 = arith.constant 15 : i32
      %get3A_355 = arith.index_cast %get3A_354 : i32 to index
      %get3A_356 = arith.constant 0 : index
      %get3A_357 = tpu.vector_load %arg6[%get3A_355, %get3A_356] {strides = array<i32>} : memref<80x64xf32, #tpu.memory_space<vmem>>, vector<1x16xf32>,
      %get3A_358 = vector.shape_cast %get3A_357 : vector<1x16xf32> to vector<16xf32>
      %get3A_359 = arith.constant 16 : i32
      %get3A_360 = arith.index_cast %get3A_359 : i32 to index
      %get3A_361 = arith.constant 0 : index
      %get3A_362 = tpu.vector_load %arg6[%get3A_360, %get3A_361] {strides = array<i32>} : memref<80x64xf32, #tpu.memory_space<vmem>>, vector<1x16xf32>,
      %get3A_363 = vector.shape_cast %get3A_362 : vector<1x16xf32> to vector<16xf32>
      %add3A_364 = arith.addf %get3A_358, %get3A_363 : vector<16xf32>
      %get3A_365 = arith.constant 17 : i32
      %get3A_366 = arith.index_cast %get3A_365 : i32 to index
      %get3A_367 = arith.constant 0 : index
      %get3A_368 = tpu.vector_load %arg6[%get3A_366, %get3A_367] {strides = array<i32>} : memref<80x64xf32, #tpu.memory_space<vmem>>, vector<1x16xf32>,
      %get3A_369 = vector.shape_cast %get3A_368 : vector<1x16xf32> to vector<16xf32>
      %add3A_370 = arith.addf %add3A_364, %get3A_369 : vector<16xf32>
      %get3A_371 = arith.constant 18 : i32
      %get3A_372 = arith.index_cast %get3A_371 : i32 to index
      %get3A_373 = arith.constant 0 : index
      %get3A_374 = tpu.vector_load %arg6[%get3A_372, %get3A_373] {strides = array<i32>} : memref<80x64xf32, #tpu.memory_space<vmem>>, vector<1x16xf32>,
      %get3A_375 = vector.shape_cast %get3A_374 : vector<1x16xf32> to vector<16xf32>
      %add3A_376 = arith.addf %add3A_370, %get3A_375 : vector<16xf32>
      %get3A_377 = arith.constant 19 : i32
      %get3A_378 = arith.index_cast %get3A_377 : i32 to index
      %get3A_379 = arith.constant 0 : index
      %get3A_380 = tpu.vector_load %arg6[%get3A_378, %get3A_379] {strides = array<i32>} : memref<80x64xf32, #tpu.memory_space<vmem>>, vector<1x16xf32>,
      %get3A_381 = vector.shape_cast %get3A_380 : vector<1x16xf32> to vector<16xf32>
      %add3A_382 = arith.addf %add3A_376, %get3A_381 : vector<16xf32>
      %swap3A_383 = arith.constant 1 : i32
      %swap3A_384 = arith.index_cast %swap3A_383 : i32 to index
      %swap3A_385 = arith.constant 0 : index
      %swap3A_386 = tpu.vector_load %arg8[%swap3A_384, %swap3A_385] {strides = array<i32>} : memref<8x128xf32, #tpu.memory_space<vmem>>, vector<1x16xf32>,
      %swap3A_387 = vector.shape_cast %swap3A_386 : vector<1x16xf32> to vector<16xf32>
      %swap3A_388 = vector.shape_cast %add3A_353 : vector<16xf32> to vector<1x16xf32>
      tpu.vector_store %arg8[%swap3A_384, %swap3A_385], %swap3A_388 {strides = array<i32>} : memref<8x128xf32, #tpu.memory_space<vmem>>, vector<1x16xf32>,
      %swap3A_389 = arith.constant 1 : i32
      %swap3A_390 = arith.index_cast %swap3A_389 : i32 to index
      %swap3A_391 = arith.constant 64 : index
      %swap3A_392 = tpu.vector_load %arg8[%swap3A_390, %swap3A_391] {strides = array<i32>} : memref<8x128xf32, #tpu.memory_space<vmem>>, vector<1x16xf32>,
      %swap3A_393 = vector.shape_cast %swap3A_392 : vector<1x16xf32> to vector<16xf32>
      %swap3A_394 = vector.shape_cast %add3A_382 : vector<16xf32> to vector<1x16xf32>
      tpu.vector_store %arg8[%swap3A_390, %swap3A_391], %swap3A_394 {strides = array<i32>} : memref<8x128xf32, #tpu.memory_space<vmem>>, vector<1x16xf32>,
      %get3A_395 = arith.constant 10 : i32
      %get3A_396 = arith.index_cast %get3A_395 : i32 to index
      %get3A_397 = arith.constant 16 : index
      %get3A_398 = tpu.vector_load %arg6[%get3A_396, %get3A_397] {strides = array<i32>} : memref<80x64xf32, #tpu.memory_space<vmem>>, vector<1x16xf32>,
      %get3A_399 = vector.shape_cast %get3A_398 : vector<1x16xf32> to vector<16xf32>
      %get3A_400 = arith.constant 11 : i32
      %get3A_401 = arith.index_cast %get3A_400 : i32 to index
      %get3A_402 = arith.constant 16 : index
      %get3A_403 = tpu.vector_load %arg6[%get3A_401, %get3A_402] {strides = array<i32>} : memref<80x64xf32, #tpu.memory_space<vmem>>, vector<1x16xf32>,
      %get3A_404 = vector.shape_cast %get3A_403 : vector<1x16xf32> to vector<16xf32>
      %add3A_405 = arith.addf %get3A_399, %get3A_404 : vector<16xf32>
      %get3A_406 = arith.constant 12 : i32
      %get3A_407 = arith.index_cast %get3A_406 : i32 to index
      %get3A_408 = arith.constant 16 : index
      %get3A_409 = tpu.vector_load %arg6[%get3A_407, %get3A_408] {strides = array<i32>} : memref<80x64xf32, #tpu.memory_space<vmem>>, vector<1x16xf32>,
      %get3A_410 = vector.shape_cast %get3A_409 : vector<1x16xf32> to vector<16xf32>
      %add3A_411 = arith.addf %add3A_405, %get3A_410 : vector<16xf32>
      %get3A_412 = arith.constant 13 : i32
      %get3A_413 = arith.index_cast %get3A_412 : i32 to index
      %get3A_414 = arith.constant 16 : index
      %get3A_415 = tpu.vector_load %arg6[%get3A_413, %get3A_414] {strides = array<i32>} : memref<80x64xf32, #tpu.memory_space<vmem>>, vector<1x16xf32>,
      %get3A_416 = vector.shape_cast %get3A_415 : vector<1x16xf32> to vector<16xf32>
      %add3A_417 = arith.addf %add3A_411, %get3A_416 : vector<16xf32>
      %get3A_418 = arith.constant 14 : i32
      %get3A_419 = arith.index_cast %get3A_418 : i32 to index
      %get3A_420 = arith.constant 16 : index
      %get3A_421 = tpu.vector_load %arg6[%get3A_419, %get3A_420] {strides = array<i32>} : memref<80x64xf32, #tpu.memory_space<vmem>>, vector<1x16xf32>,
      %get3A_422 = vector.shape_cast %get3A_421 : vector<1x16xf32> to vector<16xf32>
      %add3A_423 = arith.addf %add3A_417, %get3A_422 : vector<16xf32>
      %get3A_424 = arith.constant 15 : i32
      %get3A_425 = arith.index_cast %get3A_424 : i32 to index
      %get3A_426 = arith.constant 16 : index
      %get3A_427 = tpu.vector_load %arg6[%get3A_425, %get3A_426] {strides = array<i32>} : memref<80x64xf32, #tpu.memory_space<vmem>>, vector<1x16xf32>,
      %get3A_428 = vector.shape_cast %get3A_427 : vector<1x16xf32> to vector<16xf32>
      %get3A_429 = arith.constant 16 : i32
      %get3A_430 = arith.index_cast %get3A_429 : i32 to index
      %get3A_431 = arith.constant 16 : index
      %get3A_432 = tpu.vector_load %arg6[%get3A_430, %get3A_431] {strides = array<i32>} : memref<80x64xf32, #tpu.memory_space<vmem>>, vector<1x16xf32>,
      %get3A_433 = vector.shape_cast %get3A_432 : vector<1x16xf32> to vector<16xf32>
      %add3A_434 = arith.addf %get3A_428, %get3A_433 : vector<16xf32>
      %get3A_435 = arith.constant 17 : i32
      %get3A_436 = arith.index_cast %get3A_435 : i32 to index
      %get3A_437 = arith.constant 16 : index
      %get3A_438 = tpu.vector_load %arg6[%get3A_436, %get3A_437] {strides = array<i32>} : memref<80x64xf32, #tpu.memory_space<vmem>>, vector<1x16xf32>,
      %get3A_439 = vector.shape_cast %get3A_438 : vector<1x16xf32> to vector<16xf32>
      %add3A_440 = arith.addf %add3A_434, %get3A_439 : vector<16xf32>
      %get3A_441 = arith.constant 18 : i32
      %get3A_442 = arith.index_cast %get3A_441 : i32 to index
      %get3A_443 = arith.constant 16 : index
      %get3A_444 = tpu.vector_load %arg6[%get3A_442, %get3A_443] {strides = array<i32>} : memref<80x64xf32, #tpu.memory_space<vmem>>, vector<1x16xf32>,
      %get3A_445 = vector.shape_cast %get3A_444 : vector<1x16xf32> to vector<16xf32>
      %add3A_446 = arith.addf %add3A_440, %get3A_445 : vector<16xf32>
      %get3A_447 = arith.constant 19 : i32
      %get3A_448 = arith.index_cast %get3A_447 : i32 to index
      %get3A_449 = arith.constant 16 : index
      %get3A_450 = tpu.vector_load %arg6[%get3A_448, %get3A_449] {strides = array<i32>} : memref<80x64xf32, #tpu.memory_space<vmem>>, vector<1x16xf32>,
      %get3A_451 = vector.shape_cast %get3A_450 : vector<1x16xf32> to vector<16xf32>
      %add3A_452 = arith.addf %add3A_446, %get3A_451 : vector<16xf32>
      %swap3A_453 = arith.constant 1 : i32
      %swap3A_454 = arith.index_cast %swap3A_453 : i32 to index
      %swap3A_455 = arith.constant 16 : index
      %swap3A_456 = tpu.vector_load %arg8[%swap3A_454, %swap3A_455] {strides = array<i32>} : memref<8x128xf32, #tpu.memory_space<vmem>>, vector<1x16xf32>,
      %swap3A_457 = vector.shape_cast %swap3A_456 : vector<1x16xf32> to vector<16xf32>
      %swap3A_458 = vector.shape_cast %add3A_423 : vector<16xf32> to vector<1x16xf32>
      tpu.vector_store %arg8[%swap3A_454, %swap3A_455], %swap3A_458 {strides = array<i32>} : memref<8x128xf32, #tpu.memory_space<vmem>>, vector<1x16xf32>,
      %swap3A_459 = arith.constant 1 : i32
      %swap3A_460 = arith.index_cast %swap3A_459 : i32 to index
      %swap3A_461 = arith.constant 80 : index
      %swap3A_462 = tpu.vector_load %arg8[%swap3A_460, %swap3A_461] {strides = array<i32>} : memref<8x128xf32, #tpu.memory_space<vmem>>, vector<1x16xf32>,
      %swap3A_463 = vector.shape_cast %swap3A_462 : vector<1x16xf32> to vector<16xf32>
      %swap3A_464 = vector.shape_cast %add3A_452 : vector<16xf32> to vector<1x16xf32>
      tpu.vector_store %arg8[%swap3A_460, %swap3A_461], %swap3A_464 {strides = array<i32>} : memref<8x128xf32, #tpu.memory_space<vmem>>, vector<1x16xf32>,
      %get3A_465 = arith.constant 10 : i32
      %get3A_466 = arith.index_cast %get3A_465 : i32 to index
      %get3A_467 = arith.constant 32 : index
      %get3A_468 = tpu.vector_load %arg6[%get3A_466, %get3A_467] {strides = array<i32>} : memref<80x64xf32, #tpu.memory_space<vmem>>, vector<1x16xf32>,
      %get3A_469 = vector.shape_cast %get3A_468 : vector<1x16xf32> to vector<16xf32>
      %get3A_470 = arith.constant 11 : i32
      %get3A_471 = arith.index_cast %get3A_470 : i32 to index
      %get3A_472 = arith.constant 32 : index
      %get3A_473 = tpu.vector_load %arg6[%get3A_471, %get3A_472] {strides = array<i32>} : memref<80x64xf32, #tpu.memory_space<vmem>>, vector<1x16xf32>,
      %get3A_474 = vector.shape_cast %get3A_473 : vector<1x16xf32> to vector<16xf32>
      %add3A_475 = arith.addf %get3A_469, %get3A_474 : vector<16xf32>
      %get3A_476 = arith.constant 12 : i32
      %get3A_477 = arith.index_cast %get3A_476 : i32 to index
      %get3A_478 = arith.constant 32 : index
      %get3A_479 = tpu.vector_load %arg6[%get3A_477, %get3A_478] {strides = array<i32>} : memref<80x64xf32, #tpu.memory_space<vmem>>, vector<1x16xf32>,
      %get3A_480 = vector.shape_cast %get3A_479 : vector<1x16xf32> to vector<16xf32>
      %add3A_481 = arith.addf %add3A_475, %get3A_480 : vector<16xf32>
      %get3A_482 = arith.constant 13 : i32
      %get3A_483 = arith.index_cast %get3A_482 : i32 to index
      %get3A_484 = arith.constant 32 : index
      %get3A_485 = tpu.vector_load %arg6[%get3A_483, %get3A_484] {strides = array<i32>} : memref<80x64xf32, #tpu.memory_space<vmem>>, vector<1x16xf32>,
      %get3A_486 = vector.shape_cast %get3A_485 : vector<1x16xf32> to vector<16xf32>
      %add3A_487 = arith.addf %add3A_481, %get3A_486 : vector<16xf32>
      %get3A_488 = arith.constant 14 : i32
      %get3A_489 = arith.index_cast %get3A_488 : i32 to index
      %get3A_490 = arith.constant 32 : index
      %get3A_491 = tpu.vector_load %arg6[%get3A_489, %get3A_490] {strides = array<i32>} : memref<80x64xf32, #tpu.memory_space<vmem>>, vector<1x16xf32>,
      %get3A_492 = vector.shape_cast %get3A_491 : vector<1x16xf32> to vector<16xf32>
      %add3A_493 = arith.addf %add3A_487, %get3A_492 : vector<16xf32>
      %get3A_494 = arith.constant 15 : i32
      %get3A_495 = arith.index_cast %get3A_494 : i32 to index
      %get3A_496 = arith.constant 32 : index
      %get3A_497 = tpu.vector_load %arg6[%get3A_495, %get3A_496] {strides = array<i32>} : memref<80x64xf32, #tpu.memory_space<vmem>>, vector<1x16xf32>,
      %get3A_498 = vector.shape_cast %get3A_497 : vector<1x16xf32> to vector<16xf32>
      %get3A_499 = arith.constant 16 : i32
      %get3A_500 = arith.index_cast %get3A_499 : i32 to index
      %get3A_501 = arith.constant 32 : index
      %get3A_502 = tpu.vector_load %arg6[%get3A_500, %get3A_501] {strides = array<i32>} : memref<80x64xf32, #tpu.memory_space<vmem>>, vector<1x16xf32>,
      %get3A_503 = vector.shape_cast %get3A_502 : vector<1x16xf32> to vector<16xf32>
      %add3A_504 = arith.addf %get3A_498, %get3A_503 : vector<16xf32>
      %get3A_505 = arith.constant 17 : i32
      %get3A_506 = arith.index_cast %get3A_505 : i32 to index
      %get3A_507 = arith.constant 32 : index
      %get3A_508 = tpu.vector_load %arg6[%get3A_506, %get3A_507] {strides = array<i32>} : memref<80x64xf32, #tpu.memory_space<vmem>>, vector<1x16xf32>,
      %get3A_509 = vector.shape_cast %get3A_508 : vector<1x16xf32> to vector<16xf32>
      %add3A_510 = arith.addf %add3A_504, %get3A_509 : vector<16xf32>
      %get3A_511 = arith.constant 18 : i32
      %get3A_512 = arith.index_cast %get3A_511 : i32 to index
      %get3A_513 = arith.constant 32 : index
      %get3A_514 = tpu.vector_load %arg6[%get3A_512, %get3A_513] {strides = array<i32>} : memref<80x64xf32, #tpu.memory_space<vmem>>, vector<1x16xf32>,
      %get3A_515 = vector.shape_cast %get3A_514 : vector<1x16xf32> to vector<16xf32>
      %add3A_516 = arith.addf %add3A_510, %get3A_515 : vector<16xf32>
      %get3A_517 = arith.constant 19 : i32
      %get3A_518 = arith.index_cast %get3A_517 : i32 to index
      %get3A_519 = arith.constant 32 : index
      %get3A_520 = tpu.vector_load %arg6[%get3A_518, %get3A_519] {strides = array<i32>} : memref<80x64xf32, #tpu.memory_space<vmem>>, vector<1x16xf32>,
      %get3A_521 = vector.shape_cast %get3A_520 : vector<1x16xf32> to vector<16xf32>
      %add3A_522 = arith.addf %add3A_516, %get3A_521 : vector<16xf32>
      %swap3A_523 = arith.constant 1 : i32
      %swap3A_524 = arith.index_cast %swap3A_523 : i32 to index
      %swap3A_525 = arith.constant 32 : index
      %swap3A_526 = tpu.vector_load %arg8[%swap3A_524, %swap3A_525] {strides = array<i32>} : memref<8x128xf32, #tpu.memory_space<vmem>>, vector<1x16xf32>,
      %swap3A_527 = vector.shape_cast %swap3A_526 : vector<1x16xf32> to vector<16xf32>
      %swap3A_528 = vector.shape_cast %add3A_493 : vector<16xf32> to vector<1x16xf32>
      tpu.vector_store %arg8[%swap3A_524, %swap3A_525], %swap3A_528 {strides = array<i32>} : memref<8x128xf32, #tpu.memory_space<vmem>>, vector<1x16xf32>,
      %swap3A_529 = arith.constant 1 : i32
      %swap3A_530 = arith.index_cast %swap3A_529 : i32 to index
      %swap3A_531 = arith.constant 96 : index
      %swap3A_532 = tpu.vector_load %arg8[%swap3A_530, %swap3A_531] {strides = array<i32>} : memref<8x128xf32, #tpu.memory_space<vmem>>, vector<1x16xf32>,
      %swap3A_533 = vector.shape_cast %swap3A_532 : vector<1x16xf32> to vector<16xf32>
      %swap3A_534 = vector.shape_cast %add3A_522 : vector<16xf32> to vector<1x16xf32>
      tpu.vector_store %arg8[%swap3A_530, %swap3A_531], %swap3A_534 {strides = array<i32>} : memref<8x128xf32, #tpu.memory_space<vmem>>, vector<1x16xf32>,
      %get3A_535 = arith.constant 10 : i32
      %get3A_536 = arith.index_cast %get3A_535 : i32 to index
      %get3A_537 = arith.constant 48 : index
      %get3A_538 = tpu.vector_load %arg6[%get3A_536, %get3A_537] {strides = array<i32>} : memref<80x64xf32, #tpu.memory_space<vmem>>, vector<1x16xf32>,
      %get3A_539 = vector.shape_cast %get3A_538 : vector<1x16xf32> to vector<16xf32>
      %get3A_540 = arith.constant 11 : i32
      %get3A_541 = arith.index_cast %get3A_540 : i32 to index
      %get3A_542 = arith.constant 48 : index
      %get3A_543 = tpu.vector_load %arg6[%get3A_541, %get3A_542] {strides = array<i32>} : memref<80x64xf32, #tpu.memory_space<vmem>>, vector<1x16xf32>,
      %get3A_544 = vector.shape_cast %get3A_543 : vector<1x16xf32> to vector<16xf32>
      %add3A_545 = arith.addf %get3A_539, %get3A_544 : vector<16xf32>
      %get3A_546 = arith.constant 12 : i32
      %get3A_547 = arith.index_cast %get3A_546 : i32 to index
      %get3A_548 = arith.constant 48 : index
      %get3A_549 = tpu.vector_load %arg6[%get3A_547, %get3A_548] {strides = array<i32>} : memref<80x64xf32, #tpu.memory_space<vmem>>, vector<1x16xf32>,
      %get3A_550 = vector.shape_cast %get3A_549 : vector<1x16xf32> to vector<16xf32>
      %add3A_551 = arith.addf %add3A_545, %get3A_550 : vector<16xf32>
      %get3A_552 = arith.constant 13 : i32
      %get3A_553 = arith.index_cast %get3A_552 : i32 to index
      %get3A_554 = arith.constant 48 : index
      %get3A_555 = tpu.vector_load %arg6[%get3A_553, %get3A_554] {strides = array<i32>} : memref<80x64xf32, #tpu.memory_space<vmem>>, vector<1x16xf32>,
      %get3A_556 = vector.shape_cast %get3A_555 : vector<1x16xf32> to vector<16xf32>
      %add3A_557 = arith.addf %add3A_551, %get3A_556 : vector<16xf32>
      %get3A_558 = arith.constant 14 : i32
      %get3A_559 = arith.index_cast %get3A_558 : i32 to index
      %get3A_560 = arith.constant 48 : index
      %get3A_561 = tpu.vector_load %arg6[%get3A_559, %get3A_560] {strides = array<i32>} : memref<80x64xf32, #tpu.memory_space<vmem>>, vector<1x16xf32>,
      %get3A_562 = vector.shape_cast %get3A_561 : vector<1x16xf32> to vector<16xf32>
      %add3A_563 = arith.addf %add3A_557, %get3A_562 : vector<16xf32>
      %get3A_564 = arith.constant 15 : i32
      %get3A_565 = arith.index_cast %get3A_564 : i32 to index
      %get3A_566 = arith.constant 48 : index
      %get3A_567 = tpu.vector_load %arg6[%get3A_565, %get3A_566] {strides = array<i32>} : memref<80x64xf32, #tpu.memory_space<vmem>>, vector<1x16xf32>,
      %get3A_568 = vector.shape_cast %get3A_567 : vector<1x16xf32> to vector<16xf32>
      %get3A_569 = arith.constant 16 : i32
      %get3A_570 = arith.index_cast %get3A_569 : i32 to index
      %get3A_571 = arith.constant 48 : index
      %get3A_572 = tpu.vector_load %arg6[%get3A_570, %get3A_571] {strides = array<i32>} : memref<80x64xf32, #tpu.memory_space<vmem>>, vector<1x16xf32>,
      %get3A_573 = vector.shape_cast %get3A_572 : vector<1x16xf32> to vector<16xf32>
      %add3A_574 = arith.addf %get3A_568, %get3A_573 : vector<16xf32>
      %get3A_575 = arith.constant 17 : i32
      %get3A_576 = arith.index_cast %get3A_575 : i32 to index
      %get3A_577 = arith.constant 48 : index
      %get3A_578 = tpu.vector_load %arg6[%get3A_576, %get3A_577] {strides = array<i32>} : memref<80x64xf32, #tpu.memory_space<vmem>>, vector<1x16xf32>,
      %get3A_579 = vector.shape_cast %get3A_578 : vector<1x16xf32> to vector<16xf32>
      %add3A_580 = arith.addf %add3A_574, %get3A_579 : vector<16xf32>
      %get3A_581 = arith.constant 18 : i32
      %get3A_582 = arith.index_cast %get3A_581 : i32 to index
      %get3A_583 = arith.constant 48 : index
      %get3A_584 = tpu.vector_load %arg6[%get3A_582, %get3A_583] {strides = array<i32>} : memref<80x64xf32, #tpu.memory_space<vmem>>, vector<1x16xf32>,
      %get3A_585 = vector.shape_cast %get3A_584 : vector<1x16xf32> to vector<16xf32>
      %add3A_586 = arith.addf %add3A_580, %get3A_585 : vector<16xf32>
      %get3A_587 = arith.constant 19 : i32
      %get3A_588 = arith.index_cast %get3A_587 : i32 to index
      %get3A_589 = arith.constant 48 : index
      %get3A_590 = tpu.vector_load %arg6[%get3A_588, %get3A_589] {strides = array<i32>} : memref<80x64xf32, #tpu.memory_space<vmem>>, vector<1x16xf32>,
      %get3A_591 = vector.shape_cast %get3A_590 : vector<1x16xf32> to vector<16xf32>
      %add3A_592 = arith.addf %add3A_586, %get3A_591 : vector<16xf32>
      %swap3A_593 = arith.constant 1 : i32
      %swap3A_594 = arith.index_cast %swap3A_593 : i32 to index
      %swap3A_595 = arith.constant 48 : index
      %swap3A_596 = tpu.vector_load %arg8[%swap3A_594, %swap3A_595] {strides = array<i32>} : memref<8x128xf32, #tpu.memory_space<vmem>>, vector<1x16xf32>,
      %swap3A_597 = vector.shape_cast %swap3A_596 : vector<1x16xf32> to vector<16xf32>
      %swap3A_598 = vector.shape_cast %add3A_563 : vector<16xf32> to vector<1x16xf32>
      tpu.vector_store %arg8[%swap3A_594, %swap3A_595], %swap3A_598 {strides = array<i32>} : memref<8x128xf32, #tpu.memory_space<vmem>>, vector<1x16xf32>,
      %swap3A_599 = arith.constant 1 : i32
      %swap3A_600 = arith.index_cast %swap3A_599 : i32 to index
      %swap3A_601 = arith.constant 112 : index
      %swap3A_602 = tpu.vector_load %arg8[%swap3A_600, %swap3A_601] {strides = array<i32>} : memref<8x128xf32, #tpu.memory_space<vmem>>, vector<1x16xf32>,
      %swap3A_603 = vector.shape_cast %swap3A_602 : vector<1x16xf32> to vector<16xf32>
      %swap3A_604 = vector.shape_cast %add3A_592 : vector<16xf32> to vector<1x16xf32>
      tpu.vector_store %arg8[%swap3A_600, %swap3A_601], %swap3A_604 {strides = array<i32>} : memref<8x128xf32, #tpu.memory_space<vmem>>, vector<1x16xf32>,
      %get3A_605 = arith.constant 20 : i32
      %get3A_606 = arith.index_cast %get3A_605 : i32 to index
      %get3A_607 = arith.constant 0 : index
      %get3A_608 = tpu.vector_load %arg6[%get3A_606, %get3A_607] {strides = array<i32>} : memref<80x64xf32, #tpu.memory_space<vmem>>, vector<1x16xf32>,
      %get3A_609 = vector.shape_cast %get3A_608 : vector<1x16xf32> to vector<16xf32>
      %get3A_610 = arith.constant 21 : i32
      %get3A_611 = arith.index_cast %get3A_610 : i32 to index
      %get3A_612 = arith.constant 0 : index
      %get3A_613 = tpu.vector_load %arg6[%get3A_611, %get3A_612] {strides = array<i32>} : memref<80x64xf32, #tpu.memory_space<vmem>>, vector<1x16xf32>,
      %get3A_614 = vector.shape_cast %get3A_613 : vector<1x16xf32> to vector<16xf32>
      %add3A_615 = arith.addf %get3A_609, %get3A_614 : vector<16xf32>
      %get3A_616 = arith.constant 22 : i32
      %get3A_617 = arith.index_cast %get3A_616 : i32 to index
      %get3A_618 = arith.constant 0 : index
      %get3A_619 = tpu.vector_load %arg6[%get3A_617, %get3A_618] {strides = array<i32>} : memref<80x64xf32, #tpu.memory_space<vmem>>, vector<1x16xf32>,
      %get3A_620 = vector.shape_cast %get3A_619 : vector<1x16xf32> to vector<16xf32>
      %add3A_621 = arith.addf %add3A_615, %get3A_620 : vector<16xf32>
      %get3A_622 = arith.constant 23 : i32
      %get3A_623 = arith.index_cast %get3A_622 : i32 to index
      %get3A_624 = arith.constant 0 : index
      %get3A_625 = tpu.vector_load %arg6[%get3A_623, %get3A_624] {strides = array<i32>} : memref<80x64xf32, #tpu.memory_space<vmem>>, vector<1x16xf32>,
      %get3A_626 = vector.shape_cast %get3A_625 : vector<1x16xf32> to vector<16xf32>
      %add3A_627 = arith.addf %add3A_621, %get3A_626 : vector<16xf32>
      %get3A_628 = arith.constant 24 : i32
      %get3A_629 = arith.index_cast %get3A_628 : i32 to index
      %get3A_630 = arith.constant 0 : index
      %get3A_631 = tpu.vector_load %arg6[%get3A_629, %get3A_630] {strides = array<i32>} : memref<80x64xf32, #tpu.memory_space<vmem>>, vector<1x16xf32>,
      %get3A_632 = vector.shape_cast %get3A_631 : vector<1x16xf32> to vector<16xf32>
      %add3A_633 = arith.addf %add3A_627, %get3A_632 : vector<16xf32>
      %get3A_634 = arith.constant 25 : i32
      %get3A_635 = arith.index_cast %get3A_634 : i32 to index
      %get3A_636 = arith.constant 0 : index
      %get3A_637 = tpu.vector_load %arg6[%get3A_635, %get3A_636] {strides = array<i32>} : memref<80x64xf32, #tpu.memory_space<vmem>>, vector<1x16xf32>,
      %get3A_638 = vector.shape_cast %get3A_637 : vector<1x16xf32> to vector<16xf32>
      %get3A_639 = arith.constant 26 : i32
      %get3A_640 = arith.index_cast %get3A_639 : i32 to index
      %get3A_641 = arith.constant 0 : index
      %get3A_642 = tpu.vector_load %arg6[%get3A_640, %get3A_641] {strides = array<i32>} : memref<80x64xf32, #tpu.memory_space<vmem>>, vector<1x16xf32>,
      %get3A_643 = vector.shape_cast %get3A_642 : vector<1x16xf32> to vector<16xf32>
      %add3A_644 = arith.addf %get3A_638, %get3A_643 : vector<16xf32>
      %get3A_645 = arith.constant 27 : i32
      %get3A_646 = arith.index_cast %get3A_645 : i32 to index
      %get3A_647 = arith.constant 0 : index
      %get3A_648 = tpu.vector_load %arg6[%get3A_646, %get3A_647] {strides = array<i32>} : memref<80x64xf32, #tpu.memory_space<vmem>>, vector<1x16xf32>,
      %get3A_649 = vector.shape_cast %get3A_648 : vector<1x16xf32> to vector<16xf32>
      %add3A_650 = arith.addf %add3A_644, %get3A_649 : vector<16xf32>
      %get3A_651 = arith.constant 28 : i32
      %get3A_652 = arith.index_cast %get3A_651 : i32 to index
      %get3A_653 = arith.constant 0 : index
      %get3A_654 = tpu.vector_load %arg6[%get3A_652, %get3A_653] {strides = array<i32>} : memref<80x64xf32, #tpu.memory_space<vmem>>, vector<1x16xf32>,
      %get3A_655 = vector.shape_cast %get3A_654 : vector<1x16xf32> to vector<16xf32>
      %add3A_656 = arith.addf %add3A_650, %get3A_655 : vector<16xf32>
      %get3A_657 = arith.constant 29 : i32
      %get3A_658 = arith.index_cast %get3A_657 : i32 to index
      %get3A_659 = arith.constant 0 : index
      %get3A_660 = tpu.vector_load %arg6[%get3A_658, %get3A_659] {strides = array<i32>} : memref<80x64xf32, #tpu.memory_space<vmem>>, vector<1x16xf32>,
      %get3A_661 = vector.shape_cast %get3A_660 : vector<1x16xf32> to vector<16xf32>
      %add3A_662 = arith.addf %add3A_656, %get3A_661 : vector<16xf32>
      %swap3A_663 = arith.constant 2 : i32
      %swap3A_664 = arith.index_cast %swap3A_663 : i32 to index
      %swap3A_665 = arith.constant 0 : index
      %swap3A_666 = tpu.vector_load %arg8[%swap3A_664, %swap3A_665] {strides = array<i32>} : memref<8x128xf32, #tpu.memory_space<vmem>>, vector<1x16xf32>,
      %swap3A_667 = vector.shape_cast %swap3A_666 : vector<1x16xf32> to vector<16xf32>
      %swap3A_668 = vector.shape_cast %add3A_633 : vector<16xf32> to vector<1x16xf32>
      tpu.vector_store %arg8[%swap3A_664, %swap3A_665], %swap3A_668 {strides = array<i32>} : memref<8x128xf32, #tpu.memory_space<vmem>>, vector<1x16xf32>,
      %swap3A_669 = arith.constant 2 : i32
      %swap3A_670 = arith.index_cast %swap3A_669 : i32 to index
      %swap3A_671 = arith.constant 64 : index
      %swap3A_672 = tpu.vector_load %arg8[%swap3A_670, %swap3A_671] {strides = array<i32>} : memref<8x128xf32, #tpu.memory_space<vmem>>, vector<1x16xf32>,
      %swap3A_673 = vector.shape_cast %swap3A_672 : vector<1x16xf32> to vector<16xf32>
      %swap3A_674 = vector.shape_cast %add3A_662 : vector<16xf32> to vector<1x16xf32>
      tpu.vector_store %arg8[%swap3A_670, %swap3A_671], %swap3A_674 {strides = array<i32>} : memref<8x128xf32, #tpu.memory_space<vmem>>, vector<1x16xf32>,
      %get3A_675 = arith.constant 20 : i32
      %get3A_676 = arith.index_cast %get3A_675 : i32 to index
      %get3A_677 = arith.constant 16 : index
      %get3A_678 = tpu.vector_load %arg6[%get3A_676, %get3A_677] {strides = array<i32>} : memref<80x64xf32, #tpu.memory_space<vmem>>, vector<1x16xf32>,
      %get3A_679 = vector.shape_cast %get3A_678 : vector<1x16xf32> to vector<16xf32>
      %get3A_680 = arith.constant 21 : i32
      %get3A_681 = arith.index_cast %get3A_680 : i32 to index
      %get3A_682 = arith.constant 16 : index
      %get3A_683 = tpu.vector_load %arg6[%get3A_681, %get3A_682] {strides = array<i32>} : memref<80x64xf32, #tpu.memory_space<vmem>>, vector<1x16xf32>,
      %get3A_684 = vector.shape_cast %get3A_683 : vector<1x16xf32> to vector<16xf32>
      %add3A_685 = arith.addf %get3A_679, %get3A_684 : vector<16xf32>
      %get3A_686 = arith.constant 22 : i32
      %get3A_687 = arith.index_cast %get3A_686 : i32 to index
      %get3A_688 = arith.constant 16 : index
      %get3A_689 = tpu.vector_load %arg6[%get3A_687, %get3A_688] {strides = array<i32>} : memref<80x64xf32, #tpu.memory_space<vmem>>, vector<1x16xf32>,
      %get3A_690 = vector.shape_cast %get3A_689 : vector<1x16xf32> to vector<16xf32>
      %add3A_691 = arith.addf %add3A_685, %get3A_690 : vector<16xf32>
      %get3A_692 = arith.constant 23 : i32
      %get3A_693 = arith.index_cast %get3A_692 : i32 to index
      %get3A_694 = arith.constant 16 : index
      %get3A_695 = tpu.vector_load %arg6[%get3A_693, %get3A_694] {strides = array<i32>} : memref<80x64xf32, #tpu.memory_space<vmem>>, vector<1x16xf32>,
      %get3A_696 = vector.shape_cast %get3A_695 : vector<1x16xf32> to vector<16xf32>
      %add3A_697 = arith.addf %add3A_691, %get3A_696 : vector<16xf32>
      %get3A_698 = arith.constant 24 : i32
      %get3A_699 = arith.index_cast %get3A_698 : i32 to index
      %get3A_700 = arith.constant 16 : index
      %get3A_701 = tpu.vector_load %arg6[%get3A_699, %get3A_700] {strides = array<i32>} : memref<80x64xf32, #tpu.memory_space<vmem>>, vector<1x16xf32>,
      %get3A_702 = vector.shape_cast %get3A_701 : vector<1x16xf32> to vector<16xf32>
      %add3A_703 = arith.addf %add3A_697, %get3A_702 : vector<16xf32>
      %get3A_704 = arith.constant 25 : i32
      %get3A_705 = arith.index_cast %get3A_704 : i32 to index
      %get3A_706 = arith.constant 16 : index
      %get3A_707 = tpu.vector_load %arg6[%get3A_705, %get3A_706] {strides = array<i32>} : memref<80x64xf32, #tpu.memory_space<vmem>>, vector<1x16xf32>,
      %get3A_708 = vector.shape_cast %get3A_707 : vector<1x16xf32> to vector<16xf32>
      %get3A_709 = arith.constant 26 : i32
      %get3A_710 = arith.index_cast %get3A_709 : i32 to index
      %get3A_711 = arith.constant 16 : index
      %get3A_712 = tpu.vector_load %arg6[%get3A_710, %get3A_711] {strides = array<i32>} : memref<80x64xf32, #tpu.memory_space<vmem>>, vector<1x16xf32>,
      %get3A_713 = vector.shape_cast %get3A_712 : vector<1x16xf32> to vector<16xf32>
      %add3A_714 = arith.addf %get3A_708, %get3A_713 : vector<16xf32>
      %get3A_715 = arith.constant 27 : i32
      %get3A_716 = arith.index_cast %get3A_715 : i32 to index
      %get3A_717 = arith.constant 16 : index
      %get3A_718 = tpu.vector_load %arg6[%get3A_716, %get3A_717] {strides = array<i32>} : memref<80x64xf32, #tpu.memory_space<vmem>>, vector<1x16xf32>,
      %get3A_719 = vector.shape_cast %get3A_718 : vector<1x16xf32> to vector<16xf32>
      %add3A_720 = arith.addf %add3A_714, %get3A_719 : vector<16xf32>
      %get3A_721 = arith.constant 28 : i32
      %get3A_722 = arith.index_cast %get3A_721 : i32 to index
      %get3A_723 = arith.constant 16 : index
      %get3A_724 = tpu.vector_load %arg6[%get3A_722, %get3A_723] {strides = array<i32>} : memref<80x64xf32, #tpu.memory_space<vmem>>, vector<1x16xf32>,
      %get3A_725 = vector.shape_cast %get3A_724 : vector<1x16xf32> to vector<16xf32>
      %add3A_726 = arith.addf %add3A_720, %get3A_725 : vector<16xf32>
      %get3A_727 = arith.constant 29 : i32
      %get3A_728 = arith.index_cast %get3A_727 : i32 to index
      %get3A_729 = arith.constant 16 : index
      %get3A_730 = tpu.vector_load %arg6[%get3A_728, %get3A_729] {strides = array<i32>} : memref<80x64xf32, #tpu.memory_space<vmem>>, vector<1x16xf32>,
      %get3A_731 = vector.shape_cast %get3A_730 : vector<1x16xf32> to vector<16xf32>
      %add3A_732 = arith.addf %add3A_726, %get3A_731 : vector<16xf32>
      %swap3A_733 = arith.constant 2 : i32
      %swap3A_734 = arith.index_cast %swap3A_733 : i32 to index
      %swap3A_735 = arith.constant 16 : index
      %swap3A_736 = tpu.vector_load %arg8[%swap3A_734, %swap3A_735] {strides = array<i32>} : memref<8x128xf32, #tpu.memory_space<vmem>>, vector<1x16xf32>,
      %swap3A_737 = vector.shape_cast %swap3A_736 : vector<1x16xf32> to vector<16xf32>
      %swap3A_738 = vector.shape_cast %add3A_703 : vector<16xf32> to vector<1x16xf32>
      tpu.vector_store %arg8[%swap3A_734, %swap3A_735], %swap3A_738 {strides = array<i32>} : memref<8x128xf32, #tpu.memory_space<vmem>>, vector<1x16xf32>,
      %swap3A_739 = arith.constant 2 : i32
      %swap3A_740 = arith.index_cast %swap3A_739 : i32 to index
      %swap3A_741 = arith.constant 80 : index
      %swap3A_742 = tpu.vector_load %arg8[%swap3A_740, %swap3A_741] {strides = array<i32>} : memref<8x128xf32, #tpu.memory_space<vmem>>, vector<1x16xf32>,
      %swap3A_743 = vector.shape_cast %swap3A_742 : vector<1x16xf32> to vector<16xf32>
      %swap3A_744 = vector.shape_cast %add3A_732 : vector<16xf32> to vector<1x16xf32>
      tpu.vector_store %arg8[%swap3A_740, %swap3A_741], %swap3A_744 {strides = array<i32>} : memref<8x128xf32, #tpu.memory_space<vmem>>, vector<1x16xf32>,
      %get3A_745 = arith.constant 20 : i32
      %get3A_746 = arith.index_cast %get3A_745 : i32 to index
      %get3A_747 = arith.constant 32 : index
      %get3A_748 = tpu.vector_load %arg6[%get3A_746, %get3A_747] {strides = array<i32>} : memref<80x64xf32, #tpu.memory_space<vmem>>, vector<1x16xf32>,
      %get3A_749 = vector.shape_cast %get3A_748 : vector<1x16xf32> to vector<16xf32>
      %get3A_750 = arith.constant 21 : i32
      %get3A_751 = arith.index_cast %get3A_750 : i32 to index
      %get3A_752 = arith.constant 32 : index
      %get3A_753 = tpu.vector_load %arg6[%get3A_751, %get3A_752] {strides = array<i32>} : memref<80x64xf32, #tpu.memory_space<vmem>>, vector<1x16xf32>,
      %get3A_754 = vector.shape_cast %get3A_753 : vector<1x16xf32> to vector<16xf32>
      %add3A_755 = arith.addf %get3A_749, %get3A_754 : vector<16xf32>
      %get3A_756 = arith.constant 22 : i32
      %get3A_757 = arith.index_cast %get3A_756 : i32 to index
      %get3A_758 = arith.constant 32 : index
      %get3A_759 = tpu.vector_load %arg6[%get3A_757, %get3A_758] {strides = array<i32>} : memref<80x64xf32, #tpu.memory_space<vmem>>, vector<1x16xf32>,
      %get3A_760 = vector.shape_cast %get3A_759 : vector<1x16xf32> to vector<16xf32>
      %add3A_761 = arith.addf %add3A_755, %get3A_760 : vector<16xf32>
      %get3A_762 = arith.constant 23 : i32
      %get3A_763 = arith.index_cast %get3A_762 : i32 to index
      %get3A_764 = arith.constant 32 : index
      %get3A_765 = tpu.vector_load %arg6[%get3A_763, %get3A_764] {strides = array<i32>} : memref<80x64xf32, #tpu.memory_space<vmem>>, vector<1x16xf32>,
      %get3A_766 = vector.shape_cast %get3A_765 : vector<1x16xf32> to vector<16xf32>
      %add3A_767 = arith.addf %add3A_761, %get3A_766 : vector<16xf32>
      %get3A_768 = arith.constant 24 : i32
      %get3A_769 = arith.index_cast %get3A_768 : i32 to index
      %get3A_770 = arith.constant 32 : index
      %get3A_771 = tpu.vector_load %arg6[%get3A_769, %get3A_770] {strides = array<i32>} : memref<80x64xf32, #tpu.memory_space<vmem>>, vector<1x16xf32>,
      %get3A_772 = vector.shape_cast %get3A_771 : vector<1x16xf32> to vector<16xf32>
      %add3A_773 = arith.addf %add3A_767, %get3A_772 : vector<16xf32>
      %get3A_774 = arith.constant 25 : i32
      %get3A_775 = arith.index_cast %get3A_774 : i32 to index
      %get3A_776 = arith.constant 32 : index
      %get3A_777 = tpu.vector_load %arg6[%get3A_775, %get3A_776] {strides = array<i32>} : memref<80x64xf32, #tpu.memory_space<vmem>>, vector<1x16xf32>,
      %get3A_778 = vector.shape_cast %get3A_777 : vector<1x16xf32> to vector<16xf32>
      %get3A_779 = arith.constant 26 : i32
      %get3A_780 = arith.index_cast %get3A_779 : i32 to index
      %get3A_781 = arith.constant 32 : index
      %get3A_782 = tpu.vector_load %arg6[%get3A_780, %get3A_781] {strides = array<i32>} : memref<80x64xf32, #tpu.memory_space<vmem>>, vector<1x16xf32>,
      %get3A_783 = vector.shape_cast %get3A_782 : vector<1x16xf32> to vector<16xf32>
      %add3A_784 = arith.addf %get3A_778, %get3A_783 : vector<16xf32>
      %get3A_785 = arith.constant 27 : i32
      %get3A_786 = arith.index_cast %get3A_785 : i32 to index
      %get3A_787 = arith.constant 32 : index
      %get3A_788 = tpu.vector_load %arg6[%get3A_786, %get3A_787] {strides = array<i32>} : memref<80x64xf32, #tpu.memory_space<vmem>>, vector<1x16xf32>,
      %get3A_789 = vector.shape_cast %get3A_788 : vector<1x16xf32> to vector<16xf32>
      %add3A_790 = arith.addf %add3A_784, %get3A_789 : vector<16xf32>
      %get3A_791 = arith.constant 28 : i32
      %get3A_792 = arith.index_cast %get3A_791 : i32 to index
      %get3A_793 = arith.constant 32 : index
      %get3A_794 = tpu.vector_load %arg6[%get3A_792, %get3A_793] {strides = array<i32>} : memref<80x64xf32, #tpu.memory_space<vmem>>, vector<1x16xf32>,
      %get3A_795 = vector.shape_cast %get3A_794 : vector<1x16xf32> to vector<16xf32>
      %add3A_796 = arith.addf %add3A_790, %get3A_795 : vector<16xf32>
      %get3A_797 = arith.constant 29 : i32
      %get3A_798 = arith.index_cast %get3A_797 : i32 to index
      %get3A_799 = arith.constant 32 : index
      %get3A_800 = tpu.vector_load %arg6[%get3A_798, %get3A_799] {strides = array<i32>} : memref<80x64xf32, #tpu.memory_space<vmem>>, vector<1x16xf32>,
      %get3A_801 = vector.shape_cast %get3A_800 : vector<1x16xf32> to vector<16xf32>
      %add3A_802 = arith.addf %add3A_796, %get3A_801 : vector<16xf32>
      %swap3A_803 = arith.constant 2 : i32
      %swap3A_804 = arith.index_cast %swap3A_803 : i32 to index
      %swap3A_805 = arith.constant 32 : index
      %swap3A_806 = tpu.vector_load %arg8[%swap3A_804, %swap3A_805] {strides = array<i32>} : memref<8x128xf32, #tpu.memory_space<vmem>>, vector<1x16xf32>,
      %swap3A_807 = vector.shape_cast %swap3A_806 : vector<1x16xf32> to vector<16xf32>
      %swap3A_808 = vector.shape_cast %add3A_773 : vector<16xf32> to vector<1x16xf32>
      tpu.vector_store %arg8[%swap3A_804, %swap3A_805], %swap3A_808 {strides = array<i32>} : memref<8x128xf32, #tpu.memory_space<vmem>>, vector<1x16xf32>,
      %swap3A_809 = arith.constant 2 : i32
      %swap3A_810 = arith.index_cast %swap3A_809 : i32 to index
      %swap3A_811 = arith.constant 96 : index
      %swap3A_812 = tpu.vector_load %arg8[%swap3A_810, %swap3A_811] {strides = array<i32>} : memref<8x128xf32, #tpu.memory_space<vmem>>, vector<1x16xf32>,
      %swap3A_813 = vector.shape_cast %swap3A_812 : vector<1x16xf32> to vector<16xf32>
      %swap3A_814 = vector.shape_cast %add3A_802 : vector<16xf32> to vector<1x16xf32>
      tpu.vector_store %arg8[%swap3A_810, %swap3A_811], %swap3A_814 {strides = array<i32>} : memref<8x128xf32, #tpu.memory_space<vmem>>, vector<1x16xf32>,
      %get3A_815 = arith.constant 20 : i32
      %get3A_816 = arith.index_cast %get3A_815 : i32 to index
      %get3A_817 = arith.constant 48 : index
      %get3A_818 = tpu.vector_load %arg6[%get3A_816, %get3A_817] {strides = array<i32>} : memref<80x64xf32, #tpu.memory_space<vmem>>, vector<1x16xf32>,
      %get3A_819 = vector.shape_cast %get3A_818 : vector<1x16xf32> to vector<16xf32>
      %get3A_820 = arith.constant 21 : i32
      %get3A_821 = arith.index_cast %get3A_820 : i32 to index
      %get3A_822 = arith.constant 48 : index
      %get3A_823 = tpu.vector_load %arg6[%get3A_821, %get3A_822] {strides = array<i32>} : memref<80x64xf32, #tpu.memory_space<vmem>>, vector<1x16xf32>,
      %get3A_824 = vector.shape_cast %get3A_823 : vector<1x16xf32> to vector<16xf32>
      %add3A_825 = arith.addf %get3A_819, %get3A_824 : vector<16xf32>
      %get3A_826 = arith.constant 22 : i32
      %get3A_827 = arith.index_cast %get3A_826 : i32 to index
      %get3A_828 = arith.constant 48 : index
      %get3A_829 = tpu.vector_load %arg6[%get3A_827, %get3A_828] {strides = array<i32>} : memref<80x64xf32, #tpu.memory_space<vmem>>, vector<1x16xf32>,
      %get3A_830 = vector.shape_cast %get3A_829 : vector<1x16xf32> to vector<16xf32>
      %add3A_831 = arith.addf %add3A_825, %get3A_830 : vector<16xf32>
      %get3A_832 = arith.constant 23 : i32
      %get3A_833 = arith.index_cast %get3A_832 : i32 to index
      %get3A_834 = arith.constant 48 : index
      %get3A_835 = tpu.vector_load %arg6[%get3A_833, %get3A_834] {strides = array<i32>} : memref<80x64xf32, #tpu.memory_space<vmem>>, vector<1x16xf32>,
      %get3A_836 = vector.shape_cast %get3A_835 : vector<1x16xf32> to vector<16xf32>
      %add3A_837 = arith.addf %add3A_831, %get3A_836 : vector<16xf32>
      %get3A_838 = arith.constant 24 : i32
      %get3A_839 = arith.index_cast %get3A_838 : i32 to index
      %get3A_840 = arith.constant 48 : index
      %get3A_841 = tpu.vector_load %arg6[%get3A_839, %get3A_840] {strides = array<i32>} : memref<80x64xf32, #tpu.memory_space<vmem>>, vector<1x16xf32>,
      %get3A_842 = vector.shape_cast %get3A_841 : vector<1x16xf32> to vector<16xf32>
      %add3A_843 = arith.addf %add3A_837, %get3A_842 : vector<16xf32>
      %get3A_844 = arith.constant 25 : i32
      %get3A_845 = arith.index_cast %get3A_844 : i32 to index
      %get3A_846 = arith.constant 48 : index
      %get3A_847 = tpu.vector_load %arg6[%get3A_845, %get3A_846] {strides = array<i32>} : memref<80x64xf32, #tpu.memory_space<vmem>>, vector<1x16xf32>,
      %get3A_848 = vector.shape_cast %get3A_847 : vector<1x16xf32> to vector<16xf32>
      %get3A_849 = arith.constant 26 : i32
      %get3A_850 = arith.index_cast %get3A_849 : i32 to index
      %get3A_851 = arith.constant 48 : index
      %get3A_852 = tpu.vector_load %arg6[%get3A_850, %get3A_851] {strides = array<i32>} : memref<80x64xf32, #tpu.memory_space<vmem>>, vector<1x16xf32>,
      %get3A_853 = vector.shape_cast %get3A_852 : vector<1x16xf32> to vector<16xf32>
      %add3A_854 = arith.addf %get3A_848, %get3A_853 : vector<16xf32>
      %get3A_855 = arith.constant 27 : i32
      %get3A_856 = arith.index_cast %get3A_855 : i32 to index
      %get3A_857 = arith.constant 48 : index
      %get3A_858 = tpu.vector_load %arg6[%get3A_856, %get3A_857] {strides = array<i32>} : memref<80x64xf32, #tpu.memory_space<vmem>>, vector<1x16xf32>,
      %get3A_859 = vector.shape_cast %get3A_858 : vector<1x16xf32> to vector<16xf32>
      %add3A_860 = arith.addf %add3A_854, %get3A_859 : vector<16xf32>
      %get3A_861 = arith.constant 28 : i32
      %get3A_862 = arith.index_cast %get3A_861 : i32 to index
      %get3A_863 = arith.constant 48 : index
      %get3A_864 = tpu.vector_load %arg6[%get3A_862, %get3A_863] {strides = array<i32>} : memref<80x64xf32, #tpu.memory_space<vmem>>, vector<1x16xf32>,
      %get3A_865 = vector.shape_cast %get3A_864 : vector<1x16xf32> to vector<16xf32>
      %add3A_866 = arith.addf %add3A_860, %get3A_865 : vector<16xf32>
      %get3A_867 = arith.constant 29 : i32
      %get3A_868 = arith.index_cast %get3A_867 : i32 to index
      %get3A_869 = arith.constant 48 : index
      %get3A_870 = tpu.vector_load %arg6[%get3A_868, %get3A_869] {strides = array<i32>} : memref<80x64xf32, #tpu.memory_space<vmem>>, vector<1x16xf32>,
      %get3A_871 = vector.shape_cast %get3A_870 : vector<1x16xf32> to vector<16xf32>
      %add3A_872 = arith.addf %add3A_866, %get3A_871 : vector<16xf32>
      %swap3A_873 = arith.constant 2 : i32
      %swap3A_874 = arith.index_cast %swap3A_873 : i32 to index
      %swap3A_875 = arith.constant 48 : index
      %swap3A_876 = tpu.vector_load %arg8[%swap3A_874, %swap3A_875] {strides = array<i32>} : memref<8x128xf32, #tpu.memory_space<vmem>>, vector<1x16xf32>,
      %swap3A_877 = vector.shape_cast %swap3A_876 : vector<1x16xf32> to vector<16xf32>
      %swap3A_878 = vector.shape_cast %add3A_843 : vector<16xf32> to vector<1x16xf32>
      tpu.vector_store %arg8[%swap3A_874, %swap3A_875], %swap3A_878 {strides = array<i32>} : memref<8x128xf32, #tpu.memory_space<vmem>>, vector<1x16xf32>,
      %swap3A_879 = arith.constant 2 : i32
      %swap3A_880 = arith.index_cast %swap3A_879 : i32 to index
      %swap3A_881 = arith.constant 112 : index
      %swap3A_882 = tpu.vector_load %arg8[%swap3A_880, %swap3A_881] {strides = array<i32>} : memref<8x128xf32, #tpu.memory_space<vmem>>, vector<1x16xf32>,
      %swap3A_883 = vector.shape_cast %swap3A_882 : vector<1x16xf32> to vector<16xf32>
      %swap3A_884 = vector.shape_cast %add3A_872 : vector<16xf32> to vector<1x16xf32>
      tpu.vector_store %arg8[%swap3A_880, %swap3A_881], %swap3A_884 {strides = array<i32>} : memref<8x128xf32, #tpu.memory_space<vmem>>, vector<1x16xf32>,
      %get3A_885 = arith.constant 30 : i32
      %get3A_886 = arith.index_cast %get3A_885 : i32 to index
      %get3A_887 = arith.constant 0 : index
      %get3A_888 = tpu.vector_load %arg6[%get3A_886, %get3A_887] {strides = array<i32>} : memref<80x64xf32, #tpu.memory_space<vmem>>, vector<1x16xf32>,
      %get3A_889 = vector.shape_cast %get3A_888 : vector<1x16xf32> to vector<16xf32>
      %get3A_890 = arith.constant 31 : i32
      %get3A_891 = arith.index_cast %get3A_890 : i32 to index
      %get3A_892 = arith.constant 0 : index
      %get3A_893 = tpu.vector_load %arg6[%get3A_891, %get3A_892] {strides = array<i32>} : memref<80x64xf32, #tpu.memory_space<vmem>>, vector<1x16xf32>,
      %get3A_894 = vector.shape_cast %get3A_893 : vector<1x16xf32> to vector<16xf32>
      %add3A_895 = arith.addf %get3A_889, %get3A_894 : vector<16xf32>
      %get3A_896 = arith.constant 32 : i32
      %get3A_897 = arith.index_cast %get3A_896 : i32 to index
      %get3A_898 = arith.constant 0 : index
      %get3A_899 = tpu.vector_load %arg6[%get3A_897, %get3A_898] {strides = array<i32>} : memref<80x64xf32, #tpu.memory_space<vmem>>, vector<1x16xf32>,
      %get3A_900 = vector.shape_cast %get3A_899 : vector<1x16xf32> to vector<16xf32>
      %add3A_901 = arith.addf %add3A_895, %get3A_900 : vector<16xf32>
      %get3A_902 = arith.constant 33 : i32
      %get3A_903 = arith.index_cast %get3A_902 : i32 to index
      %get3A_904 = arith.constant 0 : index
      %get3A_905 = tpu.vector_load %arg6[%get3A_903, %get3A_904] {strides = array<i32>} : memref<80x64xf32, #tpu.memory_space<vmem>>, vector<1x16xf32>,
      %get3A_906 = vector.shape_cast %get3A_905 : vector<1x16xf32> to vector<16xf32>
      %add3A_907 = arith.addf %add3A_901, %get3A_906 : vector<16xf32>
      %get3A_908 = arith.constant 34 : i32
      %get3A_909 = arith.index_cast %get3A_908 : i32 to index
      %get3A_910 = arith.constant 0 : index
      %get3A_911 = tpu.vector_load %arg6[%get3A_909, %get3A_910] {strides = array<i32>} : memref<80x64xf32, #tpu.memory_space<vmem>>, vector<1x16xf32>,
      %get3A_912 = vector.shape_cast %get3A_911 : vector<1x16xf32> to vector<16xf32>
      %add3A_913 = arith.addf %add3A_907, %get3A_912 : vector<16xf32>
      %get3A_914 = arith.constant 35 : i32
      %get3A_915 = arith.index_cast %get3A_914 : i32 to index
      %get3A_916 = arith.constant 0 : index
      %get3A_917 = tpu.vector_load %arg6[%get3A_915, %get3A_916] {strides = array<i32>} : memref<80x64xf32, #tpu.memory_space<vmem>>, vector<1x16xf32>,
      %get3A_918 = vector.shape_cast %get3A_917 : vector<1x16xf32> to vector<16xf32>
      %get3A_919 = arith.constant 36 : i32
      %get3A_920 = arith.index_cast %get3A_919 : i32 to index
      %get3A_921 = arith.constant 0 : index
      %get3A_922 = tpu.vector_load %arg6[%get3A_920, %get3A_921] {strides = array<i32>} : memref<80x64xf32, #tpu.memory_space<vmem>>, vector<1x16xf32>,
      %get3A_923 = vector.shape_cast %get3A_922 : vector<1x16xf32> to vector<16xf32>
      %add3A_924 = arith.addf %get3A_918, %get3A_923 : vector<16xf32>
      %get3A_925 = arith.constant 37 : i32
      %get3A_926 = arith.index_cast %get3A_925 : i32 to index
      %get3A_927 = arith.constant 0 : index
      %get3A_928 = tpu.vector_load %arg6[%get3A_926, %get3A_927] {strides = array<i32>} : memref<80x64xf32, #tpu.memory_space<vmem>>, vector<1x16xf32>,
      %get3A_929 = vector.shape_cast %get3A_928 : vector<1x16xf32> to vector<16xf32>
      %add3A_930 = arith.addf %add3A_924, %get3A_929 : vector<16xf32>
      %get3A_931 = arith.constant 38 : i32
      %get3A_932 = arith.index_cast %get3A_931 : i32 to index
      %get3A_933 = arith.constant 0 : index
      %get3A_934 = tpu.vector_load %arg6[%get3A_932, %get3A_933] {strides = array<i32>} : memref<80x64xf32, #tpu.memory_space<vmem>>, vector<1x16xf32>,
      %get3A_935 = vector.shape_cast %get3A_934 : vector<1x16xf32> to vector<16xf32>
      %add3A_936 = arith.addf %add3A_930, %get3A_935 : vector<16xf32>
      %get3A_937 = arith.constant 39 : i32
      %get3A_938 = arith.index_cast %get3A_937 : i32 to index
      %get3A_939 = arith.constant 0 : index
      %get3A_940 = tpu.vector_load %arg6[%get3A_938, %get3A_939] {strides = array<i32>} : memref<80x64xf32, #tpu.memory_space<vmem>>, vector<1x16xf32>,
      %get3A_941 = vector.shape_cast %get3A_940 : vector<1x16xf32> to vector<16xf32>
      %add3A_942 = arith.addf %add3A_936, %get3A_941 : vector<16xf32>
      %swap3A_943 = arith.constant 3 : i32
      %swap3A_944 = arith.index_cast %swap3A_943 : i32 to index
      %swap3A_945 = arith.constant 0 : index
      %swap3A_946 = tpu.vector_load %arg8[%swap3A_944, %swap3A_945] {strides = array<i32>} : memref<8x128xf32, #tpu.memory_space<vmem>>, vector<1x16xf32>,
      %swap3A_947 = vector.shape_cast %swap3A_946 : vector<1x16xf32> to vector<16xf32>
      %swap3A_948 = vector.shape_cast %add3A_913 : vector<16xf32> to vector<1x16xf32>
      tpu.vector_store %arg8[%swap3A_944, %swap3A_945], %swap3A_948 {strides = array<i32>} : memref<8x128xf32, #tpu.memory_space<vmem>>, vector<1x16xf32>,
      %swap3A_949 = arith.constant 3 : i32
      %swap3A_950 = arith.index_cast %swap3A_949 : i32 to index
      %swap3A_951 = arith.constant 64 : index
      %swap3A_952 = tpu.vector_load %arg8[%swap3A_950, %swap3A_951] {strides = array<i32>} : memref<8x128xf32, #tpu.memory_space<vmem>>, vector<1x16xf32>,
      %swap3A_953 = vector.shape_cast %swap3A_952 : vector<1x16xf32> to vector<16xf32>
      %swap3A_954 = vector.shape_cast %add3A_942 : vector<16xf32> to vector<1x16xf32>
      tpu.vector_store %arg8[%swap3A_950, %swap3A_951], %swap3A_954 {strides = array<i32>} : memref<8x128xf32, #tpu.memory_space<vmem>>, vector<1x16xf32>,
      %get3A_955 = arith.constant 30 : i32
      %get3A_956 = arith.index_cast %get3A_955 : i32 to index
      %get3A_957 = arith.constant 16 : index
      %get3A_958 = tpu.vector_load %arg6[%get3A_956, %get3A_957] {strides = array<i32>} : memref<80x64xf32, #tpu.memory_space<vmem>>, vector<1x16xf32>,
      %get3A_959 = vector.shape_cast %get3A_958 : vector<1x16xf32> to vector<16xf32>
      %get3A_960 = arith.constant 31 : i32
      %get3A_961 = arith.index_cast %get3A_960 : i32 to index
      %get3A_962 = arith.constant 16 : index
      %get3A_963 = tpu.vector_load %arg6[%get3A_961, %get3A_962] {strides = array<i32>} : memref<80x64xf32, #tpu.memory_space<vmem>>, vector<1x16xf32>,
      %get3A_964 = vector.shape_cast %get3A_963 : vector<1x16xf32> to vector<16xf32>
      %add3A_965 = arith.addf %get3A_959, %get3A_964 : vector<16xf32>
      %get3A_966 = arith.constant 32 : i32
      %get3A_967 = arith.index_cast %get3A_966 : i32 to index
      %get3A_968 = arith.constant 16 : index
      %get3A_969 = tpu.vector_load %arg6[%get3A_967, %get3A_968] {strides = array<i32>} : memref<80x64xf32, #tpu.memory_space<vmem>>, vector<1x16xf32>,
      %get3A_970 = vector.shape_cast %get3A_969 : vector<1x16xf32> to vector<16xf32>
      %add3A_971 = arith.addf %add3A_965, %get3A_970 : vector<16xf32>
      %get3A_972 = arith.constant 33 : i32
      %get3A_973 = arith.index_cast %get3A_972 : i32 to index
      %get3A_974 = arith.constant 16 : index
      %get3A_975 = tpu.vector_load %arg6[%get3A_973, %get3A_974] {strides = array<i32>} : memref<80x64xf32, #tpu.memory_space<vmem>>, vector<1x16xf32>,
      %get3A_976 = vector.shape_cast %get3A_975 : vector<1x16xf32> to vector<16xf32>
      %add3A_977 = arith.addf %add3A_971, %get3A_976 : vector<16xf32>
      %get3A_978 = arith.constant 34 : i32
      %get3A_979 = arith.index_cast %get3A_978 : i32 to index
      %get3A_980 = arith.constant 16 : index
      %get3A_981 = tpu.vector_load %arg6[%get3A_979, %get3A_980] {strides = array<i32>} : memref<80x64xf32, #tpu.memory_space<vmem>>, vector<1x16xf32>,
      %get3A_982 = vector.shape_cast %get3A_981 : vector<1x16xf32> to vector<16xf32>
      %add3A_983 = arith.addf %add3A_977, %get3A_982 : vector<16xf32>
      %get3A_984 = arith.constant 35 : i32
      %get3A_985 = arith.index_cast %get3A_984 : i32 to index
      %get3A_986 = arith.constant 16 : index
      %get3A_987 = tpu.vector_load %arg6[%get3A_985, %get3A_986] {strides = array<i32>} : memref<80x64xf32, #tpu.memory_space<vmem>>, vector<1x16xf32>,
      %get3A_988 = vector.shape_cast %get3A_987 : vector<1x16xf32> to vector<16xf32>
      %get3A_989 = arith.constant 36 : i32
      %get3A_990 = arith.index_cast %get3A_989 : i32 to index
      %get3A_991 = arith.constant 16 : index
      %get3A_992 = tpu.vector_load %arg6[%get3A_990, %get3A_991] {strides = array<i32>} : memref<80x64xf32, #tpu.memory_space<vmem>>, vector<1x16xf32>,
      %get3A_993 = vector.shape_cast %get3A_992 : vector<1x16xf32> to vector<16xf32>
      %add3A_994 = arith.addf %get3A_988, %get3A_993 : vector<16xf32>
      %get3A_995 = arith.constant 37 : i32
      %get3A_996 = arith.index_cast %get3A_995 : i32 to index
      %get3A_997 = arith.constant 16 : index
      %get3A_998 = tpu.vector_load %arg6[%get3A_996, %get3A_997] {strides = array<i32>} : memref<80x64xf32, #tpu.memory_space<vmem>>, vector<1x16xf32>,
      %get3A_999 = vector.shape_cast %get3A_998 : vector<1x16xf32> to vector<16xf32>
      %add3A_1000 = arith.addf %add3A_994, %get3A_999 : vector<16xf32>
      %get3A_1001 = arith.constant 38 : i32
      %get3A_1002 = arith.index_cast %get3A_1001 : i32 to index
      %get3A_1003 = arith.constant 16 : index
      %get3A_1004 = tpu.vector_load %arg6[%get3A_1002, %get3A_1003] {strides = array<i32>} : memref<80x64xf32, #tpu.memory_space<vmem>>, vector<1x16xf32>,
      %get3A_1005 = vector.shape_cast %get3A_1004 : vector<1x16xf32> to vector<16xf32>
      %add3A_1006 = arith.addf %add3A_1000, %get3A_1005 : vector<16xf32>
      %get3A_1007 = arith.constant 39 : i32
      %get3A_1008 = arith.index_cast %get3A_1007 : i32 to index
      %get3A_1009 = arith.constant 16 : index
      %get3A_1010 = tpu.vector_load %arg6[%get3A_1008, %get3A_1009] {strides = array<i32>} : memref<80x64xf32, #tpu.memory_space<vmem>>, vector<1x16xf32>,
      %get3A_1011 = vector.shape_cast %get3A_1010 : vector<1x16xf32> to vector<16xf32>
      %add3A_1012 = arith.addf %add3A_1006, %get3A_1011 : vector<16xf32>
      %swap3A_1013 = arith.constant 3 : i32
      %swap3A_1014 = arith.index_cast %swap3A_1013 : i32 to index
      %swap3A_1015 = arith.constant 16 : index
      %swap3A_1016 = tpu.vector_load %arg8[%swap3A_1014, %swap3A_1015] {strides = array<i32>} : memref<8x128xf32, #tpu.memory_space<vmem>>, vector<1x16xf32>,
      %swap3A_1017 = vector.shape_cast %swap3A_1016 : vector<1x16xf32> to vector<16xf32>
      %swap3A_1018 = vector.shape_cast %add3A_983 : vector<16xf32> to vector<1x16xf32>
      tpu.vector_store %arg8[%swap3A_1014, %swap3A_1015], %swap3A_1018 {strides = array<i32>} : memref<8x128xf32, #tpu.memory_space<vmem>>, vector<1x16xf32>,
      %swap3A_1019 = arith.constant 3 : i32
      %swap3A_1020 = arith.index_cast %swap3A_1019 : i32 to index
      %swap3A_1021 = arith.constant 80 : index
      %swap3A_1022 = tpu.vector_load %arg8[%swap3A_1020, %swap3A_1021] {strides = array<i32>} : memref<8x128xf32, #tpu.memory_space<vmem>>, vector<1x16xf32>,
      %swap3A_1023 = vector.shape_cast %swap3A_1022 : vector<1x16xf32> to vector<16xf32>
      %swap3A_1024 = vector.shape_cast %add3A_1012 : vector<16xf32> to vector<1x16xf32>
      tpu.vector_store %arg8[%swap3A_1020, %swap3A_1021], %swap3A_1024 {strides = array<i32>} : memref<8x128xf32, #tpu.memory_space<vmem>>, vector<1x16xf32>,
      %get3A_1025 = arith.constant 30 : i32
      %get3A_1026 = arith.index_cast %get3A_1025 : i32 to index
      %get3A_1027 = arith.constant 32 : index
      %get3A_1028 = tpu.vector_load %arg6[%get3A_1026, %get3A_1027] {strides = array<i32>} : memref<80x64xf32, #tpu.memory_space<vmem>>, vector<1x16xf32>,
      %get3A_1029 = vector.shape_cast %get3A_1028 : vector<1x16xf32> to vector<16xf32>
      %get3A_1030 = arith.constant 31 : i32
      %get3A_1031 = arith.index_cast %get3A_1030 : i32 to index
      %get3A_1032 = arith.constant 32 : index
      %get3A_1033 = tpu.vector_load %arg6[%get3A_1031, %get3A_1032] {strides = array<i32>} : memref<80x64xf32, #tpu.memory_space<vmem>>, vector<1x16xf32>,
      %get3A_1034 = vector.shape_cast %get3A_1033 : vector<1x16xf32> to vector<16xf32>
      %add3A_1035 = arith.addf %get3A_1029, %get3A_1034 : vector<16xf32>
      %get3A_1036 = arith.constant 32 : i32
      %get3A_1037 = arith.index_cast %get3A_1036 : i32 to index
      %get3A_1038 = arith.constant 32 : index
      %get3A_1039 = tpu.vector_load %arg6[%get3A_1037, %get3A_1038] {strides = array<i32>} : memref<80x64xf32, #tpu.memory_space<vmem>>, vector<1x16xf32>,
      %get3A_1040 = vector.shape_cast %get3A_1039 : vector<1x16xf32> to vector<16xf32>
      %add3A_1041 = arith.addf %add3A_1035, %get3A_1040 : vector<16xf32>
      %get3A_1042 = arith.constant 33 : i32
      %get3A_1043 = arith.index_cast %get3A_1042 : i32 to index
      %get3A_1044 = arith.constant 32 : index
      %get3A_1045 = tpu.vector_load %arg6[%get3A_1043, %get3A_1044] {strides = array<i32>} : memref<80x64xf32, #tpu.memory_space<vmem>>, vector<1x16xf32>,
      %get3A_1046 = vector.shape_cast %get3A_1045 : vector<1x16xf32> to vector<16xf32>
      %add3A_1047 = arith.addf %add3A_1041, %get3A_1046 : vector<16xf32>
      %get3A_1048 = arith.constant 34 : i32
      %get3A_1049 = arith.index_cast %get3A_1048 : i32 to index
      %get3A_1050 = arith.constant 32 : index
      %get3A_1051 = tpu.vector_load %arg6[%get3A_1049, %get3A_1050] {strides = array<i32>} : memref<80x64xf32, #tpu.memory_space<vmem>>, vector<1x16xf32>,
      %get3A_1052 = vector.shape_cast %get3A_1051 : vector<1x16xf32> to vector<16xf32>
      %add3A_1053 = arith.addf %add3A_1047, %get3A_1052 : vector<16xf32>
      %get3A_1054 = arith.constant 35 : i32
      %get3A_1055 = arith.index_cast %get3A_1054 : i32 to index
      %get3A_1056 = arith.constant 32 : index
      %get3A_1057 = tpu.vector_load %arg6[%get3A_1055, %get3A_1056] {strides = array<i32>} : memref<80x64xf32, #tpu.memory_space<vmem>>, vector<1x16xf32>,
      %get3A_1058 = vector.shape_cast %get3A_1057 : vector<1x16xf32> to vector<16xf32>
      %get3A_1059 = arith.constant 36 : i32
      %get3A_1060 = arith.index_cast %get3A_1059 : i32 to index
      %get3A_1061 = arith.constant 32 : index
      %get3A_1062 = tpu.vector_load %arg6[%get3A_1060, %get3A_1061] {strides = array<i32>} : memref<80x64xf32, #tpu.memory_space<vmem>>, vector<1x16xf32>,
      %get3A_1063 = vector.shape_cast %get3A_1062 : vector<1x16xf32> to vector<16xf32>
      %add3A_1064 = arith.addf %get3A_1058, %get3A_1063 : vector<16xf32>
      %get3A_1065 = arith.constant 37 : i32
      %get3A_1066 = arith.index_cast %get3A_1065 : i32 to index
      %get3A_1067 = arith.constant 32 : index
      %get3A_1068 = tpu.vector_load %arg6[%get3A_1066, %get3A_1067] {strides = array<i32>} : memref<80x64xf32, #tpu.memory_space<vmem>>, vector<1x16xf32>,
      %get3A_1069 = vector.shape_cast %get3A_1068 : vector<1x16xf32> to vector<16xf32>
      %add3A_1070 = arith.addf %add3A_1064, %get3A_1069 : vector<16xf32>
      %get3A_1071 = arith.constant 38 : i32
      %get3A_1072 = arith.index_cast %get3A_1071 : i32 to index
      %get3A_1073 = arith.constant 32 : index
      %get3A_1074 = tpu.vector_load %arg6[%get3A_1072, %get3A_1073] {strides = array<i32>} : memref<80x64xf32, #tpu.memory_space<vmem>>, vector<1x16xf32>,
      %get3A_1075 = vector.shape_cast %get3A_1074 : vector<1x16xf32> to vector<16xf32>
      %add3A_1076 = arith.addf %add3A_1070, %get3A_1075 : vector<16xf32>
      %get3A_1077 = arith.constant 39 : i32
      %get3A_1078 = arith.index_cast %get3A_1077 : i32 to index
      %get3A_1079 = arith.constant 32 : index
      %get3A_1080 = tpu.vector_load %arg6[%get3A_1078, %get3A_1079] {strides = array<i32>} : memref<80x64xf32, #tpu.memory_space<vmem>>, vector<1x16xf32>,
      %get3A_1081 = vector.shape_cast %get3A_1080 : vector<1x16xf32> to vector<16xf32>
      %add3A_1082 = arith.addf %add3A_1076, %get3A_1081 : vector<16xf32>
      %swap3A_1083 = arith.constant 3 : i32
      %swap3A_1084 = arith.index_cast %swap3A_1083 : i32 to index
      %swap3A_1085 = arith.constant 32 : index
      %swap3A_1086 = tpu.vector_load %arg8[%swap3A_1084, %swap3A_1085] {strides = array<i32>} : memref<8x128xf32, #tpu.memory_space<vmem>>, vector<1x16xf32>,
      %swap3A_1087 = vector.shape_cast %swap3A_1086 : vector<1x16xf32> to vector<16xf32>
      %swap3A_1088 = vector.shape_cast %add3A_1053 : vector<16xf32> to vector<1x16xf32>
      tpu.vector_store %arg8[%swap3A_1084, %swap3A_1085], %swap3A_1088 {strides = array<i32>} : memref<8x128xf32, #tpu.memory_space<vmem>>, vector<1x16xf32>,
      %swap3A_1089 = arith.constant 3 : i32
      %swap3A_1090 = arith.index_cast %swap3A_1089 : i32 to index
      %swap3A_1091 = arith.constant 96 : index
      %swap3A_1092 = tpu.vector_load %arg8[%swap3A_1090, %swap3A_1091] {strides = array<i32>} : memref<8x128xf32, #tpu.memory_space<vmem>>, vector<1x16xf32>,
      %swap3A_1093 = vector.shape_cast %swap3A_1092 : vector<1x16xf32> to vector<16xf32>
      %swap3A_1094 = vector.shape_cast %add3A_1082 : vector<16xf32> to vector<1x16xf32>
      tpu.vector_store %arg8[%swap3A_1090, %swap3A_1091], %swap3A_1094 {strides = array<i32>} : memref<8x128xf32, #tpu.memory_space<vmem>>, vector<1x16xf32>,
      %get3A_1095 = arith.constant 30 : i32
      %get3A_1096 = arith.index_cast %get3A_1095 : i32 to index
      %get3A_1097 = arith.constant 48 : index
      %get3A_1098 = tpu.vector_load %arg6[%get3A_1096, %get3A_1097] {strides = array<i32>} : memref<80x64xf32, #tpu.memory_space<vmem>>, vector<1x16xf32>,
      %get3A_1099 = vector.shape_cast %get3A_1098 : vector<1x16xf32> to vector<16xf32>
      %get3A_1100 = arith.constant 31 : i32
      %get3A_1101 = arith.index_cast %get3A_1100 : i32 to index
      %get3A_1102 = arith.constant 48 : index
      %get3A_1103 = tpu.vector_load %arg6[%get3A_1101, %get3A_1102] {strides = array<i32>} : memref<80x64xf32, #tpu.memory_space<vmem>>, vector<1x16xf32>,
      %get3A_1104 = vector.shape_cast %get3A_1103 : vector<1x16xf32> to vector<16xf32>
      %add3A_1105 = arith.addf %get3A_1099, %get3A_1104 : vector<16xf32>
      %get3A_1106 = arith.constant 32 : i32
      %get3A_1107 = arith.index_cast %get3A_1106 : i32 to index
      %get3A_1108 = arith.constant 48 : index
      %get3A_1109 = tpu.vector_load %arg6[%get3A_1107, %get3A_1108] {strides = array<i32>} : memref<80x64xf32, #tpu.memory_space<vmem>>, vector<1x16xf32>,
      %get3A_1110 = vector.shape_cast %get3A_1109 : vector<1x16xf32> to vector<16xf32>
      %add3A_1111 = arith.addf %add3A_1105, %get3A_1110 : vector<16xf32>
      %get3A_1112 = arith.constant 33 : i32
      %get3A_1113 = arith.index_cast %get3A_1112 : i32 to index
      %get3A_1114 = arith.constant 48 : index
      %get3A_1115 = tpu.vector_load %arg6[%get3A_1113, %get3A_1114] {strides = array<i32>} : memref<80x64xf32, #tpu.memory_space<vmem>>, vector<1x16xf32>,
      %get3A_1116 = vector.shape_cast %get3A_1115 : vector<1x16xf32> to vector<16xf32>
      %add3A_1117 = arith.addf %add3A_1111, %get3A_1116 : vector<16xf32>
      %get3A_1118 = arith.constant 34 : i32
      %get3A_1119 = arith.index_cast %get3A_1118 : i32 to index
      %get3A_1120 = arith.constant 48 : index
      %get3A_1121 = tpu.vector_load %arg6[%get3A_1119, %get3A_1120] {strides = array<i32>} : memref<80x64xf32, #tpu.memory_space<vmem>>, vector<1x16xf32>,
      %get3A_1122 = vector.shape_cast %get3A_1121 : vector<1x16xf32> to vector<16xf32>
      %add3A_1123 = arith.addf %add3A_1117, %get3A_1122 : vector<16xf32>
      %get3A_1124 = arith.constant 35 : i32
      %get3A_1125 = arith.index_cast %get3A_1124 : i32 to index
      %get3A_1126 = arith.constant 48 : index
      %get3A_1127 = tpu.vector_load %arg6[%get3A_1125, %get3A_1126] {strides = array<i32>} : memref<80x64xf32, #tpu.memory_space<vmem>>, vector<1x16xf32>,
      %get3A_1128 = vector.shape_cast %get3A_1127 : vector<1x16xf32> to vector<16xf32>
      %get3A_1129 = arith.constant 36 : i32
      %get3A_1130 = arith.index_cast %get3A_1129 : i32 to index
      %get3A_1131 = arith.constant 48 : index
      %get3A_1132 = tpu.vector_load %arg6[%get3A_1130, %get3A_1131] {strides = array<i32>} : memref<80x64xf32, #tpu.memory_space<vmem>>, vector<1x16xf32>,
      %get3A_1133 = vector.shape_cast %get3A_1132 : vector<1x16xf32> to vector<16xf32>
      %add3A_1134 = arith.addf %get3A_1128, %get3A_1133 : vector<16xf32>
      %get3A_1135 = arith.constant 37 : i32
      %get3A_1136 = arith.index_cast %get3A_1135 : i32 to index
      %get3A_1137 = arith.constant 48 : index
      %get3A_1138 = tpu.vector_load %arg6[%get3A_1136, %get3A_1137] {strides = array<i32>} : memref<80x64xf32, #tpu.memory_space<vmem>>, vector<1x16xf32>,
      %get3A_1139 = vector.shape_cast %get3A_1138 : vector<1x16xf32> to vector<16xf32>
      %add3A_1140 = arith.addf %add3A_1134, %get3A_1139 : vector<16xf32>
      %get3A_1141 = arith.constant 38 : i32
      %get3A_1142 = arith.index_cast %get3A_1141 : i32 to index
      %get3A_1143 = arith.constant 48 : index
      %get3A_1144 = tpu.vector_load %arg6[%get3A_1142, %get3A_1143] {strides = array<i32>} : memref<80x64xf32, #tpu.memory_space<vmem>>, vector<1x16xf32>,
      %get3A_1145 = vector.shape_cast %get3A_1144 : vector<1x16xf32> to vector<16xf32>
      %add3A_1146 = arith.addf %add3A_1140, %get3A_1145 : vector<16xf32>
      %get3A_1147 = arith.constant 39 : i32
      %get3A_1148 = arith.index_cast %get3A_1147 : i32 to index
      %get3A_1149 = arith.constant 48 : index
      %get3A_1150 = tpu.vector_load %arg6[%get3A_1148, %get3A_1149] {strides = array<i32>} : memref<80x64xf32, #tpu.memory_space<vmem>>, vector<1x16xf32>,
      %get3A_1151 = vector.shape_cast %get3A_1150 : vector<1x16xf32> to vector<16xf32>
      %add3A_1152 = arith.addf %add3A_1146, %get3A_1151 : vector<16xf32>
      %swap3A_1153 = arith.constant 3 : i32
      %swap3A_1154 = arith.index_cast %swap3A_1153 : i32 to index
      %swap3A_1155 = arith.constant 48 : index
      %swap3A_1156 = tpu.vector_load %arg8[%swap3A_1154, %swap3A_1155] {strides = array<i32>} : memref<8x128xf32, #tpu.memory_space<vmem>>, vector<1x16xf32>,
      %swap3A_1157 = vector.shape_cast %swap3A_1156 : vector<1x16xf32> to vector<16xf32>
      %swap3A_1158 = vector.shape_cast %add3A_1123 : vector<16xf32> to vector<1x16xf32>
      tpu.vector_store %arg8[%swap3A_1154, %swap3A_1155], %swap3A_1158 {strides = array<i32>} : memref<8x128xf32, #tpu.memory_space<vmem>>, vector<1x16xf32>,
      %swap3A_1159 = arith.constant 3 : i32
      %swap3A_1160 = arith.index_cast %swap3A_1159 : i32 to index
      %swap3A_1161 = arith.constant 112 : index
      %swap3A_1162 = tpu.vector_load %arg8[%swap3A_1160, %swap3A_1161] {strides = array<i32>} : memref<8x128xf32, #tpu.memory_space<vmem>>, vector<1x16xf32>,
      %swap3A_1163 = vector.shape_cast %swap3A_1162 : vector<1x16xf32> to vector<16xf32>
      %swap3A_1164 = vector.shape_cast %add3A_1152 : vector<16xf32> to vector<1x16xf32>
      tpu.vector_store %arg8[%swap3A_1160, %swap3A_1161], %swap3A_1164 {strides = array<i32>} : memref<8x128xf32, #tpu.memory_space<vmem>>, vector<1x16xf32>,
      %get3A_1165 = arith.constant 40 : i32
      %get3A_1166 = arith.index_cast %get3A_1165 : i32 to index
      %get3A_1167 = arith.constant 0 : index
      %get3A_1168 = tpu.vector_load %arg6[%get3A_1166, %get3A_1167] {strides = array<i32>} : memref<80x64xf32, #tpu.memory_space<vmem>>, vector<1x16xf32>,
      %get3A_1169 = vector.shape_cast %get3A_1168 : vector<1x16xf32> to vector<16xf32>
      %get3A_1170 = arith.constant 41 : i32
      %get3A_1171 = arith.index_cast %get3A_1170 : i32 to index
      %get3A_1172 = arith.constant 0 : index
      %get3A_1173 = tpu.vector_load %arg6[%get3A_1171, %get3A_1172] {strides = array<i32>} : memref<80x64xf32, #tpu.memory_space<vmem>>, vector<1x16xf32>,
      %get3A_1174 = vector.shape_cast %get3A_1173 : vector<1x16xf32> to vector<16xf32>
      %add3A_1175 = arith.addf %get3A_1169, %get3A_1174 : vector<16xf32>
      %get3A_1176 = arith.constant 42 : i32
      %get3A_1177 = arith.index_cast %get3A_1176 : i32 to index
      %get3A_1178 = arith.constant 0 : index
      %get3A_1179 = tpu.vector_load %arg6[%get3A_1177, %get3A_1178] {strides = array<i32>} : memref<80x64xf32, #tpu.memory_space<vmem>>, vector<1x16xf32>,
      %get3A_1180 = vector.shape_cast %get3A_1179 : vector<1x16xf32> to vector<16xf32>
      %add3A_1181 = arith.addf %add3A_1175, %get3A_1180 : vector<16xf32>
      %get3A_1182 = arith.constant 43 : i32
      %get3A_1183 = arith.index_cast %get3A_1182 : i32 to index
      %get3A_1184 = arith.constant 0 : index
      %get3A_1185 = tpu.vector_load %arg6[%get3A_1183, %get3A_1184] {strides = array<i32>} : memref<80x64xf32, #tpu.memory_space<vmem>>, vector<1x16xf32>,
      %get3A_1186 = vector.shape_cast %get3A_1185 : vector<1x16xf32> to vector<16xf32>
      %add3A_1187 = arith.addf %add3A_1181, %get3A_1186 : vector<16xf32>
      %get3A_1188 = arith.constant 44 : i32
      %get3A_1189 = arith.index_cast %get3A_1188 : i32 to index
      %get3A_1190 = arith.constant 0 : index
      %get3A_1191 = tpu.vector_load %arg6[%get3A_1189, %get3A_1190] {strides = array<i32>} : memref<80x64xf32, #tpu.memory_space<vmem>>, vector<1x16xf32>,
      %get3A_1192 = vector.shape_cast %get3A_1191 : vector<1x16xf32> to vector<16xf32>
      %add3A_1193 = arith.addf %add3A_1187, %get3A_1192 : vector<16xf32>
      %get3A_1194 = arith.constant 45 : i32
      %get3A_1195 = arith.index_cast %get3A_1194 : i32 to index
      %get3A_1196 = arith.constant 0 : index
      %get3A_1197 = tpu.vector_load %arg6[%get3A_1195, %get3A_1196] {strides = array<i32>} : memref<80x64xf32, #tpu.memory_space<vmem>>, vector<1x16xf32>,
      %get3A_1198 = vector.shape_cast %get3A_1197 : vector<1x16xf32> to vector<16xf32>
      %get3A_1199 = arith.constant 46 : i32
      %get3A_1200 = arith.index_cast %get3A_1199 : i32 to index
      %get3A_1201 = arith.constant 0 : index
      %get3A_1202 = tpu.vector_load %arg6[%get3A_1200, %get3A_1201] {strides = array<i32>} : memref<80x64xf32, #tpu.memory_space<vmem>>, vector<1x16xf32>,
      %get3A_1203 = vector.shape_cast %get3A_1202 : vector<1x16xf32> to vector<16xf32>
      %add3A_1204 = arith.addf %get3A_1198, %get3A_1203 : vector<16xf32>
      %get3A_1205 = arith.constant 47 : i32
      %get3A_1206 = arith.index_cast %get3A_1205 : i32 to index
      %get3A_1207 = arith.constant 0 : index
      %get3A_1208 = tpu.vector_load %arg6[%get3A_1206, %get3A_1207] {strides = array<i32>} : memref<80x64xf32, #tpu.memory_space<vmem>>, vector<1x16xf32>,
      %get3A_1209 = vector.shape_cast %get3A_1208 : vector<1x16xf32> to vector<16xf32>
      %add3A_1210 = arith.addf %add3A_1204, %get3A_1209 : vector<16xf32>
      %get3A_1211 = arith.constant 48 : i32
      %get3A_1212 = arith.index_cast %get3A_1211 : i32 to index
      %get3A_1213 = arith.constant 0 : index
      %get3A_1214 = tpu.vector_load %arg6[%get3A_1212, %get3A_1213] {strides = array<i32>} : memref<80x64xf32, #tpu.memory_space<vmem>>, vector<1x16xf32>,
      %get3A_1215 = vector.shape_cast %get3A_1214 : vector<1x16xf32> to vector<16xf32>
      %add3A_1216 = arith.addf %add3A_1210, %get3A_1215 : vector<16xf32>
      %get3A_1217 = arith.constant 49 : i32
      %get3A_1218 = arith.index_cast %get3A_1217 : i32 to index
      %get3A_1219 = arith.constant 0 : index
      %get3A_1220 = tpu.vector_load %arg6[%get3A_1218, %get3A_1219] {strides = array<i32>} : memref<80x64xf32, #tpu.memory_space<vmem>>, vector<1x16xf32>,
      %get3A_1221 = vector.shape_cast %get3A_1220 : vector<1x16xf32> to vector<16xf32>
      %add3A_1222 = arith.addf %add3A_1216, %get3A_1221 : vector<16xf32>
      %swap3A_1223 = arith.constant 4 : i32
      %swap3A_1224 = arith.index_cast %swap3A_1223 : i32 to index
      %swap3A_1225 = arith.constant 0 : index
      %swap3A_1226 = tpu.vector_load %arg8[%swap3A_1224, %swap3A_1225] {strides = array<i32>} : memref<8x128xf32, #tpu.memory_space<vmem>>, vector<1x16xf32>,
      %swap3A_1227 = vector.shape_cast %swap3A_1226 : vector<1x16xf32> to vector<16xf32>
      %swap3A_1228 = vector.shape_cast %add3A_1193 : vector<16xf32> to vector<1x16xf32>
      tpu.vector_store %arg8[%swap3A_1224, %swap3A_1225], %swap3A_1228 {strides = array<i32>} : memref<8x128xf32, #tpu.memory_space<vmem>>, vector<1x16xf32>,
      %swap3A_1229 = arith.constant 4 : i32
      %swap3A_1230 = arith.index_cast %swap3A_1229 : i32 to index
      %swap3A_1231 = arith.constant 64 : index
      %swap3A_1232 = tpu.vector_load %arg8[%swap3A_1230, %swap3A_1231] {strides = array<i32>} : memref<8x128xf32, #tpu.memory_space<vmem>>, vector<1x16xf32>,
      %swap3A_1233 = vector.shape_cast %swap3A_1232 : vector<1x16xf32> to vector<16xf32>
      %swap3A_1234 = vector.shape_cast %add3A_1222 : vector<16xf32> to vector<1x16xf32>
      tpu.vector_store %arg8[%swap3A_1230, %swap3A_1231], %swap3A_1234 {strides = array<i32>} : memref<8x128xf32, #tpu.memory_space<vmem>>, vector<1x16xf32>,
      %get3A_1235 = arith.constant 40 : i32
      %get3A_1236 = arith.index_cast %get3A_1235 : i32 to index
      %get3A_1237 = arith.constant 16 : index
      %get3A_1238 = tpu.vector_load %arg6[%get3A_1236, %get3A_1237] {strides = array<i32>} : memref<80x64xf32, #tpu.memory_space<vmem>>, vector<1x16xf32>,
      %get3A_1239 = vector.shape_cast %get3A_1238 : vector<1x16xf32> to vector<16xf32>
      %get3A_1240 = arith.constant 41 : i32
      %get3A_1241 = arith.index_cast %get3A_1240 : i32 to index
      %get3A_1242 = arith.constant 16 : index
      %get3A_1243 = tpu.vector_load %arg6[%get3A_1241, %get3A_1242] {strides = array<i32>} : memref<80x64xf32, #tpu.memory_space<vmem>>, vector<1x16xf32>,
      %get3A_1244 = vector.shape_cast %get3A_1243 : vector<1x16xf32> to vector<16xf32>
      %add3A_1245 = arith.addf %get3A_1239, %get3A_1244 : vector<16xf32>
      %get3A_1246 = arith.constant 42 : i32
      %get3A_1247 = arith.index_cast %get3A_1246 : i32 to index
      %get3A_1248 = arith.constant 16 : index
      %get3A_1249 = tpu.vector_load %arg6[%get3A_1247, %get3A_1248] {strides = array<i32>} : memref<80x64xf32, #tpu.memory_space<vmem>>, vector<1x16xf32>,
      %get3A_1250 = vector.shape_cast %get3A_1249 : vector<1x16xf32> to vector<16xf32>
      %add3A_1251 = arith.addf %add3A_1245, %get3A_1250 : vector<16xf32>
      %get3A_1252 = arith.constant 43 : i32
      %get3A_1253 = arith.index_cast %get3A_1252 : i32 to index
      %get3A_1254 = arith.constant 16 : index
      %get3A_1255 = tpu.vector_load %arg6[%get3A_1253, %get3A_1254] {strides = array<i32>} : memref<80x64xf32, #tpu.memory_space<vmem>>, vector<1x16xf32>,
      %get3A_1256 = vector.shape_cast %get3A_1255 : vector<1x16xf32> to vector<16xf32>
      %add3A_1257 = arith.addf %add3A_1251, %get3A_1256 : vector<16xf32>
      %get3A_1258 = arith.constant 44 : i32
      %get3A_1259 = arith.index_cast %get3A_1258 : i32 to index
      %get3A_1260 = arith.constant 16 : index
      %get3A_1261 = tpu.vector_load %arg6[%get3A_1259, %get3A_1260] {strides = array<i32>} : memref<80x64xf32, #tpu.memory_space<vmem>>, vector<1x16xf32>,
      %get3A_1262 = vector.shape_cast %get3A_1261 : vector<1x16xf32> to vector<16xf32>
      %add3A_1263 = arith.addf %add3A_1257, %get3A_1262 : vector<16xf32>
      %get3A_1264 = arith.constant 45 : i32
      %get3A_1265 = arith.index_cast %get3A_1264 : i32 to index
      %get3A_1266 = arith.constant 16 : index
      %get3A_1267 = tpu.vector_load %arg6[%get3A_1265, %get3A_1266] {strides = array<i32>} : memref<80x64xf32, #tpu.memory_space<vmem>>, vector<1x16xf32>,
      %get3A_1268 = vector.shape_cast %get3A_1267 : vector<1x16xf32> to vector<16xf32>
      %get3A_1269 = arith.constant 46 : i32
      %get3A_1270 = arith.index_cast %get3A_1269 : i32 to index
      %get3A_1271 = arith.constant 16 : index
      %get3A_1272 = tpu.vector_load %arg6[%get3A_1270, %get3A_1271] {strides = array<i32>} : memref<80x64xf32, #tpu.memory_space<vmem>>, vector<1x16xf32>,
      %get3A_1273 = vector.shape_cast %get3A_1272 : vector<1x16xf32> to vector<16xf32>
      %add3A_1274 = arith.addf %get3A_1268, %get3A_1273 : vector<16xf32>
      %get3A_1275 = arith.constant 47 : i32
      %get3A_1276 = arith.index_cast %get3A_1275 : i32 to index
      %get3A_1277 = arith.constant 16 : index
      %get3A_1278 = tpu.vector_load %arg6[%get3A_1276, %get3A_1277] {strides = array<i32>} : memref<80x64xf32, #tpu.memory_space<vmem>>, vector<1x16xf32>,
      %get3A_1279 = vector.shape_cast %get3A_1278 : vector<1x16xf32> to vector<16xf32>
      %add3A_1280 = arith.addf %add3A_1274, %get3A_1279 : vector<16xf32>
      %get3A_1281 = arith.constant 48 : i32
      %get3A_1282 = arith.index_cast %get3A_1281 : i32 to index
      %get3A_1283 = arith.constant 16 : index
      %get3A_1284 = tpu.vector_load %arg6[%get3A_1282, %get3A_1283] {strides = array<i32>} : memref<80x64xf32, #tpu.memory_space<vmem>>, vector<1x16xf32>,
      %get3A_1285 = vector.shape_cast %get3A_1284 : vector<1x16xf32> to vector<16xf32>
      %add3A_1286 = arith.addf %add3A_1280, %get3A_1285 : vector<16xf32>
      %get3A_1287 = arith.constant 49 : i32
      %get3A_1288 = arith.index_cast %get3A_1287 : i32 to index
      %get3A_1289 = arith.constant 16 : index
      %get3A_1290 = tpu.vector_load %arg6[%get3A_1288, %get3A_1289] {strides = array<i32>} : memref<80x64xf32, #tpu.memory_space<vmem>>, vector<1x16xf32>,
      %get3A_1291 = vector.shape_cast %get3A_1290 : vector<1x16xf32> to vector<16xf32>
      %add3A_1292 = arith.addf %add3A_1286, %get3A_1291 : vector<16xf32>
      %swap3A_1293 = arith.constant 4 : i32
      %swap3A_1294 = arith.index_cast %swap3A_1293 : i32 to index
      %swap3A_1295 = arith.constant 16 : index
      %swap3A_1296 = tpu.vector_load %arg8[%swap3A_1294, %swap3A_1295] {strides = array<i32>} : memref<8x128xf32, #tpu.memory_space<vmem>>, vector<1x16xf32>,
      %swap3A_1297 = vector.shape_cast %swap3A_1296 : vector<1x16xf32> to vector<16xf32>
      %swap3A_1298 = vector.shape_cast %add3A_1263 : vector<16xf32> to vector<1x16xf32>
      tpu.vector_store %arg8[%swap3A_1294, %swap3A_1295], %swap3A_1298 {strides = array<i32>} : memref<8x128xf32, #tpu.memory_space<vmem>>, vector<1x16xf32>,
      %swap3A_1299 = arith.constant 4 : i32
      %swap3A_1300 = arith.index_cast %swap3A_1299 : i32 to index
      %swap3A_1301 = arith.constant 80 : index
      %swap3A_1302 = tpu.vector_load %arg8[%swap3A_1300, %swap3A_1301] {strides = array<i32>} : memref<8x128xf32, #tpu.memory_space<vmem>>, vector<1x16xf32>,
      %swap3A_1303 = vector.shape_cast %swap3A_1302 : vector<1x16xf32> to vector<16xf32>
      %swap3A_1304 = vector.shape_cast %add3A_1292 : vector<16xf32> to vector<1x16xf32>
      tpu.vector_store %arg8[%swap3A_1300, %swap3A_1301], %swap3A_1304 {strides = array<i32>} : memref<8x128xf32, #tpu.memory_space<vmem>>, vector<1x16xf32>,
      %get3A_1305 = arith.constant 40 : i32
      %get3A_1306 = arith.index_cast %get3A_1305 : i32 to index
      %get3A_1307 = arith.constant 32 : index
      %get3A_1308 = tpu.vector_load %arg6[%get3A_1306, %get3A_1307] {strides = array<i32>} : memref<80x64xf32, #tpu.memory_space<vmem>>, vector<1x16xf32>,
      %get3A_1309 = vector.shape_cast %get3A_1308 : vector<1x16xf32> to vector<16xf32>
      %get3A_1310 = arith.constant 41 : i32
      %get3A_1311 = arith.index_cast %get3A_1310 : i32 to index
      %get3A_1312 = arith.constant 32 : index
      %get3A_1313 = tpu.vector_load %arg6[%get3A_1311, %get3A_1312] {strides = array<i32>} : memref<80x64xf32, #tpu.memory_space<vmem>>, vector<1x16xf32>,
      %get3A_1314 = vector.shape_cast %get3A_1313 : vector<1x16xf32> to vector<16xf32>
      %add3A_1315 = arith.addf %get3A_1309, %get3A_1314 : vector<16xf32>
      %get3A_1316 = arith.constant 42 : i32
      %get3A_1317 = arith.index_cast %get3A_1316 : i32 to index
      %get3A_1318 = arith.constant 32 : index
      %get3A_1319 = tpu.vector_load %arg6[%get3A_1317, %get3A_1318] {strides = array<i32>} : memref<80x64xf32, #tpu.memory_space<vmem>>, vector<1x16xf32>,
      %get3A_1320 = vector.shape_cast %get3A_1319 : vector<1x16xf32> to vector<16xf32>
      %add3A_1321 = arith.addf %add3A_1315, %get3A_1320 : vector<16xf32>
      %get3A_1322 = arith.constant 43 : i32
      %get3A_1323 = arith.index_cast %get3A_1322 : i32 to index
      %get3A_1324 = arith.constant 32 : index
      %get3A_1325 = tpu.vector_load %arg6[%get3A_1323, %get3A_1324] {strides = array<i32>} : memref<80x64xf32, #tpu.memory_space<vmem>>, vector<1x16xf32>,
      %get3A_1326 = vector.shape_cast %get3A_1325 : vector<1x16xf32> to vector<16xf32>
      %add3A_1327 = arith.addf %add3A_1321, %get3A_1326 : vector<16xf32>
      %get3A_1328 = arith.constant 44 : i32
      %get3A_1329 = arith.index_cast %get3A_1328 : i32 to index
      %get3A_1330 = arith.constant 32 : index
      %get3A_1331 = tpu.vector_load %arg6[%get3A_1329, %get3A_1330] {strides = array<i32>} : memref<80x64xf32, #tpu.memory_space<vmem>>, vector<1x16xf32>,
      %get3A_1332 = vector.shape_cast %get3A_1331 : vector<1x16xf32> to vector<16xf32>
      %add3A_1333 = arith.addf %add3A_1327, %get3A_1332 : vector<16xf32>
      %get3A_1334 = arith.constant 45 : i32
      %get3A_1335 = arith.index_cast %get3A_1334 : i32 to index
      %get3A_1336 = arith.constant 32 : index
      %get3A_1337 = tpu.vector_load %arg6[%get3A_1335, %get3A_1336] {strides = array<i32>} : memref<80x64xf32, #tpu.memory_space<vmem>>, vector<1x16xf32>,
      %get3A_1338 = vector.shape_cast %get3A_1337 : vector<1x16xf32> to vector<16xf32>
      %get3A_1339 = arith.constant 46 : i32
      %get3A_1340 = arith.index_cast %get3A_1339 : i32 to index
      %get3A_1341 = arith.constant 32 : index
      %get3A_1342 = tpu.vector_load %arg6[%get3A_1340, %get3A_1341] {strides = array<i32>} : memref<80x64xf32, #tpu.memory_space<vmem>>, vector<1x16xf32>,
      %get3A_1343 = vector.shape_cast %get3A_1342 : vector<1x16xf32> to vector<16xf32>
      %add3A_1344 = arith.addf %get3A_1338, %get3A_1343 : vector<16xf32>
      %get3A_1345 = arith.constant 47 : i32
      %get3A_1346 = arith.index_cast %get3A_1345 : i32 to index
      %get3A_1347 = arith.constant 32 : index
      %get3A_1348 = tpu.vector_load %arg6[%get3A_1346, %get3A_1347] {strides = array<i32>} : memref<80x64xf32, #tpu.memory_space<vmem>>, vector<1x16xf32>,
      %get3A_1349 = vector.shape_cast %get3A_1348 : vector<1x16xf32> to vector<16xf32>
      %add3A_1350 = arith.addf %add3A_1344, %get3A_1349 : vector<16xf32>
      %get3A_1351 = arith.constant 48 : i32
      %get3A_1352 = arith.index_cast %get3A_1351 : i32 to index
      %get3A_1353 = arith.constant 32 : index
      %get3A_1354 = tpu.vector_load %arg6[%get3A_1352, %get3A_1353] {strides = array<i32>} : memref<80x64xf32, #tpu.memory_space<vmem>>, vector<1x16xf32>,
      %get3A_1355 = vector.shape_cast %get3A_1354 : vector<1x16xf32> to vector<16xf32>
      %add3A_1356 = arith.addf %add3A_1350, %get3A_1355 : vector<16xf32>
      %get3A_1357 = arith.constant 49 : i32
      %get3A_1358 = arith.index_cast %get3A_1357 : i32 to index
      %get3A_1359 = arith.constant 32 : index
      %get3A_1360 = tpu.vector_load %arg6[%get3A_1358, %get3A_1359] {strides = array<i32>} : memref<80x64xf32, #tpu.memory_space<vmem>>, vector<1x16xf32>,
      %get3A_1361 = vector.shape_cast %get3A_1360 : vector<1x16xf32> to vector<16xf32>
      %add3A_1362 = arith.addf %add3A_1356, %get3A_1361 : vector<16xf32>
      %swap3A_1363 = arith.constant 4 : i32
      %swap3A_1364 = arith.index_cast %swap3A_1363 : i32 to index
      %swap3A_1365 = arith.constant 32 : index
      %swap3A_1366 = tpu.vector_load %arg8[%swap3A_1364, %swap3A_1365] {strides = array<i32>} : memref<8x128xf32, #tpu.memory_space<vmem>>, vector<1x16xf32>,
      %swap3A_1367 = vector.shape_cast %swap3A_1366 : vector<1x16xf32> to vector<16xf32>
      %swap3A_1368 = vector.shape_cast %add3A_1333 : vector<16xf32> to vector<1x16xf32>
      tpu.vector_store %arg8[%swap3A_1364, %swap3A_1365], %swap3A_1368 {strides = array<i32>} : memref<8x128xf32, #tpu.memory_space<vmem>>, vector<1x16xf32>,
      %swap3A_1369 = arith.constant 4 : i32
      %swap3A_1370 = arith.index_cast %swap3A_1369 : i32 to index
      %swap3A_1371 = arith.constant 96 : index
      %swap3A_1372 = tpu.vector_load %arg8[%swap3A_1370, %swap3A_1371] {strides = array<i32>} : memref<8x128xf32, #tpu.memory_space<vmem>>, vector<1x16xf32>,
      %swap3A_1373 = vector.shape_cast %swap3A_1372 : vector<1x16xf32> to vector<16xf32>
      %swap3A_1374 = vector.shape_cast %add3A_1362 : vector<16xf32> to vector<1x16xf32>
      tpu.vector_store %arg8[%swap3A_1370, %swap3A_1371], %swap3A_1374 {strides = array<i32>} : memref<8x128xf32, #tpu.memory_space<vmem>>, vector<1x16xf32>,
      %get3A_1375 = arith.constant 40 : i32
      %get3A_1376 = arith.index_cast %get3A_1375 : i32 to index
      %get3A_1377 = arith.constant 48 : index
      %get3A_1378 = tpu.vector_load %arg6[%get3A_1376, %get3A_1377] {strides = array<i32>} : memref<80x64xf32, #tpu.memory_space<vmem>>, vector<1x16xf32>,
      %get3A_1379 = vector.shape_cast %get3A_1378 : vector<1x16xf32> to vector<16xf32>
      %get3A_1380 = arith.constant 41 : i32
      %get3A_1381 = arith.index_cast %get3A_1380 : i32 to index
      %get3A_1382 = arith.constant 48 : index
      %get3A_1383 = tpu.vector_load %arg6[%get3A_1381, %get3A_1382] {strides = array<i32>} : memref<80x64xf32, #tpu.memory_space<vmem>>, vector<1x16xf32>,
      %get3A_1384 = vector.shape_cast %get3A_1383 : vector<1x16xf32> to vector<16xf32>
      %add3A_1385 = arith.addf %get3A_1379, %get3A_1384 : vector<16xf32>
      %get3A_1386 = arith.constant 42 : i32
      %get3A_1387 = arith.index_cast %get3A_1386 : i32 to index
      %get3A_1388 = arith.constant 48 : index
      %get3A_1389 = tpu.vector_load %arg6[%get3A_1387, %get3A_1388] {strides = array<i32>} : memref<80x64xf32, #tpu.memory_space<vmem>>, vector<1x16xf32>,
      %get3A_1390 = vector.shape_cast %get3A_1389 : vector<1x16xf32> to vector<16xf32>
      %add3A_1391 = arith.addf %add3A_1385, %get3A_1390 : vector<16xf32>
      %get3A_1392 = arith.constant 43 : i32
      %get3A_1393 = arith.index_cast %get3A_1392 : i32 to index
      %get3A_1394 = arith.constant 48 : index
      %get3A_1395 = tpu.vector_load %arg6[%get3A_1393, %get3A_1394] {strides = array<i32>} : memref<80x64xf32, #tpu.memory_space<vmem>>, vector<1x16xf32>,
      %get3A_1396 = vector.shape_cast %get3A_1395 : vector<1x16xf32> to vector<16xf32>
      %add3A_1397 = arith.addf %add3A_1391, %get3A_1396 : vector<16xf32>
      %get3A_1398 = arith.constant 44 : i32
      %get3A_1399 = arith.index_cast %get3A_1398 : i32 to index
      %get3A_1400 = arith.constant 48 : index
      %get3A_1401 = tpu.vector_load %arg6[%get3A_1399, %get3A_1400] {strides = array<i32>} : memref<80x64xf32, #tpu.memory_space<vmem>>, vector<1x16xf32>,
      %get3A_1402 = vector.shape_cast %get3A_1401 : vector<1x16xf32> to vector<16xf32>
      %add3A_1403 = arith.addf %add3A_1397, %get3A_1402 : vector<16xf32>
      %get3A_1404 = arith.constant 45 : i32
      %get3A_1405 = arith.index_cast %get3A_1404 : i32 to index
      %get3A_1406 = arith.constant 48 : index
      %get3A_1407 = tpu.vector_load %arg6[%get3A_1405, %get3A_1406] {strides = array<i32>} : memref<80x64xf32, #tpu.memory_space<vmem>>, vector<1x16xf32>,
      %get3A_1408 = vector.shape_cast %get3A_1407 : vector<1x16xf32> to vector<16xf32>
      %get3A_1409 = arith.constant 46 : i32
      %get3A_1410 = arith.index_cast %get3A_1409 : i32 to index
      %get3A_1411 = arith.constant 48 : index
      %get3A_1412 = tpu.vector_load %arg6[%get3A_1410, %get3A_1411] {strides = array<i32>} : memref<80x64xf32, #tpu.memory_space<vmem>>, vector<1x16xf32>,
      %get3A_1413 = vector.shape_cast %get3A_1412 : vector<1x16xf32> to vector<16xf32>
      %add3A_1414 = arith.addf %get3A_1408, %get3A_1413 : vector<16xf32>
      %get3A_1415 = arith.constant 47 : i32
      %get3A_1416 = arith.index_cast %get3A_1415 : i32 to index
      %get3A_1417 = arith.constant 48 : index
      %get3A_1418 = tpu.vector_load %arg6[%get3A_1416, %get3A_1417] {strides = array<i32>} : memref<80x64xf32, #tpu.memory_space<vmem>>, vector<1x16xf32>,
      %get3A_1419 = vector.shape_cast %get3A_1418 : vector<1x16xf32> to vector<16xf32>
      %add3A_1420 = arith.addf %add3A_1414, %get3A_1419 : vector<16xf32>
      %get3A_1421 = arith.constant 48 : i32
      %get3A_1422 = arith.index_cast %get3A_1421 : i32 to index
      %get3A_1423 = arith.constant 48 : index
      %get3A_1424 = tpu.vector_load %arg6[%get3A_1422, %get3A_1423] {strides = array<i32>} : memref<80x64xf32, #tpu.memory_space<vmem>>, vector<1x16xf32>,
      %get3A_1425 = vector.shape_cast %get3A_1424 : vector<1x16xf32> to vector<16xf32>
      %add3A_1426 = arith.addf %add3A_1420, %get3A_1425 : vector<16xf32>
      %get3A_1427 = arith.constant 49 : i32
      %get3A_1428 = arith.index_cast %get3A_1427 : i32 to index
      %get3A_1429 = arith.constant 48 : index
      %get3A_1430 = tpu.vector_load %arg6[%get3A_1428, %get3A_1429] {strides = array<i32>} : memref<80x64xf32, #tpu.memory_space<vmem>>, vector<1x16xf32>,
      %get3A_1431 = vector.shape_cast %get3A_1430 : vector<1x16xf32> to vector<16xf32>
      %add3A_1432 = arith.addf %add3A_1426, %get3A_1431 : vector<16xf32>
      %swap3A_1433 = arith.constant 4 : i32
      %swap3A_1434 = arith.index_cast %swap3A_1433 : i32 to index
      %swap3A_1435 = arith.constant 48 : index
      %swap3A_1436 = tpu.vector_load %arg8[%swap3A_1434, %swap3A_1435] {strides = array<i32>} : memref<8x128xf32, #tpu.memory_space<vmem>>, vector<1x16xf32>,
      %swap3A_1437 = vector.shape_cast %swap3A_1436 : vector<1x16xf32> to vector<16xf32>
      %swap3A_1438 = vector.shape_cast %add3A_1403 : vector<16xf32> to vector<1x16xf32>
      tpu.vector_store %arg8[%swap3A_1434, %swap3A_1435], %swap3A_1438 {strides = array<i32>} : memref<8x128xf32, #tpu.memory_space<vmem>>, vector<1x16xf32>,
      %swap3A_1439 = arith.constant 4 : i32
      %swap3A_1440 = arith.index_cast %swap3A_1439 : i32 to index
      %swap3A_1441 = arith.constant 112 : index
      %swap3A_1442 = tpu.vector_load %arg8[%swap3A_1440, %swap3A_1441] {strides = array<i32>} : memref<8x128xf32, #tpu.memory_space<vmem>>, vector<1x16xf32>,
      %swap3A_1443 = vector.shape_cast %swap3A_1442 : vector<1x16xf32> to vector<16xf32>
      %swap3A_1444 = vector.shape_cast %add3A_1432 : vector<16xf32> to vector<1x16xf32>
      tpu.vector_store %arg8[%swap3A_1440, %swap3A_1441], %swap3A_1444 {strides = array<i32>} : memref<8x128xf32, #tpu.memory_space<vmem>>, vector<1x16xf32>,
      %get3A_1445 = arith.constant 50 : i32
      %get3A_1446 = arith.index_cast %get3A_1445 : i32 to index
      %get3A_1447 = arith.constant 0 : index
      %get3A_1448 = tpu.vector_load %arg6[%get3A_1446, %get3A_1447] {strides = array<i32>} : memref<80x64xf32, #tpu.memory_space<vmem>>, vector<1x16xf32>,
      %get3A_1449 = vector.shape_cast %get3A_1448 : vector<1x16xf32> to vector<16xf32>
      %get3A_1450 = arith.constant 51 : i32
      %get3A_1451 = arith.index_cast %get3A_1450 : i32 to index
      %get3A_1452 = arith.constant 0 : index
      %get3A_1453 = tpu.vector_load %arg6[%get3A_1451, %get3A_1452] {strides = array<i32>} : memref<80x64xf32, #tpu.memory_space<vmem>>, vector<1x16xf32>,
      %get3A_1454 = vector.shape_cast %get3A_1453 : vector<1x16xf32> to vector<16xf32>
      %add3A_1455 = arith.addf %get3A_1449, %get3A_1454 : vector<16xf32>
      %get3A_1456 = arith.constant 52 : i32
      %get3A_1457 = arith.index_cast %get3A_1456 : i32 to index
      %get3A_1458 = arith.constant 0 : index
      %get3A_1459 = tpu.vector_load %arg6[%get3A_1457, %get3A_1458] {strides = array<i32>} : memref<80x64xf32, #tpu.memory_space<vmem>>, vector<1x16xf32>,
      %get3A_1460 = vector.shape_cast %get3A_1459 : vector<1x16xf32> to vector<16xf32>
      %add3A_1461 = arith.addf %add3A_1455, %get3A_1460 : vector<16xf32>
      %get3A_1462 = arith.constant 53 : i32
      %get3A_1463 = arith.index_cast %get3A_1462 : i32 to index
      %get3A_1464 = arith.constant 0 : index
      %get3A_1465 = tpu.vector_load %arg6[%get3A_1463, %get3A_1464] {strides = array<i32>} : memref<80x64xf32, #tpu.memory_space<vmem>>, vector<1x16xf32>,
      %get3A_1466 = vector.shape_cast %get3A_1465 : vector<1x16xf32> to vector<16xf32>
      %add3A_1467 = arith.addf %add3A_1461, %get3A_1466 : vector<16xf32>
      %get3A_1468 = arith.constant 54 : i32
      %get3A_1469 = arith.index_cast %get3A_1468 : i32 to index
      %get3A_1470 = arith.constant 0 : index
      %get3A_1471 = tpu.vector_load %arg6[%get3A_1469, %get3A_1470] {strides = array<i32>} : memref<80x64xf32, #tpu.memory_space<vmem>>, vector<1x16xf32>,
      %get3A_1472 = vector.shape_cast %get3A_1471 : vector<1x16xf32> to vector<16xf32>
      %add3A_1473 = arith.addf %add3A_1467, %get3A_1472 : vector<16xf32>
      %get3A_1474 = arith.constant 55 : i32
      %get3A_1475 = arith.index_cast %get3A_1474 : i32 to index
      %get3A_1476 = arith.constant 0 : index
      %get3A_1477 = tpu.vector_load %arg6[%get3A_1475, %get3A_1476] {strides = array<i32>} : memref<80x64xf32, #tpu.memory_space<vmem>>, vector<1x16xf32>,
      %get3A_1478 = vector.shape_cast %get3A_1477 : vector<1x16xf32> to vector<16xf32>
      %get3A_1479 = arith.constant 56 : i32
      %get3A_1480 = arith.index_cast %get3A_1479 : i32 to index
      %get3A_1481 = arith.constant 0 : index
      %get3A_1482 = tpu.vector_load %arg6[%get3A_1480, %get3A_1481] {strides = array<i32>} : memref<80x64xf32, #tpu.memory_space<vmem>>, vector<1x16xf32>,
      %get3A_1483 = vector.shape_cast %get3A_1482 : vector<1x16xf32> to vector<16xf32>
      %add3A_1484 = arith.addf %get3A_1478, %get3A_1483 : vector<16xf32>
      %get3A_1485 = arith.constant 57 : i32
      %get3A_1486 = arith.index_cast %get3A_1485 : i32 to index
      %get3A_1487 = arith.constant 0 : index
      %get3A_1488 = tpu.vector_load %arg6[%get3A_1486, %get3A_1487] {strides = array<i32>} : memref<80x64xf32, #tpu.memory_space<vmem>>, vector<1x16xf32>,
      %get3A_1489 = vector.shape_cast %get3A_1488 : vector<1x16xf32> to vector<16xf32>
      %add3A_1490 = arith.addf %add3A_1484, %get3A_1489 : vector<16xf32>
      %get3A_1491 = arith.constant 58 : i32
      %get3A_1492 = arith.index_cast %get3A_1491 : i32 to index
      %get3A_1493 = arith.constant 0 : index
      %get3A_1494 = tpu.vector_load %arg6[%get3A_1492, %get3A_1493] {strides = array<i32>} : memref<80x64xf32, #tpu.memory_space<vmem>>, vector<1x16xf32>,
      %get3A_1495 = vector.shape_cast %get3A_1494 : vector<1x16xf32> to vector<16xf32>
      %add3A_1496 = arith.addf %add3A_1490, %get3A_1495 : vector<16xf32>
      %get3A_1497 = arith.constant 59 : i32
      %get3A_1498 = arith.index_cast %get3A_1497 : i32 to index
      %get3A_1499 = arith.constant 0 : index
      %get3A_1500 = tpu.vector_load %arg6[%get3A_1498, %get3A_1499] {strides = array<i32>} : memref<80x64xf32, #tpu.memory_space<vmem>>, vector<1x16xf32>,
      %get3A_1501 = vector.shape_cast %get3A_1500 : vector<1x16xf32> to vector<16xf32>
      %add3A_1502 = arith.addf %add3A_1496, %get3A_1501 : vector<16xf32>
      %swap3A_1503 = arith.constant 5 : i32
      %swap3A_1504 = arith.index_cast %swap3A_1503 : i32 to index
      %swap3A_1505 = arith.constant 0 : index
      %swap3A_1506 = tpu.vector_load %arg8[%swap3A_1504, %swap3A_1505] {strides = array<i32>} : memref<8x128xf32, #tpu.memory_space<vmem>>, vector<1x16xf32>,
      %swap3A_1507 = vector.shape_cast %swap3A_1506 : vector<1x16xf32> to vector<16xf32>
      %swap3A_1508 = vector.shape_cast %add3A_1473 : vector<16xf32> to vector<1x16xf32>
      tpu.vector_store %arg8[%swap3A_1504, %swap3A_1505], %swap3A_1508 {strides = array<i32>} : memref<8x128xf32, #tpu.memory_space<vmem>>, vector<1x16xf32>,
      %swap3A_1509 = arith.constant 5 : i32
      %swap3A_1510 = arith.index_cast %swap3A_1509 : i32 to index
      %swap3A_1511 = arith.constant 64 : index
      %swap3A_1512 = tpu.vector_load %arg8[%swap3A_1510, %swap3A_1511] {strides = array<i32>} : memref<8x128xf32, #tpu.memory_space<vmem>>, vector<1x16xf32>,
      %swap3A_1513 = vector.shape_cast %swap3A_1512 : vector<1x16xf32> to vector<16xf32>
      %swap3A_1514 = vector.shape_cast %add3A_1502 : vector<16xf32> to vector<1x16xf32>
      tpu.vector_store %arg8[%swap3A_1510, %swap3A_1511], %swap3A_1514 {strides = array<i32>} : memref<8x128xf32, #tpu.memory_space<vmem>>, vector<1x16xf32>,
      %get3A_1515 = arith.constant 50 : i32
      %get3A_1516 = arith.index_cast %get3A_1515 : i32 to index
      %get3A_1517 = arith.constant 16 : index
      %get3A_1518 = tpu.vector_load %arg6[%get3A_1516, %get3A_1517] {strides = array<i32>} : memref<80x64xf32, #tpu.memory_space<vmem>>, vector<1x16xf32>,
      %get3A_1519 = vector.shape_cast %get3A_1518 : vector<1x16xf32> to vector<16xf32>
      %get3A_1520 = arith.constant 51 : i32
      %get3A_1521 = arith.index_cast %get3A_1520 : i32 to index
      %get3A_1522 = arith.constant 16 : index
      %get3A_1523 = tpu.vector_load %arg6[%get3A_1521, %get3A_1522] {strides = array<i32>} : memref<80x64xf32, #tpu.memory_space<vmem>>, vector<1x16xf32>,
      %get3A_1524 = vector.shape_cast %get3A_1523 : vector<1x16xf32> to vector<16xf32>
      %add3A_1525 = arith.addf %get3A_1519, %get3A_1524 : vector<16xf32>
      %get3A_1526 = arith.constant 52 : i32
      %get3A_1527 = arith.index_cast %get3A_1526 : i32 to index
      %get3A_1528 = arith.constant 16 : index
      %get3A_1529 = tpu.vector_load %arg6[%get3A_1527, %get3A_1528] {strides = array<i32>} : memref<80x64xf32, #tpu.memory_space<vmem>>, vector<1x16xf32>,
      %get3A_1530 = vector.shape_cast %get3A_1529 : vector<1x16xf32> to vector<16xf32>
      %add3A_1531 = arith.addf %add3A_1525, %get3A_1530 : vector<16xf32>
      %get3A_1532 = arith.constant 53 : i32
      %get3A_1533 = arith.index_cast %get3A_1532 : i32 to index
      %get3A_1534 = arith.constant 16 : index
      %get3A_1535 = tpu.vector_load %arg6[%get3A_1533, %get3A_1534] {strides = array<i32>} : memref<80x64xf32, #tpu.memory_space<vmem>>, vector<1x16xf32>,
      %get3A_1536 = vector.shape_cast %get3A_1535 : vector<1x16xf32> to vector<16xf32>
      %add3A_1537 = arith.addf %add3A_1531, %get3A_1536 : vector<16xf32>
      %get3A_1538 = arith.constant 54 : i32
      %get3A_1539 = arith.index_cast %get3A_1538 : i32 to index
      %get3A_1540 = arith.constant 16 : index
      %get3A_1541 = tpu.vector_load %arg6[%get3A_1539, %get3A_1540] {strides = array<i32>} : memref<80x64xf32, #tpu.memory_space<vmem>>, vector<1x16xf32>,
      %get3A_1542 = vector.shape_cast %get3A_1541 : vector<1x16xf32> to vector<16xf32>
      %add3A_1543 = arith.addf %add3A_1537, %get3A_1542 : vector<16xf32>
      %get3A_1544 = arith.constant 55 : i32
      %get3A_1545 = arith.index_cast %get3A_1544 : i32 to index
      %get3A_1546 = arith.constant 16 : index
      %get3A_1547 = tpu.vector_load %arg6[%get3A_1545, %get3A_1546] {strides = array<i32>} : memref<80x64xf32, #tpu.memory_space<vmem>>, vector<1x16xf32>,
      %get3A_1548 = vector.shape_cast %get3A_1547 : vector<1x16xf32> to vector<16xf32>
      %get3A_1549 = arith.constant 56 : i32
      %get3A_1550 = arith.index_cast %get3A_1549 : i32 to index
      %get3A_1551 = arith.constant 16 : index
      %get3A_1552 = tpu.vector_load %arg6[%get3A_1550, %get3A_1551] {strides = array<i32>} : memref<80x64xf32, #tpu.memory_space<vmem>>, vector<1x16xf32>,
      %get3A_1553 = vector.shape_cast %get3A_1552 : vector<1x16xf32> to vector<16xf32>
      %add3A_1554 = arith.addf %get3A_1548, %get3A_1553 : vector<16xf32>
      %get3A_1555 = arith.constant 57 : i32
      %get3A_1556 = arith.index_cast %get3A_1555 : i32 to index
      %get3A_1557 = arith.constant 16 : index
      %get3A_1558 = tpu.vector_load %arg6[%get3A_1556, %get3A_1557] {strides = array<i32>} : memref<80x64xf32, #tpu.memory_space<vmem>>, vector<1x16xf32>,
      %get3A_1559 = vector.shape_cast %get3A_1558 : vector<1x16xf32> to vector<16xf32>
      %add3A_1560 = arith.addf %add3A_1554, %get3A_1559 : vector<16xf32>
      %get3A_1561 = arith.constant 58 : i32
      %get3A_1562 = arith.index_cast %get3A_1561 : i32 to index
      %get3A_1563 = arith.constant 16 : index
      %get3A_1564 = tpu.vector_load %arg6[%get3A_1562, %get3A_1563] {strides = array<i32>} : memref<80x64xf32, #tpu.memory_space<vmem>>, vector<1x16xf32>,
      %get3A_1565 = vector.shape_cast %get3A_1564 : vector<1x16xf32> to vector<16xf32>
      %add3A_1566 = arith.addf %add3A_1560, %get3A_1565 : vector<16xf32>
      %get3A_1567 = arith.constant 59 : i32
      %get3A_1568 = arith.index_cast %get3A_1567 : i32 to index
      %get3A_1569 = arith.constant 16 : index
      %get3A_1570 = tpu.vector_load %arg6[%get3A_1568, %get3A_1569] {strides = array<i32>} : memref<80x64xf32, #tpu.memory_space<vmem>>, vector<1x16xf32>,
      %get3A_1571 = vector.shape_cast %get3A_1570 : vector<1x16xf32> to vector<16xf32>
      %add3A_1572 = arith.addf %add3A_1566, %get3A_1571 : vector<16xf32>
      %swap3A_1573 = arith.constant 5 : i32
      %swap3A_1574 = arith.index_cast %swap3A_1573 : i32 to index
      %swap3A_1575 = arith.constant 16 : index
      %swap3A_1576 = tpu.vector_load %arg8[%swap3A_1574, %swap3A_1575] {strides = array<i32>} : memref<8x128xf32, #tpu.memory_space<vmem>>, vector<1x16xf32>,
      %swap3A_1577 = vector.shape_cast %swap3A_1576 : vector<1x16xf32> to vector<16xf32>
      %swap3A_1578 = vector.shape_cast %add3A_1543 : vector<16xf32> to vector<1x16xf32>
      tpu.vector_store %arg8[%swap3A_1574, %swap3A_1575], %swap3A_1578 {strides = array<i32>} : memref<8x128xf32, #tpu.memory_space<vmem>>, vector<1x16xf32>,
      %swap3A_1579 = arith.constant 5 : i32
      %swap3A_1580 = arith.index_cast %swap3A_1579 : i32 to index
      %swap3A_1581 = arith.constant 80 : index
      %swap3A_1582 = tpu.vector_load %arg8[%swap3A_1580, %swap3A_1581] {strides = array<i32>} : memref<8x128xf32, #tpu.memory_space<vmem>>, vector<1x16xf32>,
      %swap3A_1583 = vector.shape_cast %swap3A_1582 : vector<1x16xf32> to vector<16xf32>
      %swap3A_1584 = vector.shape_cast %add3A_1572 : vector<16xf32> to vector<1x16xf32>
      tpu.vector_store %arg8[%swap3A_1580, %swap3A_1581], %swap3A_1584 {strides = array<i32>} : memref<8x128xf32, #tpu.memory_space<vmem>>, vector<1x16xf32>,
      %get3A_1585 = arith.constant 50 : i32
      %get3A_1586 = arith.index_cast %get3A_1585 : i32 to index
      %get3A_1587 = arith.constant 32 : index
      %get3A_1588 = tpu.vector_load %arg6[%get3A_1586, %get3A_1587] {strides = array<i32>} : memref<80x64xf32, #tpu.memory_space<vmem>>, vector<1x16xf32>,
      %get3A_1589 = vector.shape_cast %get3A_1588 : vector<1x16xf32> to vector<16xf32>
      %get3A_1590 = arith.constant 51 : i32
      %get3A_1591 = arith.index_cast %get3A_1590 : i32 to index
      %get3A_1592 = arith.constant 32 : index
      %get3A_1593 = tpu.vector_load %arg6[%get3A_1591, %get3A_1592] {strides = array<i32>} : memref<80x64xf32, #tpu.memory_space<vmem>>, vector<1x16xf32>,
      %get3A_1594 = vector.shape_cast %get3A_1593 : vector<1x16xf32> to vector<16xf32>
      %add3A_1595 = arith.addf %get3A_1589, %get3A_1594 : vector<16xf32>
      %get3A_1596 = arith.constant 52 : i32
      %get3A_1597 = arith.index_cast %get3A_1596 : i32 to index
      %get3A_1598 = arith.constant 32 : index
      %get3A_1599 = tpu.vector_load %arg6[%get3A_1597, %get3A_1598] {strides = array<i32>} : memref<80x64xf32, #tpu.memory_space<vmem>>, vector<1x16xf32>,
      %get3A_1600 = vector.shape_cast %get3A_1599 : vector<1x16xf32> to vector<16xf32>
      %add3A_1601 = arith.addf %add3A_1595, %get3A_1600 : vector<16xf32>
      %get3A_1602 = arith.constant 53 : i32
      %get3A_1603 = arith.index_cast %get3A_1602 : i32 to index
      %get3A_1604 = arith.constant 32 : index
      %get3A_1605 = tpu.vector_load %arg6[%get3A_1603, %get3A_1604] {strides = array<i32>} : memref<80x64xf32, #tpu.memory_space<vmem>>, vector<1x16xf32>,
      %get3A_1606 = vector.shape_cast %get3A_1605 : vector<1x16xf32> to vector<16xf32>
      %add3A_1607 = arith.addf %add3A_1601, %get3A_1606 : vector<16xf32>
      %get3A_1608 = arith.constant 54 : i32
      %get3A_1609 = arith.index_cast %get3A_1608 : i32 to index
      %get3A_1610 = arith.constant 32 : index
      %get3A_1611 = tpu.vector_load %arg6[%get3A_1609, %get3A_1610] {strides = array<i32>} : memref<80x64xf32, #tpu.memory_space<vmem>>, vector<1x16xf32>,
      %get3A_1612 = vector.shape_cast %get3A_1611 : vector<1x16xf32> to vector<16xf32>
      %add3A_1613 = arith.addf %add3A_1607, %get3A_1612 : vector<16xf32>
      %get3A_1614 = arith.constant 55 : i32
      %get3A_1615 = arith.index_cast %get3A_1614 : i32 to index
      %get3A_1616 = arith.constant 32 : index
      %get3A_1617 = tpu.vector_load %arg6[%get3A_1615, %get3A_1616] {strides = array<i32>} : memref<80x64xf32, #tpu.memory_space<vmem>>, vector<1x16xf32>,
      %get3A_1618 = vector.shape_cast %get3A_1617 : vector<1x16xf32> to vector<16xf32>
      %get3A_1619 = arith.constant 56 : i32
      %get3A_1620 = arith.index_cast %get3A_1619 : i32 to index
      %get3A_1621 = arith.constant 32 : index
      %get3A_1622 = tpu.vector_load %arg6[%get3A_1620, %get3A_1621] {strides = array<i32>} : memref<80x64xf32, #tpu.memory_space<vmem>>, vector<1x16xf32>,
      %get3A_1623 = vector.shape_cast %get3A_1622 : vector<1x16xf32> to vector<16xf32>
      %add3A_1624 = arith.addf %get3A_1618, %get3A_1623 : vector<16xf32>
      %get3A_1625 = arith.constant 57 : i32
      %get3A_1626 = arith.index_cast %get3A_1625 : i32 to index
      %get3A_1627 = arith.constant 32 : index
      %get3A_1628 = tpu.vector_load %arg6[%get3A_1626, %get3A_1627] {strides = array<i32>} : memref<80x64xf32, #tpu.memory_space<vmem>>, vector<1x16xf32>,
      %get3A_1629 = vector.shape_cast %get3A_1628 : vector<1x16xf32> to vector<16xf32>
      %add3A_1630 = arith.addf %add3A_1624, %get3A_1629 : vector<16xf32>
      %get3A_1631 = arith.constant 58 : i32
      %get3A_1632 = arith.index_cast %get3A_1631 : i32 to index
      %get3A_1633 = arith.constant 32 : index
      %get3A_1634 = tpu.vector_load %arg6[%get3A_1632, %get3A_1633] {strides = array<i32>} : memref<80x64xf32, #tpu.memory_space<vmem>>, vector<1x16xf32>,
      %get3A_1635 = vector.shape_cast %get3A_1634 : vector<1x16xf32> to vector<16xf32>
      %add3A_1636 = arith.addf %add3A_1630, %get3A_1635 : vector<16xf32>
      %get3A_1637 = arith.constant 59 : i32
      %get3A_1638 = arith.index_cast %get3A_1637 : i32 to index
      %get3A_1639 = arith.constant 32 : index
      %get3A_1640 = tpu.vector_load %arg6[%get3A_1638, %get3A_1639] {strides = array<i32>} : memref<80x64xf32, #tpu.memory_space<vmem>>, vector<1x16xf32>,
      %get3A_1641 = vector.shape_cast %get3A_1640 : vector<1x16xf32> to vector<16xf32>
      %add3A_1642 = arith.addf %add3A_1636, %get3A_1641 : vector<16xf32>
      %swap3A_1643 = arith.constant 5 : i32
      %swap3A_1644 = arith.index_cast %swap3A_1643 : i32 to index
      %swap3A_1645 = arith.constant 32 : index
      %swap3A_1646 = tpu.vector_load %arg8[%swap3A_1644, %swap3A_1645] {strides = array<i32>} : memref<8x128xf32, #tpu.memory_space<vmem>>, vector<1x16xf32>,
      %swap3A_1647 = vector.shape_cast %swap3A_1646 : vector<1x16xf32> to vector<16xf32>
      %swap3A_1648 = vector.shape_cast %add3A_1613 : vector<16xf32> to vector<1x16xf32>
      tpu.vector_store %arg8[%swap3A_1644, %swap3A_1645], %swap3A_1648 {strides = array<i32>} : memref<8x128xf32, #tpu.memory_space<vmem>>, vector<1x16xf32>,
      %swap3A_1649 = arith.constant 5 : i32
      %swap3A_1650 = arith.index_cast %swap3A_1649 : i32 to index
      %swap3A_1651 = arith.constant 96 : index
      %swap3A_1652 = tpu.vector_load %arg8[%swap3A_1650, %swap3A_1651] {strides = array<i32>} : memref<8x128xf32, #tpu.memory_space<vmem>>, vector<1x16xf32>,
      %swap3A_1653 = vector.shape_cast %swap3A_1652 : vector<1x16xf32> to vector<16xf32>
      %swap3A_1654 = vector.shape_cast %add3A_1642 : vector<16xf32> to vector<1x16xf32>
      tpu.vector_store %arg8[%swap3A_1650, %swap3A_1651], %swap3A_1654 {strides = array<i32>} : memref<8x128xf32, #tpu.memory_space<vmem>>, vector<1x16xf32>,
      %get3A_1655 = arith.constant 50 : i32
      %get3A_1656 = arith.index_cast %get3A_1655 : i32 to index
      %get3A_1657 = arith.constant 48 : index
      %get3A_1658 = tpu.vector_load %arg6[%get3A_1656, %get3A_1657] {strides = array<i32>} : memref<80x64xf32, #tpu.memory_space<vmem>>, vector<1x16xf32>,
      %get3A_1659 = vector.shape_cast %get3A_1658 : vector<1x16xf32> to vector<16xf32>
      %get3A_1660 = arith.constant 51 : i32
      %get3A_1661 = arith.index_cast %get3A_1660 : i32 to index
      %get3A_1662 = arith.constant 48 : index
      %get3A_1663 = tpu.vector_load %arg6[%get3A_1661, %get3A_1662] {strides = array<i32>} : memref<80x64xf32, #tpu.memory_space<vmem>>, vector<1x16xf32>,
      %get3A_1664 = vector.shape_cast %get3A_1663 : vector<1x16xf32> to vector<16xf32>
      %add3A_1665 = arith.addf %get3A_1659, %get3A_1664 : vector<16xf32>
      %get3A_1666 = arith.constant 52 : i32
      %get3A_1667 = arith.index_cast %get3A_1666 : i32 to index
      %get3A_1668 = arith.constant 48 : index
      %get3A_1669 = tpu.vector_load %arg6[%get3A_1667, %get3A_1668] {strides = array<i32>} : memref<80x64xf32, #tpu.memory_space<vmem>>, vector<1x16xf32>,
      %get3A_1670 = vector.shape_cast %get3A_1669 : vector<1x16xf32> to vector<16xf32>
      %add3A_1671 = arith.addf %add3A_1665, %get3A_1670 : vector<16xf32>
      %get3A_1672 = arith.constant 53 : i32
      %get3A_1673 = arith.index_cast %get3A_1672 : i32 to index
      %get3A_1674 = arith.constant 48 : index
      %get3A_1675 = tpu.vector_load %arg6[%get3A_1673, %get3A_1674] {strides = array<i32>} : memref<80x64xf32, #tpu.memory_space<vmem>>, vector<1x16xf32>,
      %get3A_1676 = vector.shape_cast %get3A_1675 : vector<1x16xf32> to vector<16xf32>
      %add3A_1677 = arith.addf %add3A_1671, %get3A_1676 : vector<16xf32>
      %get3A_1678 = arith.constant 54 : i32
      %get3A_1679 = arith.index_cast %get3A_1678 : i32 to index
      %get3A_1680 = arith.constant 48 : index
      %get3A_1681 = tpu.vector_load %arg6[%get3A_1679, %get3A_1680] {strides = array<i32>} : memref<80x64xf32, #tpu.memory_space<vmem>>, vector<1x16xf32>,
      %get3A_1682 = vector.shape_cast %get3A_1681 : vector<1x16xf32> to vector<16xf32>
      %add3A_1683 = arith.addf %add3A_1677, %get3A_1682 : vector<16xf32>
      %get3A_1684 = arith.constant 55 : i32
      %get3A_1685 = arith.index_cast %get3A_1684 : i32 to index
      %get3A_1686 = arith.constant 48 : index
      %get3A_1687 = tpu.vector_load %arg6[%get3A_1685, %get3A_1686] {strides = array<i32>} : memref<80x64xf32, #tpu.memory_space<vmem>>, vector<1x16xf32>,
      %get3A_1688 = vector.shape_cast %get3A_1687 : vector<1x16xf32> to vector<16xf32>
      %get3A_1689 = arith.constant 56 : i32
      %get3A_1690 = arith.index_cast %get3A_1689 : i32 to index
      %get3A_1691 = arith.constant 48 : index
      %get3A_1692 = tpu.vector_load %arg6[%get3A_1690, %get3A_1691] {strides = array<i32>} : memref<80x64xf32, #tpu.memory_space<vmem>>, vector<1x16xf32>,
      %get3A_1693 = vector.shape_cast %get3A_1692 : vector<1x16xf32> to vector<16xf32>
      %add3A_1694 = arith.addf %get3A_1688, %get3A_1693 : vector<16xf32>
      %get3A_1695 = arith.constant 57 : i32
      %get3A_1696 = arith.index_cast %get3A_1695 : i32 to index
      %get3A_1697 = arith.constant 48 : index
      %get3A_1698 = tpu.vector_load %arg6[%get3A_1696, %get3A_1697] {strides = array<i32>} : memref<80x64xf32, #tpu.memory_space<vmem>>, vector<1x16xf32>,
      %get3A_1699 = vector.shape_cast %get3A_1698 : vector<1x16xf32> to vector<16xf32>
      %add3A_1700 = arith.addf %add3A_1694, %get3A_1699 : vector<16xf32>
      %get3A_1701 = arith.constant 58 : i32
      %get3A_1702 = arith.index_cast %get3A_1701 : i32 to index
      %get3A_1703 = arith.constant 48 : index
      %get3A_1704 = tpu.vector_load %arg6[%get3A_1702, %get3A_1703] {strides = array<i32>} : memref<80x64xf32, #tpu.memory_space<vmem>>, vector<1x16xf32>,
      %get3A_1705 = vector.shape_cast %get3A_1704 : vector<1x16xf32> to vector<16xf32>
      %add3A_1706 = arith.addf %add3A_1700, %get3A_1705 : vector<16xf32>
      %get3A_1707 = arith.constant 59 : i32
      %get3A_1708 = arith.index_cast %get3A_1707 : i32 to index
      %get3A_1709 = arith.constant 48 : index
      %get3A_1710 = tpu.vector_load %arg6[%get3A_1708, %get3A_1709] {strides = array<i32>} : memref<80x64xf32, #tpu.memory_space<vmem>>, vector<1x16xf32>,
      %get3A_1711 = vector.shape_cast %get3A_1710 : vector<1x16xf32> to vector<16xf32>
      %add3A_1712 = arith.addf %add3A_1706, %get3A_1711 : vector<16xf32>
      %swap3A_1713 = arith.constant 5 : i32
      %swap3A_1714 = arith.index_cast %swap3A_1713 : i32 to index
      %swap3A_1715 = arith.constant 48 : index
      %swap3A_1716 = tpu.vector_load %arg8[%swap3A_1714, %swap3A_1715] {strides = array<i32>} : memref<8x128xf32, #tpu.memory_space<vmem>>, vector<1x16xf32>,
      %swap3A_1717 = vector.shape_cast %swap3A_1716 : vector<1x16xf32> to vector<16xf32>
      %swap3A_1718 = vector.shape_cast %add3A_1683 : vector<16xf32> to vector<1x16xf32>
      tpu.vector_store %arg8[%swap3A_1714, %swap3A_1715], %swap3A_1718 {strides = array<i32>} : memref<8x128xf32, #tpu.memory_space<vmem>>, vector<1x16xf32>,
      %swap3A_1719 = arith.constant 5 : i32
      %swap3A_1720 = arith.index_cast %swap3A_1719 : i32 to index
      %swap3A_1721 = arith.constant 112 : index
      %swap3A_1722 = tpu.vector_load %arg8[%swap3A_1720, %swap3A_1721] {strides = array<i32>} : memref<8x128xf32, #tpu.memory_space<vmem>>, vector<1x16xf32>,
      %swap3A_1723 = vector.shape_cast %swap3A_1722 : vector<1x16xf32> to vector<16xf32>
      %swap3A_1724 = vector.shape_cast %add3A_1712 : vector<16xf32> to vector<1x16xf32>
      tpu.vector_store %arg8[%swap3A_1720, %swap3A_1721], %swap3A_1724 {strides = array<i32>} : memref<8x128xf32, #tpu.memory_space<vmem>>, vector<1x16xf32>,
      %get3A_1725 = arith.constant 60 : i32
      %get3A_1726 = arith.index_cast %get3A_1725 : i32 to index
      %get3A_1727 = arith.constant 0 : index
      %get3A_1728 = tpu.vector_load %arg6[%get3A_1726, %get3A_1727] {strides = array<i32>} : memref<80x64xf32, #tpu.memory_space<vmem>>, vector<1x16xf32>,
      %get3A_1729 = vector.shape_cast %get3A_1728 : vector<1x16xf32> to vector<16xf32>
      %get3A_1730 = arith.constant 61 : i32
      %get3A_1731 = arith.index_cast %get3A_1730 : i32 to index
      %get3A_1732 = arith.constant 0 : index
      %get3A_1733 = tpu.vector_load %arg6[%get3A_1731, %get3A_1732] {strides = array<i32>} : memref<80x64xf32, #tpu.memory_space<vmem>>, vector<1x16xf32>,
      %get3A_1734 = vector.shape_cast %get3A_1733 : vector<1x16xf32> to vector<16xf32>
      %add3A_1735 = arith.addf %get3A_1729, %get3A_1734 : vector<16xf32>
      %get3A_1736 = arith.constant 62 : i32
      %get3A_1737 = arith.index_cast %get3A_1736 : i32 to index
      %get3A_1738 = arith.constant 0 : index
      %get3A_1739 = tpu.vector_load %arg6[%get3A_1737, %get3A_1738] {strides = array<i32>} : memref<80x64xf32, #tpu.memory_space<vmem>>, vector<1x16xf32>,
      %get3A_1740 = vector.shape_cast %get3A_1739 : vector<1x16xf32> to vector<16xf32>
      %add3A_1741 = arith.addf %add3A_1735, %get3A_1740 : vector<16xf32>
      %get3A_1742 = arith.constant 63 : i32
      %get3A_1743 = arith.index_cast %get3A_1742 : i32 to index
      %get3A_1744 = arith.constant 0 : index
      %get3A_1745 = tpu.vector_load %arg6[%get3A_1743, %get3A_1744] {strides = array<i32>} : memref<80x64xf32, #tpu.memory_space<vmem>>, vector<1x16xf32>,
      %get3A_1746 = vector.shape_cast %get3A_1745 : vector<1x16xf32> to vector<16xf32>
      %add3A_1747 = arith.addf %add3A_1741, %get3A_1746 : vector<16xf32>
      %get3A_1748 = arith.constant 64 : i32
      %get3A_1749 = arith.index_cast %get3A_1748 : i32 to index
      %get3A_1750 = arith.constant 0 : index
      %get3A_1751 = tpu.vector_load %arg6[%get3A_1749, %get3A_1750] {strides = array<i32>} : memref<80x64xf32, #tpu.memory_space<vmem>>, vector<1x16xf32>,
      %get3A_1752 = vector.shape_cast %get3A_1751 : vector<1x16xf32> to vector<16xf32>
      %add3A_1753 = arith.addf %add3A_1747, %get3A_1752 : vector<16xf32>
      %get3A_1754 = arith.constant 65 : i32
      %get3A_1755 = arith.index_cast %get3A_1754 : i32 to index
      %get3A_1756 = arith.constant 0 : index
      %get3A_1757 = tpu.vector_load %arg6[%get3A_1755, %get3A_1756] {strides = array<i32>} : memref<80x64xf32, #tpu.memory_space<vmem>>, vector<1x16xf32>,
      %get3A_1758 = vector.shape_cast %get3A_1757 : vector<1x16xf32> to vector<16xf32>
      %get3A_1759 = arith.constant 66 : i32
      %get3A_1760 = arith.index_cast %get3A_1759 : i32 to index
      %get3A_1761 = arith.constant 0 : index
      %get3A_1762 = tpu.vector_load %arg6[%get3A_1760, %get3A_1761] {strides = array<i32>} : memref<80x64xf32, #tpu.memory_space<vmem>>, vector<1x16xf32>,
      %get3A_1763 = vector.shape_cast %get3A_1762 : vector<1x16xf32> to vector<16xf32>
      %add3A_1764 = arith.addf %get3A_1758, %get3A_1763 : vector<16xf32>
      %get3A_1765 = arith.constant 67 : i32
      %get3A_1766 = arith.index_cast %get3A_1765 : i32 to index
      %get3A_1767 = arith.constant 0 : index
      %get3A_1768 = tpu.vector_load %arg6[%get3A_1766, %get3A_1767] {strides = array<i32>} : memref<80x64xf32, #tpu.memory_space<vmem>>, vector<1x16xf32>,
      %get3A_1769 = vector.shape_cast %get3A_1768 : vector<1x16xf32> to vector<16xf32>
      %add3A_1770 = arith.addf %add3A_1764, %get3A_1769 : vector<16xf32>
      %get3A_1771 = arith.constant 68 : i32
      %get3A_1772 = arith.index_cast %get3A_1771 : i32 to index
      %get3A_1773 = arith.constant 0 : index
      %get3A_1774 = tpu.vector_load %arg6[%get3A_1772, %get3A_1773] {strides = array<i32>} : memref<80x64xf32, #tpu.memory_space<vmem>>, vector<1x16xf32>,
      %get3A_1775 = vector.shape_cast %get3A_1774 : vector<1x16xf32> to vector<16xf32>
      %add3A_1776 = arith.addf %add3A_1770, %get3A_1775 : vector<16xf32>
      %get3A_1777 = arith.constant 69 : i32
      %get3A_1778 = arith.index_cast %get3A_1777 : i32 to index
      %get3A_1779 = arith.constant 0 : index
      %get3A_1780 = tpu.vector_load %arg6[%get3A_1778, %get3A_1779] {strides = array<i32>} : memref<80x64xf32, #tpu.memory_space<vmem>>, vector<1x16xf32>,
      %get3A_1781 = vector.shape_cast %get3A_1780 : vector<1x16xf32> to vector<16xf32>
      %add3A_1782 = arith.addf %add3A_1776, %get3A_1781 : vector<16xf32>
      %swap3A_1783 = arith.constant 6 : i32
      %swap3A_1784 = arith.index_cast %swap3A_1783 : i32 to index
      %swap3A_1785 = arith.constant 0 : index
      %swap3A_1786 = tpu.vector_load %arg8[%swap3A_1784, %swap3A_1785] {strides = array<i32>} : memref<8x128xf32, #tpu.memory_space<vmem>>, vector<1x16xf32>,
      %swap3A_1787 = vector.shape_cast %swap3A_1786 : vector<1x16xf32> to vector<16xf32>
      %swap3A_1788 = vector.shape_cast %add3A_1753 : vector<16xf32> to vector<1x16xf32>
      tpu.vector_store %arg8[%swap3A_1784, %swap3A_1785], %swap3A_1788 {strides = array<i32>} : memref<8x128xf32, #tpu.memory_space<vmem>>, vector<1x16xf32>,
      %swap3A_1789 = arith.constant 6 : i32
      %swap3A_1790 = arith.index_cast %swap3A_1789 : i32 to index
      %swap3A_1791 = arith.constant 64 : index
      %swap3A_1792 = tpu.vector_load %arg8[%swap3A_1790, %swap3A_1791] {strides = array<i32>} : memref<8x128xf32, #tpu.memory_space<vmem>>, vector<1x16xf32>,
      %swap3A_1793 = vector.shape_cast %swap3A_1792 : vector<1x16xf32> to vector<16xf32>
      %swap3A_1794 = vector.shape_cast %add3A_1782 : vector<16xf32> to vector<1x16xf32>
      tpu.vector_store %arg8[%swap3A_1790, %swap3A_1791], %swap3A_1794 {strides = array<i32>} : memref<8x128xf32, #tpu.memory_space<vmem>>, vector<1x16xf32>,
      %get3A_1795 = arith.constant 60 : i32
      %get3A_1796 = arith.index_cast %get3A_1795 : i32 to index
      %get3A_1797 = arith.constant 16 : index
      %get3A_1798 = tpu.vector_load %arg6[%get3A_1796, %get3A_1797] {strides = array<i32>} : memref<80x64xf32, #tpu.memory_space<vmem>>, vector<1x16xf32>,
      %get3A_1799 = vector.shape_cast %get3A_1798 : vector<1x16xf32> to vector<16xf32>
      %get3A_1800 = arith.constant 61 : i32
      %get3A_1801 = arith.index_cast %get3A_1800 : i32 to index
      %get3A_1802 = arith.constant 16 : index
      %get3A_1803 = tpu.vector_load %arg6[%get3A_1801, %get3A_1802] {strides = array<i32>} : memref<80x64xf32, #tpu.memory_space<vmem>>, vector<1x16xf32>,
      %get3A_1804 = vector.shape_cast %get3A_1803 : vector<1x16xf32> to vector<16xf32>
      %add3A_1805 = arith.addf %get3A_1799, %get3A_1804 : vector<16xf32>
      %get3A_1806 = arith.constant 62 : i32
      %get3A_1807 = arith.index_cast %get3A_1806 : i32 to index
      %get3A_1808 = arith.constant 16 : index
      %get3A_1809 = tpu.vector_load %arg6[%get3A_1807, %get3A_1808] {strides = array<i32>} : memref<80x64xf32, #tpu.memory_space<vmem>>, vector<1x16xf32>,
      %get3A_1810 = vector.shape_cast %get3A_1809 : vector<1x16xf32> to vector<16xf32>
      %add3A_1811 = arith.addf %add3A_1805, %get3A_1810 : vector<16xf32>
      %get3A_1812 = arith.constant 63 : i32
      %get3A_1813 = arith.index_cast %get3A_1812 : i32 to index
      %get3A_1814 = arith.constant 16 : index
      %get3A_1815 = tpu.vector_load %arg6[%get3A_1813, %get3A_1814] {strides = array<i32>} : memref<80x64xf32, #tpu.memory_space<vmem>>, vector<1x16xf32>,
      %get3A_1816 = vector.shape_cast %get3A_1815 : vector<1x16xf32> to vector<16xf32>
      %add3A_1817 = arith.addf %add3A_1811, %get3A_1816 : vector<16xf32>
      %get3A_1818 = arith.constant 64 : i32
      %get3A_1819 = arith.index_cast %get3A_1818 : i32 to index
      %get3A_1820 = arith.constant 16 : index
      %get3A_1821 = tpu.vector_load %arg6[%get3A_1819, %get3A_1820] {strides = array<i32>} : memref<80x64xf32, #tpu.memory_space<vmem>>, vector<1x16xf32>,
      %get3A_1822 = vector.shape_cast %get3A_1821 : vector<1x16xf32> to vector<16xf32>
      %add3A_1823 = arith.addf %add3A_1817, %get3A_1822 : vector<16xf32>
      %get3A_1824 = arith.constant 65 : i32
      %get3A_1825 = arith.index_cast %get3A_1824 : i32 to index
      %get3A_1826 = arith.constant 16 : index
      %get3A_1827 = tpu.vector_load %arg6[%get3A_1825, %get3A_1826] {strides = array<i32>} : memref<80x64xf32, #tpu.memory_space<vmem>>, vector<1x16xf32>,
      %get3A_1828 = vector.shape_cast %get3A_1827 : vector<1x16xf32> to vector<16xf32>
      %get3A_1829 = arith.constant 66 : i32
      %get3A_1830 = arith.index_cast %get3A_1829 : i32 to index
      %get3A_1831 = arith.constant 16 : index
      %get3A_1832 = tpu.vector_load %arg6[%get3A_1830, %get3A_1831] {strides = array<i32>} : memref<80x64xf32, #tpu.memory_space<vmem>>, vector<1x16xf32>,
      %get3A_1833 = vector.shape_cast %get3A_1832 : vector<1x16xf32> to vector<16xf32>
      %add3A_1834 = arith.addf %get3A_1828, %get3A_1833 : vector<16xf32>
      %get3A_1835 = arith.constant 67 : i32
      %get3A_1836 = arith.index_cast %get3A_1835 : i32 to index
      %get3A_1837 = arith.constant 16 : index
      %get3A_1838 = tpu.vector_load %arg6[%get3A_1836, %get3A_1837] {strides = array<i32>} : memref<80x64xf32, #tpu.memory_space<vmem>>, vector<1x16xf32>,
      %get3A_1839 = vector.shape_cast %get3A_1838 : vector<1x16xf32> to vector<16xf32>
      %add3A_1840 = arith.addf %add3A_1834, %get3A_1839 : vector<16xf32>
      %get3A_1841 = arith.constant 68 : i32
      %get3A_1842 = arith.index_cast %get3A_1841 : i32 to index
      %get3A_1843 = arith.constant 16 : index
      %get3A_1844 = tpu.vector_load %arg6[%get3A_1842, %get3A_1843] {strides = array<i32>} : memref<80x64xf32, #tpu.memory_space<vmem>>, vector<1x16xf32>,
      %get3A_1845 = vector.shape_cast %get3A_1844 : vector<1x16xf32> to vector<16xf32>
      %add3A_1846 = arith.addf %add3A_1840, %get3A_1845 : vector<16xf32>
      %get3A_1847 = arith.constant 69 : i32
      %get3A_1848 = arith.index_cast %get3A_1847 : i32 to index
      %get3A_1849 = arith.constant 16 : index
      %get3A_1850 = tpu.vector_load %arg6[%get3A_1848, %get3A_1849] {strides = array<i32>} : memref<80x64xf32, #tpu.memory_space<vmem>>, vector<1x16xf32>,
      %get3A_1851 = vector.shape_cast %get3A_1850 : vector<1x16xf32> to vector<16xf32>
      %add3A_1852 = arith.addf %add3A_1846, %get3A_1851 : vector<16xf32>
      %swap3A_1853 = arith.constant 6 : i32
      %swap3A_1854 = arith.index_cast %swap3A_1853 : i32 to index
      %swap3A_1855 = arith.constant 16 : index
      %swap3A_1856 = tpu.vector_load %arg8[%swap3A_1854, %swap3A_1855] {strides = array<i32>} : memref<8x128xf32, #tpu.memory_space<vmem>>, vector<1x16xf32>,
      %swap3A_1857 = vector.shape_cast %swap3A_1856 : vector<1x16xf32> to vector<16xf32>
      %swap3A_1858 = vector.shape_cast %add3A_1823 : vector<16xf32> to vector<1x16xf32>
      tpu.vector_store %arg8[%swap3A_1854, %swap3A_1855], %swap3A_1858 {strides = array<i32>} : memref<8x128xf32, #tpu.memory_space<vmem>>, vector<1x16xf32>,
      %swap3A_1859 = arith.constant 6 : i32
      %swap3A_1860 = arith.index_cast %swap3A_1859 : i32 to index
      %swap3A_1861 = arith.constant 80 : index
      %swap3A_1862 = tpu.vector_load %arg8[%swap3A_1860, %swap3A_1861] {strides = array<i32>} : memref<8x128xf32, #tpu.memory_space<vmem>>, vector<1x16xf32>,
      %swap3A_1863 = vector.shape_cast %swap3A_1862 : vector<1x16xf32> to vector<16xf32>
      %swap3A_1864 = vector.shape_cast %add3A_1852 : vector<16xf32> to vector<1x16xf32>
      tpu.vector_store %arg8[%swap3A_1860, %swap3A_1861], %swap3A_1864 {strides = array<i32>} : memref<8x128xf32, #tpu.memory_space<vmem>>, vector<1x16xf32>,
      %get3A_1865 = arith.constant 60 : i32
      %get3A_1866 = arith.index_cast %get3A_1865 : i32 to index
      %get3A_1867 = arith.constant 32 : index
      %get3A_1868 = tpu.vector_load %arg6[%get3A_1866, %get3A_1867] {strides = array<i32>} : memref<80x64xf32, #tpu.memory_space<vmem>>, vector<1x16xf32>,
      %get3A_1869 = vector.shape_cast %get3A_1868 : vector<1x16xf32> to vector<16xf32>
      %get3A_1870 = arith.constant 61 : i32
      %get3A_1871 = arith.index_cast %get3A_1870 : i32 to index
      %get3A_1872 = arith.constant 32 : index
      %get3A_1873 = tpu.vector_load %arg6[%get3A_1871, %get3A_1872] {strides = array<i32>} : memref<80x64xf32, #tpu.memory_space<vmem>>, vector<1x16xf32>,
      %get3A_1874 = vector.shape_cast %get3A_1873 : vector<1x16xf32> to vector<16xf32>
      %add3A_1875 = arith.addf %get3A_1869, %get3A_1874 : vector<16xf32>
      %get3A_1876 = arith.constant 62 : i32
      %get3A_1877 = arith.index_cast %get3A_1876 : i32 to index
      %get3A_1878 = arith.constant 32 : index
      %get3A_1879 = tpu.vector_load %arg6[%get3A_1877, %get3A_1878] {strides = array<i32>} : memref<80x64xf32, #tpu.memory_space<vmem>>, vector<1x16xf32>,
      %get3A_1880 = vector.shape_cast %get3A_1879 : vector<1x16xf32> to vector<16xf32>
      %add3A_1881 = arith.addf %add3A_1875, %get3A_1880 : vector<16xf32>
      %get3A_1882 = arith.constant 63 : i32
      %get3A_1883 = arith.index_cast %get3A_1882 : i32 to index
      %get3A_1884 = arith.constant 32 : index
      %get3A_1885 = tpu.vector_load %arg6[%get3A_1883, %get3A_1884] {strides = array<i32>} : memref<80x64xf32, #tpu.memory_space<vmem>>, vector<1x16xf32>,
      %get3A_1886 = vector.shape_cast %get3A_1885 : vector<1x16xf32> to vector<16xf32>
      %add3A_1887 = arith.addf %add3A_1881, %get3A_1886 : vector<16xf32>
      %get3A_1888 = arith.constant 64 : i32
      %get3A_1889 = arith.index_cast %get3A_1888 : i32 to index
      %get3A_1890 = arith.constant 32 : index
      %get3A_1891 = tpu.vector_load %arg6[%get3A_1889, %get3A_1890] {strides = array<i32>} : memref<80x64xf32, #tpu.memory_space<vmem>>, vector<1x16xf32>,
      %get3A_1892 = vector.shape_cast %get3A_1891 : vector<1x16xf32> to vector<16xf32>
      %add3A_1893 = arith.addf %add3A_1887, %get3A_1892 : vector<16xf32>
      %get3A_1894 = arith.constant 65 : i32
      %get3A_1895 = arith.index_cast %get3A_1894 : i32 to index
      %get3A_1896 = arith.constant 32 : index
      %get3A_1897 = tpu.vector_load %arg6[%get3A_1895, %get3A_1896] {strides = array<i32>} : memref<80x64xf32, #tpu.memory_space<vmem>>, vector<1x16xf32>,
      %get3A_1898 = vector.shape_cast %get3A_1897 : vector<1x16xf32> to vector<16xf32>
      %get3A_1899 = arith.constant 66 : i32
      %get3A_1900 = arith.index_cast %get3A_1899 : i32 to index
      %get3A_1901 = arith.constant 32 : index
      %get3A_1902 = tpu.vector_load %arg6[%get3A_1900, %get3A_1901] {strides = array<i32>} : memref<80x64xf32, #tpu.memory_space<vmem>>, vector<1x16xf32>,
      %get3A_1903 = vector.shape_cast %get3A_1902 : vector<1x16xf32> to vector<16xf32>
      %add3A_1904 = arith.addf %get3A_1898, %get3A_1903 : vector<16xf32>
      %get3A_1905 = arith.constant 67 : i32
      %get3A_1906 = arith.index_cast %get3A_1905 : i32 to index
      %get3A_1907 = arith.constant 32 : index
      %get3A_1908 = tpu.vector_load %arg6[%get3A_1906, %get3A_1907] {strides = array<i32>} : memref<80x64xf32, #tpu.memory_space<vmem>>, vector<1x16xf32>,
      %get3A_1909 = vector.shape_cast %get3A_1908 : vector<1x16xf32> to vector<16xf32>
      %add3A_1910 = arith.addf %add3A_1904, %get3A_1909 : vector<16xf32>
      %get3A_1911 = arith.constant 68 : i32
      %get3A_1912 = arith.index_cast %get3A_1911 : i32 to index
      %get3A_1913 = arith.constant 32 : index
      %get3A_1914 = tpu.vector_load %arg6[%get3A_1912, %get3A_1913] {strides = array<i32>} : memref<80x64xf32, #tpu.memory_space<vmem>>, vector<1x16xf32>,
      %get3A_1915 = vector.shape_cast %get3A_1914 : vector<1x16xf32> to vector<16xf32>
      %add3A_1916 = arith.addf %add3A_1910, %get3A_1915 : vector<16xf32>
      %get3A_1917 = arith.constant 69 : i32
      %get3A_1918 = arith.index_cast %get3A_1917 : i32 to index
      %get3A_1919 = arith.constant 32 : index
      %get3A_1920 = tpu.vector_load %arg6[%get3A_1918, %get3A_1919] {strides = array<i32>} : memref<80x64xf32, #tpu.memory_space<vmem>>, vector<1x16xf32>,
      %get3A_1921 = vector.shape_cast %get3A_1920 : vector<1x16xf32> to vector<16xf32>
      %add3A_1922 = arith.addf %add3A_1916, %get3A_1921 : vector<16xf32>
      %swap3A_1923 = arith.constant 6 : i32
      %swap3A_1924 = arith.index_cast %swap3A_1923 : i32 to index
      %swap3A_1925 = arith.constant 32 : index
      %swap3A_1926 = tpu.vector_load %arg8[%swap3A_1924, %swap3A_1925] {strides = array<i32>} : memref<8x128xf32, #tpu.memory_space<vmem>>, vector<1x16xf32>,
      %swap3A_1927 = vector.shape_cast %swap3A_1926 : vector<1x16xf32> to vector<16xf32>
      %swap3A_1928 = vector.shape_cast %add3A_1893 : vector<16xf32> to vector<1x16xf32>
      tpu.vector_store %arg8[%swap3A_1924, %swap3A_1925], %swap3A_1928 {strides = array<i32>} : memref<8x128xf32, #tpu.memory_space<vmem>>, vector<1x16xf32>,
      %swap3A_1929 = arith.constant 6 : i32
      %swap3A_1930 = arith.index_cast %swap3A_1929 : i32 to index
      %swap3A_1931 = arith.constant 96 : index
      %swap3A_1932 = tpu.vector_load %arg8[%swap3A_1930, %swap3A_1931] {strides = array<i32>} : memref<8x128xf32, #tpu.memory_space<vmem>>, vector<1x16xf32>,
      %swap3A_1933 = vector.shape_cast %swap3A_1932 : vector<1x16xf32> to vector<16xf32>
      %swap3A_1934 = vector.shape_cast %add3A_1922 : vector<16xf32> to vector<1x16xf32>
      tpu.vector_store %arg8[%swap3A_1930, %swap3A_1931], %swap3A_1934 {strides = array<i32>} : memref<8x128xf32, #tpu.memory_space<vmem>>, vector<1x16xf32>,
      %get3A_1935 = arith.constant 60 : i32
      %get3A_1936 = arith.index_cast %get3A_1935 : i32 to index
      %get3A_1937 = arith.constant 48 : index
      %get3A_1938 = tpu.vector_load %arg6[%get3A_1936, %get3A_1937] {strides = array<i32>} : memref<80x64xf32, #tpu.memory_space<vmem>>, vector<1x16xf32>,
      %get3A_1939 = vector.shape_cast %get3A_1938 : vector<1x16xf32> to vector<16xf32>
      %get3A_1940 = arith.constant 61 : i32
      %get3A_1941 = arith.index_cast %get3A_1940 : i32 to index
      %get3A_1942 = arith.constant 48 : index
      %get3A_1943 = tpu.vector_load %arg6[%get3A_1941, %get3A_1942] {strides = array<i32>} : memref<80x64xf32, #tpu.memory_space<vmem>>, vector<1x16xf32>,
      %get3A_1944 = vector.shape_cast %get3A_1943 : vector<1x16xf32> to vector<16xf32>
      %add3A_1945 = arith.addf %get3A_1939, %get3A_1944 : vector<16xf32>
      %get3A_1946 = arith.constant 62 : i32
      %get3A_1947 = arith.index_cast %get3A_1946 : i32 to index
      %get3A_1948 = arith.constant 48 : index
      %get3A_1949 = tpu.vector_load %arg6[%get3A_1947, %get3A_1948] {strides = array<i32>} : memref<80x64xf32, #tpu.memory_space<vmem>>, vector<1x16xf32>,
      %get3A_1950 = vector.shape_cast %get3A_1949 : vector<1x16xf32> to vector<16xf32>
      %add3A_1951 = arith.addf %add3A_1945, %get3A_1950 : vector<16xf32>
      %get3A_1952 = arith.constant 63 : i32
      %get3A_1953 = arith.index_cast %get3A_1952 : i32 to index
      %get3A_1954 = arith.constant 48 : index
      %get3A_1955 = tpu.vector_load %arg6[%get3A_1953, %get3A_1954] {strides = array<i32>} : memref<80x64xf32, #tpu.memory_space<vmem>>, vector<1x16xf32>,
      %get3A_1956 = vector.shape_cast %get3A_1955 : vector<1x16xf32> to vector<16xf32>
      %add3A_1957 = arith.addf %add3A_1951, %get3A_1956 : vector<16xf32>
      %get3A_1958 = arith.constant 64 : i32
      %get3A_1959 = arith.index_cast %get3A_1958 : i32 to index
      %get3A_1960 = arith.constant 48 : index
      %get3A_1961 = tpu.vector_load %arg6[%get3A_1959, %get3A_1960] {strides = array<i32>} : memref<80x64xf32, #tpu.memory_space<vmem>>, vector<1x16xf32>,
      %get3A_1962 = vector.shape_cast %get3A_1961 : vector<1x16xf32> to vector<16xf32>
      %add3A_1963 = arith.addf %add3A_1957, %get3A_1962 : vector<16xf32>
      %get3A_1964 = arith.constant 65 : i32
      %get3A_1965 = arith.index_cast %get3A_1964 : i32 to index
      %get3A_1966 = arith.constant 48 : index
      %get3A_1967 = tpu.vector_load %arg6[%get3A_1965, %get3A_1966] {strides = array<i32>} : memref<80x64xf32, #tpu.memory_space<vmem>>, vector<1x16xf32>,
      %get3A_1968 = vector.shape_cast %get3A_1967 : vector<1x16xf32> to vector<16xf32>
      %get3A_1969 = arith.constant 66 : i32
      %get3A_1970 = arith.index_cast %get3A_1969 : i32 to index
      %get3A_1971 = arith.constant 48 : index
      %get3A_1972 = tpu.vector_load %arg6[%get3A_1970, %get3A_1971] {strides = array<i32>} : memref<80x64xf32, #tpu.memory_space<vmem>>, vector<1x16xf32>,
      %get3A_1973 = vector.shape_cast %get3A_1972 : vector<1x16xf32> to vector<16xf32>
      %add3A_1974 = arith.addf %get3A_1968, %get3A_1973 : vector<16xf32>
      %get3A_1975 = arith.constant 67 : i32
      %get3A_1976 = arith.index_cast %get3A_1975 : i32 to index
      %get3A_1977 = arith.constant 48 : index
      %get3A_1978 = tpu.vector_load %arg6[%get3A_1976, %get3A_1977] {strides = array<i32>} : memref<80x64xf32, #tpu.memory_space<vmem>>, vector<1x16xf32>,
      %get3A_1979 = vector.shape_cast %get3A_1978 : vector<1x16xf32> to vector<16xf32>
      %add3A_1980 = arith.addf %add3A_1974, %get3A_1979 : vector<16xf32>
      %get3A_1981 = arith.constant 68 : i32
      %get3A_1982 = arith.index_cast %get3A_1981 : i32 to index
      %get3A_1983 = arith.constant 48 : index
      %get3A_1984 = tpu.vector_load %arg6[%get3A_1982, %get3A_1983] {strides = array<i32>} : memref<80x64xf32, #tpu.memory_space<vmem>>, vector<1x16xf32>,
      %get3A_1985 = vector.shape_cast %get3A_1984 : vector<1x16xf32> to vector<16xf32>
      %add3A_1986 = arith.addf %add3A_1980, %get3A_1985 : vector<16xf32>
      %get3A_1987 = arith.constant 69 : i32
      %get3A_1988 = arith.index_cast %get3A_1987 : i32 to index
      %get3A_1989 = arith.constant 48 : index
      %get3A_1990 = tpu.vector_load %arg6[%get3A_1988, %get3A_1989] {strides = array<i32>} : memref<80x64xf32, #tpu.memory_space<vmem>>, vector<1x16xf32>,
      %get3A_1991 = vector.shape_cast %get3A_1990 : vector<1x16xf32> to vector<16xf32>
      %add3A_1992 = arith.addf %add3A_1986, %get3A_1991 : vector<16xf32>
      %swap3A_1993 = arith.constant 6 : i32
      %swap3A_1994 = arith.index_cast %swap3A_1993 : i32 to index
      %swap3A_1995 = arith.constant 48 : index
      %swap3A_1996 = tpu.vector_load %arg8[%swap3A_1994, %swap3A_1995] {strides = array<i32>} : memref<8x128xf32, #tpu.memory_space<vmem>>, vector<1x16xf32>,
      %swap3A_1997 = vector.shape_cast %swap3A_1996 : vector<1x16xf32> to vector<16xf32>
      %swap3A_1998 = vector.shape_cast %add3A_1963 : vector<16xf32> to vector<1x16xf32>
      tpu.vector_store %arg8[%swap3A_1994, %swap3A_1995], %swap3A_1998 {strides = array<i32>} : memref<8x128xf32, #tpu.memory_space<vmem>>, vector<1x16xf32>,
      %swap3A_1999 = arith.constant 6 : i32
      %swap3A_2000 = arith.index_cast %swap3A_1999 : i32 to index
      %swap3A_2001 = arith.constant 112 : index
      %swap3A_2002 = tpu.vector_load %arg8[%swap3A_2000, %swap3A_2001] {strides = array<i32>} : memref<8x128xf32, #tpu.memory_space<vmem>>, vector<1x16xf32>,
      %swap3A_2003 = vector.shape_cast %swap3A_2002 : vector<1x16xf32> to vector<16xf32>
      %swap3A_2004 = vector.shape_cast %add3A_1992 : vector<16xf32> to vector<1x16xf32>
      tpu.vector_store %arg8[%swap3A_2000, %swap3A_2001], %swap3A_2004 {strides = array<i32>} : memref<8x128xf32, #tpu.memory_space<vmem>>, vector<1x16xf32>,
      %get3A_2005 = arith.constant 70 : i32
      %get3A_2006 = arith.index_cast %get3A_2005 : i32 to index
      %get3A_2007 = arith.constant 0 : index
      %get3A_2008 = tpu.vector_load %arg6[%get3A_2006, %get3A_2007] {strides = array<i32>} : memref<80x64xf32, #tpu.memory_space<vmem>>, vector<1x16xf32>,
      %get3A_2009 = vector.shape_cast %get3A_2008 : vector<1x16xf32> to vector<16xf32>
      %get3A_2010 = arith.constant 71 : i32
      %get3A_2011 = arith.index_cast %get3A_2010 : i32 to index
      %get3A_2012 = arith.constant 0 : index
      %get3A_2013 = tpu.vector_load %arg6[%get3A_2011, %get3A_2012] {strides = array<i32>} : memref<80x64xf32, #tpu.memory_space<vmem>>, vector<1x16xf32>,
      %get3A_2014 = vector.shape_cast %get3A_2013 : vector<1x16xf32> to vector<16xf32>
      %add3A_2015 = arith.addf %get3A_2009, %get3A_2014 : vector<16xf32>
      %get3A_2016 = arith.constant 72 : i32
      %get3A_2017 = arith.index_cast %get3A_2016 : i32 to index
      %get3A_2018 = arith.constant 0 : index
      %get3A_2019 = tpu.vector_load %arg6[%get3A_2017, %get3A_2018] {strides = array<i32>} : memref<80x64xf32, #tpu.memory_space<vmem>>, vector<1x16xf32>,
      %get3A_2020 = vector.shape_cast %get3A_2019 : vector<1x16xf32> to vector<16xf32>
      %add3A_2021 = arith.addf %add3A_2015, %get3A_2020 : vector<16xf32>
      %get3A_2022 = arith.constant 73 : i32
      %get3A_2023 = arith.index_cast %get3A_2022 : i32 to index
      %get3A_2024 = arith.constant 0 : index
      %get3A_2025 = tpu.vector_load %arg6[%get3A_2023, %get3A_2024] {strides = array<i32>} : memref<80x64xf32, #tpu.memory_space<vmem>>, vector<1x16xf32>,
      %get3A_2026 = vector.shape_cast %get3A_2025 : vector<1x16xf32> to vector<16xf32>
      %add3A_2027 = arith.addf %add3A_2021, %get3A_2026 : vector<16xf32>
      %get3A_2028 = arith.constant 74 : i32
      %get3A_2029 = arith.index_cast %get3A_2028 : i32 to index
      %get3A_2030 = arith.constant 0 : index
      %get3A_2031 = tpu.vector_load %arg6[%get3A_2029, %get3A_2030] {strides = array<i32>} : memref<80x64xf32, #tpu.memory_space<vmem>>, vector<1x16xf32>,
      %get3A_2032 = vector.shape_cast %get3A_2031 : vector<1x16xf32> to vector<16xf32>
      %add3A_2033 = arith.addf %add3A_2027, %get3A_2032 : vector<16xf32>
      %get3A_2034 = arith.constant 75 : i32
      %get3A_2035 = arith.index_cast %get3A_2034 : i32 to index
      %get3A_2036 = arith.constant 0 : index
      %get3A_2037 = tpu.vector_load %arg6[%get3A_2035, %get3A_2036] {strides = array<i32>} : memref<80x64xf32, #tpu.memory_space<vmem>>, vector<1x16xf32>,
      %get3A_2038 = vector.shape_cast %get3A_2037 : vector<1x16xf32> to vector<16xf32>
      %get3A_2039 = arith.constant 76 : i32
      %get3A_2040 = arith.index_cast %get3A_2039 : i32 to index
      %get3A_2041 = arith.constant 0 : index
      %get3A_2042 = tpu.vector_load %arg6[%get3A_2040, %get3A_2041] {strides = array<i32>} : memref<80x64xf32, #tpu.memory_space<vmem>>, vector<1x16xf32>,
      %get3A_2043 = vector.shape_cast %get3A_2042 : vector<1x16xf32> to vector<16xf32>
      %add3A_2044 = arith.addf %get3A_2038, %get3A_2043 : vector<16xf32>
      %get3A_2045 = arith.constant 77 : i32
      %get3A_2046 = arith.index_cast %get3A_2045 : i32 to index
      %get3A_2047 = arith.constant 0 : index
      %get3A_2048 = tpu.vector_load %arg6[%get3A_2046, %get3A_2047] {strides = array<i32>} : memref<80x64xf32, #tpu.memory_space<vmem>>, vector<1x16xf32>,
      %get3A_2049 = vector.shape_cast %get3A_2048 : vector<1x16xf32> to vector<16xf32>
      %add3A_2050 = arith.addf %add3A_2044, %get3A_2049 : vector<16xf32>
      %get3A_2051 = arith.constant 78 : i32
      %get3A_2052 = arith.index_cast %get3A_2051 : i32 to index
      %get3A_2053 = arith.constant 0 : index
      %get3A_2054 = tpu.vector_load %arg6[%get3A_2052, %get3A_2053] {strides = array<i32>} : memref<80x64xf32, #tpu.memory_space<vmem>>, vector<1x16xf32>,
      %get3A_2055 = vector.shape_cast %get3A_2054 : vector<1x16xf32> to vector<16xf32>
      %add3A_2056 = arith.addf %add3A_2050, %get3A_2055 : vector<16xf32>
      %get3A_2057 = arith.constant 79 : i32
      %get3A_2058 = arith.index_cast %get3A_2057 : i32 to index
      %get3A_2059 = arith.constant 0 : index
      %get3A_2060 = tpu.vector_load %arg6[%get3A_2058, %get3A_2059] {strides = array<i32>} : memref<80x64xf32, #tpu.memory_space<vmem>>, vector<1x16xf32>,
      %get3A_2061 = vector.shape_cast %get3A_2060 : vector<1x16xf32> to vector<16xf32>
      %add3A_2062 = arith.addf %add3A_2056, %get3A_2061 : vector<16xf32>
      %swap3A_2063 = arith.constant 7 : i32
      %swap3A_2064 = arith.index_cast %swap3A_2063 : i32 to index
      %swap3A_2065 = arith.constant 0 : index
      %swap3A_2066 = tpu.vector_load %arg8[%swap3A_2064, %swap3A_2065] {strides = array<i32>} : memref<8x128xf32, #tpu.memory_space<vmem>>, vector<1x16xf32>,
      %swap3A_2067 = vector.shape_cast %swap3A_2066 : vector<1x16xf32> to vector<16xf32>
      %swap3A_2068 = vector.shape_cast %add3A_2033 : vector<16xf32> to vector<1x16xf32>
      tpu.vector_store %arg8[%swap3A_2064, %swap3A_2065], %swap3A_2068 {strides = array<i32>} : memref<8x128xf32, #tpu.memory_space<vmem>>, vector<1x16xf32>,
      %swap3A_2069 = arith.constant 7 : i32
      %swap3A_2070 = arith.index_cast %swap3A_2069 : i32 to index
      %swap3A_2071 = arith.constant 64 : index
      %swap3A_2072 = tpu.vector_load %arg8[%swap3A_2070, %swap3A_2071] {strides = array<i32>} : memref<8x128xf32, #tpu.memory_space<vmem>>, vector<1x16xf32>,
      %swap3A_2073 = vector.shape_cast %swap3A_2072 : vector<1x16xf32> to vector<16xf32>
      %swap3A_2074 = vector.shape_cast %add3A_2062 : vector<16xf32> to vector<1x16xf32>
      tpu.vector_store %arg8[%swap3A_2070, %swap3A_2071], %swap3A_2074 {strides = array<i32>} : memref<8x128xf32, #tpu.memory_space<vmem>>, vector<1x16xf32>,
      %get3A_2075 = arith.constant 70 : i32
      %get3A_2076 = arith.index_cast %get3A_2075 : i32 to index
      %get3A_2077 = arith.constant 16 : index
      %get3A_2078 = tpu.vector_load %arg6[%get3A_2076, %get3A_2077] {strides = array<i32>} : memref<80x64xf32, #tpu.memory_space<vmem>>, vector<1x16xf32>,
      %get3A_2079 = vector.shape_cast %get3A_2078 : vector<1x16xf32> to vector<16xf32>
      %get3A_2080 = arith.constant 71 : i32
      %get3A_2081 = arith.index_cast %get3A_2080 : i32 to index
      %get3A_2082 = arith.constant 16 : index
      %get3A_2083 = tpu.vector_load %arg6[%get3A_2081, %get3A_2082] {strides = array<i32>} : memref<80x64xf32, #tpu.memory_space<vmem>>, vector<1x16xf32>,
      %get3A_2084 = vector.shape_cast %get3A_2083 : vector<1x16xf32> to vector<16xf32>
      %add3A_2085 = arith.addf %get3A_2079, %get3A_2084 : vector<16xf32>
      %get3A_2086 = arith.constant 72 : i32
      %get3A_2087 = arith.index_cast %get3A_2086 : i32 to index
      %get3A_2088 = arith.constant 16 : index
      %get3A_2089 = tpu.vector_load %arg6[%get3A_2087, %get3A_2088] {strides = array<i32>} : memref<80x64xf32, #tpu.memory_space<vmem>>, vector<1x16xf32>,
      %get3A_2090 = vector.shape_cast %get3A_2089 : vector<1x16xf32> to vector<16xf32>
      %add3A_2091 = arith.addf %add3A_2085, %get3A_2090 : vector<16xf32>
      %get3A_2092 = arith.constant 73 : i32
      %get3A_2093 = arith.index_cast %get3A_2092 : i32 to index
      %get3A_2094 = arith.constant 16 : index
      %get3A_2095 = tpu.vector_load %arg6[%get3A_2093, %get3A_2094] {strides = array<i32>} : memref<80x64xf32, #tpu.memory_space<vmem>>, vector<1x16xf32>,
      %get3A_2096 = vector.shape_cast %get3A_2095 : vector<1x16xf32> to vector<16xf32>
      %add3A_2097 = arith.addf %add3A_2091, %get3A_2096 : vector<16xf32>
      %get3A_2098 = arith.constant 74 : i32
      %get3A_2099 = arith.index_cast %get3A_2098 : i32 to index
      %get3A_2100 = arith.constant 16 : index
      %get3A_2101 = tpu.vector_load %arg6[%get3A_2099, %get3A_2100] {strides = array<i32>} : memref<80x64xf32, #tpu.memory_space<vmem>>, vector<1x16xf32>,
      %get3A_2102 = vector.shape_cast %get3A_2101 : vector<1x16xf32> to vector<16xf32>
      %add3A_2103 = arith.addf %add3A_2097, %get3A_2102 : vector<16xf32>
      %get3A_2104 = arith.constant 75 : i32
      %get3A_2105 = arith.index_cast %get3A_2104 : i32 to index
      %get3A_2106 = arith.constant 16 : index
      %get3A_2107 = tpu.vector_load %arg6[%get3A_2105, %get3A_2106] {strides = array<i32>} : memref<80x64xf32, #tpu.memory_space<vmem>>, vector<1x16xf32>,
      %get3A_2108 = vector.shape_cast %get3A_2107 : vector<1x16xf32> to vector<16xf32>
      %get3A_2109 = arith.constant 76 : i32
      %get3A_2110 = arith.index_cast %get3A_2109 : i32 to index
      %get3A_2111 = arith.constant 16 : index
      %get3A_2112 = tpu.vector_load %arg6[%get3A_2110, %get3A_2111] {strides = array<i32>} : memref<80x64xf32, #tpu.memory_space<vmem>>, vector<1x16xf32>,
      %get3A_2113 = vector.shape_cast %get3A_2112 : vector<1x16xf32> to vector<16xf32>
      %add3A_2114 = arith.addf %get3A_2108, %get3A_2113 : vector<16xf32>
      %get3A_2115 = arith.constant 77 : i32
      %get3A_2116 = arith.index_cast %get3A_2115 : i32 to index
      %get3A_2117 = arith.constant 16 : index
      %get3A_2118 = tpu.vector_load %arg6[%get3A_2116, %get3A_2117] {strides = array<i32>} : memref<80x64xf32, #tpu.memory_space<vmem>>, vector<1x16xf32>,
      %get3A_2119 = vector.shape_cast %get3A_2118 : vector<1x16xf32> to vector<16xf32>
      %add3A_2120 = arith.addf %add3A_2114, %get3A_2119 : vector<16xf32>
      %get3A_2121 = arith.constant 78 : i32
      %get3A_2122 = arith.index_cast %get3A_2121 : i32 to index
      %get3A_2123 = arith.constant 16 : index
      %get3A_2124 = tpu.vector_load %arg6[%get3A_2122, %get3A_2123] {strides = array<i32>} : memref<80x64xf32, #tpu.memory_space<vmem>>, vector<1x16xf32>,
      %get3A_2125 = vector.shape_cast %get3A_2124 : vector<1x16xf32> to vector<16xf32>
      %add3A_2126 = arith.addf %add3A_2120, %get3A_2125 : vector<16xf32>
      %get3A_2127 = arith.constant 79 : i32
      %get3A_2128 = arith.index_cast %get3A_2127 : i32 to index
      %get3A_2129 = arith.constant 16 : index
      %get3A_2130 = tpu.vector_load %arg6[%get3A_2128, %get3A_2129] {strides = array<i32>} : memref<80x64xf32, #tpu.memory_space<vmem>>, vector<1x16xf32>,
      %get3A_2131 = vector.shape_cast %get3A_2130 : vector<1x16xf32> to vector<16xf32>
      %add3A_2132 = arith.addf %add3A_2126, %get3A_2131 : vector<16xf32>
      %swap3A_2133 = arith.constant 7 : i32
      %swap3A_2134 = arith.index_cast %swap3A_2133 : i32 to index
      %swap3A_2135 = arith.constant 16 : index
      %swap3A_2136 = tpu.vector_load %arg8[%swap3A_2134, %swap3A_2135] {strides = array<i32>} : memref<8x128xf32, #tpu.memory_space<vmem>>, vector<1x16xf32>,
      %swap3A_2137 = vector.shape_cast %swap3A_2136 : vector<1x16xf32> to vector<16xf32>
      %swap3A_2138 = vector.shape_cast %add3A_2103 : vector<16xf32> to vector<1x16xf32>
      tpu.vector_store %arg8[%swap3A_2134, %swap3A_2135], %swap3A_2138 {strides = array<i32>} : memref<8x128xf32, #tpu.memory_space<vmem>>, vector<1x16xf32>,
      %swap3A_2139 = arith.constant 7 : i32
      %swap3A_2140 = arith.index_cast %swap3A_2139 : i32 to index
      %swap3A_2141 = arith.constant 80 : index
      %swap3A_2142 = tpu.vector_load %arg8[%swap3A_2140, %swap3A_2141] {strides = array<i32>} : memref<8x128xf32, #tpu.memory_space<vmem>>, vector<1x16xf32>,
      %swap3A_2143 = vector.shape_cast %swap3A_2142 : vector<1x16xf32> to vector<16xf32>
      %swap3A_2144 = vector.shape_cast %add3A_2132 : vector<16xf32> to vector<1x16xf32>
      tpu.vector_store %arg8[%swap3A_2140, %swap3A_2141], %swap3A_2144 {strides = array<i32>} : memref<8x128xf32, #tpu.memory_space<vmem>>, vector<1x16xf32>,
      %get3A_2145 = arith.constant 70 : i32
      %get3A_2146 = arith.index_cast %get3A_2145 : i32 to index
      %get3A_2147 = arith.constant 32 : index
      %get3A_2148 = tpu.vector_load %arg6[%get3A_2146, %get3A_2147] {strides = array<i32>} : memref<80x64xf32, #tpu.memory_space<vmem>>, vector<1x16xf32>,
      %get3A_2149 = vector.shape_cast %get3A_2148 : vector<1x16xf32> to vector<16xf32>
      %get3A_2150 = arith.constant 71 : i32
      %get3A_2151 = arith.index_cast %get3A_2150 : i32 to index
      %get3A_2152 = arith.constant 32 : index
      %get3A_2153 = tpu.vector_load %arg6[%get3A_2151, %get3A_2152] {strides = array<i32>} : memref<80x64xf32, #tpu.memory_space<vmem>>, vector<1x16xf32>,
      %get3A_2154 = vector.shape_cast %get3A_2153 : vector<1x16xf32> to vector<16xf32>
      %add3A_2155 = arith.addf %get3A_2149, %get3A_2154 : vector<16xf32>
      %get3A_2156 = arith.constant 72 : i32
      %get3A_2157 = arith.index_cast %get3A_2156 : i32 to index
      %get3A_2158 = arith.constant 32 : index
      %get3A_2159 = tpu.vector_load %arg6[%get3A_2157, %get3A_2158] {strides = array<i32>} : memref<80x64xf32, #tpu.memory_space<vmem>>, vector<1x16xf32>,
      %get3A_2160 = vector.shape_cast %get3A_2159 : vector<1x16xf32> to vector<16xf32>
      %add3A_2161 = arith.addf %add3A_2155, %get3A_2160 : vector<16xf32>
      %get3A_2162 = arith.constant 73 : i32
      %get3A_2163 = arith.index_cast %get3A_2162 : i32 to index
      %get3A_2164 = arith.constant 32 : index
      %get3A_2165 = tpu.vector_load %arg6[%get3A_2163, %get3A_2164] {strides = array<i32>} : memref<80x64xf32, #tpu.memory_space<vmem>>, vector<1x16xf32>,
      %get3A_2166 = vector.shape_cast %get3A_2165 : vector<1x16xf32> to vector<16xf32>
      %add3A_2167 = arith.addf %add3A_2161, %get3A_2166 : vector<16xf32>
      %get3A_2168 = arith.constant 74 : i32
      %get3A_2169 = arith.index_cast %get3A_2168 : i32 to index
      %get3A_2170 = arith.constant 32 : index
      %get3A_2171 = tpu.vector_load %arg6[%get3A_2169, %get3A_2170] {strides = array<i32>} : memref<80x64xf32, #tpu.memory_space<vmem>>, vector<1x16xf32>,
      %get3A_2172 = vector.shape_cast %get3A_2171 : vector<1x16xf32> to vector<16xf32>
      %add3A_2173 = arith.addf %add3A_2167, %get3A_2172 : vector<16xf32>
      %get3A_2174 = arith.constant 75 : i32
      %get3A_2175 = arith.index_cast %get3A_2174 : i32 to index
      %get3A_2176 = arith.constant 32 : index
      %get3A_2177 = tpu.vector_load %arg6[%get3A_2175, %get3A_2176] {strides = array<i32>} : memref<80x64xf32, #tpu.memory_space<vmem>>, vector<1x16xf32>,
      %get3A_2178 = vector.shape_cast %get3A_2177 : vector<1x16xf32> to vector<16xf32>
      %get3A_2179 = arith.constant 76 : i32
      %get3A_2180 = arith.index_cast %get3A_2179 : i32 to index
      %get3A_2181 = arith.constant 32 : index
      %get3A_2182 = tpu.vector_load %arg6[%get3A_2180, %get3A_2181] {strides = array<i32>} : memref<80x64xf32, #tpu.memory_space<vmem>>, vector<1x16xf32>,
      %get3A_2183 = vector.shape_cast %get3A_2182 : vector<1x16xf32> to vector<16xf32>
      %add3A_2184 = arith.addf %get3A_2178, %get3A_2183 : vector<16xf32>
      %get3A_2185 = arith.constant 77 : i32
      %get3A_2186 = arith.index_cast %get3A_2185 : i32 to index
      %get3A_2187 = arith.constant 32 : index
      %get3A_2188 = tpu.vector_load %arg6[%get3A_2186, %get3A_2187] {strides = array<i32>} : memref<80x64xf32, #tpu.memory_space<vmem>>, vector<1x16xf32>,
      %get3A_2189 = vector.shape_cast %get3A_2188 : vector<1x16xf32> to vector<16xf32>
      %add3A_2190 = arith.addf %add3A_2184, %get3A_2189 : vector<16xf32>
      %get3A_2191 = arith.constant 78 : i32
      %get3A_2192 = arith.index_cast %get3A_2191 : i32 to index
      %get3A_2193 = arith.constant 32 : index
      %get3A_2194 = tpu.vector_load %arg6[%get3A_2192, %get3A_2193] {strides = array<i32>} : memref<80x64xf32, #tpu.memory_space<vmem>>, vector<1x16xf32>,
      %get3A_2195 = vector.shape_cast %get3A_2194 : vector<1x16xf32> to vector<16xf32>
      %add3A_2196 = arith.addf %add3A_2190, %get3A_2195 : vector<16xf32>
      %get3A_2197 = arith.constant 79 : i32
      %get3A_2198 = arith.index_cast %get3A_2197 : i32 to index
      %get3A_2199 = arith.constant 32 : index
      %get3A_2200 = tpu.vector_load %arg6[%get3A_2198, %get3A_2199] {strides = array<i32>} : memref<80x64xf32, #tpu.memory_space<vmem>>, vector<1x16xf32>,
      %get3A_2201 = vector.shape_cast %get3A_2200 : vector<1x16xf32> to vector<16xf32>
      %add3A_2202 = arith.addf %add3A_2196, %get3A_2201 : vector<16xf32>
      %swap3A_2203 = arith.constant 7 : i32
      %swap3A_2204 = arith.index_cast %swap3A_2203 : i32 to index
      %swap3A_2205 = arith.constant 32 : index
      %swap3A_2206 = tpu.vector_load %arg8[%swap3A_2204, %swap3A_2205] {strides = array<i32>} : memref<8x128xf32, #tpu.memory_space<vmem>>, vector<1x16xf32>,
      %swap3A_2207 = vector.shape_cast %swap3A_2206 : vector<1x16xf32> to vector<16xf32>
      %swap3A_2208 = vector.shape_cast %add3A_2173 : vector<16xf32> to vector<1x16xf32>
      tpu.vector_store %arg8[%swap3A_2204, %swap3A_2205], %swap3A_2208 {strides = array<i32>} : memref<8x128xf32, #tpu.memory_space<vmem>>, vector<1x16xf32>,
      %swap3A_2209 = arith.constant 7 : i32
      %swap3A_2210 = arith.index_cast %swap3A_2209 : i32 to index
      %swap3A_2211 = arith.constant 96 : index
      %swap3A_2212 = tpu.vector_load %arg8[%swap3A_2210, %swap3A_2211] {strides = array<i32>} : memref<8x128xf32, #tpu.memory_space<vmem>>, vector<1x16xf32>,
      %swap3A_2213 = vector.shape_cast %swap3A_2212 : vector<1x16xf32> to vector<16xf32>
      %swap3A_2214 = vector.shape_cast %add3A_2202 : vector<16xf32> to vector<1x16xf32>
      tpu.vector_store %arg8[%swap3A_2210, %swap3A_2211], %swap3A_2214 {strides = array<i32>} : memref<8x128xf32, #tpu.memory_space<vmem>>, vector<1x16xf32>,
      %get3A_2215 = arith.constant 70 : i32
      %get3A_2216 = arith.index_cast %get3A_2215 : i32 to index
      %get3A_2217 = arith.constant 48 : index
      %get3A_2218 = tpu.vector_load %arg6[%get3A_2216, %get3A_2217] {strides = array<i32>} : memref<80x64xf32, #tpu.memory_space<vmem>>, vector<1x16xf32>,
      %get3A_2219 = vector.shape_cast %get3A_2218 : vector<1x16xf32> to vector<16xf32>
      %get3A_2220 = arith.constant 71 : i32
      %get3A_2221 = arith.index_cast %get3A_2220 : i32 to index
      %get3A_2222 = arith.constant 48 : index
      %get3A_2223 = tpu.vector_load %arg6[%get3A_2221, %get3A_2222] {strides = array<i32>} : memref<80x64xf32, #tpu.memory_space<vmem>>, vector<1x16xf32>,
      %get3A_2224 = vector.shape_cast %get3A_2223 : vector<1x16xf32> to vector<16xf32>
      %add3A_2225 = arith.addf %get3A_2219, %get3A_2224 : vector<16xf32>
      %get3A_2226 = arith.constant 72 : i32
      %get3A_2227 = arith.index_cast %get3A_2226 : i32 to index
      %get3A_2228 = arith.constant 48 : index
      %get3A_2229 = tpu.vector_load %arg6[%get3A_2227, %get3A_2228] {strides = array<i32>} : memref<80x64xf32, #tpu.memory_space<vmem>>, vector<1x16xf32>,
      %get3A_2230 = vector.shape_cast %get3A_2229 : vector<1x16xf32> to vector<16xf32>
      %add3A_2231 = arith.addf %add3A_2225, %get3A_2230 : vector<16xf32>
      %get3A_2232 = arith.constant 73 : i32
      %get3A_2233 = arith.index_cast %get3A_2232 : i32 to index
      %get3A_2234 = arith.constant 48 : index
      %get3A_2235 = tpu.vector_load %arg6[%get3A_2233, %get3A_2234] {strides = array<i32>} : memref<80x64xf32, #tpu.memory_space<vmem>>, vector<1x16xf32>,
      %get3A_2236 = vector.shape_cast %get3A_2235 : vector<1x16xf32> to vector<16xf32>
      %add3A_2237 = arith.addf %add3A_2231, %get3A_2236 : vector<16xf32>
      %get3A_2238 = arith.constant 74 : i32
      %get3A_2239 = arith.index_cast %get3A_2238 : i32 to index
      %get3A_2240 = arith.constant 48 : index
      %get3A_2241 = tpu.vector_load %arg6[%get3A_2239, %get3A_2240] {strides = array<i32>} : memref<80x64xf32, #tpu.memory_space<vmem>>, vector<1x16xf32>,
      %get3A_2242 = vector.shape_cast %get3A_2241 : vector<1x16xf32> to vector<16xf32>
      %add3A_2243 = arith.addf %add3A_2237, %get3A_2242 : vector<16xf32>
      %get3A_2244 = arith.constant 75 : i32
      %get3A_2245 = arith.index_cast %get3A_2244 : i32 to index
      %get3A_2246 = arith.constant 48 : index
      %get3A_2247 = tpu.vector_load %arg6[%get3A_2245, %get3A_2246] {strides = array<i32>} : memref<80x64xf32, #tpu.memory_space<vmem>>, vector<1x16xf32>,
      %get3A_2248 = vector.shape_cast %get3A_2247 : vector<1x16xf32> to vector<16xf32>
      %get3A_2249 = arith.constant 76 : i32
      %get3A_2250 = arith.index_cast %get3A_2249 : i32 to index
      %get3A_2251 = arith.constant 48 : index
      %get3A_2252 = tpu.vector_load %arg6[%get3A_2250, %get3A_2251] {strides = array<i32>} : memref<80x64xf32, #tpu.memory_space<vmem>>, vector<1x16xf32>,
      %get3A_2253 = vector.shape_cast %get3A_2252 : vector<1x16xf32> to vector<16xf32>
      %add3A_2254 = arith.addf %get3A_2248, %get3A_2253 : vector<16xf32>
      %get3A_2255 = arith.constant 77 : i32
      %get3A_2256 = arith.index_cast %get3A_2255 : i32 to index
      %get3A_2257 = arith.constant 48 : index
      %get3A_2258 = tpu.vector_load %arg6[%get3A_2256, %get3A_2257] {strides = array<i32>} : memref<80x64xf32, #tpu.memory_space<vmem>>, vector<1x16xf32>,
      %get3A_2259 = vector.shape_cast %get3A_2258 : vector<1x16xf32> to vector<16xf32>
      %add3A_2260 = arith.addf %add3A_2254, %get3A_2259 : vector<16xf32>
      %get3A_2261 = arith.constant 78 : i32
      %get3A_2262 = arith.index_cast %get3A_2261 : i32 to index
      %get3A_2263 = arith.constant 48 : index
      %get3A_2264 = tpu.vector_load %arg6[%get3A_2262, %get3A_2263] {strides = array<i32>} : memref<80x64xf32, #tpu.memory_space<vmem>>, vector<1x16xf32>,
      %get3A_2265 = vector.shape_cast %get3A_2264 : vector<1x16xf32> to vector<16xf32>
      %add3A_2266 = arith.addf %add3A_2260, %get3A_2265 : vector<16xf32>
      %get3A_2267 = arith.constant 79 : i32
      %get3A_2268 = arith.index_cast %get3A_2267 : i32 to index
      %get3A_2269 = arith.constant 48 : index
      %get3A_2270 = tpu.vector_load %arg6[%get3A_2268, %get3A_2269] {strides = array<i32>} : memref<80x64xf32, #tpu.memory_space<vmem>>, vector<1x16xf32>,
      %get3A_2271 = vector.shape_cast %get3A_2270 : vector<1x16xf32> to vector<16xf32>
      %add3A_2272 = arith.addf %add3A_2266, %get3A_2271 : vector<16xf32>
      %swap3A_2273 = arith.constant 7 : i32
      %swap3A_2274 = arith.index_cast %swap3A_2273 : i32 to index
      %swap3A_2275 = arith.constant 48 : index
      %swap3A_2276 = tpu.vector_load %arg8[%swap3A_2274, %swap3A_2275] {strides = array<i32>} : memref<8x128xf32, #tpu.memory_space<vmem>>, vector<1x16xf32>,
      %swap3A_2277 = vector.shape_cast %swap3A_2276 : vector<1x16xf32> to vector<16xf32>
      %swap3A_2278 = vector.shape_cast %add3A_2243 : vector<16xf32> to vector<1x16xf32>
      tpu.vector_store %arg8[%swap3A_2274, %swap3A_2275], %swap3A_2278 {strides = array<i32>} : memref<8x128xf32, #tpu.memory_space<vmem>>, vector<1x16xf32>,
      %swap3A_2279 = arith.constant 7 : i32
      %swap3A_2280 = arith.index_cast %swap3A_2279 : i32 to index
      %swap3A_2281 = arith.constant 112 : index
      %swap3A_2282 = tpu.vector_load %arg8[%swap3A_2280, %swap3A_2281] {strides = array<i32>} : memref<8x128xf32, #tpu.memory_space<vmem>>, vector<1x16xf32>,
      %swap3A_2283 = vector.shape_cast %swap3A_2282 : vector<1x16xf32> to vector<16xf32>
      %swap3A_2284 = vector.shape_cast %add3A_2272 : vector<16xf32> to vector<1x16xf32>
      tpu.vector_store %arg8[%swap3A_2280, %swap3A_2281], %swap3A_2284 {strides = array<i32>} : memref<8x128xf32, #tpu.memory_space<vmem>>, vector<1x16xf32>,
      %mul3A_2285 = arith.constant 8 : i32
      %mul3A_2286 = arith.muli %add3A_38, %mul3A_2285 : i32
      %add3A_2287 = arith.addi %mul3A_4, %mul3A_2286 : i32
      %dma_start3A_2288 = arith.constant 0 : i32
      %dma_start3A_2289 = tpu.memref_slice %arg4[%add3A_2287, %dma_start3A_2288] : memref<16384x128xf32, #tpu.memory_space<hbm>> -> memref<8x128xf32, #tpu.memory_space<hbm>>
      %dma_start3A_2290 = arith.constant 0 : i32
      %dma_start3A_2291 = tpu.memref_slice %arg4[%add3A_2287, %dma_start3A_2290] : memref<16384x128xf32, #tpu.memory_space<hbm>> -> memref<8x128xf32, #tpu.memory_space<hbm>>
      tpu.enqueue_dma source(%arg8 : memref<8x128xf32, #tpu.memory_space<vmem>>) target(%dma_start3A_2291 : memref<8x128xf32, #tpu.memory_space<hbm>>) target_semaphore(%arg12 : memref<!tpu.dma_semaphore, #tpu.memory_space<semaphore_mem>>)
      %add3A_2292 = arith.constant 2 : i32
      %add3A_2293 = arith.addi %add3A_38, %add3A_2292 : i32
      %lt3A = arith.constant 64 : i32
      %lt3A_2294 = arith.cmpi slt, %add3A_2293, %lt3A : i32
      %convert_element_type3A_2295 = arith.extui %lt3A_2294 : i1 to i32
      %cond3A_2296 = arith.constant 0 : i32
      %cond3A_2297 = arith.cmpi ne, %convert_element_type3A_2295, %cond3A_2296 : i32
      scf.if %cond3A_2297 {
        %add3A_4567 = arith.constant 2 : i32
        %add3A_4568 = arith.addi %add3A_38, %add3A_4567 : i32
        %dma_start3A_4569 = arith.constant 0 : i32
        %dma_start3A_4570 = tpu.memref_slice %arg5[%add3A_4568, %dma_start3A_4569] : memref<64x80xi32, #tpu.memory_space<vmem>> -> memref<1x80xi32, #tpu.memory_space<vmem>>
        %dma_start3A_4571 = tpu.memref_squeeze %dma_start3A_4570 : memref<1x80xi32, #tpu.memory_space<vmem>> -> memref<80xi32, #tpu.memory_space<vmem>>
        %dma_start3A_4572 = arith.constant 0 : i32
        %dma_start3A_4573 = arith.constant 0 : i32
        %dma_start3A_4574 = tpu.memref_slice %arg2[%dma_start3A_4572, %dma_start3A_4573] : memref<1000005x64xf32, #tpu.memory_space<hbm>> -> memref<1000005x64xf32, #tpu.memory_space<hbm>>
        tpu.enqueue_indirect_dma source(%dma_start3A_4574 : memref<1000005x64xf32, #tpu.memory_space<hbm>>) target(%arg6 : memref<80x64xf32, #tpu.memory_space<vmem>>) offsets(%dma_start3A_4571 : memref<80xi32, #tpu.memory_space<vmem>>) semaphore(%arg10 : memref<!tpu.dma_semaphore, #tpu.memory_space<semaphore_mem>>)
      } else {
      }
      %mul3A_2298 = arith.constant 2 : i32
      %mul3A_2299 = arith.muli %scan3A_34, %mul3A_2298 : i32
      %add3A_2300 = arith.constant 1 : i32
      %add3A_2301 = arith.addi %mul3A_2299, %add3A_2300 : i32
      %dma_wait3A_2302 = arith.constant 0 : i32
      %dma_wait3A_2303 = tpu.memref_slice %arg5[%add3A_2301, %dma_wait3A_2302] : memref<64x80xi32, #tpu.memory_space<vmem>> -> memref<1x80xi32, #tpu.memory_space<vmem>>
      %dma_wait3A_2304 = tpu.memref_squeeze %dma_wait3A_2303 : memref<1x80xi32, #tpu.memory_space<vmem>> -> memref<80xi32, #tpu.memory_space<vmem>>
      %dma_wait3A_2305 = arith.constant 0 : i32
      %dma_wait3A_2306 = arith.constant 0 : i32
      %dma_wait3A_2307 = tpu.memref_slice %arg2[%dma_wait3A_2305, %dma_wait3A_2306] : memref<1000005x64xf32, #tpu.memory_space<hbm>> -> memref<1000005x64xf32, #tpu.memory_space<hbm>>
      tpu.wait_indirect_dma semaphore(%arg11 : memref<!tpu.dma_semaphore, #tpu.memory_space<semaphore_mem>>) src(%dma_wait3A_2307 : memref<1000005x64xf32, #tpu.memory_space<hbm>>) dst(%arg7 : memref<80x64xf32, #tpu.memory_space<vmem>>)
      %ge3A_2308 = arith.constant 2 : i32
      %ge3A_2309 = arith.cmpi sge, %add3A_2301, %ge3A_2308 : i32
      %convert_element_type3A_2310 = arith.extui %ge3A_2309 : i1 to i32
      %cond3A_2311 = arith.constant 0 : i32
      %cond3A_2312 = arith.cmpi ne, %convert_element_type3A_2310, %cond3A_2311 : i32
      scf.if %cond3A_2312 {
        %mul3A_4567 = arith.constant 8 : i32
        %mul3A_4568 = arith.muli %add3A_2301, %mul3A_4567 : i32
        %add3A_4569 = arith.addi %mul3A_4, %mul3A_4568 : i32
        %dma_wait3A_4570 = arith.constant 0 : i32
        %dma_wait3A_4571 = tpu.memref_slice %arg4[%add3A_4569, %dma_wait3A_4570] : memref<16384x128xf32, #tpu.memory_space<hbm>> -> memref<8x128xf32, #tpu.memory_space<hbm>>
        %dma_wait3A_4572 = arith.constant 0 : i32
        %dma_wait3A_4573 = tpu.memref_slice %arg4[%add3A_4569, %dma_wait3A_4572] : memref<16384x128xf32, #tpu.memory_space<hbm>> -> memref<8x128xf32, #tpu.memory_space<hbm>>
        tpu.wait_dma2 semaphore(%arg13 : memref<!tpu.dma_semaphore, #tpu.memory_space<semaphore_mem>>) src(%arg9 : memref<8x128xf32, #tpu.memory_space<vmem>>) dst(%dma_wait3A_4573 : memref<8x128xf32, #tpu.memory_space<hbm>>)
      } else {
      }
      %get3A_2313 = arith.constant 0 : i32
      %get3A_2314 = arith.index_cast %get3A_2313 : i32 to index
      %get3A_2315 = arith.constant 0 : index
      %get3A_2316 = tpu.vector_load %arg7[%get3A_2314, %get3A_2315] {strides = array<i32>} : memref<80x64xf32, #tpu.memory_space<vmem>>, vector<1x16xf32>,
      %get3A_2317 = vector.shape_cast %get3A_2316 : vector<1x16xf32> to vector<16xf32>
      %get3A_2318 = arith.constant 1 : i32
      %get3A_2319 = arith.index_cast %get3A_2318 : i32 to index
      %get3A_2320 = arith.constant 0 : index
      %get3A_2321 = tpu.vector_load %arg7[%get3A_2319, %get3A_2320] {strides = array<i32>} : memref<80x64xf32, #tpu.memory_space<vmem>>, vector<1x16xf32>,
      %get3A_2322 = vector.shape_cast %get3A_2321 : vector<1x16xf32> to vector<16xf32>
      %add3A_2323 = arith.addf %get3A_2317, %get3A_2322 : vector<16xf32>
      %get3A_2324 = arith.constant 2 : i32
      %get3A_2325 = arith.index_cast %get3A_2324 : i32 to index
      %get3A_2326 = arith.constant 0 : index
      %get3A_2327 = tpu.vector_load %arg7[%get3A_2325, %get3A_2326] {strides = array<i32>} : memref<80x64xf32, #tpu.memory_space<vmem>>, vector<1x16xf32>,
      %get3A_2328 = vector.shape_cast %get3A_2327 : vector<1x16xf32> to vector<16xf32>
      %add3A_2329 = arith.addf %add3A_2323, %get3A_2328 : vector<16xf32>
      %get3A_2330 = arith.constant 3 : i32
      %get3A_2331 = arith.index_cast %get3A_2330 : i32 to index
      %get3A_2332 = arith.constant 0 : index
      %get3A_2333 = tpu.vector_load %arg7[%get3A_2331, %get3A_2332] {strides = array<i32>} : memref<80x64xf32, #tpu.memory_space<vmem>>, vector<1x16xf32>,
      %get3A_2334 = vector.shape_cast %get3A_2333 : vector<1x16xf32> to vector<16xf32>
      %add3A_2335 = arith.addf %add3A_2329, %get3A_2334 : vector<16xf32>
      %get3A_2336 = arith.constant 4 : i32
      %get3A_2337 = arith.index_cast %get3A_2336 : i32 to index
      %get3A_2338 = arith.constant 0 : index
      %get3A_2339 = tpu.vector_load %arg7[%get3A_2337, %get3A_2338] {strides = array<i32>} : memref<80x64xf32, #tpu.memory_space<vmem>>, vector<1x16xf32>,
      %get3A_2340 = vector.shape_cast %get3A_2339 : vector<1x16xf32> to vector<16xf32>
      %add3A_2341 = arith.addf %add3A_2335, %get3A_2340 : vector<16xf32>
      %get3A_2342 = arith.constant 5 : i32
      %get3A_2343 = arith.index_cast %get3A_2342 : i32 to index
      %get3A_2344 = arith.constant 0 : index
      %get3A_2345 = tpu.vector_load %arg7[%get3A_2343, %get3A_2344] {strides = array<i32>} : memref<80x64xf32, #tpu.memory_space<vmem>>, vector<1x16xf32>,
      %get3A_2346 = vector.shape_cast %get3A_2345 : vector<1x16xf32> to vector<16xf32>
      %get3A_2347 = arith.constant 6 : i32
      %get3A_2348 = arith.index_cast %get3A_2347 : i32 to index
      %get3A_2349 = arith.constant 0 : index
      %get3A_2350 = tpu.vector_load %arg7[%get3A_2348, %get3A_2349] {strides = array<i32>} : memref<80x64xf32, #tpu.memory_space<vmem>>, vector<1x16xf32>,
      %get3A_2351 = vector.shape_cast %get3A_2350 : vector<1x16xf32> to vector<16xf32>
      %add3A_2352 = arith.addf %get3A_2346, %get3A_2351 : vector<16xf32>
      %get3A_2353 = arith.constant 7 : i32
      %get3A_2354 = arith.index_cast %get3A_2353 : i32 to index
      %get3A_2355 = arith.constant 0 : index
      %get3A_2356 = tpu.vector_load %arg7[%get3A_2354, %get3A_2355] {strides = array<i32>} : memref<80x64xf32, #tpu.memory_space<vmem>>, vector<1x16xf32>,
      %get3A_2357 = vector.shape_cast %get3A_2356 : vector<1x16xf32> to vector<16xf32>
      %add3A_2358 = arith.addf %add3A_2352, %get3A_2357 : vector<16xf32>
      %get3A_2359 = arith.constant 8 : i32
      %get3A_2360 = arith.index_cast %get3A_2359 : i32 to index
      %get3A_2361 = arith.constant 0 : index
      %get3A_2362 = tpu.vector_load %arg7[%get3A_2360, %get3A_2361] {strides = array<i32>} : memref<80x64xf32, #tpu.memory_space<vmem>>, vector<1x16xf32>,
      %get3A_2363 = vector.shape_cast %get3A_2362 : vector<1x16xf32> to vector<16xf32>
      %add3A_2364 = arith.addf %add3A_2358, %get3A_2363 : vector<16xf32>
      %get3A_2365 = arith.constant 9 : i32
      %get3A_2366 = arith.index_cast %get3A_2365 : i32 to index
      %get3A_2367 = arith.constant 0 : index
      %get3A_2368 = tpu.vector_load %arg7[%get3A_2366, %get3A_2367] {strides = array<i32>} : memref<80x64xf32, #tpu.memory_space<vmem>>, vector<1x16xf32>,
      %get3A_2369 = vector.shape_cast %get3A_2368 : vector<1x16xf32> to vector<16xf32>
      %add3A_2370 = arith.addf %add3A_2364, %get3A_2369 : vector<16xf32>
      %swap3A_2371 = arith.constant 0 : i32
      %swap3A_2372 = arith.index_cast %swap3A_2371 : i32 to index
      %swap3A_2373 = arith.constant 0 : index
      %swap3A_2374 = tpu.vector_load %arg9[%swap3A_2372, %swap3A_2373] {strides = array<i32>} : memref<8x128xf32, #tpu.memory_space<vmem>>, vector<1x16xf32>,
      %swap3A_2375 = vector.shape_cast %swap3A_2374 : vector<1x16xf32> to vector<16xf32>
      %swap3A_2376 = vector.shape_cast %add3A_2341 : vector<16xf32> to vector<1x16xf32>
      tpu.vector_store %arg9[%swap3A_2372, %swap3A_2373], %swap3A_2376 {strides = array<i32>} : memref<8x128xf32, #tpu.memory_space<vmem>>, vector<1x16xf32>,
      %swap3A_2377 = arith.constant 0 : i32
      %swap3A_2378 = arith.index_cast %swap3A_2377 : i32 to index
      %swap3A_2379 = arith.constant 64 : index
      %swap3A_2380 = tpu.vector_load %arg9[%swap3A_2378, %swap3A_2379] {strides = array<i32>} : memref<8x128xf32, #tpu.memory_space<vmem>>, vector<1x16xf32>,
      %swap3A_2381 = vector.shape_cast %swap3A_2380 : vector<1x16xf32> to vector<16xf32>
      %swap3A_2382 = vector.shape_cast %add3A_2370 : vector<16xf32> to vector<1x16xf32>
      tpu.vector_store %arg9[%swap3A_2378, %swap3A_2379], %swap3A_2382 {strides = array<i32>} : memref<8x128xf32, #tpu.memory_space<vmem>>, vector<1x16xf32>,
      %get3A_2383 = arith.constant 0 : i32
      %get3A_2384 = arith.index_cast %get3A_2383 : i32 to index
      %get3A_2385 = arith.constant 16 : index
      %get3A_2386 = tpu.vector_load %arg7[%get3A_2384, %get3A_2385] {strides = array<i32>} : memref<80x64xf32, #tpu.memory_space<vmem>>, vector<1x16xf32>,
      %get3A_2387 = vector.shape_cast %get3A_2386 : vector<1x16xf32> to vector<16xf32>
      %get3A_2388 = arith.constant 1 : i32
      %get3A_2389 = arith.index_cast %get3A_2388 : i32 to index
      %get3A_2390 = arith.constant 16 : index
      %get3A_2391 = tpu.vector_load %arg7[%get3A_2389, %get3A_2390] {strides = array<i32>} : memref<80x64xf32, #tpu.memory_space<vmem>>, vector<1x16xf32>,
      %get3A_2392 = vector.shape_cast %get3A_2391 : vector<1x16xf32> to vector<16xf32>
      %add3A_2393 = arith.addf %get3A_2387, %get3A_2392 : vector<16xf32>
      %get3A_2394 = arith.constant 2 : i32
      %get3A_2395 = arith.index_cast %get3A_2394 : i32 to index
      %get3A_2396 = arith.constant 16 : index
      %get3A_2397 = tpu.vector_load %arg7[%get3A_2395, %get3A_2396] {strides = array<i32>} : memref<80x64xf32, #tpu.memory_space<vmem>>, vector<1x16xf32>,
      %get3A_2398 = vector.shape_cast %get3A_2397 : vector<1x16xf32> to vector<16xf32>
      %add3A_2399 = arith.addf %add3A_2393, %get3A_2398 : vector<16xf32>
      %get3A_2400 = arith.constant 3 : i32
      %get3A_2401 = arith.index_cast %get3A_2400 : i32 to index
      %get3A_2402 = arith.constant 16 : index
      %get3A_2403 = tpu.vector_load %arg7[%get3A_2401, %get3A_2402] {strides = array<i32>} : memref<80x64xf32, #tpu.memory_space<vmem>>, vector<1x16xf32>,
      %get3A_2404 = vector.shape_cast %get3A_2403 : vector<1x16xf32> to vector<16xf32>
      %add3A_2405 = arith.addf %add3A_2399, %get3A_2404 : vector<16xf32>
      %get3A_2406 = arith.constant 4 : i32
      %get3A_2407 = arith.index_cast %get3A_2406 : i32 to index
      %get3A_2408 = arith.constant 16 : index
      %get3A_2409 = tpu.vector_load %arg7[%get3A_2407, %get3A_2408] {strides = array<i32>} : memref<80x64xf32, #tpu.memory_space<vmem>>, vector<1x16xf32>,
      %get3A_2410 = vector.shape_cast %get3A_2409 : vector<1x16xf32> to vector<16xf32>
      %add3A_2411 = arith.addf %add3A_2405, %get3A_2410 : vector<16xf32>
      %get3A_2412 = arith.constant 5 : i32
      %get3A_2413 = arith.index_cast %get3A_2412 : i32 to index
      %get3A_2414 = arith.constant 16 : index
      %get3A_2415 = tpu.vector_load %arg7[%get3A_2413, %get3A_2414] {strides = array<i32>} : memref<80x64xf32, #tpu.memory_space<vmem>>, vector<1x16xf32>,
      %get3A_2416 = vector.shape_cast %get3A_2415 : vector<1x16xf32> to vector<16xf32>
      %get3A_2417 = arith.constant 6 : i32
      %get3A_2418 = arith.index_cast %get3A_2417 : i32 to index
      %get3A_2419 = arith.constant 16 : index
      %get3A_2420 = tpu.vector_load %arg7[%get3A_2418, %get3A_2419] {strides = array<i32>} : memref<80x64xf32, #tpu.memory_space<vmem>>, vector<1x16xf32>,
      %get3A_2421 = vector.shape_cast %get3A_2420 : vector<1x16xf32> to vector<16xf32>
      %add3A_2422 = arith.addf %get3A_2416, %get3A_2421 : vector<16xf32>
      %get3A_2423 = arith.constant 7 : i32
      %get3A_2424 = arith.index_cast %get3A_2423 : i32 to index
      %get3A_2425 = arith.constant 16 : index
      %get3A_2426 = tpu.vector_load %arg7[%get3A_2424, %get3A_2425] {strides = array<i32>} : memref<80x64xf32, #tpu.memory_space<vmem>>, vector<1x16xf32>,
      %get3A_2427 = vector.shape_cast %get3A_2426 : vector<1x16xf32> to vector<16xf32>
      %add3A_2428 = arith.addf %add3A_2422, %get3A_2427 : vector<16xf32>
      %get3A_2429 = arith.constant 8 : i32
      %get3A_2430 = arith.index_cast %get3A_2429 : i32 to index
      %get3A_2431 = arith.constant 16 : index
      %get3A_2432 = tpu.vector_load %arg7[%get3A_2430, %get3A_2431] {strides = array<i32>} : memref<80x64xf32, #tpu.memory_space<vmem>>, vector<1x16xf32>,
      %get3A_2433 = vector.shape_cast %get3A_2432 : vector<1x16xf32> to vector<16xf32>
      %add3A_2434 = arith.addf %add3A_2428, %get3A_2433 : vector<16xf32>
      %get3A_2435 = arith.constant 9 : i32
      %get3A_2436 = arith.index_cast %get3A_2435 : i32 to index
      %get3A_2437 = arith.constant 16 : index
      %get3A_2438 = tpu.vector_load %arg7[%get3A_2436, %get3A_2437] {strides = array<i32>} : memref<80x64xf32, #tpu.memory_space<vmem>>, vector<1x16xf32>,
      %get3A_2439 = vector.shape_cast %get3A_2438 : vector<1x16xf32> to vector<16xf32>
      %add3A_2440 = arith.addf %add3A_2434, %get3A_2439 : vector<16xf32>
      %swap3A_2441 = arith.constant 0 : i32
      %swap3A_2442 = arith.index_cast %swap3A_2441 : i32 to index
      %swap3A_2443 = arith.constant 16 : index
      %swap3A_2444 = tpu.vector_load %arg9[%swap3A_2442, %swap3A_2443] {strides = array<i32>} : memref<8x128xf32, #tpu.memory_space<vmem>>, vector<1x16xf32>,
      %swap3A_2445 = vector.shape_cast %swap3A_2444 : vector<1x16xf32> to vector<16xf32>
      %swap3A_2446 = vector.shape_cast %add3A_2411 : vector<16xf32> to vector<1x16xf32>
      tpu.vector_store %arg9[%swap3A_2442, %swap3A_2443], %swap3A_2446 {strides = array<i32>} : memref<8x128xf32, #tpu.memory_space<vmem>>, vector<1x16xf32>,
      %swap3A_2447 = arith.constant 0 : i32
      %swap3A_2448 = arith.index_cast %swap3A_2447 : i32 to index
      %swap3A_2449 = arith.constant 80 : index
      %swap3A_2450 = tpu.vector_load %arg9[%swap3A_2448, %swap3A_2449] {strides = array<i32>} : memref<8x128xf32, #tpu.memory_space<vmem>>, vector<1x16xf32>,
      %swap3A_2451 = vector.shape_cast %swap3A_2450 : vector<1x16xf32> to vector<16xf32>
      %swap3A_2452 = vector.shape_cast %add3A_2440 : vector<16xf32> to vector<1x16xf32>
      tpu.vector_store %arg9[%swap3A_2448, %swap3A_2449], %swap3A_2452 {strides = array<i32>} : memref<8x128xf32, #tpu.memory_space<vmem>>, vector<1x16xf32>,
      %get3A_2453 = arith.constant 0 : i32
      %get3A_2454 = arith.index_cast %get3A_2453 : i32 to index
      %get3A_2455 = arith.constant 32 : index
      %get3A_2456 = tpu.vector_load %arg7[%get3A_2454, %get3A_2455] {strides = array<i32>} : memref<80x64xf32, #tpu.memory_space<vmem>>, vector<1x16xf32>,
      %get3A_2457 = vector.shape_cast %get3A_2456 : vector<1x16xf32> to vector<16xf32>
      %get3A_2458 = arith.constant 1 : i32
      %get3A_2459 = arith.index_cast %get3A_2458 : i32 to index
      %get3A_2460 = arith.constant 32 : index
      %get3A_2461 = tpu.vector_load %arg7[%get3A_2459, %get3A_2460] {strides = array<i32>} : memref<80x64xf32, #tpu.memory_space<vmem>>, vector<1x16xf32>,
      %get3A_2462 = vector.shape_cast %get3A_2461 : vector<1x16xf32> to vector<16xf32>
      %add3A_2463 = arith.addf %get3A_2457, %get3A_2462 : vector<16xf32>
      %get3A_2464 = arith.constant 2 : i32
      %get3A_2465 = arith.index_cast %get3A_2464 : i32 to index
      %get3A_2466 = arith.constant 32 : index
      %get3A_2467 = tpu.vector_load %arg7[%get3A_2465, %get3A_2466] {strides = array<i32>} : memref<80x64xf32, #tpu.memory_space<vmem>>, vector<1x16xf32>,
      %get3A_2468 = vector.shape_cast %get3A_2467 : vector<1x16xf32> to vector<16xf32>
      %add3A_2469 = arith.addf %add3A_2463, %get3A_2468 : vector<16xf32>
      %get3A_2470 = arith.constant 3 : i32
      %get3A_2471 = arith.index_cast %get3A_2470 : i32 to index
      %get3A_2472 = arith.constant 32 : index
      %get3A_2473 = tpu.vector_load %arg7[%get3A_2471, %get3A_2472] {strides = array<i32>} : memref<80x64xf32, #tpu.memory_space<vmem>>, vector<1x16xf32>,
      %get3A_2474 = vector.shape_cast %get3A_2473 : vector<1x16xf32> to vector<16xf32>
      %add3A_2475 = arith.addf %add3A_2469, %get3A_2474 : vector<16xf32>
      %get3A_2476 = arith.constant 4 : i32
      %get3A_2477 = arith.index_cast %get3A_2476 : i32 to index
      %get3A_2478 = arith.constant 32 : index
      %get3A_2479 = tpu.vector_load %arg7[%get3A_2477, %get3A_2478] {strides = array<i32>} : memref<80x64xf32, #tpu.memory_space<vmem>>, vector<1x16xf32>,
      %get3A_2480 = vector.shape_cast %get3A_2479 : vector<1x16xf32> to vector<16xf32>
      %add3A_2481 = arith.addf %add3A_2475, %get3A_2480 : vector<16xf32>
      %get3A_2482 = arith.constant 5 : i32
      %get3A_2483 = arith.index_cast %get3A_2482 : i32 to index
      %get3A_2484 = arith.constant 32 : index
      %get3A_2485 = tpu.vector_load %arg7[%get3A_2483, %get3A_2484] {strides = array<i32>} : memref<80x64xf32, #tpu.memory_space<vmem>>, vector<1x16xf32>,
      %get3A_2486 = vector.shape_cast %get3A_2485 : vector<1x16xf32> to vector<16xf32>
      %get3A_2487 = arith.constant 6 : i32
      %get3A_2488 = arith.index_cast %get3A_2487 : i32 to index
      %get3A_2489 = arith.constant 32 : index
      %get3A_2490 = tpu.vector_load %arg7[%get3A_2488, %get3A_2489] {strides = array<i32>} : memref<80x64xf32, #tpu.memory_space<vmem>>, vector<1x16xf32>,
      %get3A_2491 = vector.shape_cast %get3A_2490 : vector<1x16xf32> to vector<16xf32>
      %add3A_2492 = arith.addf %get3A_2486, %get3A_2491 : vector<16xf32>
      %get3A_2493 = arith.constant 7 : i32
      %get3A_2494 = arith.index_cast %get3A_2493 : i32 to index
      %get3A_2495 = arith.constant 32 : index
      %get3A_2496 = tpu.vector_load %arg7[%get3A_2494, %get3A_2495] {strides = array<i32>} : memref<80x64xf32, #tpu.memory_space<vmem>>, vector<1x16xf32>,
      %get3A_2497 = vector.shape_cast %get3A_2496 : vector<1x16xf32> to vector<16xf32>
      %add3A_2498 = arith.addf %add3A_2492, %get3A_2497 : vector<16xf32>
      %get3A_2499 = arith.constant 8 : i32
      %get3A_2500 = arith.index_cast %get3A_2499 : i32 to index
      %get3A_2501 = arith.constant 32 : index
      %get3A_2502 = tpu.vector_load %arg7[%get3A_2500, %get3A_2501] {strides = array<i32>} : memref<80x64xf32, #tpu.memory_space<vmem>>, vector<1x16xf32>,
      %get3A_2503 = vector.shape_cast %get3A_2502 : vector<1x16xf32> to vector<16xf32>
      %add3A_2504 = arith.addf %add3A_2498, %get3A_2503 : vector<16xf32>
      %get3A_2505 = arith.constant 9 : i32
      %get3A_2506 = arith.index_cast %get3A_2505 : i32 to index
      %get3A_2507 = arith.constant 32 : index
      %get3A_2508 = tpu.vector_load %arg7[%get3A_2506, %get3A_2507] {strides = array<i32>} : memref<80x64xf32, #tpu.memory_space<vmem>>, vector<1x16xf32>,
      %get3A_2509 = vector.shape_cast %get3A_2508 : vector<1x16xf32> to vector<16xf32>
      %add3A_2510 = arith.addf %add3A_2504, %get3A_2509 : vector<16xf32>
      %swap3A_2511 = arith.constant 0 : i32
      %swap3A_2512 = arith.index_cast %swap3A_2511 : i32 to index
      %swap3A_2513 = arith.constant 32 : index
      %swap3A_2514 = tpu.vector_load %arg9[%swap3A_2512, %swap3A_2513] {strides = array<i32>} : memref<8x128xf32, #tpu.memory_space<vmem>>, vector<1x16xf32>,
      %swap3A_2515 = vector.shape_cast %swap3A_2514 : vector<1x16xf32> to vector<16xf32>
      %swap3A_2516 = vector.shape_cast %add3A_2481 : vector<16xf32> to vector<1x16xf32>
      tpu.vector_store %arg9[%swap3A_2512, %swap3A_2513], %swap3A_2516 {strides = array<i32>} : memref<8x128xf32, #tpu.memory_space<vmem>>, vector<1x16xf32>,
      %swap3A_2517 = arith.constant 0 : i32
      %swap3A_2518 = arith.index_cast %swap3A_2517 : i32 to index
      %swap3A_2519 = arith.constant 96 : index
      %swap3A_2520 = tpu.vector_load %arg9[%swap3A_2518, %swap3A_2519] {strides = array<i32>} : memref<8x128xf32, #tpu.memory_space<vmem>>, vector<1x16xf32>,
      %swap3A_2521 = vector.shape_cast %swap3A_2520 : vector<1x16xf32> to vector<16xf32>
      %swap3A_2522 = vector.shape_cast %add3A_2510 : vector<16xf32> to vector<1x16xf32>
      tpu.vector_store %arg9[%swap3A_2518, %swap3A_2519], %swap3A_2522 {strides = array<i32>} : memref<8x128xf32, #tpu.memory_space<vmem>>, vector<1x16xf32>,
      %get3A_2523 = arith.constant 0 : i32
      %get3A_2524 = arith.index_cast %get3A_2523 : i32 to index
      %get3A_2525 = arith.constant 48 : index
      %get3A_2526 = tpu.vector_load %arg7[%get3A_2524, %get3A_2525] {strides = array<i32>} : memref<80x64xf32, #tpu.memory_space<vmem>>, vector<1x16xf32>,
      %get3A_2527 = vector.shape_cast %get3A_2526 : vector<1x16xf32> to vector<16xf32>
      %get3A_2528 = arith.constant 1 : i32
      %get3A_2529 = arith.index_cast %get3A_2528 : i32 to index
      %get3A_2530 = arith.constant 48 : index
      %get3A_2531 = tpu.vector_load %arg7[%get3A_2529, %get3A_2530] {strides = array<i32>} : memref<80x64xf32, #tpu.memory_space<vmem>>, vector<1x16xf32>,
      %get3A_2532 = vector.shape_cast %get3A_2531 : vector<1x16xf32> to vector<16xf32>
      %add3A_2533 = arith.addf %get3A_2527, %get3A_2532 : vector<16xf32>
      %get3A_2534 = arith.constant 2 : i32
      %get3A_2535 = arith.index_cast %get3A_2534 : i32 to index
      %get3A_2536 = arith.constant 48 : index
      %get3A_2537 = tpu.vector_load %arg7[%get3A_2535, %get3A_2536] {strides = array<i32>} : memref<80x64xf32, #tpu.memory_space<vmem>>, vector<1x16xf32>,
      %get3A_2538 = vector.shape_cast %get3A_2537 : vector<1x16xf32> to vector<16xf32>
      %add3A_2539 = arith.addf %add3A_2533, %get3A_2538 : vector<16xf32>
      %get3A_2540 = arith.constant 3 : i32
      %get3A_2541 = arith.index_cast %get3A_2540 : i32 to index
      %get3A_2542 = arith.constant 48 : index
      %get3A_2543 = tpu.vector_load %arg7[%get3A_2541, %get3A_2542] {strides = array<i32>} : memref<80x64xf32, #tpu.memory_space<vmem>>, vector<1x16xf32>,
      %get3A_2544 = vector.shape_cast %get3A_2543 : vector<1x16xf32> to vector<16xf32>
      %add3A_2545 = arith.addf %add3A_2539, %get3A_2544 : vector<16xf32>
      %get3A_2546 = arith.constant 4 : i32
      %get3A_2547 = arith.index_cast %get3A_2546 : i32 to index
      %get3A_2548 = arith.constant 48 : index
      %get3A_2549 = tpu.vector_load %arg7[%get3A_2547, %get3A_2548] {strides = array<i32>} : memref<80x64xf32, #tpu.memory_space<vmem>>, vector<1x16xf32>,
      %get3A_2550 = vector.shape_cast %get3A_2549 : vector<1x16xf32> to vector<16xf32>
      %add3A_2551 = arith.addf %add3A_2545, %get3A_2550 : vector<16xf32>
      %get3A_2552 = arith.constant 5 : i32
      %get3A_2553 = arith.index_cast %get3A_2552 : i32 to index
      %get3A_2554 = arith.constant 48 : index
      %get3A_2555 = tpu.vector_load %arg7[%get3A_2553, %get3A_2554] {strides = array<i32>} : memref<80x64xf32, #tpu.memory_space<vmem>>, vector<1x16xf32>,
      %get3A_2556 = vector.shape_cast %get3A_2555 : vector<1x16xf32> to vector<16xf32>
      %get3A_2557 = arith.constant 6 : i32
      %get3A_2558 = arith.index_cast %get3A_2557 : i32 to index
      %get3A_2559 = arith.constant 48 : index
      %get3A_2560 = tpu.vector_load %arg7[%get3A_2558, %get3A_2559] {strides = array<i32>} : memref<80x64xf32, #tpu.memory_space<vmem>>, vector<1x16xf32>,
      %get3A_2561 = vector.shape_cast %get3A_2560 : vector<1x16xf32> to vector<16xf32>
      %add3A_2562 = arith.addf %get3A_2556, %get3A_2561 : vector<16xf32>
      %get3A_2563 = arith.constant 7 : i32
      %get3A_2564 = arith.index_cast %get3A_2563 : i32 to index
      %get3A_2565 = arith.constant 48 : index
      %get3A_2566 = tpu.vector_load %arg7[%get3A_2564, %get3A_2565] {strides = array<i32>} : memref<80x64xf32, #tpu.memory_space<vmem>>, vector<1x16xf32>,
      %get3A_2567 = vector.shape_cast %get3A_2566 : vector<1x16xf32> to vector<16xf32>
      %add3A_2568 = arith.addf %add3A_2562, %get3A_2567 : vector<16xf32>
      %get3A_2569 = arith.constant 8 : i32
      %get3A_2570 = arith.index_cast %get3A_2569 : i32 to index
      %get3A_2571 = arith.constant 48 : index
      %get3A_2572 = tpu.vector_load %arg7[%get3A_2570, %get3A_2571] {strides = array<i32>} : memref<80x64xf32, #tpu.memory_space<vmem>>, vector<1x16xf32>,
      %get3A_2573 = vector.shape_cast %get3A_2572 : vector<1x16xf32> to vector<16xf32>
      %add3A_2574 = arith.addf %add3A_2568, %get3A_2573 : vector<16xf32>
      %get3A_2575 = arith.constant 9 : i32
      %get3A_2576 = arith.index_cast %get3A_2575 : i32 to index
      %get3A_2577 = arith.constant 48 : index
      %get3A_2578 = tpu.vector_load %arg7[%get3A_2576, %get3A_2577] {strides = array<i32>} : memref<80x64xf32, #tpu.memory_space<vmem>>, vector<1x16xf32>,
      %get3A_2579 = vector.shape_cast %get3A_2578 : vector<1x16xf32> to vector<16xf32>
      %add3A_2580 = arith.addf %add3A_2574, %get3A_2579 : vector<16xf32>
      %swap3A_2581 = arith.constant 0 : i32
      %swap3A_2582 = arith.index_cast %swap3A_2581 : i32 to index
      %swap3A_2583 = arith.constant 48 : index
      %swap3A_2584 = tpu.vector_load %arg9[%swap3A_2582, %swap3A_2583] {strides = array<i32>} : memref<8x128xf32, #tpu.memory_space<vmem>>, vector<1x16xf32>,
      %swap3A_2585 = vector.shape_cast %swap3A_2584 : vector<1x16xf32> to vector<16xf32>
      %swap3A_2586 = vector.shape_cast %add3A_2551 : vector<16xf32> to vector<1x16xf32>
      tpu.vector_store %arg9[%swap3A_2582, %swap3A_2583], %swap3A_2586 {strides = array<i32>} : memref<8x128xf32, #tpu.memory_space<vmem>>, vector<1x16xf32>,
      %swap3A_2587 = arith.constant 0 : i32
      %swap3A_2588 = arith.index_cast %swap3A_2587 : i32 to index
      %swap3A_2589 = arith.constant 112 : index
      %swap3A_2590 = tpu.vector_load %arg9[%swap3A_2588, %swap3A_2589] {strides = array<i32>} : memref<8x128xf32, #tpu.memory_space<vmem>>, vector<1x16xf32>,
      %swap3A_2591 = vector.shape_cast %swap3A_2590 : vector<1x16xf32> to vector<16xf32>
      %swap3A_2592 = vector.shape_cast %add3A_2580 : vector<16xf32> to vector<1x16xf32>
      tpu.vector_store %arg9[%swap3A_2588, %swap3A_2589], %swap3A_2592 {strides = array<i32>} : memref<8x128xf32, #tpu.memory_space<vmem>>, vector<1x16xf32>,
      %get3A_2593 = arith.constant 10 : i32
      %get3A_2594 = arith.index_cast %get3A_2593 : i32 to index
      %get3A_2595 = arith.constant 0 : index
      %get3A_2596 = tpu.vector_load %arg7[%get3A_2594, %get3A_2595] {strides = array<i32>} : memref<80x64xf32, #tpu.memory_space<vmem>>, vector<1x16xf32>,
      %get3A_2597 = vector.shape_cast %get3A_2596 : vector<1x16xf32> to vector<16xf32>
      %get3A_2598 = arith.constant 11 : i32
      %get3A_2599 = arith.index_cast %get3A_2598 : i32 to index
      %get3A_2600 = arith.constant 0 : index
      %get3A_2601 = tpu.vector_load %arg7[%get3A_2599, %get3A_2600] {strides = array<i32>} : memref<80x64xf32, #tpu.memory_space<vmem>>, vector<1x16xf32>,
      %get3A_2602 = vector.shape_cast %get3A_2601 : vector<1x16xf32> to vector<16xf32>
      %add3A_2603 = arith.addf %get3A_2597, %get3A_2602 : vector<16xf32>
      %get3A_2604 = arith.constant 12 : i32
      %get3A_2605 = arith.index_cast %get3A_2604 : i32 to index
      %get3A_2606 = arith.constant 0 : index
      %get3A_2607 = tpu.vector_load %arg7[%get3A_2605, %get3A_2606] {strides = array<i32>} : memref<80x64xf32, #tpu.memory_space<vmem>>, vector<1x16xf32>,
      %get3A_2608 = vector.shape_cast %get3A_2607 : vector<1x16xf32> to vector<16xf32>
      %add3A_2609 = arith.addf %add3A_2603, %get3A_2608 : vector<16xf32>
      %get3A_2610 = arith.constant 13 : i32
      %get3A_2611 = arith.index_cast %get3A_2610 : i32 to index
      %get3A_2612 = arith.constant 0 : index
      %get3A_2613 = tpu.vector_load %arg7[%get3A_2611, %get3A_2612] {strides = array<i32>} : memref<80x64xf32, #tpu.memory_space<vmem>>, vector<1x16xf32>,
      %get3A_2614 = vector.shape_cast %get3A_2613 : vector<1x16xf32> to vector<16xf32>
      %add3A_2615 = arith.addf %add3A_2609, %get3A_2614 : vector<16xf32>
      %get3A_2616 = arith.constant 14 : i32
      %get3A_2617 = arith.index_cast %get3A_2616 : i32 to index
      %get3A_2618 = arith.constant 0 : index
      %get3A_2619 = tpu.vector_load %arg7[%get3A_2617, %get3A_2618] {strides = array<i32>} : memref<80x64xf32, #tpu.memory_space<vmem>>, vector<1x16xf32>,
      %get3A_2620 = vector.shape_cast %get3A_2619 : vector<1x16xf32> to vector<16xf32>
      %add3A_2621 = arith.addf %add3A_2615, %get3A_2620 : vector<16xf32>
      %get3A_2622 = arith.constant 15 : i32
      %get3A_2623 = arith.index_cast %get3A_2622 : i32 to index
      %get3A_2624 = arith.constant 0 : index
      %get3A_2625 = tpu.vector_load %arg7[%get3A_2623, %get3A_2624] {strides = array<i32>} : memref<80x64xf32, #tpu.memory_space<vmem>>, vector<1x16xf32>,
      %get3A_2626 = vector.shape_cast %get3A_2625 : vector<1x16xf32> to vector<16xf32>
      %get3A_2627 = arith.constant 16 : i32
      %get3A_2628 = arith.index_cast %get3A_2627 : i32 to index
      %get3A_2629 = arith.constant 0 : index
      %get3A_2630 = tpu.vector_load %arg7[%get3A_2628, %get3A_2629] {strides = array<i32>} : memref<80x64xf32, #tpu.memory_space<vmem>>, vector<1x16xf32>,
      %get3A_2631 = vector.shape_cast %get3A_2630 : vector<1x16xf32> to vector<16xf32>
      %add3A_2632 = arith.addf %get3A_2626, %get3A_2631 : vector<16xf32>
      %get3A_2633 = arith.constant 17 : i32
      %get3A_2634 = arith.index_cast %get3A_2633 : i32 to index
      %get3A_2635 = arith.constant 0 : index
      %get3A_2636 = tpu.vector_load %arg7[%get3A_2634, %get3A_2635] {strides = array<i32>} : memref<80x64xf32, #tpu.memory_space<vmem>>, vector<1x16xf32>,
      %get3A_2637 = vector.shape_cast %get3A_2636 : vector<1x16xf32> to vector<16xf32>
      %add3A_2638 = arith.addf %add3A_2632, %get3A_2637 : vector<16xf32>
      %get3A_2639 = arith.constant 18 : i32
      %get3A_2640 = arith.index_cast %get3A_2639 : i32 to index
      %get3A_2641 = arith.constant 0 : index
      %get3A_2642 = tpu.vector_load %arg7[%get3A_2640, %get3A_2641] {strides = array<i32>} : memref<80x64xf32, #tpu.memory_space<vmem>>, vector<1x16xf32>,
      %get3A_2643 = vector.shape_cast %get3A_2642 : vector<1x16xf32> to vector<16xf32>
      %add3A_2644 = arith.addf %add3A_2638, %get3A_2643 : vector<16xf32>
      %get3A_2645 = arith.constant 19 : i32
      %get3A_2646 = arith.index_cast %get3A_2645 : i32 to index
      %get3A_2647 = arith.constant 0 : index
      %get3A_2648 = tpu.vector_load %arg7[%get3A_2646, %get3A_2647] {strides = array<i32>} : memref<80x64xf32, #tpu.memory_space<vmem>>, vector<1x16xf32>,
      %get3A_2649 = vector.shape_cast %get3A_2648 : vector<1x16xf32> to vector<16xf32>
      %add3A_2650 = arith.addf %add3A_2644, %get3A_2649 : vector<16xf32>
      %swap3A_2651 = arith.constant 1 : i32
      %swap3A_2652 = arith.index_cast %swap3A_2651 : i32 to index
      %swap3A_2653 = arith.constant 0 : index
      %swap3A_2654 = tpu.vector_load %arg9[%swap3A_2652, %swap3A_2653] {strides = array<i32>} : memref<8x128xf32, #tpu.memory_space<vmem>>, vector<1x16xf32>,
      %swap3A_2655 = vector.shape_cast %swap3A_2654 : vector<1x16xf32> to vector<16xf32>
      %swap3A_2656 = vector.shape_cast %add3A_2621 : vector<16xf32> to vector<1x16xf32>
      tpu.vector_store %arg9[%swap3A_2652, %swap3A_2653], %swap3A_2656 {strides = array<i32>} : memref<8x128xf32, #tpu.memory_space<vmem>>, vector<1x16xf32>,
      %swap3A_2657 = arith.constant 1 : i32
      %swap3A_2658 = arith.index_cast %swap3A_2657 : i32 to index
      %swap3A_2659 = arith.constant 64 : index
      %swap3A_2660 = tpu.vector_load %arg9[%swap3A_2658, %swap3A_2659] {strides = array<i32>} : memref<8x128xf32, #tpu.memory_space<vmem>>, vector<1x16xf32>,
      %swap3A_2661 = vector.shape_cast %swap3A_2660 : vector<1x16xf32> to vector<16xf32>
      %swap3A_2662 = vector.shape_cast %add3A_2650 : vector<16xf32> to vector<1x16xf32>
      tpu.vector_store %arg9[%swap3A_2658, %swap3A_2659], %swap3A_2662 {strides = array<i32>} : memref<8x128xf32, #tpu.memory_space<vmem>>, vector<1x16xf32>,
      %get3A_2663 = arith.constant 10 : i32
      %get3A_2664 = arith.index_cast %get3A_2663 : i32 to index
      %get3A_2665 = arith.constant 16 : index
      %get3A_2666 = tpu.vector_load %arg7[%get3A_2664, %get3A_2665] {strides = array<i32>} : memref<80x64xf32, #tpu.memory_space<vmem>>, vector<1x16xf32>,
      %get3A_2667 = vector.shape_cast %get3A_2666 : vector<1x16xf32> to vector<16xf32>
      %get3A_2668 = arith.constant 11 : i32
      %get3A_2669 = arith.index_cast %get3A_2668 : i32 to index
      %get3A_2670 = arith.constant 16 : index
      %get3A_2671 = tpu.vector_load %arg7[%get3A_2669, %get3A_2670] {strides = array<i32>} : memref<80x64xf32, #tpu.memory_space<vmem>>, vector<1x16xf32>,
      %get3A_2672 = vector.shape_cast %get3A_2671 : vector<1x16xf32> to vector<16xf32>
      %add3A_2673 = arith.addf %get3A_2667, %get3A_2672 : vector<16xf32>
      %get3A_2674 = arith.constant 12 : i32
      %get3A_2675 = arith.index_cast %get3A_2674 : i32 to index
      %get3A_2676 = arith.constant 16 : index
      %get3A_2677 = tpu.vector_load %arg7[%get3A_2675, %get3A_2676] {strides = array<i32>} : memref<80x64xf32, #tpu.memory_space<vmem>>, vector<1x16xf32>,
      %get3A_2678 = vector.shape_cast %get3A_2677 : vector<1x16xf32> to vector<16xf32>
      %add3A_2679 = arith.addf %add3A_2673, %get3A_2678 : vector<16xf32>
      %get3A_2680 = arith.constant 13 : i32
      %get3A_2681 = arith.index_cast %get3A_2680 : i32 to index
      %get3A_2682 = arith.constant 16 : index
      %get3A_2683 = tpu.vector_load %arg7[%get3A_2681, %get3A_2682] {strides = array<i32>} : memref<80x64xf32, #tpu.memory_space<vmem>>, vector<1x16xf32>,
      %get3A_2684 = vector.shape_cast %get3A_2683 : vector<1x16xf32> to vector<16xf32>
      %add3A_2685 = arith.addf %add3A_2679, %get3A_2684 : vector<16xf32>
      %get3A_2686 = arith.constant 14 : i32
      %get3A_2687 = arith.index_cast %get3A_2686 : i32 to index
      %get3A_2688 = arith.constant 16 : index
      %get3A_2689 = tpu.vector_load %arg7[%get3A_2687, %get3A_2688] {strides = array<i32>} : memref<80x64xf32, #tpu.memory_space<vmem>>, vector<1x16xf32>,
      %get3A_2690 = vector.shape_cast %get3A_2689 : vector<1x16xf32> to vector<16xf32>
      %add3A_2691 = arith.addf %add3A_2685, %get3A_2690 : vector<16xf32>
      %get3A_2692 = arith.constant 15 : i32
      %get3A_2693 = arith.index_cast %get3A_2692 : i32 to index
      %get3A_2694 = arith.constant 16 : index
      %get3A_2695 = tpu.vector_load %arg7[%get3A_2693, %get3A_2694] {strides = array<i32>} : memref<80x64xf32, #tpu.memory_space<vmem>>, vector<1x16xf32>,
      %get3A_2696 = vector.shape_cast %get3A_2695 : vector<1x16xf32> to vector<16xf32>
      %get3A_2697 = arith.constant 16 : i32
      %get3A_2698 = arith.index_cast %get3A_2697 : i32 to index
      %get3A_2699 = arith.constant 16 : index
      %get3A_2700 = tpu.vector_load %arg7[%get3A_2698, %get3A_2699] {strides = array<i32>} : memref<80x64xf32, #tpu.memory_space<vmem>>, vector<1x16xf32>,
      %get3A_2701 = vector.shape_cast %get3A_2700 : vector<1x16xf32> to vector<16xf32>
      %add3A_2702 = arith.addf %get3A_2696, %get3A_2701 : vector<16xf32>
      %get3A_2703 = arith.constant 17 : i32
      %get3A_2704 = arith.index_cast %get3A_2703 : i32 to index
      %get3A_2705 = arith.constant 16 : index
      %get3A_2706 = tpu.vector_load %arg7[%get3A_2704, %get3A_2705] {strides = array<i32>} : memref<80x64xf32, #tpu.memory_space<vmem>>, vector<1x16xf32>,
      %get3A_2707 = vector.shape_cast %get3A_2706 : vector<1x16xf32> to vector<16xf32>
      %add3A_2708 = arith.addf %add3A_2702, %get3A_2707 : vector<16xf32>
      %get3A_2709 = arith.constant 18 : i32
      %get3A_2710 = arith.index_cast %get3A_2709 : i32 to index
      %get3A_2711 = arith.constant 16 : index
      %get3A_2712 = tpu.vector_load %arg7[%get3A_2710, %get3A_2711] {strides = array<i32>} : memref<80x64xf32, #tpu.memory_space<vmem>>, vector<1x16xf32>,
      %get3A_2713 = vector.shape_cast %get3A_2712 : vector<1x16xf32> to vector<16xf32>
      %add3A_2714 = arith.addf %add3A_2708, %get3A_2713 : vector<16xf32>
      %get3A_2715 = arith.constant 19 : i32
      %get3A_2716 = arith.index_cast %get3A_2715 : i32 to index
      %get3A_2717 = arith.constant 16 : index
      %get3A_2718 = tpu.vector_load %arg7[%get3A_2716, %get3A_2717] {strides = array<i32>} : memref<80x64xf32, #tpu.memory_space<vmem>>, vector<1x16xf32>,
      %get3A_2719 = vector.shape_cast %get3A_2718 : vector<1x16xf32> to vector<16xf32>
      %add3A_2720 = arith.addf %add3A_2714, %get3A_2719 : vector<16xf32>
      %swap3A_2721 = arith.constant 1 : i32
      %swap3A_2722 = arith.index_cast %swap3A_2721 : i32 to index
      %swap3A_2723 = arith.constant 16 : index
      %swap3A_2724 = tpu.vector_load %arg9[%swap3A_2722, %swap3A_2723] {strides = array<i32>} : memref<8x128xf32, #tpu.memory_space<vmem>>, vector<1x16xf32>,
      %swap3A_2725 = vector.shape_cast %swap3A_2724 : vector<1x16xf32> to vector<16xf32>
      %swap3A_2726 = vector.shape_cast %add3A_2691 : vector<16xf32> to vector<1x16xf32>
      tpu.vector_store %arg9[%swap3A_2722, %swap3A_2723], %swap3A_2726 {strides = array<i32>} : memref<8x128xf32, #tpu.memory_space<vmem>>, vector<1x16xf32>,
      %swap3A_2727 = arith.constant 1 : i32
      %swap3A_2728 = arith.index_cast %swap3A_2727 : i32 to index
      %swap3A_2729 = arith.constant 80 : index
      %swap3A_2730 = tpu.vector_load %arg9[%swap3A_2728, %swap3A_2729] {strides = array<i32>} : memref<8x128xf32, #tpu.memory_space<vmem>>, vector<1x16xf32>,
      %swap3A_2731 = vector.shape_cast %swap3A_2730 : vector<1x16xf32> to vector<16xf32>
      %swap3A_2732 = vector.shape_cast %add3A_2720 : vector<16xf32> to vector<1x16xf32>
      tpu.vector_store %arg9[%swap3A_2728, %swap3A_2729], %swap3A_2732 {strides = array<i32>} : memref<8x128xf32, #tpu.memory_space<vmem>>, vector<1x16xf32>,
      %get3A_2733 = arith.constant 10 : i32
      %get3A_2734 = arith.index_cast %get3A_2733 : i32 to index
      %get3A_2735 = arith.constant 32 : index
      %get3A_2736 = tpu.vector_load %arg7[%get3A_2734, %get3A_2735] {strides = array<i32>} : memref<80x64xf32, #tpu.memory_space<vmem>>, vector<1x16xf32>,
      %get3A_2737 = vector.shape_cast %get3A_2736 : vector<1x16xf32> to vector<16xf32>
      %get3A_2738 = arith.constant 11 : i32
      %get3A_2739 = arith.index_cast %get3A_2738 : i32 to index
      %get3A_2740 = arith.constant 32 : index
      %get3A_2741 = tpu.vector_load %arg7[%get3A_2739, %get3A_2740] {strides = array<i32>} : memref<80x64xf32, #tpu.memory_space<vmem>>, vector<1x16xf32>,
      %get3A_2742 = vector.shape_cast %get3A_2741 : vector<1x16xf32> to vector<16xf32>
      %add3A_2743 = arith.addf %get3A_2737, %get3A_2742 : vector<16xf32>
      %get3A_2744 = arith.constant 12 : i32
      %get3A_2745 = arith.index_cast %get3A_2744 : i32 to index
      %get3A_2746 = arith.constant 32 : index
      %get3A_2747 = tpu.vector_load %arg7[%get3A_2745, %get3A_2746] {strides = array<i32>} : memref<80x64xf32, #tpu.memory_space<vmem>>, vector<1x16xf32>,
      %get3A_2748 = vector.shape_cast %get3A_2747 : vector<1x16xf32> to vector<16xf32>
      %add3A_2749 = arith.addf %add3A_2743, %get3A_2748 : vector<16xf32>
      %get3A_2750 = arith.constant 13 : i32
      %get3A_2751 = arith.index_cast %get3A_2750 : i32 to index
      %get3A_2752 = arith.constant 32 : index
      %get3A_2753 = tpu.vector_load %arg7[%get3A_2751, %get3A_2752] {strides = array<i32>} : memref<80x64xf32, #tpu.memory_space<vmem>>, vector<1x16xf32>,
      %get3A_2754 = vector.shape_cast %get3A_2753 : vector<1x16xf32> to vector<16xf32>
      %add3A_2755 = arith.addf %add3A_2749, %get3A_2754 : vector<16xf32>
      %get3A_2756 = arith.constant 14 : i32
      %get3A_2757 = arith.index_cast %get3A_2756 : i32 to index
      %get3A_2758 = arith.constant 32 : index
      %get3A_2759 = tpu.vector_load %arg7[%get3A_2757, %get3A_2758] {strides = array<i32>} : memref<80x64xf32, #tpu.memory_space<vmem>>, vector<1x16xf32>,
      %get3A_2760 = vector.shape_cast %get3A_2759 : vector<1x16xf32> to vector<16xf32>
      %add3A_2761 = arith.addf %add3A_2755, %get3A_2760 : vector<16xf32>
      %get3A_2762 = arith.constant 15 : i32
      %get3A_2763 = arith.index_cast %get3A_2762 : i32 to index
      %get3A_2764 = arith.constant 32 : index
      %get3A_2765 = tpu.vector_load %arg7[%get3A_2763, %get3A_2764] {strides = array<i32>} : memref<80x64xf32, #tpu.memory_space<vmem>>, vector<1x16xf32>,
      %get3A_2766 = vector.shape_cast %get3A_2765 : vector<1x16xf32> to vector<16xf32>
      %get3A_2767 = arith.constant 16 : i32
      %get3A_2768 = arith.index_cast %get3A_2767 : i32 to index
      %get3A_2769 = arith.constant 32 : index
      %get3A_2770 = tpu.vector_load %arg7[%get3A_2768, %get3A_2769] {strides = array<i32>} : memref<80x64xf32, #tpu.memory_space<vmem>>, vector<1x16xf32>,
      %get3A_2771 = vector.shape_cast %get3A_2770 : vector<1x16xf32> to vector<16xf32>
      %add3A_2772 = arith.addf %get3A_2766, %get3A_2771 : vector<16xf32>
      %get3A_2773 = arith.constant 17 : i32
      %get3A_2774 = arith.index_cast %get3A_2773 : i32 to index
      %get3A_2775 = arith.constant 32 : index
      %get3A_2776 = tpu.vector_load %arg7[%get3A_2774, %get3A_2775] {strides = array<i32>} : memref<80x64xf32, #tpu.memory_space<vmem>>, vector<1x16xf32>,
      %get3A_2777 = vector.shape_cast %get3A_2776 : vector<1x16xf32> to vector<16xf32>
      %add3A_2778 = arith.addf %add3A_2772, %get3A_2777 : vector<16xf32>
      %get3A_2779 = arith.constant 18 : i32
      %get3A_2780 = arith.index_cast %get3A_2779 : i32 to index
      %get3A_2781 = arith.constant 32 : index
      %get3A_2782 = tpu.vector_load %arg7[%get3A_2780, %get3A_2781] {strides = array<i32>} : memref<80x64xf32, #tpu.memory_space<vmem>>, vector<1x16xf32>,
      %get3A_2783 = vector.shape_cast %get3A_2782 : vector<1x16xf32> to vector<16xf32>
      %add3A_2784 = arith.addf %add3A_2778, %get3A_2783 : vector<16xf32>
      %get3A_2785 = arith.constant 19 : i32
      %get3A_2786 = arith.index_cast %get3A_2785 : i32 to index
      %get3A_2787 = arith.constant 32 : index
      %get3A_2788 = tpu.vector_load %arg7[%get3A_2786, %get3A_2787] {strides = array<i32>} : memref<80x64xf32, #tpu.memory_space<vmem>>, vector<1x16xf32>,
      %get3A_2789 = vector.shape_cast %get3A_2788 : vector<1x16xf32> to vector<16xf32>
      %add3A_2790 = arith.addf %add3A_2784, %get3A_2789 : vector<16xf32>
      %swap3A_2791 = arith.constant 1 : i32
      %swap3A_2792 = arith.index_cast %swap3A_2791 : i32 to index
      %swap3A_2793 = arith.constant 32 : index
      %swap3A_2794 = tpu.vector_load %arg9[%swap3A_2792, %swap3A_2793] {strides = array<i32>} : memref<8x128xf32, #tpu.memory_space<vmem>>, vector<1x16xf32>,
      %swap3A_2795 = vector.shape_cast %swap3A_2794 : vector<1x16xf32> to vector<16xf32>
      %swap3A_2796 = vector.shape_cast %add3A_2761 : vector<16xf32> to vector<1x16xf32>
      tpu.vector_store %arg9[%swap3A_2792, %swap3A_2793], %swap3A_2796 {strides = array<i32>} : memref<8x128xf32, #tpu.memory_space<vmem>>, vector<1x16xf32>,
      %swap3A_2797 = arith.constant 1 : i32
      %swap3A_2798 = arith.index_cast %swap3A_2797 : i32 to index
      %swap3A_2799 = arith.constant 96 : index
      %swap3A_2800 = tpu.vector_load %arg9[%swap3A_2798, %swap3A_2799] {strides = array<i32>} : memref<8x128xf32, #tpu.memory_space<vmem>>, vector<1x16xf32>,
      %swap3A_2801 = vector.shape_cast %swap3A_2800 : vector<1x16xf32> to vector<16xf32>
      %swap3A_2802 = vector.shape_cast %add3A_2790 : vector<16xf32> to vector<1x16xf32>
      tpu.vector_store %arg9[%swap3A_2798, %swap3A_2799], %swap3A_2802 {strides = array<i32>} : memref<8x128xf32, #tpu.memory_space<vmem>>, vector<1x16xf32>,
      %get3A_2803 = arith.constant 10 : i32
      %get3A_2804 = arith.index_cast %get3A_2803 : i32 to index
      %get3A_2805 = arith.constant 48 : index
      %get3A_2806 = tpu.vector_load %arg7[%get3A_2804, %get3A_2805] {strides = array<i32>} : memref<80x64xf32, #tpu.memory_space<vmem>>, vector<1x16xf32>,
      %get3A_2807 = vector.shape_cast %get3A_2806 : vector<1x16xf32> to vector<16xf32>
      %get3A_2808 = arith.constant 11 : i32
      %get3A_2809 = arith.index_cast %get3A_2808 : i32 to index
      %get3A_2810 = arith.constant 48 : index
      %get3A_2811 = tpu.vector_load %arg7[%get3A_2809, %get3A_2810] {strides = array<i32>} : memref<80x64xf32, #tpu.memory_space<vmem>>, vector<1x16xf32>,
      %get3A_2812 = vector.shape_cast %get3A_2811 : vector<1x16xf32> to vector<16xf32>
      %add3A_2813 = arith.addf %get3A_2807, %get3A_2812 : vector<16xf32>
      %get3A_2814 = arith.constant 12 : i32
      %get3A_2815 = arith.index_cast %get3A_2814 : i32 to index
      %get3A_2816 = arith.constant 48 : index
      %get3A_2817 = tpu.vector_load %arg7[%get3A_2815, %get3A_2816] {strides = array<i32>} : memref<80x64xf32, #tpu.memory_space<vmem>>, vector<1x16xf32>,
      %get3A_2818 = vector.shape_cast %get3A_2817 : vector<1x16xf32> to vector<16xf32>
      %add3A_2819 = arith.addf %add3A_2813, %get3A_2818 : vector<16xf32>
      %get3A_2820 = arith.constant 13 : i32
      %get3A_2821 = arith.index_cast %get3A_2820 : i32 to index
      %get3A_2822 = arith.constant 48 : index
      %get3A_2823 = tpu.vector_load %arg7[%get3A_2821, %get3A_2822] {strides = array<i32>} : memref<80x64xf32, #tpu.memory_space<vmem>>, vector<1x16xf32>,
      %get3A_2824 = vector.shape_cast %get3A_2823 : vector<1x16xf32> to vector<16xf32>
      %add3A_2825 = arith.addf %add3A_2819, %get3A_2824 : vector<16xf32>
      %get3A_2826 = arith.constant 14 : i32
      %get3A_2827 = arith.index_cast %get3A_2826 : i32 to index
      %get3A_2828 = arith.constant 48 : index
      %get3A_2829 = tpu.vector_load %arg7[%get3A_2827, %get3A_2828] {strides = array<i32>} : memref<80x64xf32, #tpu.memory_space<vmem>>, vector<1x16xf32>,
      %get3A_2830 = vector.shape_cast %get3A_2829 : vector<1x16xf32> to vector<16xf32>
      %add3A_2831 = arith.addf %add3A_2825, %get3A_2830 : vector<16xf32>
      %get3A_2832 = arith.constant 15 : i32
      %get3A_2833 = arith.index_cast %get3A_2832 : i32 to index
      %get3A_2834 = arith.constant 48 : index
      %get3A_2835 = tpu.vector_load %arg7[%get3A_2833, %get3A_2834] {strides = array<i32>} : memref<80x64xf32, #tpu.memory_space<vmem>>, vector<1x16xf32>,
      %get3A_2836 = vector.shape_cast %get3A_2835 : vector<1x16xf32> to vector<16xf32>
      %get3A_2837 = arith.constant 16 : i32
      %get3A_2838 = arith.index_cast %get3A_2837 : i32 to index
      %get3A_2839 = arith.constant 48 : index
      %get3A_2840 = tpu.vector_load %arg7[%get3A_2838, %get3A_2839] {strides = array<i32>} : memref<80x64xf32, #tpu.memory_space<vmem>>, vector<1x16xf32>,
      %get3A_2841 = vector.shape_cast %get3A_2840 : vector<1x16xf32> to vector<16xf32>
      %add3A_2842 = arith.addf %get3A_2836, %get3A_2841 : vector<16xf32>
      %get3A_2843 = arith.constant 17 : i32
      %get3A_2844 = arith.index_cast %get3A_2843 : i32 to index
      %get3A_2845 = arith.constant 48 : index
      %get3A_2846 = tpu.vector_load %arg7[%get3A_2844, %get3A_2845] {strides = array<i32>} : memref<80x64xf32, #tpu.memory_space<vmem>>, vector<1x16xf32>,
      %get3A_2847 = vector.shape_cast %get3A_2846 : vector<1x16xf32> to vector<16xf32>
      %add3A_2848 = arith.addf %add3A_2842, %get3A_2847 : vector<16xf32>
      %get3A_2849 = arith.constant 18 : i32
      %get3A_2850 = arith.index_cast %get3A_2849 : i32 to index
      %get3A_2851 = arith.constant 48 : index
      %get3A_2852 = tpu.vector_load %arg7[%get3A_2850, %get3A_2851] {strides = array<i32>} : memref<80x64xf32, #tpu.memory_space<vmem>>, vector<1x16xf32>,
      %get3A_2853 = vector.shape_cast %get3A_2852 : vector<1x16xf32> to vector<16xf32>
      %add3A_2854 = arith.addf %add3A_2848, %get3A_2853 : vector<16xf32>
      %get3A_2855 = arith.constant 19 : i32
      %get3A_2856 = arith.index_cast %get3A_2855 : i32 to index
      %get3A_2857 = arith.constant 48 : index
      %get3A_2858 = tpu.vector_load %arg7[%get3A_2856, %get3A_2857] {strides = array<i32>} : memref<80x64xf32, #tpu.memory_space<vmem>>, vector<1x16xf32>,
      %get3A_2859 = vector.shape_cast %get3A_2858 : vector<1x16xf32> to vector<16xf32>
      %add3A_2860 = arith.addf %add3A_2854, %get3A_2859 : vector<16xf32>
      %swap3A_2861 = arith.constant 1 : i32
      %swap3A_2862 = arith.index_cast %swap3A_2861 : i32 to index
      %swap3A_2863 = arith.constant 48 : index
      %swap3A_2864 = tpu.vector_load %arg9[%swap3A_2862, %swap3A_2863] {strides = array<i32>} : memref<8x128xf32, #tpu.memory_space<vmem>>, vector<1x16xf32>,
      %swap3A_2865 = vector.shape_cast %swap3A_2864 : vector<1x16xf32> to vector<16xf32>
      %swap3A_2866 = vector.shape_cast %add3A_2831 : vector<16xf32> to vector<1x16xf32>
      tpu.vector_store %arg9[%swap3A_2862, %swap3A_2863], %swap3A_2866 {strides = array<i32>} : memref<8x128xf32, #tpu.memory_space<vmem>>, vector<1x16xf32>,
      %swap3A_2867 = arith.constant 1 : i32
      %swap3A_2868 = arith.index_cast %swap3A_2867 : i32 to index
      %swap3A_2869 = arith.constant 112 : index
      %swap3A_2870 = tpu.vector_load %arg9[%swap3A_2868, %swap3A_2869] {strides = array<i32>} : memref<8x128xf32, #tpu.memory_space<vmem>>, vector<1x16xf32>,
      %swap3A_2871 = vector.shape_cast %swap3A_2870 : vector<1x16xf32> to vector<16xf32>
      %swap3A_2872 = vector.shape_cast %add3A_2860 : vector<16xf32> to vector<1x16xf32>
      tpu.vector_store %arg9[%swap3A_2868, %swap3A_2869], %swap3A_2872 {strides = array<i32>} : memref<8x128xf32, #tpu.memory_space<vmem>>, vector<1x16xf32>,
      %get3A_2873 = arith.constant 20 : i32
      %get3A_2874 = arith.index_cast %get3A_2873 : i32 to index
      %get3A_2875 = arith.constant 0 : index
      %get3A_2876 = tpu.vector_load %arg7[%get3A_2874, %get3A_2875] {strides = array<i32>} : memref<80x64xf32, #tpu.memory_space<vmem>>, vector<1x16xf32>,
      %get3A_2877 = vector.shape_cast %get3A_2876 : vector<1x16xf32> to vector<16xf32>
      %get3A_2878 = arith.constant 21 : i32
      %get3A_2879 = arith.index_cast %get3A_2878 : i32 to index
      %get3A_2880 = arith.constant 0 : index
      %get3A_2881 = tpu.vector_load %arg7[%get3A_2879, %get3A_2880] {strides = array<i32>} : memref<80x64xf32, #tpu.memory_space<vmem>>, vector<1x16xf32>,
      %get3A_2882 = vector.shape_cast %get3A_2881 : vector<1x16xf32> to vector<16xf32>
      %add3A_2883 = arith.addf %get3A_2877, %get3A_2882 : vector<16xf32>
      %get3A_2884 = arith.constant 22 : i32
      %get3A_2885 = arith.index_cast %get3A_2884 : i32 to index
      %get3A_2886 = arith.constant 0 : index
      %get3A_2887 = tpu.vector_load %arg7[%get3A_2885, %get3A_2886] {strides = array<i32>} : memref<80x64xf32, #tpu.memory_space<vmem>>, vector<1x16xf32>,
      %get3A_2888 = vector.shape_cast %get3A_2887 : vector<1x16xf32> to vector<16xf32>
      %add3A_2889 = arith.addf %add3A_2883, %get3A_2888 : vector<16xf32>
      %get3A_2890 = arith.constant 23 : i32
      %get3A_2891 = arith.index_cast %get3A_2890 : i32 to index
      %get3A_2892 = arith.constant 0 : index
      %get3A_2893 = tpu.vector_load %arg7[%get3A_2891, %get3A_2892] {strides = array<i32>} : memref<80x64xf32, #tpu.memory_space<vmem>>, vector<1x16xf32>,
      %get3A_2894 = vector.shape_cast %get3A_2893 : vector<1x16xf32> to vector<16xf32>
      %add3A_2895 = arith.addf %add3A_2889, %get3A_2894 : vector<16xf32>
      %get3A_2896 = arith.constant 24 : i32
      %get3A_2897 = arith.index_cast %get3A_2896 : i32 to index
      %get3A_2898 = arith.constant 0 : index
      %get3A_2899 = tpu.vector_load %arg7[%get3A_2897, %get3A_2898] {strides = array<i32>} : memref<80x64xf32, #tpu.memory_space<vmem>>, vector<1x16xf32>,
      %get3A_2900 = vector.shape_cast %get3A_2899 : vector<1x16xf32> to vector<16xf32>
      %add3A_2901 = arith.addf %add3A_2895, %get3A_2900 : vector<16xf32>
      %get3A_2902 = arith.constant 25 : i32
      %get3A_2903 = arith.index_cast %get3A_2902 : i32 to index
      %get3A_2904 = arith.constant 0 : index
      %get3A_2905 = tpu.vector_load %arg7[%get3A_2903, %get3A_2904] {strides = array<i32>} : memref<80x64xf32, #tpu.memory_space<vmem>>, vector<1x16xf32>,
      %get3A_2906 = vector.shape_cast %get3A_2905 : vector<1x16xf32> to vector<16xf32>
      %get3A_2907 = arith.constant 26 : i32
      %get3A_2908 = arith.index_cast %get3A_2907 : i32 to index
      %get3A_2909 = arith.constant 0 : index
      %get3A_2910 = tpu.vector_load %arg7[%get3A_2908, %get3A_2909] {strides = array<i32>} : memref<80x64xf32, #tpu.memory_space<vmem>>, vector<1x16xf32>,
      %get3A_2911 = vector.shape_cast %get3A_2910 : vector<1x16xf32> to vector<16xf32>
      %add3A_2912 = arith.addf %get3A_2906, %get3A_2911 : vector<16xf32>
      %get3A_2913 = arith.constant 27 : i32
      %get3A_2914 = arith.index_cast %get3A_2913 : i32 to index
      %get3A_2915 = arith.constant 0 : index
      %get3A_2916 = tpu.vector_load %arg7[%get3A_2914, %get3A_2915] {strides = array<i32>} : memref<80x64xf32, #tpu.memory_space<vmem>>, vector<1x16xf32>,
      %get3A_2917 = vector.shape_cast %get3A_2916 : vector<1x16xf32> to vector<16xf32>
      %add3A_2918 = arith.addf %add3A_2912, %get3A_2917 : vector<16xf32>
      %get3A_2919 = arith.constant 28 : i32
      %get3A_2920 = arith.index_cast %get3A_2919 : i32 to index
      %get3A_2921 = arith.constant 0 : index
      %get3A_2922 = tpu.vector_load %arg7[%get3A_2920, %get3A_2921] {strides = array<i32>} : memref<80x64xf32, #tpu.memory_space<vmem>>, vector<1x16xf32>,
      %get3A_2923 = vector.shape_cast %get3A_2922 : vector<1x16xf32> to vector<16xf32>
      %add3A_2924 = arith.addf %add3A_2918, %get3A_2923 : vector<16xf32>
      %get3A_2925 = arith.constant 29 : i32
      %get3A_2926 = arith.index_cast %get3A_2925 : i32 to index
      %get3A_2927 = arith.constant 0 : index
      %get3A_2928 = tpu.vector_load %arg7[%get3A_2926, %get3A_2927] {strides = array<i32>} : memref<80x64xf32, #tpu.memory_space<vmem>>, vector<1x16xf32>,
      %get3A_2929 = vector.shape_cast %get3A_2928 : vector<1x16xf32> to vector<16xf32>
      %add3A_2930 = arith.addf %add3A_2924, %get3A_2929 : vector<16xf32>
      %swap3A_2931 = arith.constant 2 : i32
      %swap3A_2932 = arith.index_cast %swap3A_2931 : i32 to index
      %swap3A_2933 = arith.constant 0 : index
      %swap3A_2934 = tpu.vector_load %arg9[%swap3A_2932, %swap3A_2933] {strides = array<i32>} : memref<8x128xf32, #tpu.memory_space<vmem>>, vector<1x16xf32>,
      %swap3A_2935 = vector.shape_cast %swap3A_2934 : vector<1x16xf32> to vector<16xf32>
      %swap3A_2936 = vector.shape_cast %add3A_2901 : vector<16xf32> to vector<1x16xf32>
      tpu.vector_store %arg9[%swap3A_2932, %swap3A_2933], %swap3A_2936 {strides = array<i32>} : memref<8x128xf32, #tpu.memory_space<vmem>>, vector<1x16xf32>,
      %swap3A_2937 = arith.constant 2 : i32
      %swap3A_2938 = arith.index_cast %swap3A_2937 : i32 to index
      %swap3A_2939 = arith.constant 64 : index
      %swap3A_2940 = tpu.vector_load %arg9[%swap3A_2938, %swap3A_2939] {strides = array<i32>} : memref<8x128xf32, #tpu.memory_space<vmem>>, vector<1x16xf32>,
      %swap3A_2941 = vector.shape_cast %swap3A_2940 : vector<1x16xf32> to vector<16xf32>
      %swap3A_2942 = vector.shape_cast %add3A_2930 : vector<16xf32> to vector<1x16xf32>
      tpu.vector_store %arg9[%swap3A_2938, %swap3A_2939], %swap3A_2942 {strides = array<i32>} : memref<8x128xf32, #tpu.memory_space<vmem>>, vector<1x16xf32>,
      %get3A_2943 = arith.constant 20 : i32
      %get3A_2944 = arith.index_cast %get3A_2943 : i32 to index
      %get3A_2945 = arith.constant 16 : index
      %get3A_2946 = tpu.vector_load %arg7[%get3A_2944, %get3A_2945] {strides = array<i32>} : memref<80x64xf32, #tpu.memory_space<vmem>>, vector<1x16xf32>,
      %get3A_2947 = vector.shape_cast %get3A_2946 : vector<1x16xf32> to vector<16xf32>
      %get3A_2948 = arith.constant 21 : i32
      %get3A_2949 = arith.index_cast %get3A_2948 : i32 to index
      %get3A_2950 = arith.constant 16 : index
      %get3A_2951 = tpu.vector_load %arg7[%get3A_2949, %get3A_2950] {strides = array<i32>} : memref<80x64xf32, #tpu.memory_space<vmem>>, vector<1x16xf32>,
      %get3A_2952 = vector.shape_cast %get3A_2951 : vector<1x16xf32> to vector<16xf32>
      %add3A_2953 = arith.addf %get3A_2947, %get3A_2952 : vector<16xf32>
      %get3A_2954 = arith.constant 22 : i32
      %get3A_2955 = arith.index_cast %get3A_2954 : i32 to index
      %get3A_2956 = arith.constant 16 : index
      %get3A_2957 = tpu.vector_load %arg7[%get3A_2955, %get3A_2956] {strides = array<i32>} : memref<80x64xf32, #tpu.memory_space<vmem>>, vector<1x16xf32>,
      %get3A_2958 = vector.shape_cast %get3A_2957 : vector<1x16xf32> to vector<16xf32>
      %add3A_2959 = arith.addf %add3A_2953, %get3A_2958 : vector<16xf32>
      %get3A_2960 = arith.constant 23 : i32
      %get3A_2961 = arith.index_cast %get3A_2960 : i32 to index
      %get3A_2962 = arith.constant 16 : index
      %get3A_2963 = tpu.vector_load %arg7[%get3A_2961, %get3A_2962] {strides = array<i32>} : memref<80x64xf32, #tpu.memory_space<vmem>>, vector<1x16xf32>,
      %get3A_2964 = vector.shape_cast %get3A_2963 : vector<1x16xf32> to vector<16xf32>
      %add3A_2965 = arith.addf %add3A_2959, %get3A_2964 : vector<16xf32>
      %get3A_2966 = arith.constant 24 : i32
      %get3A_2967 = arith.index_cast %get3A_2966 : i32 to index
      %get3A_2968 = arith.constant 16 : index
      %get3A_2969 = tpu.vector_load %arg7[%get3A_2967, %get3A_2968] {strides = array<i32>} : memref<80x64xf32, #tpu.memory_space<vmem>>, vector<1x16xf32>,
      %get3A_2970 = vector.shape_cast %get3A_2969 : vector<1x16xf32> to vector<16xf32>
      %add3A_2971 = arith.addf %add3A_2965, %get3A_2970 : vector<16xf32>
      %get3A_2972 = arith.constant 25 : i32
      %get3A_2973 = arith.index_cast %get3A_2972 : i32 to index
      %get3A_2974 = arith.constant 16 : index
      %get3A_2975 = tpu.vector_load %arg7[%get3A_2973, %get3A_2974] {strides = array<i32>} : memref<80x64xf32, #tpu.memory_space<vmem>>, vector<1x16xf32>,
      %get3A_2976 = vector.shape_cast %get3A_2975 : vector<1x16xf32> to vector<16xf32>
      %get3A_2977 = arith.constant 26 : i32
      %get3A_2978 = arith.index_cast %get3A_2977 : i32 to index
      %get3A_2979 = arith.constant 16 : index
      %get3A_2980 = tpu.vector_load %arg7[%get3A_2978, %get3A_2979] {strides = array<i32>} : memref<80x64xf32, #tpu.memory_space<vmem>>, vector<1x16xf32>,
      %get3A_2981 = vector.shape_cast %get3A_2980 : vector<1x16xf32> to vector<16xf32>
      %add3A_2982 = arith.addf %get3A_2976, %get3A_2981 : vector<16xf32>
      %get3A_2983 = arith.constant 27 : i32
      %get3A_2984 = arith.index_cast %get3A_2983 : i32 to index
      %get3A_2985 = arith.constant 16 : index
      %get3A_2986 = tpu.vector_load %arg7[%get3A_2984, %get3A_2985] {strides = array<i32>} : memref<80x64xf32, #tpu.memory_space<vmem>>, vector<1x16xf32>,
      %get3A_2987 = vector.shape_cast %get3A_2986 : vector<1x16xf32> to vector<16xf32>
      %add3A_2988 = arith.addf %add3A_2982, %get3A_2987 : vector<16xf32>
      %get3A_2989 = arith.constant 28 : i32
      %get3A_2990 = arith.index_cast %get3A_2989 : i32 to index
      %get3A_2991 = arith.constant 16 : index
      %get3A_2992 = tpu.vector_load %arg7[%get3A_2990, %get3A_2991] {strides = array<i32>} : memref<80x64xf32, #tpu.memory_space<vmem>>, vector<1x16xf32>,
      %get3A_2993 = vector.shape_cast %get3A_2992 : vector<1x16xf32> to vector<16xf32>
      %add3A_2994 = arith.addf %add3A_2988, %get3A_2993 : vector<16xf32>
      %get3A_2995 = arith.constant 29 : i32
      %get3A_2996 = arith.index_cast %get3A_2995 : i32 to index
      %get3A_2997 = arith.constant 16 : index
      %get3A_2998 = tpu.vector_load %arg7[%get3A_2996, %get3A_2997] {strides = array<i32>} : memref<80x64xf32, #tpu.memory_space<vmem>>, vector<1x16xf32>,
      %get3A_2999 = vector.shape_cast %get3A_2998 : vector<1x16xf32> to vector<16xf32>
      %add3A_3000 = arith.addf %add3A_2994, %get3A_2999 : vector<16xf32>
      %swap3A_3001 = arith.constant 2 : i32
      %swap3A_3002 = arith.index_cast %swap3A_3001 : i32 to index
      %swap3A_3003 = arith.constant 16 : index
      %swap3A_3004 = tpu.vector_load %arg9[%swap3A_3002, %swap3A_3003] {strides = array<i32>} : memref<8x128xf32, #tpu.memory_space<vmem>>, vector<1x16xf32>,
      %swap3A_3005 = vector.shape_cast %swap3A_3004 : vector<1x16xf32> to vector<16xf32>
      %swap3A_3006 = vector.shape_cast %add3A_2971 : vector<16xf32> to vector<1x16xf32>
      tpu.vector_store %arg9[%swap3A_3002, %swap3A_3003], %swap3A_3006 {strides = array<i32>} : memref<8x128xf32, #tpu.memory_space<vmem>>, vector<1x16xf32>,
      %swap3A_3007 = arith.constant 2 : i32
      %swap3A_3008 = arith.index_cast %swap3A_3007 : i32 to index
      %swap3A_3009 = arith.constant 80 : index
      %swap3A_3010 = tpu.vector_load %arg9[%swap3A_3008, %swap3A_3009] {strides = array<i32>} : memref<8x128xf32, #tpu.memory_space<vmem>>, vector<1x16xf32>,
      %swap3A_3011 = vector.shape_cast %swap3A_3010 : vector<1x16xf32> to vector<16xf32>
      %swap3A_3012 = vector.shape_cast %add3A_3000 : vector<16xf32> to vector<1x16xf32>
      tpu.vector_store %arg9[%swap3A_3008, %swap3A_3009], %swap3A_3012 {strides = array<i32>} : memref<8x128xf32, #tpu.memory_space<vmem>>, vector<1x16xf32>,
      %get3A_3013 = arith.constant 20 : i32
      %get3A_3014 = arith.index_cast %get3A_3013 : i32 to index
      %get3A_3015 = arith.constant 32 : index
      %get3A_3016 = tpu.vector_load %arg7[%get3A_3014, %get3A_3015] {strides = array<i32>} : memref<80x64xf32, #tpu.memory_space<vmem>>, vector<1x16xf32>,
      %get3A_3017 = vector.shape_cast %get3A_3016 : vector<1x16xf32> to vector<16xf32>
      %get3A_3018 = arith.constant 21 : i32
      %get3A_3019 = arith.index_cast %get3A_3018 : i32 to index
      %get3A_3020 = arith.constant 32 : index
      %get3A_3021 = tpu.vector_load %arg7[%get3A_3019, %get3A_3020] {strides = array<i32>} : memref<80x64xf32, #tpu.memory_space<vmem>>, vector<1x16xf32>,
      %get3A_3022 = vector.shape_cast %get3A_3021 : vector<1x16xf32> to vector<16xf32>
      %add3A_3023 = arith.addf %get3A_3017, %get3A_3022 : vector<16xf32>
      %get3A_3024 = arith.constant 22 : i32
      %get3A_3025 = arith.index_cast %get3A_3024 : i32 to index
      %get3A_3026 = arith.constant 32 : index
      %get3A_3027 = tpu.vector_load %arg7[%get3A_3025, %get3A_3026] {strides = array<i32>} : memref<80x64xf32, #tpu.memory_space<vmem>>, vector<1x16xf32>,
      %get3A_3028 = vector.shape_cast %get3A_3027 : vector<1x16xf32> to vector<16xf32>
      %add3A_3029 = arith.addf %add3A_3023, %get3A_3028 : vector<16xf32>
      %get3A_3030 = arith.constant 23 : i32
      %get3A_3031 = arith.index_cast %get3A_3030 : i32 to index
      %get3A_3032 = arith.constant 32 : index
      %get3A_3033 = tpu.vector_load %arg7[%get3A_3031, %get3A_3032] {strides = array<i32>} : memref<80x64xf32, #tpu.memory_space<vmem>>, vector<1x16xf32>,
      %get3A_3034 = vector.shape_cast %get3A_3033 : vector<1x16xf32> to vector<16xf32>
      %add3A_3035 = arith.addf %add3A_3029, %get3A_3034 : vector<16xf32>
      %get3A_3036 = arith.constant 24 : i32
      %get3A_3037 = arith.index_cast %get3A_3036 : i32 to index
      %get3A_3038 = arith.constant 32 : index
      %get3A_3039 = tpu.vector_load %arg7[%get3A_3037, %get3A_3038] {strides = array<i32>} : memref<80x64xf32, #tpu.memory_space<vmem>>, vector<1x16xf32>,
      %get3A_3040 = vector.shape_cast %get3A_3039 : vector<1x16xf32> to vector<16xf32>
      %add3A_3041 = arith.addf %add3A_3035, %get3A_3040 : vector<16xf32>
      %get3A_3042 = arith.constant 25 : i32
      %get3A_3043 = arith.index_cast %get3A_3042 : i32 to index
      %get3A_3044 = arith.constant 32 : index
      %get3A_3045 = tpu.vector_load %arg7[%get3A_3043, %get3A_3044] {strides = array<i32>} : memref<80x64xf32, #tpu.memory_space<vmem>>, vector<1x16xf32>,
      %get3A_3046 = vector.shape_cast %get3A_3045 : vector<1x16xf32> to vector<16xf32>
      %get3A_3047 = arith.constant 26 : i32
      %get3A_3048 = arith.index_cast %get3A_3047 : i32 to index
      %get3A_3049 = arith.constant 32 : index
      %get3A_3050 = tpu.vector_load %arg7[%get3A_3048, %get3A_3049] {strides = array<i32>} : memref<80x64xf32, #tpu.memory_space<vmem>>, vector<1x16xf32>,
      %get3A_3051 = vector.shape_cast %get3A_3050 : vector<1x16xf32> to vector<16xf32>
      %add3A_3052 = arith.addf %get3A_3046, %get3A_3051 : vector<16xf32>
      %get3A_3053 = arith.constant 27 : i32
      %get3A_3054 = arith.index_cast %get3A_3053 : i32 to index
      %get3A_3055 = arith.constant 32 : index
      %get3A_3056 = tpu.vector_load %arg7[%get3A_3054, %get3A_3055] {strides = array<i32>} : memref<80x64xf32, #tpu.memory_space<vmem>>, vector<1x16xf32>,
      %get3A_3057 = vector.shape_cast %get3A_3056 : vector<1x16xf32> to vector<16xf32>
      %add3A_3058 = arith.addf %add3A_3052, %get3A_3057 : vector<16xf32>
      %get3A_3059 = arith.constant 28 : i32
      %get3A_3060 = arith.index_cast %get3A_3059 : i32 to index
      %get3A_3061 = arith.constant 32 : index
      %get3A_3062 = tpu.vector_load %arg7[%get3A_3060, %get3A_3061] {strides = array<i32>} : memref<80x64xf32, #tpu.memory_space<vmem>>, vector<1x16xf32>,
      %get3A_3063 = vector.shape_cast %get3A_3062 : vector<1x16xf32> to vector<16xf32>
      %add3A_3064 = arith.addf %add3A_3058, %get3A_3063 : vector<16xf32>
      %get3A_3065 = arith.constant 29 : i32
      %get3A_3066 = arith.index_cast %get3A_3065 : i32 to index
      %get3A_3067 = arith.constant 32 : index
      %get3A_3068 = tpu.vector_load %arg7[%get3A_3066, %get3A_3067] {strides = array<i32>} : memref<80x64xf32, #tpu.memory_space<vmem>>, vector<1x16xf32>,
      %get3A_3069 = vector.shape_cast %get3A_3068 : vector<1x16xf32> to vector<16xf32>
      %add3A_3070 = arith.addf %add3A_3064, %get3A_3069 : vector<16xf32>
      %swap3A_3071 = arith.constant 2 : i32
      %swap3A_3072 = arith.index_cast %swap3A_3071 : i32 to index
      %swap3A_3073 = arith.constant 32 : index
      %swap3A_3074 = tpu.vector_load %arg9[%swap3A_3072, %swap3A_3073] {strides = array<i32>} : memref<8x128xf32, #tpu.memory_space<vmem>>, vector<1x16xf32>,
      %swap3A_3075 = vector.shape_cast %swap3A_3074 : vector<1x16xf32> to vector<16xf32>
      %swap3A_3076 = vector.shape_cast %add3A_3041 : vector<16xf32> to vector<1x16xf32>
      tpu.vector_store %arg9[%swap3A_3072, %swap3A_3073], %swap3A_3076 {strides = array<i32>} : memref<8x128xf32, #tpu.memory_space<vmem>>, vector<1x16xf32>,
      %swap3A_3077 = arith.constant 2 : i32
      %swap3A_3078 = arith.index_cast %swap3A_3077 : i32 to index
      %swap3A_3079 = arith.constant 96 : index
      %swap3A_3080 = tpu.vector_load %arg9[%swap3A_3078, %swap3A_3079] {strides = array<i32>} : memref<8x128xf32, #tpu.memory_space<vmem>>, vector<1x16xf32>,
      %swap3A_3081 = vector.shape_cast %swap3A_3080 : vector<1x16xf32> to vector<16xf32>
      %swap3A_3082 = vector.shape_cast %add3A_3070 : vector<16xf32> to vector<1x16xf32>
      tpu.vector_store %arg9[%swap3A_3078, %swap3A_3079], %swap3A_3082 {strides = array<i32>} : memref<8x128xf32, #tpu.memory_space<vmem>>, vector<1x16xf32>,
      %get3A_3083 = arith.constant 20 : i32
      %get3A_3084 = arith.index_cast %get3A_3083 : i32 to index
      %get3A_3085 = arith.constant 48 : index
      %get3A_3086 = tpu.vector_load %arg7[%get3A_3084, %get3A_3085] {strides = array<i32>} : memref<80x64xf32, #tpu.memory_space<vmem>>, vector<1x16xf32>,
      %get3A_3087 = vector.shape_cast %get3A_3086 : vector<1x16xf32> to vector<16xf32>
      %get3A_3088 = arith.constant 21 : i32
      %get3A_3089 = arith.index_cast %get3A_3088 : i32 to index
      %get3A_3090 = arith.constant 48 : index
      %get3A_3091 = tpu.vector_load %arg7[%get3A_3089, %get3A_3090] {strides = array<i32>} : memref<80x64xf32, #tpu.memory_space<vmem>>, vector<1x16xf32>,
      %get3A_3092 = vector.shape_cast %get3A_3091 : vector<1x16xf32> to vector<16xf32>
      %add3A_3093 = arith.addf %get3A_3087, %get3A_3092 : vector<16xf32>
      %get3A_3094 = arith.constant 22 : i32
      %get3A_3095 = arith.index_cast %get3A_3094 : i32 to index
      %get3A_3096 = arith.constant 48 : index
      %get3A_3097 = tpu.vector_load %arg7[%get3A_3095, %get3A_3096] {strides = array<i32>} : memref<80x64xf32, #tpu.memory_space<vmem>>, vector<1x16xf32>,
      %get3A_3098 = vector.shape_cast %get3A_3097 : vector<1x16xf32> to vector<16xf32>
      %add3A_3099 = arith.addf %add3A_3093, %get3A_3098 : vector<16xf32>
      %get3A_3100 = arith.constant 23 : i32
      %get3A_3101 = arith.index_cast %get3A_3100 : i32 to index
      %get3A_3102 = arith.constant 48 : index
      %get3A_3103 = tpu.vector_load %arg7[%get3A_3101, %get3A_3102] {strides = array<i32>} : memref<80x64xf32, #tpu.memory_space<vmem>>, vector<1x16xf32>,
      %get3A_3104 = vector.shape_cast %get3A_3103 : vector<1x16xf32> to vector<16xf32>
      %add3A_3105 = arith.addf %add3A_3099, %get3A_3104 : vector<16xf32>
      %get3A_3106 = arith.constant 24 : i32
      %get3A_3107 = arith.index_cast %get3A_3106 : i32 to index
      %get3A_3108 = arith.constant 48 : index
      %get3A_3109 = tpu.vector_load %arg7[%get3A_3107, %get3A_3108] {strides = array<i32>} : memref<80x64xf32, #tpu.memory_space<vmem>>, vector<1x16xf32>,
      %get3A_3110 = vector.shape_cast %get3A_3109 : vector<1x16xf32> to vector<16xf32>
      %add3A_3111 = arith.addf %add3A_3105, %get3A_3110 : vector<16xf32>
      %get3A_3112 = arith.constant 25 : i32
      %get3A_3113 = arith.index_cast %get3A_3112 : i32 to index
      %get3A_3114 = arith.constant 48 : index
      %get3A_3115 = tpu.vector_load %arg7[%get3A_3113, %get3A_3114] {strides = array<i32>} : memref<80x64xf32, #tpu.memory_space<vmem>>, vector<1x16xf32>,
      %get3A_3116 = vector.shape_cast %get3A_3115 : vector<1x16xf32> to vector<16xf32>
      %get3A_3117 = arith.constant 26 : i32
      %get3A_3118 = arith.index_cast %get3A_3117 : i32 to index
      %get3A_3119 = arith.constant 48 : index
      %get3A_3120 = tpu.vector_load %arg7[%get3A_3118, %get3A_3119] {strides = array<i32>} : memref<80x64xf32, #tpu.memory_space<vmem>>, vector<1x16xf32>,
      %get3A_3121 = vector.shape_cast %get3A_3120 : vector<1x16xf32> to vector<16xf32>
      %add3A_3122 = arith.addf %get3A_3116, %get3A_3121 : vector<16xf32>
      %get3A_3123 = arith.constant 27 : i32
      %get3A_3124 = arith.index_cast %get3A_3123 : i32 to index
      %get3A_3125 = arith.constant 48 : index
      %get3A_3126 = tpu.vector_load %arg7[%get3A_3124, %get3A_3125] {strides = array<i32>} : memref<80x64xf32, #tpu.memory_space<vmem>>, vector<1x16xf32>,
      %get3A_3127 = vector.shape_cast %get3A_3126 : vector<1x16xf32> to vector<16xf32>
      %add3A_3128 = arith.addf %add3A_3122, %get3A_3127 : vector<16xf32>
      %get3A_3129 = arith.constant 28 : i32
      %get3A_3130 = arith.index_cast %get3A_3129 : i32 to index
      %get3A_3131 = arith.constant 48 : index
      %get3A_3132 = tpu.vector_load %arg7[%get3A_3130, %get3A_3131] {strides = array<i32>} : memref<80x64xf32, #tpu.memory_space<vmem>>, vector<1x16xf32>,
      %get3A_3133 = vector.shape_cast %get3A_3132 : vector<1x16xf32> to vector<16xf32>
      %add3A_3134 = arith.addf %add3A_3128, %get3A_3133 : vector<16xf32>
      %get3A_3135 = arith.constant 29 : i32
      %get3A_3136 = arith.index_cast %get3A_3135 : i32 to index
      %get3A_3137 = arith.constant 48 : index
      %get3A_3138 = tpu.vector_load %arg7[%get3A_3136, %get3A_3137] {strides = array<i32>} : memref<80x64xf32, #tpu.memory_space<vmem>>, vector<1x16xf32>,
      %get3A_3139 = vector.shape_cast %get3A_3138 : vector<1x16xf32> to vector<16xf32>
      %add3A_3140 = arith.addf %add3A_3134, %get3A_3139 : vector<16xf32>
      %swap3A_3141 = arith.constant 2 : i32
      %swap3A_3142 = arith.index_cast %swap3A_3141 : i32 to index
      %swap3A_3143 = arith.constant 48 : index
      %swap3A_3144 = tpu.vector_load %arg9[%swap3A_3142, %swap3A_3143] {strides = array<i32>} : memref<8x128xf32, #tpu.memory_space<vmem>>, vector<1x16xf32>,
      %swap3A_3145 = vector.shape_cast %swap3A_3144 : vector<1x16xf32> to vector<16xf32>
      %swap3A_3146 = vector.shape_cast %add3A_3111 : vector<16xf32> to vector<1x16xf32>
      tpu.vector_store %arg9[%swap3A_3142, %swap3A_3143], %swap3A_3146 {strides = array<i32>} : memref<8x128xf32, #tpu.memory_space<vmem>>, vector<1x16xf32>,
      %swap3A_3147 = arith.constant 2 : i32
      %swap3A_3148 = arith.index_cast %swap3A_3147 : i32 to index
      %swap3A_3149 = arith.constant 112 : index
      %swap3A_3150 = tpu.vector_load %arg9[%swap3A_3148, %swap3A_3149] {strides = array<i32>} : memref<8x128xf32, #tpu.memory_space<vmem>>, vector<1x16xf32>,
      %swap3A_3151 = vector.shape_cast %swap3A_3150 : vector<1x16xf32> to vector<16xf32>
      %swap3A_3152 = vector.shape_cast %add3A_3140 : vector<16xf32> to vector<1x16xf32>
      tpu.vector_store %arg9[%swap3A_3148, %swap3A_3149], %swap3A_3152 {strides = array<i32>} : memref<8x128xf32, #tpu.memory_space<vmem>>, vector<1x16xf32>,
      %get3A_3153 = arith.constant 30 : i32
      %get3A_3154 = arith.index_cast %get3A_3153 : i32 to index
      %get3A_3155 = arith.constant 0 : index
      %get3A_3156 = tpu.vector_load %arg7[%get3A_3154, %get3A_3155] {strides = array<i32>} : memref<80x64xf32, #tpu.memory_space<vmem>>, vector<1x16xf32>,
      %get3A_3157 = vector.shape_cast %get3A_3156 : vector<1x16xf32> to vector<16xf32>
      %get3A_3158 = arith.constant 31 : i32
      %get3A_3159 = arith.index_cast %get3A_3158 : i32 to index
      %get3A_3160 = arith.constant 0 : index
      %get3A_3161 = tpu.vector_load %arg7[%get3A_3159, %get3A_3160] {strides = array<i32>} : memref<80x64xf32, #tpu.memory_space<vmem>>, vector<1x16xf32>,
      %get3A_3162 = vector.shape_cast %get3A_3161 : vector<1x16xf32> to vector<16xf32>
      %add3A_3163 = arith.addf %get3A_3157, %get3A_3162 : vector<16xf32>
      %get3A_3164 = arith.constant 32 : i32
      %get3A_3165 = arith.index_cast %get3A_3164 : i32 to index
      %get3A_3166 = arith.constant 0 : index
      %get3A_3167 = tpu.vector_load %arg7[%get3A_3165, %get3A_3166] {strides = array<i32>} : memref<80x64xf32, #tpu.memory_space<vmem>>, vector<1x16xf32>,
      %get3A_3168 = vector.shape_cast %get3A_3167 : vector<1x16xf32> to vector<16xf32>
      %add3A_3169 = arith.addf %add3A_3163, %get3A_3168 : vector<16xf32>
      %get3A_3170 = arith.constant 33 : i32
      %get3A_3171 = arith.index_cast %get3A_3170 : i32 to index
      %get3A_3172 = arith.constant 0 : index
      %get3A_3173 = tpu.vector_load %arg7[%get3A_3171, %get3A_3172] {strides = array<i32>} : memref<80x64xf32, #tpu.memory_space<vmem>>, vector<1x16xf32>,
      %get3A_3174 = vector.shape_cast %get3A_3173 : vector<1x16xf32> to vector<16xf32>
      %add3A_3175 = arith.addf %add3A_3169, %get3A_3174 : vector<16xf32>
      %get3A_3176 = arith.constant 34 : i32
      %get3A_3177 = arith.index_cast %get3A_3176 : i32 to index
      %get3A_3178 = arith.constant 0 : index
      %get3A_3179 = tpu.vector_load %arg7[%get3A_3177, %get3A_3178] {strides = array<i32>} : memref<80x64xf32, #tpu.memory_space<vmem>>, vector<1x16xf32>,
      %get3A_3180 = vector.shape_cast %get3A_3179 : vector<1x16xf32> to vector<16xf32>
      %add3A_3181 = arith.addf %add3A_3175, %get3A_3180 : vector<16xf32>
      %get3A_3182 = arith.constant 35 : i32
      %get3A_3183 = arith.index_cast %get3A_3182 : i32 to index
      %get3A_3184 = arith.constant 0 : index
      %get3A_3185 = tpu.vector_load %arg7[%get3A_3183, %get3A_3184] {strides = array<i32>} : memref<80x64xf32, #tpu.memory_space<vmem>>, vector<1x16xf32>,
      %get3A_3186 = vector.shape_cast %get3A_3185 : vector<1x16xf32> to vector<16xf32>
      %get3A_3187 = arith.constant 36 : i32
      %get3A_3188 = arith.index_cast %get3A_3187 : i32 to index
      %get3A_3189 = arith.constant 0 : index
      %get3A_3190 = tpu.vector_load %arg7[%get3A_3188, %get3A_3189] {strides = array<i32>} : memref<80x64xf32, #tpu.memory_space<vmem>>, vector<1x16xf32>,
      %get3A_3191 = vector.shape_cast %get3A_3190 : vector<1x16xf32> to vector<16xf32>
      %add3A_3192 = arith.addf %get3A_3186, %get3A_3191 : vector<16xf32>
      %get3A_3193 = arith.constant 37 : i32
      %get3A_3194 = arith.index_cast %get3A_3193 : i32 to index
      %get3A_3195 = arith.constant 0 : index
      %get3A_3196 = tpu.vector_load %arg7[%get3A_3194, %get3A_3195] {strides = array<i32>} : memref<80x64xf32, #tpu.memory_space<vmem>>, vector<1x16xf32>,
      %get3A_3197 = vector.shape_cast %get3A_3196 : vector<1x16xf32> to vector<16xf32>
      %add3A_3198 = arith.addf %add3A_3192, %get3A_3197 : vector<16xf32>
      %get3A_3199 = arith.constant 38 : i32
      %get3A_3200 = arith.index_cast %get3A_3199 : i32 to index
      %get3A_3201 = arith.constant 0 : index
      %get3A_3202 = tpu.vector_load %arg7[%get3A_3200, %get3A_3201] {strides = array<i32>} : memref<80x64xf32, #tpu.memory_space<vmem>>, vector<1x16xf32>,
      %get3A_3203 = vector.shape_cast %get3A_3202 : vector<1x16xf32> to vector<16xf32>
      %add3A_3204 = arith.addf %add3A_3198, %get3A_3203 : vector<16xf32>
      %get3A_3205 = arith.constant 39 : i32
      %get3A_3206 = arith.index_cast %get3A_3205 : i32 to index
      %get3A_3207 = arith.constant 0 : index
      %get3A_3208 = tpu.vector_load %arg7[%get3A_3206, %get3A_3207] {strides = array<i32>} : memref<80x64xf32, #tpu.memory_space<vmem>>, vector<1x16xf32>,
      %get3A_3209 = vector.shape_cast %get3A_3208 : vector<1x16xf32> to vector<16xf32>
      %add3A_3210 = arith.addf %add3A_3204, %get3A_3209 : vector<16xf32>
      %swap3A_3211 = arith.constant 3 : i32
      %swap3A_3212 = arith.index_cast %swap3A_3211 : i32 to index
      %swap3A_3213 = arith.constant 0 : index
      %swap3A_3214 = tpu.vector_load %arg9[%swap3A_3212, %swap3A_3213] {strides = array<i32>} : memref<8x128xf32, #tpu.memory_space<vmem>>, vector<1x16xf32>,
      %swap3A_3215 = vector.shape_cast %swap3A_3214 : vector<1x16xf32> to vector<16xf32>
      %swap3A_3216 = vector.shape_cast %add3A_3181 : vector<16xf32> to vector<1x16xf32>
      tpu.vector_store %arg9[%swap3A_3212, %swap3A_3213], %swap3A_3216 {strides = array<i32>} : memref<8x128xf32, #tpu.memory_space<vmem>>, vector<1x16xf32>,
      %swap3A_3217 = arith.constant 3 : i32
      %swap3A_3218 = arith.index_cast %swap3A_3217 : i32 to index
      %swap3A_3219 = arith.constant 64 : index
      %swap3A_3220 = tpu.vector_load %arg9[%swap3A_3218, %swap3A_3219] {strides = array<i32>} : memref<8x128xf32, #tpu.memory_space<vmem>>, vector<1x16xf32>,
      %swap3A_3221 = vector.shape_cast %swap3A_3220 : vector<1x16xf32> to vector<16xf32>
      %swap3A_3222 = vector.shape_cast %add3A_3210 : vector<16xf32> to vector<1x16xf32>
      tpu.vector_store %arg9[%swap3A_3218, %swap3A_3219], %swap3A_3222 {strides = array<i32>} : memref<8x128xf32, #tpu.memory_space<vmem>>, vector<1x16xf32>,
      %get3A_3223 = arith.constant 30 : i32
      %get3A_3224 = arith.index_cast %get3A_3223 : i32 to index
      %get3A_3225 = arith.constant 16 : index
      %get3A_3226 = tpu.vector_load %arg7[%get3A_3224, %get3A_3225] {strides = array<i32>} : memref<80x64xf32, #tpu.memory_space<vmem>>, vector<1x16xf32>,
      %get3A_3227 = vector.shape_cast %get3A_3226 : vector<1x16xf32> to vector<16xf32>
      %get3A_3228 = arith.constant 31 : i32
      %get3A_3229 = arith.index_cast %get3A_3228 : i32 to index
      %get3A_3230 = arith.constant 16 : index
      %get3A_3231 = tpu.vector_load %arg7[%get3A_3229, %get3A_3230] {strides = array<i32>} : memref<80x64xf32, #tpu.memory_space<vmem>>, vector<1x16xf32>,
      %get3A_3232 = vector.shape_cast %get3A_3231 : vector<1x16xf32> to vector<16xf32>
      %add3A_3233 = arith.addf %get3A_3227, %get3A_3232 : vector<16xf32>
      %get3A_3234 = arith.constant 32 : i32
      %get3A_3235 = arith.index_cast %get3A_3234 : i32 to index
      %get3A_3236 = arith.constant 16 : index
      %get3A_3237 = tpu.vector_load %arg7[%get3A_3235, %get3A_3236] {strides = array<i32>} : memref<80x64xf32, #tpu.memory_space<vmem>>, vector<1x16xf32>,
      %get3A_3238 = vector.shape_cast %get3A_3237 : vector<1x16xf32> to vector<16xf32>
      %add3A_3239 = arith.addf %add3A_3233, %get3A_3238 : vector<16xf32>
      %get3A_3240 = arith.constant 33 : i32
      %get3A_3241 = arith.index_cast %get3A_3240 : i32 to index
      %get3A_3242 = arith.constant 16 : index
      %get3A_3243 = tpu.vector_load %arg7[%get3A_3241, %get3A_3242] {strides = array<i32>} : memref<80x64xf32, #tpu.memory_space<vmem>>, vector<1x16xf32>,
      %get3A_3244 = vector.shape_cast %get3A_3243 : vector<1x16xf32> to vector<16xf32>
      %add3A_3245 = arith.addf %add3A_3239, %get3A_3244 : vector<16xf32>
      %get3A_3246 = arith.constant 34 : i32
      %get3A_3247 = arith.index_cast %get3A_3246 : i32 to index
      %get3A_3248 = arith.constant 16 : index
      %get3A_3249 = tpu.vector_load %arg7[%get3A_3247, %get3A_3248] {strides = array<i32>} : memref<80x64xf32, #tpu.memory_space<vmem>>, vector<1x16xf32>,
      %get3A_3250 = vector.shape_cast %get3A_3249 : vector<1x16xf32> to vector<16xf32>
      %add3A_3251 = arith.addf %add3A_3245, %get3A_3250 : vector<16xf32>
      %get3A_3252 = arith.constant 35 : i32
      %get3A_3253 = arith.index_cast %get3A_3252 : i32 to index
      %get3A_3254 = arith.constant 16 : index
      %get3A_3255 = tpu.vector_load %arg7[%get3A_3253, %get3A_3254] {strides = array<i32>} : memref<80x64xf32, #tpu.memory_space<vmem>>, vector<1x16xf32>,
      %get3A_3256 = vector.shape_cast %get3A_3255 : vector<1x16xf32> to vector<16xf32>
      %get3A_3257 = arith.constant 36 : i32
      %get3A_3258 = arith.index_cast %get3A_3257 : i32 to index
      %get3A_3259 = arith.constant 16 : index
      %get3A_3260 = tpu.vector_load %arg7[%get3A_3258, %get3A_3259] {strides = array<i32>} : memref<80x64xf32, #tpu.memory_space<vmem>>, vector<1x16xf32>,
      %get3A_3261 = vector.shape_cast %get3A_3260 : vector<1x16xf32> to vector<16xf32>
      %add3A_3262 = arith.addf %get3A_3256, %get3A_3261 : vector<16xf32>
      %get3A_3263 = arith.constant 37 : i32
      %get3A_3264 = arith.index_cast %get3A_3263 : i32 to index
      %get3A_3265 = arith.constant 16 : index
      %get3A_3266 = tpu.vector_load %arg7[%get3A_3264, %get3A_3265] {strides = array<i32>} : memref<80x64xf32, #tpu.memory_space<vmem>>, vector<1x16xf32>,
      %get3A_3267 = vector.shape_cast %get3A_3266 : vector<1x16xf32> to vector<16xf32>
      %add3A_3268 = arith.addf %add3A_3262, %get3A_3267 : vector<16xf32>
      %get3A_3269 = arith.constant 38 : i32
      %get3A_3270 = arith.index_cast %get3A_3269 : i32 to index
      %get3A_3271 = arith.constant 16 : index
      %get3A_3272 = tpu.vector_load %arg7[%get3A_3270, %get3A_3271] {strides = array<i32>} : memref<80x64xf32, #tpu.memory_space<vmem>>, vector<1x16xf32>,
      %get3A_3273 = vector.shape_cast %get3A_3272 : vector<1x16xf32> to vector<16xf32>
      %add3A_3274 = arith.addf %add3A_3268, %get3A_3273 : vector<16xf32>
      %get3A_3275 = arith.constant 39 : i32
      %get3A_3276 = arith.index_cast %get3A_3275 : i32 to index
      %get3A_3277 = arith.constant 16 : index
      %get3A_3278 = tpu.vector_load %arg7[%get3A_3276, %get3A_3277] {strides = array<i32>} : memref<80x64xf32, #tpu.memory_space<vmem>>, vector<1x16xf32>,
      %get3A_3279 = vector.shape_cast %get3A_3278 : vector<1x16xf32> to vector<16xf32>
      %add3A_3280 = arith.addf %add3A_3274, %get3A_3279 : vector<16xf32>
      %swap3A_3281 = arith.constant 3 : i32
      %swap3A_3282 = arith.index_cast %swap3A_3281 : i32 to index
      %swap3A_3283 = arith.constant 16 : index
      %swap3A_3284 = tpu.vector_load %arg9[%swap3A_3282, %swap3A_3283] {strides = array<i32>} : memref<8x128xf32, #tpu.memory_space<vmem>>, vector<1x16xf32>,
      %swap3A_3285 = vector.shape_cast %swap3A_3284 : vector<1x16xf32> to vector<16xf32>
      %swap3A_3286 = vector.shape_cast %add3A_3251 : vector<16xf32> to vector<1x16xf32>
      tpu.vector_store %arg9[%swap3A_3282, %swap3A_3283], %swap3A_3286 {strides = array<i32>} : memref<8x128xf32, #tpu.memory_space<vmem>>, vector<1x16xf32>,
      %swap3A_3287 = arith.constant 3 : i32
      %swap3A_3288 = arith.index_cast %swap3A_3287 : i32 to index
      %swap3A_3289 = arith.constant 80 : index
      %swap3A_3290 = tpu.vector_load %arg9[%swap3A_3288, %swap3A_3289] {strides = array<i32>} : memref<8x128xf32, #tpu.memory_space<vmem>>, vector<1x16xf32>,
      %swap3A_3291 = vector.shape_cast %swap3A_3290 : vector<1x16xf32> to vector<16xf32>
      %swap3A_3292 = vector.shape_cast %add3A_3280 : vector<16xf32> to vector<1x16xf32>
      tpu.vector_store %arg9[%swap3A_3288, %swap3A_3289], %swap3A_3292 {strides = array<i32>} : memref<8x128xf32, #tpu.memory_space<vmem>>, vector<1x16xf32>,
      %get3A_3293 = arith.constant 30 : i32
      %get3A_3294 = arith.index_cast %get3A_3293 : i32 to index
      %get3A_3295 = arith.constant 32 : index
      %get3A_3296 = tpu.vector_load %arg7[%get3A_3294, %get3A_3295] {strides = array<i32>} : memref<80x64xf32, #tpu.memory_space<vmem>>, vector<1x16xf32>,
      %get3A_3297 = vector.shape_cast %get3A_3296 : vector<1x16xf32> to vector<16xf32>
      %get3A_3298 = arith.constant 31 : i32
      %get3A_3299 = arith.index_cast %get3A_3298 : i32 to index
      %get3A_3300 = arith.constant 32 : index
      %get3A_3301 = tpu.vector_load %arg7[%get3A_3299, %get3A_3300] {strides = array<i32>} : memref<80x64xf32, #tpu.memory_space<vmem>>, vector<1x16xf32>,
      %get3A_3302 = vector.shape_cast %get3A_3301 : vector<1x16xf32> to vector<16xf32>
      %add3A_3303 = arith.addf %get3A_3297, %get3A_3302 : vector<16xf32>
      %get3A_3304 = arith.constant 32 : i32
      %get3A_3305 = arith.index_cast %get3A_3304 : i32 to index
      %get3A_3306 = arith.constant 32 : index
      %get3A_3307 = tpu.vector_load %arg7[%get3A_3305, %get3A_3306] {strides = array<i32>} : memref<80x64xf32, #tpu.memory_space<vmem>>, vector<1x16xf32>,
      %get3A_3308 = vector.shape_cast %get3A_3307 : vector<1x16xf32> to vector<16xf32>
      %add3A_3309 = arith.addf %add3A_3303, %get3A_3308 : vector<16xf32>
      %get3A_3310 = arith.constant 33 : i32
      %get3A_3311 = arith.index_cast %get3A_3310 : i32 to index
      %get3A_3312 = arith.constant 32 : index
      %get3A_3313 = tpu.vector_load %arg7[%get3A_3311, %get3A_3312] {strides = array<i32>} : memref<80x64xf32, #tpu.memory_space<vmem>>, vector<1x16xf32>,
      %get3A_3314 = vector.shape_cast %get3A_3313 : vector<1x16xf32> to vector<16xf32>
      %add3A_3315 = arith.addf %add3A_3309, %get3A_3314 : vector<16xf32>
      %get3A_3316 = arith.constant 34 : i32
      %get3A_3317 = arith.index_cast %get3A_3316 : i32 to index
      %get3A_3318 = arith.constant 32 : index
      %get3A_3319 = tpu.vector_load %arg7[%get3A_3317, %get3A_3318] {strides = array<i32>} : memref<80x64xf32, #tpu.memory_space<vmem>>, vector<1x16xf32>,
      %get3A_3320 = vector.shape_cast %get3A_3319 : vector<1x16xf32> to vector<16xf32>
      %add3A_3321 = arith.addf %add3A_3315, %get3A_3320 : vector<16xf32>
      %get3A_3322 = arith.constant 35 : i32
      %get3A_3323 = arith.index_cast %get3A_3322 : i32 to index
      %get3A_3324 = arith.constant 32 : index
      %get3A_3325 = tpu.vector_load %arg7[%get3A_3323, %get3A_3324] {strides = array<i32>} : memref<80x64xf32, #tpu.memory_space<vmem>>, vector<1x16xf32>,
      %get3A_3326 = vector.shape_cast %get3A_3325 : vector<1x16xf32> to vector<16xf32>
      %get3A_3327 = arith.constant 36 : i32
      %get3A_3328 = arith.index_cast %get3A_3327 : i32 to index
      %get3A_3329 = arith.constant 32 : index
      %get3A_3330 = tpu.vector_load %arg7[%get3A_3328, %get3A_3329] {strides = array<i32>} : memref<80x64xf32, #tpu.memory_space<vmem>>, vector<1x16xf32>,
      %get3A_3331 = vector.shape_cast %get3A_3330 : vector<1x16xf32> to vector<16xf32>
      %add3A_3332 = arith.addf %get3A_3326, %get3A_3331 : vector<16xf32>
      %get3A_3333 = arith.constant 37 : i32
      %get3A_3334 = arith.index_cast %get3A_3333 : i32 to index
      %get3A_3335 = arith.constant 32 : index
      %get3A_3336 = tpu.vector_load %arg7[%get3A_3334, %get3A_3335] {strides = array<i32>} : memref<80x64xf32, #tpu.memory_space<vmem>>, vector<1x16xf32>,
      %get3A_3337 = vector.shape_cast %get3A_3336 : vector<1x16xf32> to vector<16xf32>
      %add3A_3338 = arith.addf %add3A_3332, %get3A_3337 : vector<16xf32>
      %get3A_3339 = arith.constant 38 : i32
      %get3A_3340 = arith.index_cast %get3A_3339 : i32 to index
      %get3A_3341 = arith.constant 32 : index
      %get3A_3342 = tpu.vector_load %arg7[%get3A_3340, %get3A_3341] {strides = array<i32>} : memref<80x64xf32, #tpu.memory_space<vmem>>, vector<1x16xf32>,
      %get3A_3343 = vector.shape_cast %get3A_3342 : vector<1x16xf32> to vector<16xf32>
      %add3A_3344 = arith.addf %add3A_3338, %get3A_3343 : vector<16xf32>
      %get3A_3345 = arith.constant 39 : i32
      %get3A_3346 = arith.index_cast %get3A_3345 : i32 to index
      %get3A_3347 = arith.constant 32 : index
      %get3A_3348 = tpu.vector_load %arg7[%get3A_3346, %get3A_3347] {strides = array<i32>} : memref<80x64xf32, #tpu.memory_space<vmem>>, vector<1x16xf32>,
      %get3A_3349 = vector.shape_cast %get3A_3348 : vector<1x16xf32> to vector<16xf32>
      %add3A_3350 = arith.addf %add3A_3344, %get3A_3349 : vector<16xf32>
      %swap3A_3351 = arith.constant 3 : i32
      %swap3A_3352 = arith.index_cast %swap3A_3351 : i32 to index
      %swap3A_3353 = arith.constant 32 : index
      %swap3A_3354 = tpu.vector_load %arg9[%swap3A_3352, %swap3A_3353] {strides = array<i32>} : memref<8x128xf32, #tpu.memory_space<vmem>>, vector<1x16xf32>,
      %swap3A_3355 = vector.shape_cast %swap3A_3354 : vector<1x16xf32> to vector<16xf32>
      %swap3A_3356 = vector.shape_cast %add3A_3321 : vector<16xf32> to vector<1x16xf32>
      tpu.vector_store %arg9[%swap3A_3352, %swap3A_3353], %swap3A_3356 {strides = array<i32>} : memref<8x128xf32, #tpu.memory_space<vmem>>, vector<1x16xf32>,
      %swap3A_3357 = arith.constant 3 : i32
      %swap3A_3358 = arith.index_cast %swap3A_3357 : i32 to index
      %swap3A_3359 = arith.constant 96 : index
      %swap3A_3360 = tpu.vector_load %arg9[%swap3A_3358, %swap3A_3359] {strides = array<i32>} : memref<8x128xf32, #tpu.memory_space<vmem>>, vector<1x16xf32>,
      %swap3A_3361 = vector.shape_cast %swap3A_3360 : vector<1x16xf32> to vector<16xf32>
      %swap3A_3362 = vector.shape_cast %add3A_3350 : vector<16xf32> to vector<1x16xf32>
      tpu.vector_store %arg9[%swap3A_3358, %swap3A_3359], %swap3A_3362 {strides = array<i32>} : memref<8x128xf32, #tpu.memory_space<vmem>>, vector<1x16xf32>,
      %get3A_3363 = arith.constant 30 : i32
      %get3A_3364 = arith.index_cast %get3A_3363 : i32 to index
      %get3A_3365 = arith.constant 48 : index
      %get3A_3366 = tpu.vector_load %arg7[%get3A_3364, %get3A_3365] {strides = array<i32>} : memref<80x64xf32, #tpu.memory_space<vmem>>, vector<1x16xf32>,
      %get3A_3367 = vector.shape_cast %get3A_3366 : vector<1x16xf32> to vector<16xf32>
      %get3A_3368 = arith.constant 31 : i32
      %get3A_3369 = arith.index_cast %get3A_3368 : i32 to index
      %get3A_3370 = arith.constant 48 : index
      %get3A_3371 = tpu.vector_load %arg7[%get3A_3369, %get3A_3370] {strides = array<i32>} : memref<80x64xf32, #tpu.memory_space<vmem>>, vector<1x16xf32>,
      %get3A_3372 = vector.shape_cast %get3A_3371 : vector<1x16xf32> to vector<16xf32>
      %add3A_3373 = arith.addf %get3A_3367, %get3A_3372 : vector<16xf32>
      %get3A_3374 = arith.constant 32 : i32
      %get3A_3375 = arith.index_cast %get3A_3374 : i32 to index
      %get3A_3376 = arith.constant 48 : index
      %get3A_3377 = tpu.vector_load %arg7[%get3A_3375, %get3A_3376] {strides = array<i32>} : memref<80x64xf32, #tpu.memory_space<vmem>>, vector<1x16xf32>,
      %get3A_3378 = vector.shape_cast %get3A_3377 : vector<1x16xf32> to vector<16xf32>
      %add3A_3379 = arith.addf %add3A_3373, %get3A_3378 : vector<16xf32>
      %get3A_3380 = arith.constant 33 : i32
      %get3A_3381 = arith.index_cast %get3A_3380 : i32 to index
      %get3A_3382 = arith.constant 48 : index
      %get3A_3383 = tpu.vector_load %arg7[%get3A_3381, %get3A_3382] {strides = array<i32>} : memref<80x64xf32, #tpu.memory_space<vmem>>, vector<1x16xf32>,
      %get3A_3384 = vector.shape_cast %get3A_3383 : vector<1x16xf32> to vector<16xf32>
      %add3A_3385 = arith.addf %add3A_3379, %get3A_3384 : vector<16xf32>
      %get3A_3386 = arith.constant 34 : i32
      %get3A_3387 = arith.index_cast %get3A_3386 : i32 to index
      %get3A_3388 = arith.constant 48 : index
      %get3A_3389 = tpu.vector_load %arg7[%get3A_3387, %get3A_3388] {strides = array<i32>} : memref<80x64xf32, #tpu.memory_space<vmem>>, vector<1x16xf32>,
      %get3A_3390 = vector.shape_cast %get3A_3389 : vector<1x16xf32> to vector<16xf32>
      %add3A_3391 = arith.addf %add3A_3385, %get3A_3390 : vector<16xf32>
      %get3A_3392 = arith.constant 35 : i32
      %get3A_3393 = arith.index_cast %get3A_3392 : i32 to index
      %get3A_3394 = arith.constant 48 : index
      %get3A_3395 = tpu.vector_load %arg7[%get3A_3393, %get3A_3394] {strides = array<i32>} : memref<80x64xf32, #tpu.memory_space<vmem>>, vector<1x16xf32>,
      %get3A_3396 = vector.shape_cast %get3A_3395 : vector<1x16xf32> to vector<16xf32>
      %get3A_3397 = arith.constant 36 : i32
      %get3A_3398 = arith.index_cast %get3A_3397 : i32 to index
      %get3A_3399 = arith.constant 48 : index
      %get3A_3400 = tpu.vector_load %arg7[%get3A_3398, %get3A_3399] {strides = array<i32>} : memref<80x64xf32, #tpu.memory_space<vmem>>, vector<1x16xf32>,
      %get3A_3401 = vector.shape_cast %get3A_3400 : vector<1x16xf32> to vector<16xf32>
      %add3A_3402 = arith.addf %get3A_3396, %get3A_3401 : vector<16xf32>
      %get3A_3403 = arith.constant 37 : i32
      %get3A_3404 = arith.index_cast %get3A_3403 : i32 to index
      %get3A_3405 = arith.constant 48 : index
      %get3A_3406 = tpu.vector_load %arg7[%get3A_3404, %get3A_3405] {strides = array<i32>} : memref<80x64xf32, #tpu.memory_space<vmem>>, vector<1x16xf32>,
      %get3A_3407 = vector.shape_cast %get3A_3406 : vector<1x16xf32> to vector<16xf32>
      %add3A_3408 = arith.addf %add3A_3402, %get3A_3407 : vector<16xf32>
      %get3A_3409 = arith.constant 38 : i32
      %get3A_3410 = arith.index_cast %get3A_3409 : i32 to index
      %get3A_3411 = arith.constant 48 : index
      %get3A_3412 = tpu.vector_load %arg7[%get3A_3410, %get3A_3411] {strides = array<i32>} : memref<80x64xf32, #tpu.memory_space<vmem>>, vector<1x16xf32>,
      %get3A_3413 = vector.shape_cast %get3A_3412 : vector<1x16xf32> to vector<16xf32>
      %add3A_3414 = arith.addf %add3A_3408, %get3A_3413 : vector<16xf32>
      %get3A_3415 = arith.constant 39 : i32
      %get3A_3416 = arith.index_cast %get3A_3415 : i32 to index
      %get3A_3417 = arith.constant 48 : index
      %get3A_3418 = tpu.vector_load %arg7[%get3A_3416, %get3A_3417] {strides = array<i32>} : memref<80x64xf32, #tpu.memory_space<vmem>>, vector<1x16xf32>,
      %get3A_3419 = vector.shape_cast %get3A_3418 : vector<1x16xf32> to vector<16xf32>
      %add3A_3420 = arith.addf %add3A_3414, %get3A_3419 : vector<16xf32>
      %swap3A_3421 = arith.constant 3 : i32
      %swap3A_3422 = arith.index_cast %swap3A_3421 : i32 to index
      %swap3A_3423 = arith.constant 48 : index
      %swap3A_3424 = tpu.vector_load %arg9[%swap3A_3422, %swap3A_3423] {strides = array<i32>} : memref<8x128xf32, #tpu.memory_space<vmem>>, vector<1x16xf32>,
      %swap3A_3425 = vector.shape_cast %swap3A_3424 : vector<1x16xf32> to vector<16xf32>
      %swap3A_3426 = vector.shape_cast %add3A_3391 : vector<16xf32> to vector<1x16xf32>
      tpu.vector_store %arg9[%swap3A_3422, %swap3A_3423], %swap3A_3426 {strides = array<i32>} : memref<8x128xf32, #tpu.memory_space<vmem>>, vector<1x16xf32>,
      %swap3A_3427 = arith.constant 3 : i32
      %swap3A_3428 = arith.index_cast %swap3A_3427 : i32 to index
      %swap3A_3429 = arith.constant 112 : index
      %swap3A_3430 = tpu.vector_load %arg9[%swap3A_3428, %swap3A_3429] {strides = array<i32>} : memref<8x128xf32, #tpu.memory_space<vmem>>, vector<1x16xf32>,
      %swap3A_3431 = vector.shape_cast %swap3A_3430 : vector<1x16xf32> to vector<16xf32>
      %swap3A_3432 = vector.shape_cast %add3A_3420 : vector<16xf32> to vector<1x16xf32>
      tpu.vector_store %arg9[%swap3A_3428, %swap3A_3429], %swap3A_3432 {strides = array<i32>} : memref<8x128xf32, #tpu.memory_space<vmem>>, vector<1x16xf32>,
      %get3A_3433 = arith.constant 40 : i32
      %get3A_3434 = arith.index_cast %get3A_3433 : i32 to index
      %get3A_3435 = arith.constant 0 : index
      %get3A_3436 = tpu.vector_load %arg7[%get3A_3434, %get3A_3435] {strides = array<i32>} : memref<80x64xf32, #tpu.memory_space<vmem>>, vector<1x16xf32>,
      %get3A_3437 = vector.shape_cast %get3A_3436 : vector<1x16xf32> to vector<16xf32>
      %get3A_3438 = arith.constant 41 : i32
      %get3A_3439 = arith.index_cast %get3A_3438 : i32 to index
      %get3A_3440 = arith.constant 0 : index
      %get3A_3441 = tpu.vector_load %arg7[%get3A_3439, %get3A_3440] {strides = array<i32>} : memref<80x64xf32, #tpu.memory_space<vmem>>, vector<1x16xf32>,
      %get3A_3442 = vector.shape_cast %get3A_3441 : vector<1x16xf32> to vector<16xf32>
      %add3A_3443 = arith.addf %get3A_3437, %get3A_3442 : vector<16xf32>
      %get3A_3444 = arith.constant 42 : i32
      %get3A_3445 = arith.index_cast %get3A_3444 : i32 to index
      %get3A_3446 = arith.constant 0 : index
      %get3A_3447 = tpu.vector_load %arg7[%get3A_3445, %get3A_3446] {strides = array<i32>} : memref<80x64xf32, #tpu.memory_space<vmem>>, vector<1x16xf32>,
      %get3A_3448 = vector.shape_cast %get3A_3447 : vector<1x16xf32> to vector<16xf32>
      %add3A_3449 = arith.addf %add3A_3443, %get3A_3448 : vector<16xf32>
      %get3A_3450 = arith.constant 43 : i32
      %get3A_3451 = arith.index_cast %get3A_3450 : i32 to index
      %get3A_3452 = arith.constant 0 : index
      %get3A_3453 = tpu.vector_load %arg7[%get3A_3451, %get3A_3452] {strides = array<i32>} : memref<80x64xf32, #tpu.memory_space<vmem>>, vector<1x16xf32>,
      %get3A_3454 = vector.shape_cast %get3A_3453 : vector<1x16xf32> to vector<16xf32>
      %add3A_3455 = arith.addf %add3A_3449, %get3A_3454 : vector<16xf32>
      %get3A_3456 = arith.constant 44 : i32
      %get3A_3457 = arith.index_cast %get3A_3456 : i32 to index
      %get3A_3458 = arith.constant 0 : index
      %get3A_3459 = tpu.vector_load %arg7[%get3A_3457, %get3A_3458] {strides = array<i32>} : memref<80x64xf32, #tpu.memory_space<vmem>>, vector<1x16xf32>,
      %get3A_3460 = vector.shape_cast %get3A_3459 : vector<1x16xf32> to vector<16xf32>
      %add3A_3461 = arith.addf %add3A_3455, %get3A_3460 : vector<16xf32>
      %get3A_3462 = arith.constant 45 : i32
      %get3A_3463 = arith.index_cast %get3A_3462 : i32 to index
      %get3A_3464 = arith.constant 0 : index
      %get3A_3465 = tpu.vector_load %arg7[%get3A_3463, %get3A_3464] {strides = array<i32>} : memref<80x64xf32, #tpu.memory_space<vmem>>, vector<1x16xf32>,
      %get3A_3466 = vector.shape_cast %get3A_3465 : vector<1x16xf32> to vector<16xf32>
      %get3A_3467 = arith.constant 46 : i32
      %get3A_3468 = arith.index_cast %get3A_3467 : i32 to index
      %get3A_3469 = arith.constant 0 : index
      %get3A_3470 = tpu.vector_load %arg7[%get3A_3468, %get3A_3469] {strides = array<i32>} : memref<80x64xf32, #tpu.memory_space<vmem>>, vector<1x16xf32>,
      %get3A_3471 = vector.shape_cast %get3A_3470 : vector<1x16xf32> to vector<16xf32>
      %add3A_3472 = arith.addf %get3A_3466, %get3A_3471 : vector<16xf32>
      %get3A_3473 = arith.constant 47 : i32
      %get3A_3474 = arith.index_cast %get3A_3473 : i32 to index
      %get3A_3475 = arith.constant 0 : index
      %get3A_3476 = tpu.vector_load %arg7[%get3A_3474, %get3A_3475] {strides = array<i32>} : memref<80x64xf32, #tpu.memory_space<vmem>>, vector<1x16xf32>,
      %get3A_3477 = vector.shape_cast %get3A_3476 : vector<1x16xf32> to vector<16xf32>
      %add3A_3478 = arith.addf %add3A_3472, %get3A_3477 : vector<16xf32>
      %get3A_3479 = arith.constant 48 : i32
      %get3A_3480 = arith.index_cast %get3A_3479 : i32 to index
      %get3A_3481 = arith.constant 0 : index
      %get3A_3482 = tpu.vector_load %arg7[%get3A_3480, %get3A_3481] {strides = array<i32>} : memref<80x64xf32, #tpu.memory_space<vmem>>, vector<1x16xf32>,
      %get3A_3483 = vector.shape_cast %get3A_3482 : vector<1x16xf32> to vector<16xf32>
      %add3A_3484 = arith.addf %add3A_3478, %get3A_3483 : vector<16xf32>
      %get3A_3485 = arith.constant 49 : i32
      %get3A_3486 = arith.index_cast %get3A_3485 : i32 to index
      %get3A_3487 = arith.constant 0 : index
      %get3A_3488 = tpu.vector_load %arg7[%get3A_3486, %get3A_3487] {strides = array<i32>} : memref<80x64xf32, #tpu.memory_space<vmem>>, vector<1x16xf32>,
      %get3A_3489 = vector.shape_cast %get3A_3488 : vector<1x16xf32> to vector<16xf32>
      %add3A_3490 = arith.addf %add3A_3484, %get3A_3489 : vector<16xf32>
      %swap3A_3491 = arith.constant 4 : i32
      %swap3A_3492 = arith.index_cast %swap3A_3491 : i32 to index
      %swap3A_3493 = arith.constant 0 : index
      %swap3A_3494 = tpu.vector_load %arg9[%swap3A_3492, %swap3A_3493] {strides = array<i32>} : memref<8x128xf32, #tpu.memory_space<vmem>>, vector<1x16xf32>,
      %swap3A_3495 = vector.shape_cast %swap3A_3494 : vector<1x16xf32> to vector<16xf32>
      %swap3A_3496 = vector.shape_cast %add3A_3461 : vector<16xf32> to vector<1x16xf32>
      tpu.vector_store %arg9[%swap3A_3492, %swap3A_3493], %swap3A_3496 {strides = array<i32>} : memref<8x128xf32, #tpu.memory_space<vmem>>, vector<1x16xf32>,
      %swap3A_3497 = arith.constant 4 : i32
      %swap3A_3498 = arith.index_cast %swap3A_3497 : i32 to index
      %swap3A_3499 = arith.constant 64 : index
      %swap3A_3500 = tpu.vector_load %arg9[%swap3A_3498, %swap3A_3499] {strides = array<i32>} : memref<8x128xf32, #tpu.memory_space<vmem>>, vector<1x16xf32>,
      %swap3A_3501 = vector.shape_cast %swap3A_3500 : vector<1x16xf32> to vector<16xf32>
      %swap3A_3502 = vector.shape_cast %add3A_3490 : vector<16xf32> to vector<1x16xf32>
      tpu.vector_store %arg9[%swap3A_3498, %swap3A_3499], %swap3A_3502 {strides = array<i32>} : memref<8x128xf32, #tpu.memory_space<vmem>>, vector<1x16xf32>,
      %get3A_3503 = arith.constant 40 : i32
      %get3A_3504 = arith.index_cast %get3A_3503 : i32 to index
      %get3A_3505 = arith.constant 16 : index
      %get3A_3506 = tpu.vector_load %arg7[%get3A_3504, %get3A_3505] {strides = array<i32>} : memref<80x64xf32, #tpu.memory_space<vmem>>, vector<1x16xf32>,
      %get3A_3507 = vector.shape_cast %get3A_3506 : vector<1x16xf32> to vector<16xf32>
      %get3A_3508 = arith.constant 41 : i32
      %get3A_3509 = arith.index_cast %get3A_3508 : i32 to index
      %get3A_3510 = arith.constant 16 : index
      %get3A_3511 = tpu.vector_load %arg7[%get3A_3509, %get3A_3510] {strides = array<i32>} : memref<80x64xf32, #tpu.memory_space<vmem>>, vector<1x16xf32>,
      %get3A_3512 = vector.shape_cast %get3A_3511 : vector<1x16xf32> to vector<16xf32>
      %add3A_3513 = arith.addf %get3A_3507, %get3A_3512 : vector<16xf32>
      %get3A_3514 = arith.constant 42 : i32
      %get3A_3515 = arith.index_cast %get3A_3514 : i32 to index
      %get3A_3516 = arith.constant 16 : index
      %get3A_3517 = tpu.vector_load %arg7[%get3A_3515, %get3A_3516] {strides = array<i32>} : memref<80x64xf32, #tpu.memory_space<vmem>>, vector<1x16xf32>,
      %get3A_3518 = vector.shape_cast %get3A_3517 : vector<1x16xf32> to vector<16xf32>
      %add3A_3519 = arith.addf %add3A_3513, %get3A_3518 : vector<16xf32>
      %get3A_3520 = arith.constant 43 : i32
      %get3A_3521 = arith.index_cast %get3A_3520 : i32 to index
      %get3A_3522 = arith.constant 16 : index
      %get3A_3523 = tpu.vector_load %arg7[%get3A_3521, %get3A_3522] {strides = array<i32>} : memref<80x64xf32, #tpu.memory_space<vmem>>, vector<1x16xf32>,
      %get3A_3524 = vector.shape_cast %get3A_3523 : vector<1x16xf32> to vector<16xf32>
      %add3A_3525 = arith.addf %add3A_3519, %get3A_3524 : vector<16xf32>
      %get3A_3526 = arith.constant 44 : i32
      %get3A_3527 = arith.index_cast %get3A_3526 : i32 to index
      %get3A_3528 = arith.constant 16 : index
      %get3A_3529 = tpu.vector_load %arg7[%get3A_3527, %get3A_3528] {strides = array<i32>} : memref<80x64xf32, #tpu.memory_space<vmem>>, vector<1x16xf32>,
      %get3A_3530 = vector.shape_cast %get3A_3529 : vector<1x16xf32> to vector<16xf32>
      %add3A_3531 = arith.addf %add3A_3525, %get3A_3530 : vector<16xf32>
      %get3A_3532 = arith.constant 45 : i32
      %get3A_3533 = arith.index_cast %get3A_3532 : i32 to index
      %get3A_3534 = arith.constant 16 : index
      %get3A_3535 = tpu.vector_load %arg7[%get3A_3533, %get3A_3534] {strides = array<i32>} : memref<80x64xf32, #tpu.memory_space<vmem>>, vector<1x16xf32>,
      %get3A_3536 = vector.shape_cast %get3A_3535 : vector<1x16xf32> to vector<16xf32>
      %get3A_3537 = arith.constant 46 : i32
      %get3A_3538 = arith.index_cast %get3A_3537 : i32 to index
      %get3A_3539 = arith.constant 16 : index
      %get3A_3540 = tpu.vector_load %arg7[%get3A_3538, %get3A_3539] {strides = array<i32>} : memref<80x64xf32, #tpu.memory_space<vmem>>, vector<1x16xf32>,
      %get3A_3541 = vector.shape_cast %get3A_3540 : vector<1x16xf32> to vector<16xf32>
      %add3A_3542 = arith.addf %get3A_3536, %get3A_3541 : vector<16xf32>
      %get3A_3543 = arith.constant 47 : i32
      %get3A_3544 = arith.index_cast %get3A_3543 : i32 to index
      %get3A_3545 = arith.constant 16 : index
      %get3A_3546 = tpu.vector_load %arg7[%get3A_3544, %get3A_3545] {strides = array<i32>} : memref<80x64xf32, #tpu.memory_space<vmem>>, vector<1x16xf32>,
      %get3A_3547 = vector.shape_cast %get3A_3546 : vector<1x16xf32> to vector<16xf32>
      %add3A_3548 = arith.addf %add3A_3542, %get3A_3547 : vector<16xf32>
      %get3A_3549 = arith.constant 48 : i32
      %get3A_3550 = arith.index_cast %get3A_3549 : i32 to index
      %get3A_3551 = arith.constant 16 : index
      %get3A_3552 = tpu.vector_load %arg7[%get3A_3550, %get3A_3551] {strides = array<i32>} : memref<80x64xf32, #tpu.memory_space<vmem>>, vector<1x16xf32>,
      %get3A_3553 = vector.shape_cast %get3A_3552 : vector<1x16xf32> to vector<16xf32>
      %add3A_3554 = arith.addf %add3A_3548, %get3A_3553 : vector<16xf32>
      %get3A_3555 = arith.constant 49 : i32
      %get3A_3556 = arith.index_cast %get3A_3555 : i32 to index
      %get3A_3557 = arith.constant 16 : index
      %get3A_3558 = tpu.vector_load %arg7[%get3A_3556, %get3A_3557] {strides = array<i32>} : memref<80x64xf32, #tpu.memory_space<vmem>>, vector<1x16xf32>,
      %get3A_3559 = vector.shape_cast %get3A_3558 : vector<1x16xf32> to vector<16xf32>
      %add3A_3560 = arith.addf %add3A_3554, %get3A_3559 : vector<16xf32>
      %swap3A_3561 = arith.constant 4 : i32
      %swap3A_3562 = arith.index_cast %swap3A_3561 : i32 to index
      %swap3A_3563 = arith.constant 16 : index
      %swap3A_3564 = tpu.vector_load %arg9[%swap3A_3562, %swap3A_3563] {strides = array<i32>} : memref<8x128xf32, #tpu.memory_space<vmem>>, vector<1x16xf32>,
      %swap3A_3565 = vector.shape_cast %swap3A_3564 : vector<1x16xf32> to vector<16xf32>
      %swap3A_3566 = vector.shape_cast %add3A_3531 : vector<16xf32> to vector<1x16xf32>
      tpu.vector_store %arg9[%swap3A_3562, %swap3A_3563], %swap3A_3566 {strides = array<i32>} : memref<8x128xf32, #tpu.memory_space<vmem>>, vector<1x16xf32>,
      %swap3A_3567 = arith.constant 4 : i32
      %swap3A_3568 = arith.index_cast %swap3A_3567 : i32 to index
      %swap3A_3569 = arith.constant 80 : index
      %swap3A_3570 = tpu.vector_load %arg9[%swap3A_3568, %swap3A_3569] {strides = array<i32>} : memref<8x128xf32, #tpu.memory_space<vmem>>, vector<1x16xf32>,
      %swap3A_3571 = vector.shape_cast %swap3A_3570 : vector<1x16xf32> to vector<16xf32>
      %swap3A_3572 = vector.shape_cast %add3A_3560 : vector<16xf32> to vector<1x16xf32>
      tpu.vector_store %arg9[%swap3A_3568, %swap3A_3569], %swap3A_3572 {strides = array<i32>} : memref<8x128xf32, #tpu.memory_space<vmem>>, vector<1x16xf32>,
      %get3A_3573 = arith.constant 40 : i32
      %get3A_3574 = arith.index_cast %get3A_3573 : i32 to index
      %get3A_3575 = arith.constant 32 : index
      %get3A_3576 = tpu.vector_load %arg7[%get3A_3574, %get3A_3575] {strides = array<i32>} : memref<80x64xf32, #tpu.memory_space<vmem>>, vector<1x16xf32>,
      %get3A_3577 = vector.shape_cast %get3A_3576 : vector<1x16xf32> to vector<16xf32>
      %get3A_3578 = arith.constant 41 : i32
      %get3A_3579 = arith.index_cast %get3A_3578 : i32 to index
      %get3A_3580 = arith.constant 32 : index
      %get3A_3581 = tpu.vector_load %arg7[%get3A_3579, %get3A_3580] {strides = array<i32>} : memref<80x64xf32, #tpu.memory_space<vmem>>, vector<1x16xf32>,
      %get3A_3582 = vector.shape_cast %get3A_3581 : vector<1x16xf32> to vector<16xf32>
      %add3A_3583 = arith.addf %get3A_3577, %get3A_3582 : vector<16xf32>
      %get3A_3584 = arith.constant 42 : i32
      %get3A_3585 = arith.index_cast %get3A_3584 : i32 to index
      %get3A_3586 = arith.constant 32 : index
      %get3A_3587 = tpu.vector_load %arg7[%get3A_3585, %get3A_3586] {strides = array<i32>} : memref<80x64xf32, #tpu.memory_space<vmem>>, vector<1x16xf32>,
      %get3A_3588 = vector.shape_cast %get3A_3587 : vector<1x16xf32> to vector<16xf32>
      %add3A_3589 = arith.addf %add3A_3583, %get3A_3588 : vector<16xf32>
      %get3A_3590 = arith.constant 43 : i32
      %get3A_3591 = arith.index_cast %get3A_3590 : i32 to index
      %get3A_3592 = arith.constant 32 : index
      %get3A_3593 = tpu.vector_load %arg7[%get3A_3591, %get3A_3592] {strides = array<i32>} : memref<80x64xf32, #tpu.memory_space<vmem>>, vector<1x16xf32>,
      %get3A_3594 = vector.shape_cast %get3A_3593 : vector<1x16xf32> to vector<16xf32>
      %add3A_3595 = arith.addf %add3A_3589, %get3A_3594 : vector<16xf32>
      %get3A_3596 = arith.constant 44 : i32
      %get3A_3597 = arith.index_cast %get3A_3596 : i32 to index
      %get3A_3598 = arith.constant 32 : index
      %get3A_3599 = tpu.vector_load %arg7[%get3A_3597, %get3A_3598] {strides = array<i32>} : memref<80x64xf32, #tpu.memory_space<vmem>>, vector<1x16xf32>,
      %get3A_3600 = vector.shape_cast %get3A_3599 : vector<1x16xf32> to vector<16xf32>
      %add3A_3601 = arith.addf %add3A_3595, %get3A_3600 : vector<16xf32>
      %get3A_3602 = arith.constant 45 : i32
      %get3A_3603 = arith.index_cast %get3A_3602 : i32 to index
      %get3A_3604 = arith.constant 32 : index
      %get3A_3605 = tpu.vector_load %arg7[%get3A_3603, %get3A_3604] {strides = array<i32>} : memref<80x64xf32, #tpu.memory_space<vmem>>, vector<1x16xf32>,
      %get3A_3606 = vector.shape_cast %get3A_3605 : vector<1x16xf32> to vector<16xf32>
      %get3A_3607 = arith.constant 46 : i32
      %get3A_3608 = arith.index_cast %get3A_3607 : i32 to index
      %get3A_3609 = arith.constant 32 : index
      %get3A_3610 = tpu.vector_load %arg7[%get3A_3608, %get3A_3609] {strides = array<i32>} : memref<80x64xf32, #tpu.memory_space<vmem>>, vector<1x16xf32>,
      %get3A_3611 = vector.shape_cast %get3A_3610 : vector<1x16xf32> to vector<16xf32>
      %add3A_3612 = arith.addf %get3A_3606, %get3A_3611 : vector<16xf32>
      %get3A_3613 = arith.constant 47 : i32
      %get3A_3614 = arith.index_cast %get3A_3613 : i32 to index
      %get3A_3615 = arith.constant 32 : index
      %get3A_3616 = tpu.vector_load %arg7[%get3A_3614, %get3A_3615] {strides = array<i32>} : memref<80x64xf32, #tpu.memory_space<vmem>>, vector<1x16xf32>,
      %get3A_3617 = vector.shape_cast %get3A_3616 : vector<1x16xf32> to vector<16xf32>
      %add3A_3618 = arith.addf %add3A_3612, %get3A_3617 : vector<16xf32>
      %get3A_3619 = arith.constant 48 : i32
      %get3A_3620 = arith.index_cast %get3A_3619 : i32 to index
      %get3A_3621 = arith.constant 32 : index
      %get3A_3622 = tpu.vector_load %arg7[%get3A_3620, %get3A_3621] {strides = array<i32>} : memref<80x64xf32, #tpu.memory_space<vmem>>, vector<1x16xf32>,
      %get3A_3623 = vector.shape_cast %get3A_3622 : vector<1x16xf32> to vector<16xf32>
      %add3A_3624 = arith.addf %add3A_3618, %get3A_3623 : vector<16xf32>
      %get3A_3625 = arith.constant 49 : i32
      %get3A_3626 = arith.index_cast %get3A_3625 : i32 to index
      %get3A_3627 = arith.constant 32 : index
      %get3A_3628 = tpu.vector_load %arg7[%get3A_3626, %get3A_3627] {strides = array<i32>} : memref<80x64xf32, #tpu.memory_space<vmem>>, vector<1x16xf32>,
      %get3A_3629 = vector.shape_cast %get3A_3628 : vector<1x16xf32> to vector<16xf32>
      %add3A_3630 = arith.addf %add3A_3624, %get3A_3629 : vector<16xf32>
      %swap3A_3631 = arith.constant 4 : i32
      %swap3A_3632 = arith.index_cast %swap3A_3631 : i32 to index
      %swap3A_3633 = arith.constant 32 : index
      %swap3A_3634 = tpu.vector_load %arg9[%swap3A_3632, %swap3A_3633] {strides = array<i32>} : memref<8x128xf32, #tpu.memory_space<vmem>>, vector<1x16xf32>,
      %swap3A_3635 = vector.shape_cast %swap3A_3634 : vector<1x16xf32> to vector<16xf32>
      %swap3A_3636 = vector.shape_cast %add3A_3601 : vector<16xf32> to vector<1x16xf32>
      tpu.vector_store %arg9[%swap3A_3632, %swap3A_3633], %swap3A_3636 {strides = array<i32>} : memref<8x128xf32, #tpu.memory_space<vmem>>, vector<1x16xf32>,
      %swap3A_3637 = arith.constant 4 : i32
      %swap3A_3638 = arith.index_cast %swap3A_3637 : i32 to index
      %swap3A_3639 = arith.constant 96 : index
      %swap3A_3640 = tpu.vector_load %arg9[%swap3A_3638, %swap3A_3639] {strides = array<i32>} : memref<8x128xf32, #tpu.memory_space<vmem>>, vector<1x16xf32>,
      %swap3A_3641 = vector.shape_cast %swap3A_3640 : vector<1x16xf32> to vector<16xf32>
      %swap3A_3642 = vector.shape_cast %add3A_3630 : vector<16xf32> to vector<1x16xf32>
      tpu.vector_store %arg9[%swap3A_3638, %swap3A_3639], %swap3A_3642 {strides = array<i32>} : memref<8x128xf32, #tpu.memory_space<vmem>>, vector<1x16xf32>,
      %get3A_3643 = arith.constant 40 : i32
      %get3A_3644 = arith.index_cast %get3A_3643 : i32 to index
      %get3A_3645 = arith.constant 48 : index
      %get3A_3646 = tpu.vector_load %arg7[%get3A_3644, %get3A_3645] {strides = array<i32>} : memref<80x64xf32, #tpu.memory_space<vmem>>, vector<1x16xf32>,
      %get3A_3647 = vector.shape_cast %get3A_3646 : vector<1x16xf32> to vector<16xf32>
      %get3A_3648 = arith.constant 41 : i32
      %get3A_3649 = arith.index_cast %get3A_3648 : i32 to index
      %get3A_3650 = arith.constant 48 : index
      %get3A_3651 = tpu.vector_load %arg7[%get3A_3649, %get3A_3650] {strides = array<i32>} : memref<80x64xf32, #tpu.memory_space<vmem>>, vector<1x16xf32>,
      %get3A_3652 = vector.shape_cast %get3A_3651 : vector<1x16xf32> to vector<16xf32>
      %add3A_3653 = arith.addf %get3A_3647, %get3A_3652 : vector<16xf32>
      %get3A_3654 = arith.constant 42 : i32
      %get3A_3655 = arith.index_cast %get3A_3654 : i32 to index
      %get3A_3656 = arith.constant 48 : index
      %get3A_3657 = tpu.vector_load %arg7[%get3A_3655, %get3A_3656] {strides = array<i32>} : memref<80x64xf32, #tpu.memory_space<vmem>>, vector<1x16xf32>,
      %get3A_3658 = vector.shape_cast %get3A_3657 : vector<1x16xf32> to vector<16xf32>
      %add3A_3659 = arith.addf %add3A_3653, %get3A_3658 : vector<16xf32>
      %get3A_3660 = arith.constant 43 : i32
      %get3A_3661 = arith.index_cast %get3A_3660 : i32 to index
      %get3A_3662 = arith.constant 48 : index
      %get3A_3663 = tpu.vector_load %arg7[%get3A_3661, %get3A_3662] {strides = array<i32>} : memref<80x64xf32, #tpu.memory_space<vmem>>, vector<1x16xf32>,
      %get3A_3664 = vector.shape_cast %get3A_3663 : vector<1x16xf32> to vector<16xf32>
      %add3A_3665 = arith.addf %add3A_3659, %get3A_3664 : vector<16xf32>
      %get3A_3666 = arith.constant 44 : i32
      %get3A_3667 = arith.index_cast %get3A_3666 : i32 to index
      %get3A_3668 = arith.constant 48 : index
      %get3A_3669 = tpu.vector_load %arg7[%get3A_3667, %get3A_3668] {strides = array<i32>} : memref<80x64xf32, #tpu.memory_space<vmem>>, vector<1x16xf32>,
      %get3A_3670 = vector.shape_cast %get3A_3669 : vector<1x16xf32> to vector<16xf32>
      %add3A_3671 = arith.addf %add3A_3665, %get3A_3670 : vector<16xf32>
      %get3A_3672 = arith.constant 45 : i32
      %get3A_3673 = arith.index_cast %get3A_3672 : i32 to index
      %get3A_3674 = arith.constant 48 : index
      %get3A_3675 = tpu.vector_load %arg7[%get3A_3673, %get3A_3674] {strides = array<i32>} : memref<80x64xf32, #tpu.memory_space<vmem>>, vector<1x16xf32>,
      %get3A_3676 = vector.shape_cast %get3A_3675 : vector<1x16xf32> to vector<16xf32>
      %get3A_3677 = arith.constant 46 : i32
      %get3A_3678 = arith.index_cast %get3A_3677 : i32 to index
      %get3A_3679 = arith.constant 48 : index
      %get3A_3680 = tpu.vector_load %arg7[%get3A_3678, %get3A_3679] {strides = array<i32>} : memref<80x64xf32, #tpu.memory_space<vmem>>, vector<1x16xf32>,
      %get3A_3681 = vector.shape_cast %get3A_3680 : vector<1x16xf32> to vector<16xf32>
      %add3A_3682 = arith.addf %get3A_3676, %get3A_3681 : vector<16xf32>
      %get3A_3683 = arith.constant 47 : i32
      %get3A_3684 = arith.index_cast %get3A_3683 : i32 to index
      %get3A_3685 = arith.constant 48 : index
      %get3A_3686 = tpu.vector_load %arg7[%get3A_3684, %get3A_3685] {strides = array<i32>} : memref<80x64xf32, #tpu.memory_space<vmem>>, vector<1x16xf32>,
      %get3A_3687 = vector.shape_cast %get3A_3686 : vector<1x16xf32> to vector<16xf32>
      %add3A_3688 = arith.addf %add3A_3682, %get3A_3687 : vector<16xf32>
      %get3A_3689 = arith.constant 48 : i32
      %get3A_3690 = arith.index_cast %get3A_3689 : i32 to index
      %get3A_3691 = arith.constant 48 : index
      %get3A_3692 = tpu.vector_load %arg7[%get3A_3690, %get3A_3691] {strides = array<i32>} : memref<80x64xf32, #tpu.memory_space<vmem>>, vector<1x16xf32>,
      %get3A_3693 = vector.shape_cast %get3A_3692 : vector<1x16xf32> to vector<16xf32>
      %add3A_3694 = arith.addf %add3A_3688, %get3A_3693 : vector<16xf32>
      %get3A_3695 = arith.constant 49 : i32
      %get3A_3696 = arith.index_cast %get3A_3695 : i32 to index
      %get3A_3697 = arith.constant 48 : index
      %get3A_3698 = tpu.vector_load %arg7[%get3A_3696, %get3A_3697] {strides = array<i32>} : memref<80x64xf32, #tpu.memory_space<vmem>>, vector<1x16xf32>,
      %get3A_3699 = vector.shape_cast %get3A_3698 : vector<1x16xf32> to vector<16xf32>
      %add3A_3700 = arith.addf %add3A_3694, %get3A_3699 : vector<16xf32>
      %swap3A_3701 = arith.constant 4 : i32
      %swap3A_3702 = arith.index_cast %swap3A_3701 : i32 to index
      %swap3A_3703 = arith.constant 48 : index
      %swap3A_3704 = tpu.vector_load %arg9[%swap3A_3702, %swap3A_3703] {strides = array<i32>} : memref<8x128xf32, #tpu.memory_space<vmem>>, vector<1x16xf32>,
      %swap3A_3705 = vector.shape_cast %swap3A_3704 : vector<1x16xf32> to vector<16xf32>
      %swap3A_3706 = vector.shape_cast %add3A_3671 : vector<16xf32> to vector<1x16xf32>
      tpu.vector_store %arg9[%swap3A_3702, %swap3A_3703], %swap3A_3706 {strides = array<i32>} : memref<8x128xf32, #tpu.memory_space<vmem>>, vector<1x16xf32>,
      %swap3A_3707 = arith.constant 4 : i32
      %swap3A_3708 = arith.index_cast %swap3A_3707 : i32 to index
      %swap3A_3709 = arith.constant 112 : index
      %swap3A_3710 = tpu.vector_load %arg9[%swap3A_3708, %swap3A_3709] {strides = array<i32>} : memref<8x128xf32, #tpu.memory_space<vmem>>, vector<1x16xf32>,
      %swap3A_3711 = vector.shape_cast %swap3A_3710 : vector<1x16xf32> to vector<16xf32>
      %swap3A_3712 = vector.shape_cast %add3A_3700 : vector<16xf32> to vector<1x16xf32>
      tpu.vector_store %arg9[%swap3A_3708, %swap3A_3709], %swap3A_3712 {strides = array<i32>} : memref<8x128xf32, #tpu.memory_space<vmem>>, vector<1x16xf32>,
      %get3A_3713 = arith.constant 50 : i32
      %get3A_3714 = arith.index_cast %get3A_3713 : i32 to index
      %get3A_3715 = arith.constant 0 : index
      %get3A_3716 = tpu.vector_load %arg7[%get3A_3714, %get3A_3715] {strides = array<i32>} : memref<80x64xf32, #tpu.memory_space<vmem>>, vector<1x16xf32>,
      %get3A_3717 = vector.shape_cast %get3A_3716 : vector<1x16xf32> to vector<16xf32>
      %get3A_3718 = arith.constant 51 : i32
      %get3A_3719 = arith.index_cast %get3A_3718 : i32 to index
      %get3A_3720 = arith.constant 0 : index
      %get3A_3721 = tpu.vector_load %arg7[%get3A_3719, %get3A_3720] {strides = array<i32>} : memref<80x64xf32, #tpu.memory_space<vmem>>, vector<1x16xf32>,
      %get3A_3722 = vector.shape_cast %get3A_3721 : vector<1x16xf32> to vector<16xf32>
      %add3A_3723 = arith.addf %get3A_3717, %get3A_3722 : vector<16xf32>
      %get3A_3724 = arith.constant 52 : i32
      %get3A_3725 = arith.index_cast %get3A_3724 : i32 to index
      %get3A_3726 = arith.constant 0 : index
      %get3A_3727 = tpu.vector_load %arg7[%get3A_3725, %get3A_3726] {strides = array<i32>} : memref<80x64xf32, #tpu.memory_space<vmem>>, vector<1x16xf32>,
      %get3A_3728 = vector.shape_cast %get3A_3727 : vector<1x16xf32> to vector<16xf32>
      %add3A_3729 = arith.addf %add3A_3723, %get3A_3728 : vector<16xf32>
      %get3A_3730 = arith.constant 53 : i32
      %get3A_3731 = arith.index_cast %get3A_3730 : i32 to index
      %get3A_3732 = arith.constant 0 : index
      %get3A_3733 = tpu.vector_load %arg7[%get3A_3731, %get3A_3732] {strides = array<i32>} : memref<80x64xf32, #tpu.memory_space<vmem>>, vector<1x16xf32>,
      %get3A_3734 = vector.shape_cast %get3A_3733 : vector<1x16xf32> to vector<16xf32>
      %add3A_3735 = arith.addf %add3A_3729, %get3A_3734 : vector<16xf32>
      %get3A_3736 = arith.constant 54 : i32
      %get3A_3737 = arith.index_cast %get3A_3736 : i32 to index
      %get3A_3738 = arith.constant 0 : index
      %get3A_3739 = tpu.vector_load %arg7[%get3A_3737, %get3A_3738] {strides = array<i32>} : memref<80x64xf32, #tpu.memory_space<vmem>>, vector<1x16xf32>,
      %get3A_3740 = vector.shape_cast %get3A_3739 : vector<1x16xf32> to vector<16xf32>
      %add3A_3741 = arith.addf %add3A_3735, %get3A_3740 : vector<16xf32>
      %get3A_3742 = arith.constant 55 : i32
      %get3A_3743 = arith.index_cast %get3A_3742 : i32 to index
      %get3A_3744 = arith.constant 0 : index
      %get3A_3745 = tpu.vector_load %arg7[%get3A_3743, %get3A_3744] {strides = array<i32>} : memref<80x64xf32, #tpu.memory_space<vmem>>, vector<1x16xf32>,
      %get3A_3746 = vector.shape_cast %get3A_3745 : vector<1x16xf32> to vector<16xf32>
      %get3A_3747 = arith.constant 56 : i32
      %get3A_3748 = arith.index_cast %get3A_3747 : i32 to index
      %get3A_3749 = arith.constant 0 : index
      %get3A_3750 = tpu.vector_load %arg7[%get3A_3748, %get3A_3749] {strides = array<i32>} : memref<80x64xf32, #tpu.memory_space<vmem>>, vector<1x16xf32>,
      %get3A_3751 = vector.shape_cast %get3A_3750 : vector<1x16xf32> to vector<16xf32>
      %add3A_3752 = arith.addf %get3A_3746, %get3A_3751 : vector<16xf32>
      %get3A_3753 = arith.constant 57 : i32
      %get3A_3754 = arith.index_cast %get3A_3753 : i32 to index
      %get3A_3755 = arith.constant 0 : index
      %get3A_3756 = tpu.vector_load %arg7[%get3A_3754, %get3A_3755] {strides = array<i32>} : memref<80x64xf32, #tpu.memory_space<vmem>>, vector<1x16xf32>,
      %get3A_3757 = vector.shape_cast %get3A_3756 : vector<1x16xf32> to vector<16xf32>
      %add3A_3758 = arith.addf %add3A_3752, %get3A_3757 : vector<16xf32>
      %get3A_3759 = arith.constant 58 : i32
      %get3A_3760 = arith.index_cast %get3A_3759 : i32 to index
      %get3A_3761 = arith.constant 0 : index
      %get3A_3762 = tpu.vector_load %arg7[%get3A_3760, %get3A_3761] {strides = array<i32>} : memref<80x64xf32, #tpu.memory_space<vmem>>, vector<1x16xf32>,
      %get3A_3763 = vector.shape_cast %get3A_3762 : vector<1x16xf32> to vector<16xf32>
      %add3A_3764 = arith.addf %add3A_3758, %get3A_3763 : vector<16xf32>
      %get3A_3765 = arith.constant 59 : i32
      %get3A_3766 = arith.index_cast %get3A_3765 : i32 to index
      %get3A_3767 = arith.constant 0 : index
      %get3A_3768 = tpu.vector_load %arg7[%get3A_3766, %get3A_3767] {strides = array<i32>} : memref<80x64xf32, #tpu.memory_space<vmem>>, vector<1x16xf32>,
      %get3A_3769 = vector.shape_cast %get3A_3768 : vector<1x16xf32> to vector<16xf32>
      %add3A_3770 = arith.addf %add3A_3764, %get3A_3769 : vector<16xf32>
      %swap3A_3771 = arith.constant 5 : i32
      %swap3A_3772 = arith.index_cast %swap3A_3771 : i32 to index
      %swap3A_3773 = arith.constant 0 : index
      %swap3A_3774 = tpu.vector_load %arg9[%swap3A_3772, %swap3A_3773] {strides = array<i32>} : memref<8x128xf32, #tpu.memory_space<vmem>>, vector<1x16xf32>,
      %swap3A_3775 = vector.shape_cast %swap3A_3774 : vector<1x16xf32> to vector<16xf32>
      %swap3A_3776 = vector.shape_cast %add3A_3741 : vector<16xf32> to vector<1x16xf32>
      tpu.vector_store %arg9[%swap3A_3772, %swap3A_3773], %swap3A_3776 {strides = array<i32>} : memref<8x128xf32, #tpu.memory_space<vmem>>, vector<1x16xf32>,
      %swap3A_3777 = arith.constant 5 : i32
      %swap3A_3778 = arith.index_cast %swap3A_3777 : i32 to index
      %swap3A_3779 = arith.constant 64 : index
      %swap3A_3780 = tpu.vector_load %arg9[%swap3A_3778, %swap3A_3779] {strides = array<i32>} : memref<8x128xf32, #tpu.memory_space<vmem>>, vector<1x16xf32>,
      %swap3A_3781 = vector.shape_cast %swap3A_3780 : vector<1x16xf32> to vector<16xf32>
      %swap3A_3782 = vector.shape_cast %add3A_3770 : vector<16xf32> to vector<1x16xf32>
      tpu.vector_store %arg9[%swap3A_3778, %swap3A_3779], %swap3A_3782 {strides = array<i32>} : memref<8x128xf32, #tpu.memory_space<vmem>>, vector<1x16xf32>,
      %get3A_3783 = arith.constant 50 : i32
      %get3A_3784 = arith.index_cast %get3A_3783 : i32 to index
      %get3A_3785 = arith.constant 16 : index
      %get3A_3786 = tpu.vector_load %arg7[%get3A_3784, %get3A_3785] {strides = array<i32>} : memref<80x64xf32, #tpu.memory_space<vmem>>, vector<1x16xf32>,
      %get3A_3787 = vector.shape_cast %get3A_3786 : vector<1x16xf32> to vector<16xf32>
      %get3A_3788 = arith.constant 51 : i32
      %get3A_3789 = arith.index_cast %get3A_3788 : i32 to index
      %get3A_3790 = arith.constant 16 : index
      %get3A_3791 = tpu.vector_load %arg7[%get3A_3789, %get3A_3790] {strides = array<i32>} : memref<80x64xf32, #tpu.memory_space<vmem>>, vector<1x16xf32>,
      %get3A_3792 = vector.shape_cast %get3A_3791 : vector<1x16xf32> to vector<16xf32>
      %add3A_3793 = arith.addf %get3A_3787, %get3A_3792 : vector<16xf32>
      %get3A_3794 = arith.constant 52 : i32
      %get3A_3795 = arith.index_cast %get3A_3794 : i32 to index
      %get3A_3796 = arith.constant 16 : index
      %get3A_3797 = tpu.vector_load %arg7[%get3A_3795, %get3A_3796] {strides = array<i32>} : memref<80x64xf32, #tpu.memory_space<vmem>>, vector<1x16xf32>,
      %get3A_3798 = vector.shape_cast %get3A_3797 : vector<1x16xf32> to vector<16xf32>
      %add3A_3799 = arith.addf %add3A_3793, %get3A_3798 : vector<16xf32>
      %get3A_3800 = arith.constant 53 : i32
      %get3A_3801 = arith.index_cast %get3A_3800 : i32 to index
      %get3A_3802 = arith.constant 16 : index
      %get3A_3803 = tpu.vector_load %arg7[%get3A_3801, %get3A_3802] {strides = array<i32>} : memref<80x64xf32, #tpu.memory_space<vmem>>, vector<1x16xf32>,
      %get3A_3804 = vector.shape_cast %get3A_3803 : vector<1x16xf32> to vector<16xf32>
      %add3A_3805 = arith.addf %add3A_3799, %get3A_3804 : vector<16xf32>
      %get3A_3806 = arith.constant 54 : i32
      %get3A_3807 = arith.index_cast %get3A_3806 : i32 to index
      %get3A_3808 = arith.constant 16 : index
      %get3A_3809 = tpu.vector_load %arg7[%get3A_3807, %get3A_3808] {strides = array<i32>} : memref<80x64xf32, #tpu.memory_space<vmem>>, vector<1x16xf32>,
      %get3A_3810 = vector.shape_cast %get3A_3809 : vector<1x16xf32> to vector<16xf32>
      %add3A_3811 = arith.addf %add3A_3805, %get3A_3810 : vector<16xf32>
      %get3A_3812 = arith.constant 55 : i32
      %get3A_3813 = arith.index_cast %get3A_3812 : i32 to index
      %get3A_3814 = arith.constant 16 : index
      %get3A_3815 = tpu.vector_load %arg7[%get3A_3813, %get3A_3814] {strides = array<i32>} : memref<80x64xf32, #tpu.memory_space<vmem>>, vector<1x16xf32>,
      %get3A_3816 = vector.shape_cast %get3A_3815 : vector<1x16xf32> to vector<16xf32>
      %get3A_3817 = arith.constant 56 : i32
      %get3A_3818 = arith.index_cast %get3A_3817 : i32 to index
      %get3A_3819 = arith.constant 16 : index
      %get3A_3820 = tpu.vector_load %arg7[%get3A_3818, %get3A_3819] {strides = array<i32>} : memref<80x64xf32, #tpu.memory_space<vmem>>, vector<1x16xf32>,
      %get3A_3821 = vector.shape_cast %get3A_3820 : vector<1x16xf32> to vector<16xf32>
      %add3A_3822 = arith.addf %get3A_3816, %get3A_3821 : vector<16xf32>
      %get3A_3823 = arith.constant 57 : i32
      %get3A_3824 = arith.index_cast %get3A_3823 : i32 to index
      %get3A_3825 = arith.constant 16 : index
      %get3A_3826 = tpu.vector_load %arg7[%get3A_3824, %get3A_3825] {strides = array<i32>} : memref<80x64xf32, #tpu.memory_space<vmem>>, vector<1x16xf32>,
      %get3A_3827 = vector.shape_cast %get3A_3826 : vector<1x16xf32> to vector<16xf32>
      %add3A_3828 = arith.addf %add3A_3822, %get3A_3827 : vector<16xf32>
      %get3A_3829 = arith.constant 58 : i32
      %get3A_3830 = arith.index_cast %get3A_3829 : i32 to index
      %get3A_3831 = arith.constant 16 : index
      %get3A_3832 = tpu.vector_load %arg7[%get3A_3830, %get3A_3831] {strides = array<i32>} : memref<80x64xf32, #tpu.memory_space<vmem>>, vector<1x16xf32>,
      %get3A_3833 = vector.shape_cast %get3A_3832 : vector<1x16xf32> to vector<16xf32>
      %add3A_3834 = arith.addf %add3A_3828, %get3A_3833 : vector<16xf32>
      %get3A_3835 = arith.constant 59 : i32
      %get3A_3836 = arith.index_cast %get3A_3835 : i32 to index
      %get3A_3837 = arith.constant 16 : index
      %get3A_3838 = tpu.vector_load %arg7[%get3A_3836, %get3A_3837] {strides = array<i32>} : memref<80x64xf32, #tpu.memory_space<vmem>>, vector<1x16xf32>,
      %get3A_3839 = vector.shape_cast %get3A_3838 : vector<1x16xf32> to vector<16xf32>
      %add3A_3840 = arith.addf %add3A_3834, %get3A_3839 : vector<16xf32>
      %swap3A_3841 = arith.constant 5 : i32
      %swap3A_3842 = arith.index_cast %swap3A_3841 : i32 to index
      %swap3A_3843 = arith.constant 16 : index
      %swap3A_3844 = tpu.vector_load %arg9[%swap3A_3842, %swap3A_3843] {strides = array<i32>} : memref<8x128xf32, #tpu.memory_space<vmem>>, vector<1x16xf32>,
      %swap3A_3845 = vector.shape_cast %swap3A_3844 : vector<1x16xf32> to vector<16xf32>
      %swap3A_3846 = vector.shape_cast %add3A_3811 : vector<16xf32> to vector<1x16xf32>
      tpu.vector_store %arg9[%swap3A_3842, %swap3A_3843], %swap3A_3846 {strides = array<i32>} : memref<8x128xf32, #tpu.memory_space<vmem>>, vector<1x16xf32>,
      %swap3A_3847 = arith.constant 5 : i32
      %swap3A_3848 = arith.index_cast %swap3A_3847 : i32 to index
      %swap3A_3849 = arith.constant 80 : index
      %swap3A_3850 = tpu.vector_load %arg9[%swap3A_3848, %swap3A_3849] {strides = array<i32>} : memref<8x128xf32, #tpu.memory_space<vmem>>, vector<1x16xf32>,
      %swap3A_3851 = vector.shape_cast %swap3A_3850 : vector<1x16xf32> to vector<16xf32>
      %swap3A_3852 = vector.shape_cast %add3A_3840 : vector<16xf32> to vector<1x16xf32>
      tpu.vector_store %arg9[%swap3A_3848, %swap3A_3849], %swap3A_3852 {strides = array<i32>} : memref<8x128xf32, #tpu.memory_space<vmem>>, vector<1x16xf32>,
      %get3A_3853 = arith.constant 50 : i32
      %get3A_3854 = arith.index_cast %get3A_3853 : i32 to index
      %get3A_3855 = arith.constant 32 : index
      %get3A_3856 = tpu.vector_load %arg7[%get3A_3854, %get3A_3855] {strides = array<i32>} : memref<80x64xf32, #tpu.memory_space<vmem>>, vector<1x16xf32>,
      %get3A_3857 = vector.shape_cast %get3A_3856 : vector<1x16xf32> to vector<16xf32>
      %get3A_3858 = arith.constant 51 : i32
      %get3A_3859 = arith.index_cast %get3A_3858 : i32 to index
      %get3A_3860 = arith.constant 32 : index
      %get3A_3861 = tpu.vector_load %arg7[%get3A_3859, %get3A_3860] {strides = array<i32>} : memref<80x64xf32, #tpu.memory_space<vmem>>, vector<1x16xf32>,
      %get3A_3862 = vector.shape_cast %get3A_3861 : vector<1x16xf32> to vector<16xf32>
      %add3A_3863 = arith.addf %get3A_3857, %get3A_3862 : vector<16xf32>
      %get3A_3864 = arith.constant 52 : i32
      %get3A_3865 = arith.index_cast %get3A_3864 : i32 to index
      %get3A_3866 = arith.constant 32 : index
      %get3A_3867 = tpu.vector_load %arg7[%get3A_3865, %get3A_3866] {strides = array<i32>} : memref<80x64xf32, #tpu.memory_space<vmem>>, vector<1x16xf32>,
      %get3A_3868 = vector.shape_cast %get3A_3867 : vector<1x16xf32> to vector<16xf32>
      %add3A_3869 = arith.addf %add3A_3863, %get3A_3868 : vector<16xf32>
      %get3A_3870 = arith.constant 53 : i32
      %get3A_3871 = arith.index_cast %get3A_3870 : i32 to index
      %get3A_3872 = arith.constant 32 : index
      %get3A_3873 = tpu.vector_load %arg7[%get3A_3871, %get3A_3872] {strides = array<i32>} : memref<80x64xf32, #tpu.memory_space<vmem>>, vector<1x16xf32>,
      %get3A_3874 = vector.shape_cast %get3A_3873 : vector<1x16xf32> to vector<16xf32>
      %add3A_3875 = arith.addf %add3A_3869, %get3A_3874 : vector<16xf32>
      %get3A_3876 = arith.constant 54 : i32
      %get3A_3877 = arith.index_cast %get3A_3876 : i32 to index
      %get3A_3878 = arith.constant 32 : index
      %get3A_3879 = tpu.vector_load %arg7[%get3A_3877, %get3A_3878] {strides = array<i32>} : memref<80x64xf32, #tpu.memory_space<vmem>>, vector<1x16xf32>,
      %get3A_3880 = vector.shape_cast %get3A_3879 : vector<1x16xf32> to vector<16xf32>
      %add3A_3881 = arith.addf %add3A_3875, %get3A_3880 : vector<16xf32>
      %get3A_3882 = arith.constant 55 : i32
      %get3A_3883 = arith.index_cast %get3A_3882 : i32 to index
      %get3A_3884 = arith.constant 32 : index
      %get3A_3885 = tpu.vector_load %arg7[%get3A_3883, %get3A_3884] {strides = array<i32>} : memref<80x64xf32, #tpu.memory_space<vmem>>, vector<1x16xf32>,
      %get3A_3886 = vector.shape_cast %get3A_3885 : vector<1x16xf32> to vector<16xf32>
      %get3A_3887 = arith.constant 56 : i32
      %get3A_3888 = arith.index_cast %get3A_3887 : i32 to index
      %get3A_3889 = arith.constant 32 : index
      %get3A_3890 = tpu.vector_load %arg7[%get3A_3888, %get3A_3889] {strides = array<i32>} : memref<80x64xf32, #tpu.memory_space<vmem>>, vector<1x16xf32>,
      %get3A_3891 = vector.shape_cast %get3A_3890 : vector<1x16xf32> to vector<16xf32>
      %add3A_3892 = arith.addf %get3A_3886, %get3A_3891 : vector<16xf32>
      %get3A_3893 = arith.constant 57 : i32
      %get3A_3894 = arith.index_cast %get3A_3893 : i32 to index
      %get3A_3895 = arith.constant 32 : index
      %get3A_3896 = tpu.vector_load %arg7[%get3A_3894, %get3A_3895] {strides = array<i32>} : memref<80x64xf32, #tpu.memory_space<vmem>>, vector<1x16xf32>,
      %get3A_3897 = vector.shape_cast %get3A_3896 : vector<1x16xf32> to vector<16xf32>
      %add3A_3898 = arith.addf %add3A_3892, %get3A_3897 : vector<16xf32>
      %get3A_3899 = arith.constant 58 : i32
      %get3A_3900 = arith.index_cast %get3A_3899 : i32 to index
      %get3A_3901 = arith.constant 32 : index
      %get3A_3902 = tpu.vector_load %arg7[%get3A_3900, %get3A_3901] {strides = array<i32>} : memref<80x64xf32, #tpu.memory_space<vmem>>, vector<1x16xf32>,
      %get3A_3903 = vector.shape_cast %get3A_3902 : vector<1x16xf32> to vector<16xf32>
      %add3A_3904 = arith.addf %add3A_3898, %get3A_3903 : vector<16xf32>
      %get3A_3905 = arith.constant 59 : i32
      %get3A_3906 = arith.index_cast %get3A_3905 : i32 to index
      %get3A_3907 = arith.constant 32 : index
      %get3A_3908 = tpu.vector_load %arg7[%get3A_3906, %get3A_3907] {strides = array<i32>} : memref<80x64xf32, #tpu.memory_space<vmem>>, vector<1x16xf32>,
      %get3A_3909 = vector.shape_cast %get3A_3908 : vector<1x16xf32> to vector<16xf32>
      %add3A_3910 = arith.addf %add3A_3904, %get3A_3909 : vector<16xf32>
      %swap3A_3911 = arith.constant 5 : i32
      %swap3A_3912 = arith.index_cast %swap3A_3911 : i32 to index
      %swap3A_3913 = arith.constant 32 : index
      %swap3A_3914 = tpu.vector_load %arg9[%swap3A_3912, %swap3A_3913] {strides = array<i32>} : memref<8x128xf32, #tpu.memory_space<vmem>>, vector<1x16xf32>,
      %swap3A_3915 = vector.shape_cast %swap3A_3914 : vector<1x16xf32> to vector<16xf32>
      %swap3A_3916 = vector.shape_cast %add3A_3881 : vector<16xf32> to vector<1x16xf32>
      tpu.vector_store %arg9[%swap3A_3912, %swap3A_3913], %swap3A_3916 {strides = array<i32>} : memref<8x128xf32, #tpu.memory_space<vmem>>, vector<1x16xf32>,
      %swap3A_3917 = arith.constant 5 : i32
      %swap3A_3918 = arith.index_cast %swap3A_3917 : i32 to index
      %swap3A_3919 = arith.constant 96 : index
      %swap3A_3920 = tpu.vector_load %arg9[%swap3A_3918, %swap3A_3919] {strides = array<i32>} : memref<8x128xf32, #tpu.memory_space<vmem>>, vector<1x16xf32>,
      %swap3A_3921 = vector.shape_cast %swap3A_3920 : vector<1x16xf32> to vector<16xf32>
      %swap3A_3922 = vector.shape_cast %add3A_3910 : vector<16xf32> to vector<1x16xf32>
      tpu.vector_store %arg9[%swap3A_3918, %swap3A_3919], %swap3A_3922 {strides = array<i32>} : memref<8x128xf32, #tpu.memory_space<vmem>>, vector<1x16xf32>,
      %get3A_3923 = arith.constant 50 : i32
      %get3A_3924 = arith.index_cast %get3A_3923 : i32 to index
      %get3A_3925 = arith.constant 48 : index
      %get3A_3926 = tpu.vector_load %arg7[%get3A_3924, %get3A_3925] {strides = array<i32>} : memref<80x64xf32, #tpu.memory_space<vmem>>, vector<1x16xf32>,
      %get3A_3927 = vector.shape_cast %get3A_3926 : vector<1x16xf32> to vector<16xf32>
      %get3A_3928 = arith.constant 51 : i32
      %get3A_3929 = arith.index_cast %get3A_3928 : i32 to index
      %get3A_3930 = arith.constant 48 : index
      %get3A_3931 = tpu.vector_load %arg7[%get3A_3929, %get3A_3930] {strides = array<i32>} : memref<80x64xf32, #tpu.memory_space<vmem>>, vector<1x16xf32>,
      %get3A_3932 = vector.shape_cast %get3A_3931 : vector<1x16xf32> to vector<16xf32>
      %add3A_3933 = arith.addf %get3A_3927, %get3A_3932 : vector<16xf32>
      %get3A_3934 = arith.constant 52 : i32
      %get3A_3935 = arith.index_cast %get3A_3934 : i32 to index
      %get3A_3936 = arith.constant 48 : index
      %get3A_3937 = tpu.vector_load %arg7[%get3A_3935, %get3A_3936] {strides = array<i32>} : memref<80x64xf32, #tpu.memory_space<vmem>>, vector<1x16xf32>,
      %get3A_3938 = vector.shape_cast %get3A_3937 : vector<1x16xf32> to vector<16xf32>
      %add3A_3939 = arith.addf %add3A_3933, %get3A_3938 : vector<16xf32>
      %get3A_3940 = arith.constant 53 : i32
      %get3A_3941 = arith.index_cast %get3A_3940 : i32 to index
      %get3A_3942 = arith.constant 48 : index
      %get3A_3943 = tpu.vector_load %arg7[%get3A_3941, %get3A_3942] {strides = array<i32>} : memref<80x64xf32, #tpu.memory_space<vmem>>, vector<1x16xf32>,
      %get3A_3944 = vector.shape_cast %get3A_3943 : vector<1x16xf32> to vector<16xf32>
      %add3A_3945 = arith.addf %add3A_3939, %get3A_3944 : vector<16xf32>
      %get3A_3946 = arith.constant 54 : i32
      %get3A_3947 = arith.index_cast %get3A_3946 : i32 to index
      %get3A_3948 = arith.constant 48 : index
      %get3A_3949 = tpu.vector_load %arg7[%get3A_3947, %get3A_3948] {strides = array<i32>} : memref<80x64xf32, #tpu.memory_space<vmem>>, vector<1x16xf32>,
      %get3A_3950 = vector.shape_cast %get3A_3949 : vector<1x16xf32> to vector<16xf32>
      %add3A_3951 = arith.addf %add3A_3945, %get3A_3950 : vector<16xf32>
      %get3A_3952 = arith.constant 55 : i32
      %get3A_3953 = arith.index_cast %get3A_3952 : i32 to index
      %get3A_3954 = arith.constant 48 : index
      %get3A_3955 = tpu.vector_load %arg7[%get3A_3953, %get3A_3954] {strides = array<i32>} : memref<80x64xf32, #tpu.memory_space<vmem>>, vector<1x16xf32>,
      %get3A_3956 = vector.shape_cast %get3A_3955 : vector<1x16xf32> to vector<16xf32>
      %get3A_3957 = arith.constant 56 : i32
      %get3A_3958 = arith.index_cast %get3A_3957 : i32 to index
      %get3A_3959 = arith.constant 48 : index
      %get3A_3960 = tpu.vector_load %arg7[%get3A_3958, %get3A_3959] {strides = array<i32>} : memref<80x64xf32, #tpu.memory_space<vmem>>, vector<1x16xf32>,
      %get3A_3961 = vector.shape_cast %get3A_3960 : vector<1x16xf32> to vector<16xf32>
      %add3A_3962 = arith.addf %get3A_3956, %get3A_3961 : vector<16xf32>
      %get3A_3963 = arith.constant 57 : i32
      %get3A_3964 = arith.index_cast %get3A_3963 : i32 to index
      %get3A_3965 = arith.constant 48 : index
      %get3A_3966 = tpu.vector_load %arg7[%get3A_3964, %get3A_3965] {strides = array<i32>} : memref<80x64xf32, #tpu.memory_space<vmem>>, vector<1x16xf32>,
      %get3A_3967 = vector.shape_cast %get3A_3966 : vector<1x16xf32> to vector<16xf32>
      %add3A_3968 = arith.addf %add3A_3962, %get3A_3967 : vector<16xf32>
      %get3A_3969 = arith.constant 58 : i32
      %get3A_3970 = arith.index_cast %get3A_3969 : i32 to index
      %get3A_3971 = arith.constant 48 : index
      %get3A_3972 = tpu.vector_load %arg7[%get3A_3970, %get3A_3971] {strides = array<i32>} : memref<80x64xf32, #tpu.memory_space<vmem>>, vector<1x16xf32>,
      %get3A_3973 = vector.shape_cast %get3A_3972 : vector<1x16xf32> to vector<16xf32>
      %add3A_3974 = arith.addf %add3A_3968, %get3A_3973 : vector<16xf32>
      %get3A_3975 = arith.constant 59 : i32
      %get3A_3976 = arith.index_cast %get3A_3975 : i32 to index
      %get3A_3977 = arith.constant 48 : index
      %get3A_3978 = tpu.vector_load %arg7[%get3A_3976, %get3A_3977] {strides = array<i32>} : memref<80x64xf32, #tpu.memory_space<vmem>>, vector<1x16xf32>,
      %get3A_3979 = vector.shape_cast %get3A_3978 : vector<1x16xf32> to vector<16xf32>
      %add3A_3980 = arith.addf %add3A_3974, %get3A_3979 : vector<16xf32>
      %swap3A_3981 = arith.constant 5 : i32
      %swap3A_3982 = arith.index_cast %swap3A_3981 : i32 to index
      %swap3A_3983 = arith.constant 48 : index
      %swap3A_3984 = tpu.vector_load %arg9[%swap3A_3982, %swap3A_3983] {strides = array<i32>} : memref<8x128xf32, #tpu.memory_space<vmem>>, vector<1x16xf32>,
      %swap3A_3985 = vector.shape_cast %swap3A_3984 : vector<1x16xf32> to vector<16xf32>
      %swap3A_3986 = vector.shape_cast %add3A_3951 : vector<16xf32> to vector<1x16xf32>
      tpu.vector_store %arg9[%swap3A_3982, %swap3A_3983], %swap3A_3986 {strides = array<i32>} : memref<8x128xf32, #tpu.memory_space<vmem>>, vector<1x16xf32>,
      %swap3A_3987 = arith.constant 5 : i32
      %swap3A_3988 = arith.index_cast %swap3A_3987 : i32 to index
      %swap3A_3989 = arith.constant 112 : index
      %swap3A_3990 = tpu.vector_load %arg9[%swap3A_3988, %swap3A_3989] {strides = array<i32>} : memref<8x128xf32, #tpu.memory_space<vmem>>, vector<1x16xf32>,
      %swap3A_3991 = vector.shape_cast %swap3A_3990 : vector<1x16xf32> to vector<16xf32>
      %swap3A_3992 = vector.shape_cast %add3A_3980 : vector<16xf32> to vector<1x16xf32>
      tpu.vector_store %arg9[%swap3A_3988, %swap3A_3989], %swap3A_3992 {strides = array<i32>} : memref<8x128xf32, #tpu.memory_space<vmem>>, vector<1x16xf32>,
      %get3A_3993 = arith.constant 60 : i32
      %get3A_3994 = arith.index_cast %get3A_3993 : i32 to index
      %get3A_3995 = arith.constant 0 : index
      %get3A_3996 = tpu.vector_load %arg7[%get3A_3994, %get3A_3995] {strides = array<i32>} : memref<80x64xf32, #tpu.memory_space<vmem>>, vector<1x16xf32>,
      %get3A_3997 = vector.shape_cast %get3A_3996 : vector<1x16xf32> to vector<16xf32>
      %get3A_3998 = arith.constant 61 : i32
      %get3A_3999 = arith.index_cast %get3A_3998 : i32 to index
      %get3A_4000 = arith.constant 0 : index
      %get3A_4001 = tpu.vector_load %arg7[%get3A_3999, %get3A_4000] {strides = array<i32>} : memref<80x64xf32, #tpu.memory_space<vmem>>, vector<1x16xf32>,
      %get3A_4002 = vector.shape_cast %get3A_4001 : vector<1x16xf32> to vector<16xf32>
      %add3A_4003 = arith.addf %get3A_3997, %get3A_4002 : vector<16xf32>
      %get3A_4004 = arith.constant 62 : i32
      %get3A_4005 = arith.index_cast %get3A_4004 : i32 to index
      %get3A_4006 = arith.constant 0 : index
      %get3A_4007 = tpu.vector_load %arg7[%get3A_4005, %get3A_4006] {strides = array<i32>} : memref<80x64xf32, #tpu.memory_space<vmem>>, vector<1x16xf32>,
      %get3A_4008 = vector.shape_cast %get3A_4007 : vector<1x16xf32> to vector<16xf32>
      %add3A_4009 = arith.addf %add3A_4003, %get3A_4008 : vector<16xf32>
      %get3A_4010 = arith.constant 63 : i32
      %get3A_4011 = arith.index_cast %get3A_4010 : i32 to index
      %get3A_4012 = arith.constant 0 : index
      %get3A_4013 = tpu.vector_load %arg7[%get3A_4011, %get3A_4012] {strides = array<i32>} : memref<80x64xf32, #tpu.memory_space<vmem>>, vector<1x16xf32>,
      %get3A_4014 = vector.shape_cast %get3A_4013 : vector<1x16xf32> to vector<16xf32>
      %add3A_4015 = arith.addf %add3A_4009, %get3A_4014 : vector<16xf32>
      %get3A_4016 = arith.constant 64 : i32
      %get3A_4017 = arith.index_cast %get3A_4016 : i32 to index
      %get3A_4018 = arith.constant 0 : index
      %get3A_4019 = tpu.vector_load %arg7[%get3A_4017, %get3A_4018] {strides = array<i32>} : memref<80x64xf32, #tpu.memory_space<vmem>>, vector<1x16xf32>,
      %get3A_4020 = vector.shape_cast %get3A_4019 : vector<1x16xf32> to vector<16xf32>
      %add3A_4021 = arith.addf %add3A_4015, %get3A_4020 : vector<16xf32>
      %get3A_4022 = arith.constant 65 : i32
      %get3A_4023 = arith.index_cast %get3A_4022 : i32 to index
      %get3A_4024 = arith.constant 0 : index
      %get3A_4025 = tpu.vector_load %arg7[%get3A_4023, %get3A_4024] {strides = array<i32>} : memref<80x64xf32, #tpu.memory_space<vmem>>, vector<1x16xf32>,
      %get3A_4026 = vector.shape_cast %get3A_4025 : vector<1x16xf32> to vector<16xf32>
      %get3A_4027 = arith.constant 66 : i32
      %get3A_4028 = arith.index_cast %get3A_4027 : i32 to index
      %get3A_4029 = arith.constant 0 : index
      %get3A_4030 = tpu.vector_load %arg7[%get3A_4028, %get3A_4029] {strides = array<i32>} : memref<80x64xf32, #tpu.memory_space<vmem>>, vector<1x16xf32>,
      %get3A_4031 = vector.shape_cast %get3A_4030 : vector<1x16xf32> to vector<16xf32>
      %add3A_4032 = arith.addf %get3A_4026, %get3A_4031 : vector<16xf32>
      %get3A_4033 = arith.constant 67 : i32
      %get3A_4034 = arith.index_cast %get3A_4033 : i32 to index
      %get3A_4035 = arith.constant 0 : index
      %get3A_4036 = tpu.vector_load %arg7[%get3A_4034, %get3A_4035] {strides = array<i32>} : memref<80x64xf32, #tpu.memory_space<vmem>>, vector<1x16xf32>,
      %get3A_4037 = vector.shape_cast %get3A_4036 : vector<1x16xf32> to vector<16xf32>
      %add3A_4038 = arith.addf %add3A_4032, %get3A_4037 : vector<16xf32>
      %get3A_4039 = arith.constant 68 : i32
      %get3A_4040 = arith.index_cast %get3A_4039 : i32 to index
      %get3A_4041 = arith.constant 0 : index
      %get3A_4042 = tpu.vector_load %arg7[%get3A_4040, %get3A_4041] {strides = array<i32>} : memref<80x64xf32, #tpu.memory_space<vmem>>, vector<1x16xf32>,
      %get3A_4043 = vector.shape_cast %get3A_4042 : vector<1x16xf32> to vector<16xf32>
      %add3A_4044 = arith.addf %add3A_4038, %get3A_4043 : vector<16xf32>
      %get3A_4045 = arith.constant 69 : i32
      %get3A_4046 = arith.index_cast %get3A_4045 : i32 to index
      %get3A_4047 = arith.constant 0 : index
      %get3A_4048 = tpu.vector_load %arg7[%get3A_4046, %get3A_4047] {strides = array<i32>} : memref<80x64xf32, #tpu.memory_space<vmem>>, vector<1x16xf32>,
      %get3A_4049 = vector.shape_cast %get3A_4048 : vector<1x16xf32> to vector<16xf32>
      %add3A_4050 = arith.addf %add3A_4044, %get3A_4049 : vector<16xf32>
      %swap3A_4051 = arith.constant 6 : i32
      %swap3A_4052 = arith.index_cast %swap3A_4051 : i32 to index
      %swap3A_4053 = arith.constant 0 : index
      %swap3A_4054 = tpu.vector_load %arg9[%swap3A_4052, %swap3A_4053] {strides = array<i32>} : memref<8x128xf32, #tpu.memory_space<vmem>>, vector<1x16xf32>,
      %swap3A_4055 = vector.shape_cast %swap3A_4054 : vector<1x16xf32> to vector<16xf32>
      %swap3A_4056 = vector.shape_cast %add3A_4021 : vector<16xf32> to vector<1x16xf32>
      tpu.vector_store %arg9[%swap3A_4052, %swap3A_4053], %swap3A_4056 {strides = array<i32>} : memref<8x128xf32, #tpu.memory_space<vmem>>, vector<1x16xf32>,
      %swap3A_4057 = arith.constant 6 : i32
      %swap3A_4058 = arith.index_cast %swap3A_4057 : i32 to index
      %swap3A_4059 = arith.constant 64 : index
      %swap3A_4060 = tpu.vector_load %arg9[%swap3A_4058, %swap3A_4059] {strides = array<i32>} : memref<8x128xf32, #tpu.memory_space<vmem>>, vector<1x16xf32>,
      %swap3A_4061 = vector.shape_cast %swap3A_4060 : vector<1x16xf32> to vector<16xf32>
      %swap3A_4062 = vector.shape_cast %add3A_4050 : vector<16xf32> to vector<1x16xf32>
      tpu.vector_store %arg9[%swap3A_4058, %swap3A_4059], %swap3A_4062 {strides = array<i32>} : memref<8x128xf32, #tpu.memory_space<vmem>>, vector<1x16xf32>,
      %get3A_4063 = arith.constant 60 : i32
      %get3A_4064 = arith.index_cast %get3A_4063 : i32 to index
      %get3A_4065 = arith.constant 16 : index
      %get3A_4066 = tpu.vector_load %arg7[%get3A_4064, %get3A_4065] {strides = array<i32>} : memref<80x64xf32, #tpu.memory_space<vmem>>, vector<1x16xf32>,
      %get3A_4067 = vector.shape_cast %get3A_4066 : vector<1x16xf32> to vector<16xf32>
      %get3A_4068 = arith.constant 61 : i32
      %get3A_4069 = arith.index_cast %get3A_4068 : i32 to index
      %get3A_4070 = arith.constant 16 : index
      %get3A_4071 = tpu.vector_load %arg7[%get3A_4069, %get3A_4070] {strides = array<i32>} : memref<80x64xf32, #tpu.memory_space<vmem>>, vector<1x16xf32>,
      %get3A_4072 = vector.shape_cast %get3A_4071 : vector<1x16xf32> to vector<16xf32>
      %add3A_4073 = arith.addf %get3A_4067, %get3A_4072 : vector<16xf32>
      %get3A_4074 = arith.constant 62 : i32
      %get3A_4075 = arith.index_cast %get3A_4074 : i32 to index
      %get3A_4076 = arith.constant 16 : index
      %get3A_4077 = tpu.vector_load %arg7[%get3A_4075, %get3A_4076] {strides = array<i32>} : memref<80x64xf32, #tpu.memory_space<vmem>>, vector<1x16xf32>,
      %get3A_4078 = vector.shape_cast %get3A_4077 : vector<1x16xf32> to vector<16xf32>
      %add3A_4079 = arith.addf %add3A_4073, %get3A_4078 : vector<16xf32>
      %get3A_4080 = arith.constant 63 : i32
      %get3A_4081 = arith.index_cast %get3A_4080 : i32 to index
      %get3A_4082 = arith.constant 16 : index
      %get3A_4083 = tpu.vector_load %arg7[%get3A_4081, %get3A_4082] {strides = array<i32>} : memref<80x64xf32, #tpu.memory_space<vmem>>, vector<1x16xf32>,
      %get3A_4084 = vector.shape_cast %get3A_4083 : vector<1x16xf32> to vector<16xf32>
      %add3A_4085 = arith.addf %add3A_4079, %get3A_4084 : vector<16xf32>
      %get3A_4086 = arith.constant 64 : i32
      %get3A_4087 = arith.index_cast %get3A_4086 : i32 to index
      %get3A_4088 = arith.constant 16 : index
      %get3A_4089 = tpu.vector_load %arg7[%get3A_4087, %get3A_4088] {strides = array<i32>} : memref<80x64xf32, #tpu.memory_space<vmem>>, vector<1x16xf32>,
      %get3A_4090 = vector.shape_cast %get3A_4089 : vector<1x16xf32> to vector<16xf32>
      %add3A_4091 = arith.addf %add3A_4085, %get3A_4090 : vector<16xf32>
      %get3A_4092 = arith.constant 65 : i32
      %get3A_4093 = arith.index_cast %get3A_4092 : i32 to index
      %get3A_4094 = arith.constant 16 : index
      %get3A_4095 = tpu.vector_load %arg7[%get3A_4093, %get3A_4094] {strides = array<i32>} : memref<80x64xf32, #tpu.memory_space<vmem>>, vector<1x16xf32>,
      %get3A_4096 = vector.shape_cast %get3A_4095 : vector<1x16xf32> to vector<16xf32>
      %get3A_4097 = arith.constant 66 : i32
      %get3A_4098 = arith.index_cast %get3A_4097 : i32 to index
      %get3A_4099 = arith.constant 16 : index
      %get3A_4100 = tpu.vector_load %arg7[%get3A_4098, %get3A_4099] {strides = array<i32>} : memref<80x64xf32, #tpu.memory_space<vmem>>, vector<1x16xf32>,
      %get3A_4101 = vector.shape_cast %get3A_4100 : vector<1x16xf32> to vector<16xf32>
      %add3A_4102 = arith.addf %get3A_4096, %get3A_4101 : vector<16xf32>
      %get3A_4103 = arith.constant 67 : i32
      %get3A_4104 = arith.index_cast %get3A_4103 : i32 to index
      %get3A_4105 = arith.constant 16 : index
      %get3A_4106 = tpu.vector_load %arg7[%get3A_4104, %get3A_4105] {strides = array<i32>} : memref<80x64xf32, #tpu.memory_space<vmem>>, vector<1x16xf32>,
      %get3A_4107 = vector.shape_cast %get3A_4106 : vector<1x16xf32> to vector<16xf32>
      %add3A_4108 = arith.addf %add3A_4102, %get3A_4107 : vector<16xf32>
      %get3A_4109 = arith.constant 68 : i32
      %get3A_4110 = arith.index_cast %get3A_4109 : i32 to index
      %get3A_4111 = arith.constant 16 : index
      %get3A_4112 = tpu.vector_load %arg7[%get3A_4110, %get3A_4111] {strides = array<i32>} : memref<80x64xf32, #tpu.memory_space<vmem>>, vector<1x16xf32>,
      %get3A_4113 = vector.shape_cast %get3A_4112 : vector<1x16xf32> to vector<16xf32>
      %add3A_4114 = arith.addf %add3A_4108, %get3A_4113 : vector<16xf32>
      %get3A_4115 = arith.constant 69 : i32
      %get3A_4116 = arith.index_cast %get3A_4115 : i32 to index
      %get3A_4117 = arith.constant 16 : index
      %get3A_4118 = tpu.vector_load %arg7[%get3A_4116, %get3A_4117] {strides = array<i32>} : memref<80x64xf32, #tpu.memory_space<vmem>>, vector<1x16xf32>,
      %get3A_4119 = vector.shape_cast %get3A_4118 : vector<1x16xf32> to vector<16xf32>
      %add3A_4120 = arith.addf %add3A_4114, %get3A_4119 : vector<16xf32>
      %swap3A_4121 = arith.constant 6 : i32
      %swap3A_4122 = arith.index_cast %swap3A_4121 : i32 to index
      %swap3A_4123 = arith.constant 16 : index
      %swap3A_4124 = tpu.vector_load %arg9[%swap3A_4122, %swap3A_4123] {strides = array<i32>} : memref<8x128xf32, #tpu.memory_space<vmem>>, vector<1x16xf32>,
      %swap3A_4125 = vector.shape_cast %swap3A_4124 : vector<1x16xf32> to vector<16xf32>
      %swap3A_4126 = vector.shape_cast %add3A_4091 : vector<16xf32> to vector<1x16xf32>
      tpu.vector_store %arg9[%swap3A_4122, %swap3A_4123], %swap3A_4126 {strides = array<i32>} : memref<8x128xf32, #tpu.memory_space<vmem>>, vector<1x16xf32>,
      %swap3A_4127 = arith.constant 6 : i32
      %swap3A_4128 = arith.index_cast %swap3A_4127 : i32 to index
      %swap3A_4129 = arith.constant 80 : index
      %swap3A_4130 = tpu.vector_load %arg9[%swap3A_4128, %swap3A_4129] {strides = array<i32>} : memref<8x128xf32, #tpu.memory_space<vmem>>, vector<1x16xf32>,
      %swap3A_4131 = vector.shape_cast %swap3A_4130 : vector<1x16xf32> to vector<16xf32>
      %swap3A_4132 = vector.shape_cast %add3A_4120 : vector<16xf32> to vector<1x16xf32>
      tpu.vector_store %arg9[%swap3A_4128, %swap3A_4129], %swap3A_4132 {strides = array<i32>} : memref<8x128xf32, #tpu.memory_space<vmem>>, vector<1x16xf32>,
      %get3A_4133 = arith.constant 60 : i32
      %get3A_4134 = arith.index_cast %get3A_4133 : i32 to index
      %get3A_4135 = arith.constant 32 : index
      %get3A_4136 = tpu.vector_load %arg7[%get3A_4134, %get3A_4135] {strides = array<i32>} : memref<80x64xf32, #tpu.memory_space<vmem>>, vector<1x16xf32>,
      %get3A_4137 = vector.shape_cast %get3A_4136 : vector<1x16xf32> to vector<16xf32>
      %get3A_4138 = arith.constant 61 : i32
      %get3A_4139 = arith.index_cast %get3A_4138 : i32 to index
      %get3A_4140 = arith.constant 32 : index
      %get3A_4141 = tpu.vector_load %arg7[%get3A_4139, %get3A_4140] {strides = array<i32>} : memref<80x64xf32, #tpu.memory_space<vmem>>, vector<1x16xf32>,
      %get3A_4142 = vector.shape_cast %get3A_4141 : vector<1x16xf32> to vector<16xf32>
      %add3A_4143 = arith.addf %get3A_4137, %get3A_4142 : vector<16xf32>
      %get3A_4144 = arith.constant 62 : i32
      %get3A_4145 = arith.index_cast %get3A_4144 : i32 to index
      %get3A_4146 = arith.constant 32 : index
      %get3A_4147 = tpu.vector_load %arg7[%get3A_4145, %get3A_4146] {strides = array<i32>} : memref<80x64xf32, #tpu.memory_space<vmem>>, vector<1x16xf32>,
      %get3A_4148 = vector.shape_cast %get3A_4147 : vector<1x16xf32> to vector<16xf32>
      %add3A_4149 = arith.addf %add3A_4143, %get3A_4148 : vector<16xf32>
      %get3A_4150 = arith.constant 63 : i32
      %get3A_4151 = arith.index_cast %get3A_4150 : i32 to index
      %get3A_4152 = arith.constant 32 : index
      %get3A_4153 = tpu.vector_load %arg7[%get3A_4151, %get3A_4152] {strides = array<i32>} : memref<80x64xf32, #tpu.memory_space<vmem>>, vector<1x16xf32>,
      %get3A_4154 = vector.shape_cast %get3A_4153 : vector<1x16xf32> to vector<16xf32>
      %add3A_4155 = arith.addf %add3A_4149, %get3A_4154 : vector<16xf32>
      %get3A_4156 = arith.constant 64 : i32
      %get3A_4157 = arith.index_cast %get3A_4156 : i32 to index
      %get3A_4158 = arith.constant 32 : index
      %get3A_4159 = tpu.vector_load %arg7[%get3A_4157, %get3A_4158] {strides = array<i32>} : memref<80x64xf32, #tpu.memory_space<vmem>>, vector<1x16xf32>,
      %get3A_4160 = vector.shape_cast %get3A_4159 : vector<1x16xf32> to vector<16xf32>
      %add3A_4161 = arith.addf %add3A_4155, %get3A_4160 : vector<16xf32>
      %get3A_4162 = arith.constant 65 : i32
      %get3A_4163 = arith.index_cast %get3A_4162 : i32 to index
      %get3A_4164 = arith.constant 32 : index
      %get3A_4165 = tpu.vector_load %arg7[%get3A_4163, %get3A_4164] {strides = array<i32>} : memref<80x64xf32, #tpu.memory_space<vmem>>, vector<1x16xf32>,
      %get3A_4166 = vector.shape_cast %get3A_4165 : vector<1x16xf32> to vector<16xf32>
      %get3A_4167 = arith.constant 66 : i32
      %get3A_4168 = arith.index_cast %get3A_4167 : i32 to index
      %get3A_4169 = arith.constant 32 : index
      %get3A_4170 = tpu.vector_load %arg7[%get3A_4168, %get3A_4169] {strides = array<i32>} : memref<80x64xf32, #tpu.memory_space<vmem>>, vector<1x16xf32>,
      %get3A_4171 = vector.shape_cast %get3A_4170 : vector<1x16xf32> to vector<16xf32>
      %add3A_4172 = arith.addf %get3A_4166, %get3A_4171 : vector<16xf32>
      %get3A_4173 = arith.constant 67 : i32
      %get3A_4174 = arith.index_cast %get3A_4173 : i32 to index
      %get3A_4175 = arith.constant 32 : index
      %get3A_4176 = tpu.vector_load %arg7[%get3A_4174, %get3A_4175] {strides = array<i32>} : memref<80x64xf32, #tpu.memory_space<vmem>>, vector<1x16xf32>,
      %get3A_4177 = vector.shape_cast %get3A_4176 : vector<1x16xf32> to vector<16xf32>
      %add3A_4178 = arith.addf %add3A_4172, %get3A_4177 : vector<16xf32>
      %get3A_4179 = arith.constant 68 : i32
      %get3A_4180 = arith.index_cast %get3A_4179 : i32 to index
      %get3A_4181 = arith.constant 32 : index
      %get3A_4182 = tpu.vector_load %arg7[%get3A_4180, %get3A_4181] {strides = array<i32>} : memref<80x64xf32, #tpu.memory_space<vmem>>, vector<1x16xf32>,
      %get3A_4183 = vector.shape_cast %get3A_4182 : vector<1x16xf32> to vector<16xf32>
      %add3A_4184 = arith.addf %add3A_4178, %get3A_4183 : vector<16xf32>
      %get3A_4185 = arith.constant 69 : i32
      %get3A_4186 = arith.index_cast %get3A_4185 : i32 to index
      %get3A_4187 = arith.constant 32 : index
      %get3A_4188 = tpu.vector_load %arg7[%get3A_4186, %get3A_4187] {strides = array<i32>} : memref<80x64xf32, #tpu.memory_space<vmem>>, vector<1x16xf32>,
      %get3A_4189 = vector.shape_cast %get3A_4188 : vector<1x16xf32> to vector<16xf32>
      %add3A_4190 = arith.addf %add3A_4184, %get3A_4189 : vector<16xf32>
      %swap3A_4191 = arith.constant 6 : i32
      %swap3A_4192 = arith.index_cast %swap3A_4191 : i32 to index
      %swap3A_4193 = arith.constant 32 : index
      %swap3A_4194 = tpu.vector_load %arg9[%swap3A_4192, %swap3A_4193] {strides = array<i32>} : memref<8x128xf32, #tpu.memory_space<vmem>>, vector<1x16xf32>,
      %swap3A_4195 = vector.shape_cast %swap3A_4194 : vector<1x16xf32> to vector<16xf32>
      %swap3A_4196 = vector.shape_cast %add3A_4161 : vector<16xf32> to vector<1x16xf32>
      tpu.vector_store %arg9[%swap3A_4192, %swap3A_4193], %swap3A_4196 {strides = array<i32>} : memref<8x128xf32, #tpu.memory_space<vmem>>, vector<1x16xf32>,
      %swap3A_4197 = arith.constant 6 : i32
      %swap3A_4198 = arith.index_cast %swap3A_4197 : i32 to index
      %swap3A_4199 = arith.constant 96 : index
      %swap3A_4200 = tpu.vector_load %arg9[%swap3A_4198, %swap3A_4199] {strides = array<i32>} : memref<8x128xf32, #tpu.memory_space<vmem>>, vector<1x16xf32>,
      %swap3A_4201 = vector.shape_cast %swap3A_4200 : vector<1x16xf32> to vector<16xf32>
      %swap3A_4202 = vector.shape_cast %add3A_4190 : vector<16xf32> to vector<1x16xf32>
      tpu.vector_store %arg9[%swap3A_4198, %swap3A_4199], %swap3A_4202 {strides = array<i32>} : memref<8x128xf32, #tpu.memory_space<vmem>>, vector<1x16xf32>,
      %get3A_4203 = arith.constant 60 : i32
      %get3A_4204 = arith.index_cast %get3A_4203 : i32 to index
      %get3A_4205 = arith.constant 48 : index
      %get3A_4206 = tpu.vector_load %arg7[%get3A_4204, %get3A_4205] {strides = array<i32>} : memref<80x64xf32, #tpu.memory_space<vmem>>, vector<1x16xf32>,
      %get3A_4207 = vector.shape_cast %get3A_4206 : vector<1x16xf32> to vector<16xf32>
      %get3A_4208 = arith.constant 61 : i32
      %get3A_4209 = arith.index_cast %get3A_4208 : i32 to index
      %get3A_4210 = arith.constant 48 : index
      %get3A_4211 = tpu.vector_load %arg7[%get3A_4209, %get3A_4210] {strides = array<i32>} : memref<80x64xf32, #tpu.memory_space<vmem>>, vector<1x16xf32>,
      %get3A_4212 = vector.shape_cast %get3A_4211 : vector<1x16xf32> to vector<16xf32>
      %add3A_4213 = arith.addf %get3A_4207, %get3A_4212 : vector<16xf32>
      %get3A_4214 = arith.constant 62 : i32
      %get3A_4215 = arith.index_cast %get3A_4214 : i32 to index
      %get3A_4216 = arith.constant 48 : index
      %get3A_4217 = tpu.vector_load %arg7[%get3A_4215, %get3A_4216] {strides = array<i32>} : memref<80x64xf32, #tpu.memory_space<vmem>>, vector<1x16xf32>,
      %get3A_4218 = vector.shape_cast %get3A_4217 : vector<1x16xf32> to vector<16xf32>
      %add3A_4219 = arith.addf %add3A_4213, %get3A_4218 : vector<16xf32>
      %get3A_4220 = arith.constant 63 : i32
      %get3A_4221 = arith.index_cast %get3A_4220 : i32 to index
      %get3A_4222 = arith.constant 48 : index
      %get3A_4223 = tpu.vector_load %arg7[%get3A_4221, %get3A_4222] {strides = array<i32>} : memref<80x64xf32, #tpu.memory_space<vmem>>, vector<1x16xf32>,
      %get3A_4224 = vector.shape_cast %get3A_4223 : vector<1x16xf32> to vector<16xf32>
      %add3A_4225 = arith.addf %add3A_4219, %get3A_4224 : vector<16xf32>
      %get3A_4226 = arith.constant 64 : i32
      %get3A_4227 = arith.index_cast %get3A_4226 : i32 to index
      %get3A_4228 = arith.constant 48 : index
      %get3A_4229 = tpu.vector_load %arg7[%get3A_4227, %get3A_4228] {strides = array<i32>} : memref<80x64xf32, #tpu.memory_space<vmem>>, vector<1x16xf32>,
      %get3A_4230 = vector.shape_cast %get3A_4229 : vector<1x16xf32> to vector<16xf32>
      %add3A_4231 = arith.addf %add3A_4225, %get3A_4230 : vector<16xf32>
      %get3A_4232 = arith.constant 65 : i32
      %get3A_4233 = arith.index_cast %get3A_4232 : i32 to index
      %get3A_4234 = arith.constant 48 : index
      %get3A_4235 = tpu.vector_load %arg7[%get3A_4233, %get3A_4234] {strides = array<i32>} : memref<80x64xf32, #tpu.memory_space<vmem>>, vector<1x16xf32>,
      %get3A_4236 = vector.shape_cast %get3A_4235 : vector<1x16xf32> to vector<16xf32>
      %get3A_4237 = arith.constant 66 : i32
      %get3A_4238 = arith.index_cast %get3A_4237 : i32 to index
      %get3A_4239 = arith.constant 48 : index
      %get3A_4240 = tpu.vector_load %arg7[%get3A_4238, %get3A_4239] {strides = array<i32>} : memref<80x64xf32, #tpu.memory_space<vmem>>, vector<1x16xf32>,
      %get3A_4241 = vector.shape_cast %get3A_4240 : vector<1x16xf32> to vector<16xf32>
      %add3A_4242 = arith.addf %get3A_4236, %get3A_4241 : vector<16xf32>
      %get3A_4243 = arith.constant 67 : i32
      %get3A_4244 = arith.index_cast %get3A_4243 : i32 to index
      %get3A_4245 = arith.constant 48 : index
      %get3A_4246 = tpu.vector_load %arg7[%get3A_4244, %get3A_4245] {strides = array<i32>} : memref<80x64xf32, #tpu.memory_space<vmem>>, vector<1x16xf32>,
      %get3A_4247 = vector.shape_cast %get3A_4246 : vector<1x16xf32> to vector<16xf32>
      %add3A_4248 = arith.addf %add3A_4242, %get3A_4247 : vector<16xf32>
      %get3A_4249 = arith.constant 68 : i32
      %get3A_4250 = arith.index_cast %get3A_4249 : i32 to index
      %get3A_4251 = arith.constant 48 : index
      %get3A_4252 = tpu.vector_load %arg7[%get3A_4250, %get3A_4251] {strides = array<i32>} : memref<80x64xf32, #tpu.memory_space<vmem>>, vector<1x16xf32>,
      %get3A_4253 = vector.shape_cast %get3A_4252 : vector<1x16xf32> to vector<16xf32>
      %add3A_4254 = arith.addf %add3A_4248, %get3A_4253 : vector<16xf32>
      %get3A_4255 = arith.constant 69 : i32
      %get3A_4256 = arith.index_cast %get3A_4255 : i32 to index
      %get3A_4257 = arith.constant 48 : index
      %get3A_4258 = tpu.vector_load %arg7[%get3A_4256, %get3A_4257] {strides = array<i32>} : memref<80x64xf32, #tpu.memory_space<vmem>>, vector<1x16xf32>,
      %get3A_4259 = vector.shape_cast %get3A_4258 : vector<1x16xf32> to vector<16xf32>
      %add3A_4260 = arith.addf %add3A_4254, %get3A_4259 : vector<16xf32>
      %swap3A_4261 = arith.constant 6 : i32
      %swap3A_4262 = arith.index_cast %swap3A_4261 : i32 to index
      %swap3A_4263 = arith.constant 48 : index
      %swap3A_4264 = tpu.vector_load %arg9[%swap3A_4262, %swap3A_4263] {strides = array<i32>} : memref<8x128xf32, #tpu.memory_space<vmem>>, vector<1x16xf32>,
      %swap3A_4265 = vector.shape_cast %swap3A_4264 : vector<1x16xf32> to vector<16xf32>
      %swap3A_4266 = vector.shape_cast %add3A_4231 : vector<16xf32> to vector<1x16xf32>
      tpu.vector_store %arg9[%swap3A_4262, %swap3A_4263], %swap3A_4266 {strides = array<i32>} : memref<8x128xf32, #tpu.memory_space<vmem>>, vector<1x16xf32>,
      %swap3A_4267 = arith.constant 6 : i32
      %swap3A_4268 = arith.index_cast %swap3A_4267 : i32 to index
      %swap3A_4269 = arith.constant 112 : index
      %swap3A_4270 = tpu.vector_load %arg9[%swap3A_4268, %swap3A_4269] {strides = array<i32>} : memref<8x128xf32, #tpu.memory_space<vmem>>, vector<1x16xf32>,
      %swap3A_4271 = vector.shape_cast %swap3A_4270 : vector<1x16xf32> to vector<16xf32>
      %swap3A_4272 = vector.shape_cast %add3A_4260 : vector<16xf32> to vector<1x16xf32>
      tpu.vector_store %arg9[%swap3A_4268, %swap3A_4269], %swap3A_4272 {strides = array<i32>} : memref<8x128xf32, #tpu.memory_space<vmem>>, vector<1x16xf32>,
      %get3A_4273 = arith.constant 70 : i32
      %get3A_4274 = arith.index_cast %get3A_4273 : i32 to index
      %get3A_4275 = arith.constant 0 : index
      %get3A_4276 = tpu.vector_load %arg7[%get3A_4274, %get3A_4275] {strides = array<i32>} : memref<80x64xf32, #tpu.memory_space<vmem>>, vector<1x16xf32>,
      %get3A_4277 = vector.shape_cast %get3A_4276 : vector<1x16xf32> to vector<16xf32>
      %get3A_4278 = arith.constant 71 : i32
      %get3A_4279 = arith.index_cast %get3A_4278 : i32 to index
      %get3A_4280 = arith.constant 0 : index
      %get3A_4281 = tpu.vector_load %arg7[%get3A_4279, %get3A_4280] {strides = array<i32>} : memref<80x64xf32, #tpu.memory_space<vmem>>, vector<1x16xf32>,
      %get3A_4282 = vector.shape_cast %get3A_4281 : vector<1x16xf32> to vector<16xf32>
      %add3A_4283 = arith.addf %get3A_4277, %get3A_4282 : vector<16xf32>
      %get3A_4284 = arith.constant 72 : i32
      %get3A_4285 = arith.index_cast %get3A_4284 : i32 to index
      %get3A_4286 = arith.constant 0 : index
      %get3A_4287 = tpu.vector_load %arg7[%get3A_4285, %get3A_4286] {strides = array<i32>} : memref<80x64xf32, #tpu.memory_space<vmem>>, vector<1x16xf32>,
      %get3A_4288 = vector.shape_cast %get3A_4287 : vector<1x16xf32> to vector<16xf32>
      %add3A_4289 = arith.addf %add3A_4283, %get3A_4288 : vector<16xf32>
      %get3A_4290 = arith.constant 73 : i32
      %get3A_4291 = arith.index_cast %get3A_4290 : i32 to index
      %get3A_4292 = arith.constant 0 : index
      %get3A_4293 = tpu.vector_load %arg7[%get3A_4291, %get3A_4292] {strides = array<i32>} : memref<80x64xf32, #tpu.memory_space<vmem>>, vector<1x16xf32>,
      %get3A_4294 = vector.shape_cast %get3A_4293 : vector<1x16xf32> to vector<16xf32>
      %add3A_4295 = arith.addf %add3A_4289, %get3A_4294 : vector<16xf32>
      %get3A_4296 = arith.constant 74 : i32
      %get3A_4297 = arith.index_cast %get3A_4296 : i32 to index
      %get3A_4298 = arith.constant 0 : index
      %get3A_4299 = tpu.vector_load %arg7[%get3A_4297, %get3A_4298] {strides = array<i32>} : memref<80x64xf32, #tpu.memory_space<vmem>>, vector<1x16xf32>,
      %get3A_4300 = vector.shape_cast %get3A_4299 : vector<1x16xf32> to vector<16xf32>
      %add3A_4301 = arith.addf %add3A_4295, %get3A_4300 : vector<16xf32>
      %get3A_4302 = arith.constant 75 : i32
      %get3A_4303 = arith.index_cast %get3A_4302 : i32 to index
      %get3A_4304 = arith.constant 0 : index
      %get3A_4305 = tpu.vector_load %arg7[%get3A_4303, %get3A_4304] {strides = array<i32>} : memref<80x64xf32, #tpu.memory_space<vmem>>, vector<1x16xf32>,
      %get3A_4306 = vector.shape_cast %get3A_4305 : vector<1x16xf32> to vector<16xf32>
      %get3A_4307 = arith.constant 76 : i32
      %get3A_4308 = arith.index_cast %get3A_4307 : i32 to index
      %get3A_4309 = arith.constant 0 : index
      %get3A_4310 = tpu.vector_load %arg7[%get3A_4308, %get3A_4309] {strides = array<i32>} : memref<80x64xf32, #tpu.memory_space<vmem>>, vector<1x16xf32>,
      %get3A_4311 = vector.shape_cast %get3A_4310 : vector<1x16xf32> to vector<16xf32>
      %add3A_4312 = arith.addf %get3A_4306, %get3A_4311 : vector<16xf32>
      %get3A_4313 = arith.constant 77 : i32
      %get3A_4314 = arith.index_cast %get3A_4313 : i32 to index
      %get3A_4315 = arith.constant 0 : index
      %get3A_4316 = tpu.vector_load %arg7[%get3A_4314, %get3A_4315] {strides = array<i32>} : memref<80x64xf32, #tpu.memory_space<vmem>>, vector<1x16xf32>,
      %get3A_4317 = vector.shape_cast %get3A_4316 : vector<1x16xf32> to vector<16xf32>
      %add3A_4318 = arith.addf %add3A_4312, %get3A_4317 : vector<16xf32>
      %get3A_4319 = arith.constant 78 : i32
      %get3A_4320 = arith.index_cast %get3A_4319 : i32 to index
      %get3A_4321 = arith.constant 0 : index
      %get3A_4322 = tpu.vector_load %arg7[%get3A_4320, %get3A_4321] {strides = array<i32>} : memref<80x64xf32, #tpu.memory_space<vmem>>, vector<1x16xf32>,
      %get3A_4323 = vector.shape_cast %get3A_4322 : vector<1x16xf32> to vector<16xf32>
      %add3A_4324 = arith.addf %add3A_4318, %get3A_4323 : vector<16xf32>
      %get3A_4325 = arith.constant 79 : i32
      %get3A_4326 = arith.index_cast %get3A_4325 : i32 to index
      %get3A_4327 = arith.constant 0 : index
      %get3A_4328 = tpu.vector_load %arg7[%get3A_4326, %get3A_4327] {strides = array<i32>} : memref<80x64xf32, #tpu.memory_space<vmem>>, vector<1x16xf32>,
      %get3A_4329 = vector.shape_cast %get3A_4328 : vector<1x16xf32> to vector<16xf32>
      %add3A_4330 = arith.addf %add3A_4324, %get3A_4329 : vector<16xf32>
      %swap3A_4331 = arith.constant 7 : i32
      %swap3A_4332 = arith.index_cast %swap3A_4331 : i32 to index
      %swap3A_4333 = arith.constant 0 : index
      %swap3A_4334 = tpu.vector_load %arg9[%swap3A_4332, %swap3A_4333] {strides = array<i32>} : memref<8x128xf32, #tpu.memory_space<vmem>>, vector<1x16xf32>,
      %swap3A_4335 = vector.shape_cast %swap3A_4334 : vector<1x16xf32> to vector<16xf32>
      %swap3A_4336 = vector.shape_cast %add3A_4301 : vector<16xf32> to vector<1x16xf32>
      tpu.vector_store %arg9[%swap3A_4332, %swap3A_4333], %swap3A_4336 {strides = array<i32>} : memref<8x128xf32, #tpu.memory_space<vmem>>, vector<1x16xf32>,
      %swap3A_4337 = arith.constant 7 : i32
      %swap3A_4338 = arith.index_cast %swap3A_4337 : i32 to index
      %swap3A_4339 = arith.constant 64 : index
      %swap3A_4340 = tpu.vector_load %arg9[%swap3A_4338, %swap3A_4339] {strides = array<i32>} : memref<8x128xf32, #tpu.memory_space<vmem>>, vector<1x16xf32>,
      %swap3A_4341 = vector.shape_cast %swap3A_4340 : vector<1x16xf32> to vector<16xf32>
      %swap3A_4342 = vector.shape_cast %add3A_4330 : vector<16xf32> to vector<1x16xf32>
      tpu.vector_store %arg9[%swap3A_4338, %swap3A_4339], %swap3A_4342 {strides = array<i32>} : memref<8x128xf32, #tpu.memory_space<vmem>>, vector<1x16xf32>,
      %get3A_4343 = arith.constant 70 : i32
      %get3A_4344 = arith.index_cast %get3A_4343 : i32 to index
      %get3A_4345 = arith.constant 16 : index
      %get3A_4346 = tpu.vector_load %arg7[%get3A_4344, %get3A_4345] {strides = array<i32>} : memref<80x64xf32, #tpu.memory_space<vmem>>, vector<1x16xf32>,
      %get3A_4347 = vector.shape_cast %get3A_4346 : vector<1x16xf32> to vector<16xf32>
      %get3A_4348 = arith.constant 71 : i32
      %get3A_4349 = arith.index_cast %get3A_4348 : i32 to index
      %get3A_4350 = arith.constant 16 : index
      %get3A_4351 = tpu.vector_load %arg7[%get3A_4349, %get3A_4350] {strides = array<i32>} : memref<80x64xf32, #tpu.memory_space<vmem>>, vector<1x16xf32>,
      %get3A_4352 = vector.shape_cast %get3A_4351 : vector<1x16xf32> to vector<16xf32>
      %add3A_4353 = arith.addf %get3A_4347, %get3A_4352 : vector<16xf32>
      %get3A_4354 = arith.constant 72 : i32
      %get3A_4355 = arith.index_cast %get3A_4354 : i32 to index
      %get3A_4356 = arith.constant 16 : index
      %get3A_4357 = tpu.vector_load %arg7[%get3A_4355, %get3A_4356] {strides = array<i32>} : memref<80x64xf32, #tpu.memory_space<vmem>>, vector<1x16xf32>,
      %get3A_4358 = vector.shape_cast %get3A_4357 : vector<1x16xf32> to vector<16xf32>
      %add3A_4359 = arith.addf %add3A_4353, %get3A_4358 : vector<16xf32>
      %get3A_4360 = arith.constant 73 : i32
      %get3A_4361 = arith.index_cast %get3A_4360 : i32 to index
      %get3A_4362 = arith.constant 16 : index
      %get3A_4363 = tpu.vector_load %arg7[%get3A_4361, %get3A_4362] {strides = array<i32>} : memref<80x64xf32, #tpu.memory_space<vmem>>, vector<1x16xf32>,
      %get3A_4364 = vector.shape_cast %get3A_4363 : vector<1x16xf32> to vector<16xf32>
      %add3A_4365 = arith.addf %add3A_4359, %get3A_4364 : vector<16xf32>
      %get3A_4366 = arith.constant 74 : i32
      %get3A_4367 = arith.index_cast %get3A_4366 : i32 to index
      %get3A_4368 = arith.constant 16 : index
      %get3A_4369 = tpu.vector_load %arg7[%get3A_4367, %get3A_4368] {strides = array<i32>} : memref<80x64xf32, #tpu.memory_space<vmem>>, vector<1x16xf32>,
      %get3A_4370 = vector.shape_cast %get3A_4369 : vector<1x16xf32> to vector<16xf32>
      %add3A_4371 = arith.addf %add3A_4365, %get3A_4370 : vector<16xf32>
      %get3A_4372 = arith.constant 75 : i32
      %get3A_4373 = arith.index_cast %get3A_4372 : i32 to index
      %get3A_4374 = arith.constant 16 : index
      %get3A_4375 = tpu.vector_load %arg7[%get3A_4373, %get3A_4374] {strides = array<i32>} : memref<80x64xf32, #tpu.memory_space<vmem>>, vector<1x16xf32>,
      %get3A_4376 = vector.shape_cast %get3A_4375 : vector<1x16xf32> to vector<16xf32>
      %get3A_4377 = arith.constant 76 : i32
      %get3A_4378 = arith.index_cast %get3A_4377 : i32 to index
      %get3A_4379 = arith.constant 16 : index
      %get3A_4380 = tpu.vector_load %arg7[%get3A_4378, %get3A_4379] {strides = array<i32>} : memref<80x64xf32, #tpu.memory_space<vmem>>, vector<1x16xf32>,
      %get3A_4381 = vector.shape_cast %get3A_4380 : vector<1x16xf32> to vector<16xf32>
      %add3A_4382 = arith.addf %get3A_4376, %get3A_4381 : vector<16xf32>
      %get3A_4383 = arith.constant 77 : i32
      %get3A_4384 = arith.index_cast %get3A_4383 : i32 to index
      %get3A_4385 = arith.constant 16 : index
      %get3A_4386 = tpu.vector_load %arg7[%get3A_4384, %get3A_4385] {strides = array<i32>} : memref<80x64xf32, #tpu.memory_space<vmem>>, vector<1x16xf32>,
      %get3A_4387 = vector.shape_cast %get3A_4386 : vector<1x16xf32> to vector<16xf32>
      %add3A_4388 = arith.addf %add3A_4382, %get3A_4387 : vector<16xf32>
      %get3A_4389 = arith.constant 78 : i32
      %get3A_4390 = arith.index_cast %get3A_4389 : i32 to index
      %get3A_4391 = arith.constant 16 : index
      %get3A_4392 = tpu.vector_load %arg7[%get3A_4390, %get3A_4391] {strides = array<i32>} : memref<80x64xf32, #tpu.memory_space<vmem>>, vector<1x16xf32>,
      %get3A_4393 = vector.shape_cast %get3A_4392 : vector<1x16xf32> to vector<16xf32>
      %add3A_4394 = arith.addf %add3A_4388, %get3A_4393 : vector<16xf32>
      %get3A_4395 = arith.constant 79 : i32
      %get3A_4396 = arith.index_cast %get3A_4395 : i32 to index
      %get3A_4397 = arith.constant 16 : index
      %get3A_4398 = tpu.vector_load %arg7[%get3A_4396, %get3A_4397] {strides = array<i32>} : memref<80x64xf32, #tpu.memory_space<vmem>>, vector<1x16xf32>,
      %get3A_4399 = vector.shape_cast %get3A_4398 : vector<1x16xf32> to vector<16xf32>
      %add3A_4400 = arith.addf %add3A_4394, %get3A_4399 : vector<16xf32>
      %swap3A_4401 = arith.constant 7 : i32
      %swap3A_4402 = arith.index_cast %swap3A_4401 : i32 to index
      %swap3A_4403 = arith.constant 16 : index
      %swap3A_4404 = tpu.vector_load %arg9[%swap3A_4402, %swap3A_4403] {strides = array<i32>} : memref<8x128xf32, #tpu.memory_space<vmem>>, vector<1x16xf32>,
      %swap3A_4405 = vector.shape_cast %swap3A_4404 : vector<1x16xf32> to vector<16xf32>
      %swap3A_4406 = vector.shape_cast %add3A_4371 : vector<16xf32> to vector<1x16xf32>
      tpu.vector_store %arg9[%swap3A_4402, %swap3A_4403], %swap3A_4406 {strides = array<i32>} : memref<8x128xf32, #tpu.memory_space<vmem>>, vector<1x16xf32>,
      %swap3A_4407 = arith.constant 7 : i32
      %swap3A_4408 = arith.index_cast %swap3A_4407 : i32 to index
      %swap3A_4409 = arith.constant 80 : index
      %swap3A_4410 = tpu.vector_load %arg9[%swap3A_4408, %swap3A_4409] {strides = array<i32>} : memref<8x128xf32, #tpu.memory_space<vmem>>, vector<1x16xf32>,
      %swap3A_4411 = vector.shape_cast %swap3A_4410 : vector<1x16xf32> to vector<16xf32>
      %swap3A_4412 = vector.shape_cast %add3A_4400 : vector<16xf32> to vector<1x16xf32>
      tpu.vector_store %arg9[%swap3A_4408, %swap3A_4409], %swap3A_4412 {strides = array<i32>} : memref<8x128xf32, #tpu.memory_space<vmem>>, vector<1x16xf32>,
      %get3A_4413 = arith.constant 70 : i32
      %get3A_4414 = arith.index_cast %get3A_4413 : i32 to index
      %get3A_4415 = arith.constant 32 : index
      %get3A_4416 = tpu.vector_load %arg7[%get3A_4414, %get3A_4415] {strides = array<i32>} : memref<80x64xf32, #tpu.memory_space<vmem>>, vector<1x16xf32>,
      %get3A_4417 = vector.shape_cast %get3A_4416 : vector<1x16xf32> to vector<16xf32>
      %get3A_4418 = arith.constant 71 : i32
      %get3A_4419 = arith.index_cast %get3A_4418 : i32 to index
      %get3A_4420 = arith.constant 32 : index
      %get3A_4421 = tpu.vector_load %arg7[%get3A_4419, %get3A_4420] {strides = array<i32>} : memref<80x64xf32, #tpu.memory_space<vmem>>, vector<1x16xf32>,
      %get3A_4422 = vector.shape_cast %get3A_4421 : vector<1x16xf32> to vector<16xf32>
      %add3A_4423 = arith.addf %get3A_4417, %get3A_4422 : vector<16xf32>
      %get3A_4424 = arith.constant 72 : i32
      %get3A_4425 = arith.index_cast %get3A_4424 : i32 to index
      %get3A_4426 = arith.constant 32 : index
      %get3A_4427 = tpu.vector_load %arg7[%get3A_4425, %get3A_4426] {strides = array<i32>} : memref<80x64xf32, #tpu.memory_space<vmem>>, vector<1x16xf32>,
      %get3A_4428 = vector.shape_cast %get3A_4427 : vector<1x16xf32> to vector<16xf32>
      %add3A_4429 = arith.addf %add3A_4423, %get3A_4428 : vector<16xf32>
      %get3A_4430 = arith.constant 73 : i32
      %get3A_4431 = arith.index_cast %get3A_4430 : i32 to index
      %get3A_4432 = arith.constant 32 : index
      %get3A_4433 = tpu.vector_load %arg7[%get3A_4431, %get3A_4432] {strides = array<i32>} : memref<80x64xf32, #tpu.memory_space<vmem>>, vector<1x16xf32>,
      %get3A_4434 = vector.shape_cast %get3A_4433 : vector<1x16xf32> to vector<16xf32>
      %add3A_4435 = arith.addf %add3A_4429, %get3A_4434 : vector<16xf32>
      %get3A_4436 = arith.constant 74 : i32
      %get3A_4437 = arith.index_cast %get3A_4436 : i32 to index
      %get3A_4438 = arith.constant 32 : index
      %get3A_4439 = tpu.vector_load %arg7[%get3A_4437, %get3A_4438] {strides = array<i32>} : memref<80x64xf32, #tpu.memory_space<vmem>>, vector<1x16xf32>,
      %get3A_4440 = vector.shape_cast %get3A_4439 : vector<1x16xf32> to vector<16xf32>
      %add3A_4441 = arith.addf %add3A_4435, %get3A_4440 : vector<16xf32>
      %get3A_4442 = arith.constant 75 : i32
      %get3A_4443 = arith.index_cast %get3A_4442 : i32 to index
      %get3A_4444 = arith.constant 32 : index
      %get3A_4445 = tpu.vector_load %arg7[%get3A_4443, %get3A_4444] {strides = array<i32>} : memref<80x64xf32, #tpu.memory_space<vmem>>, vector<1x16xf32>,
      %get3A_4446 = vector.shape_cast %get3A_4445 : vector<1x16xf32> to vector<16xf32>
      %get3A_4447 = arith.constant 76 : i32
      %get3A_4448 = arith.index_cast %get3A_4447 : i32 to index
      %get3A_4449 = arith.constant 32 : index
      %get3A_4450 = tpu.vector_load %arg7[%get3A_4448, %get3A_4449] {strides = array<i32>} : memref<80x64xf32, #tpu.memory_space<vmem>>, vector<1x16xf32>,
      %get3A_4451 = vector.shape_cast %get3A_4450 : vector<1x16xf32> to vector<16xf32>
      %add3A_4452 = arith.addf %get3A_4446, %get3A_4451 : vector<16xf32>
      %get3A_4453 = arith.constant 77 : i32
      %get3A_4454 = arith.index_cast %get3A_4453 : i32 to index
      %get3A_4455 = arith.constant 32 : index
      %get3A_4456 = tpu.vector_load %arg7[%get3A_4454, %get3A_4455] {strides = array<i32>} : memref<80x64xf32, #tpu.memory_space<vmem>>, vector<1x16xf32>,
      %get3A_4457 = vector.shape_cast %get3A_4456 : vector<1x16xf32> to vector<16xf32>
      %add3A_4458 = arith.addf %add3A_4452, %get3A_4457 : vector<16xf32>
      %get3A_4459 = arith.constant 78 : i32
      %get3A_4460 = arith.index_cast %get3A_4459 : i32 to index
      %get3A_4461 = arith.constant 32 : index
      %get3A_4462 = tpu.vector_load %arg7[%get3A_4460, %get3A_4461] {strides = array<i32>} : memref<80x64xf32, #tpu.memory_space<vmem>>, vector<1x16xf32>,
      %get3A_4463 = vector.shape_cast %get3A_4462 : vector<1x16xf32> to vector<16xf32>
      %add3A_4464 = arith.addf %add3A_4458, %get3A_4463 : vector<16xf32>
      %get3A_4465 = arith.constant 79 : i32
      %get3A_4466 = arith.index_cast %get3A_4465 : i32 to index
      %get3A_4467 = arith.constant 32 : index
      %get3A_4468 = tpu.vector_load %arg7[%get3A_4466, %get3A_4467] {strides = array<i32>} : memref<80x64xf32, #tpu.memory_space<vmem>>, vector<1x16xf32>,
      %get3A_4469 = vector.shape_cast %get3A_4468 : vector<1x16xf32> to vector<16xf32>
      %add3A_4470 = arith.addf %add3A_4464, %get3A_4469 : vector<16xf32>
      %swap3A_4471 = arith.constant 7 : i32
      %swap3A_4472 = arith.index_cast %swap3A_4471 : i32 to index
      %swap3A_4473 = arith.constant 32 : index
      %swap3A_4474 = tpu.vector_load %arg9[%swap3A_4472, %swap3A_4473] {strides = array<i32>} : memref<8x128xf32, #tpu.memory_space<vmem>>, vector<1x16xf32>,
      %swap3A_4475 = vector.shape_cast %swap3A_4474 : vector<1x16xf32> to vector<16xf32>
      %swap3A_4476 = vector.shape_cast %add3A_4441 : vector<16xf32> to vector<1x16xf32>
      tpu.vector_store %arg9[%swap3A_4472, %swap3A_4473], %swap3A_4476 {strides = array<i32>} : memref<8x128xf32, #tpu.memory_space<vmem>>, vector<1x16xf32>,
      %swap3A_4477 = arith.constant 7 : i32
      %swap3A_4478 = arith.index_cast %swap3A_4477 : i32 to index
      %swap3A_4479 = arith.constant 96 : index
      %swap3A_4480 = tpu.vector_load %arg9[%swap3A_4478, %swap3A_4479] {strides = array<i32>} : memref<8x128xf32, #tpu.memory_space<vmem>>, vector<1x16xf32>,
      %swap3A_4481 = vector.shape_cast %swap3A_4480 : vector<1x16xf32> to vector<16xf32>
      %swap3A_4482 = vector.shape_cast %add3A_4470 : vector<16xf32> to vector<1x16xf32>
      tpu.vector_store %arg9[%swap3A_4478, %swap3A_4479], %swap3A_4482 {strides = array<i32>} : memref<8x128xf32, #tpu.memory_space<vmem>>, vector<1x16xf32>,
      %get3A_4483 = arith.constant 70 : i32
      %get3A_4484 = arith.index_cast %get3A_4483 : i32 to index
      %get3A_4485 = arith.constant 48 : index
      %get3A_4486 = tpu.vector_load %arg7[%get3A_4484, %get3A_4485] {strides = array<i32>} : memref<80x64xf32, #tpu.memory_space<vmem>>, vector<1x16xf32>,
      %get3A_4487 = vector.shape_cast %get3A_4486 : vector<1x16xf32> to vector<16xf32>
      %get3A_4488 = arith.constant 71 : i32
      %get3A_4489 = arith.index_cast %get3A_4488 : i32 to index
      %get3A_4490 = arith.constant 48 : index
      %get3A_4491 = tpu.vector_load %arg7[%get3A_4489, %get3A_4490] {strides = array<i32>} : memref<80x64xf32, #tpu.memory_space<vmem>>, vector<1x16xf32>,
      %get3A_4492 = vector.shape_cast %get3A_4491 : vector<1x16xf32> to vector<16xf32>
      %add3A_4493 = arith.addf %get3A_4487, %get3A_4492 : vector<16xf32>
      %get3A_4494 = arith.constant 72 : i32
      %get3A_4495 = arith.index_cast %get3A_4494 : i32 to index
      %get3A_4496 = arith.constant 48 : index
      %get3A_4497 = tpu.vector_load %arg7[%get3A_4495, %get3A_4496] {strides = array<i32>} : memref<80x64xf32, #tpu.memory_space<vmem>>, vector<1x16xf32>,
      %get3A_4498 = vector.shape_cast %get3A_4497 : vector<1x16xf32> to vector<16xf32>
      %add3A_4499 = arith.addf %add3A_4493, %get3A_4498 : vector<16xf32>
      %get3A_4500 = arith.constant 73 : i32
      %get3A_4501 = arith.index_cast %get3A_4500 : i32 to index
      %get3A_4502 = arith.constant 48 : index
      %get3A_4503 = tpu.vector_load %arg7[%get3A_4501, %get3A_4502] {strides = array<i32>} : memref<80x64xf32, #tpu.memory_space<vmem>>, vector<1x16xf32>,
      %get3A_4504 = vector.shape_cast %get3A_4503 : vector<1x16xf32> to vector<16xf32>
      %add3A_4505 = arith.addf %add3A_4499, %get3A_4504 : vector<16xf32>
      %get3A_4506 = arith.constant 74 : i32
      %get3A_4507 = arith.index_cast %get3A_4506 : i32 to index
      %get3A_4508 = arith.constant 48 : index
      %get3A_4509 = tpu.vector_load %arg7[%get3A_4507, %get3A_4508] {strides = array<i32>} : memref<80x64xf32, #tpu.memory_space<vmem>>, vector<1x16xf32>,
      %get3A_4510 = vector.shape_cast %get3A_4509 : vector<1x16xf32> to vector<16xf32>
      %add3A_4511 = arith.addf %add3A_4505, %get3A_4510 : vector<16xf32>
      %get3A_4512 = arith.constant 75 : i32
      %get3A_4513 = arith.index_cast %get3A_4512 : i32 to index
      %get3A_4514 = arith.constant 48 : index
      %get3A_4515 = tpu.vector_load %arg7[%get3A_4513, %get3A_4514] {strides = array<i32>} : memref<80x64xf32, #tpu.memory_space<vmem>>, vector<1x16xf32>,
      %get3A_4516 = vector.shape_cast %get3A_4515 : vector<1x16xf32> to vector<16xf32>
      %get3A_4517 = arith.constant 76 : i32
      %get3A_4518 = arith.index_cast %get3A_4517 : i32 to index
      %get3A_4519 = arith.constant 48 : index
      %get3A_4520 = tpu.vector_load %arg7[%get3A_4518, %get3A_4519] {strides = array<i32>} : memref<80x64xf32, #tpu.memory_space<vmem>>, vector<1x16xf32>,
      %get3A_4521 = vector.shape_cast %get3A_4520 : vector<1x16xf32> to vector<16xf32>
      %add3A_4522 = arith.addf %get3A_4516, %get3A_4521 : vector<16xf32>
      %get3A_4523 = arith.constant 77 : i32
      %get3A_4524 = arith.index_cast %get3A_4523 : i32 to index
      %get3A_4525 = arith.constant 48 : index
      %get3A_4526 = tpu.vector_load %arg7[%get3A_4524, %get3A_4525] {strides = array<i32>} : memref<80x64xf32, #tpu.memory_space<vmem>>, vector<1x16xf32>,
      %get3A_4527 = vector.shape_cast %get3A_4526 : vector<1x16xf32> to vector<16xf32>
      %add3A_4528 = arith.addf %add3A_4522, %get3A_4527 : vector<16xf32>
      %get3A_4529 = arith.constant 78 : i32
      %get3A_4530 = arith.index_cast %get3A_4529 : i32 to index
      %get3A_4531 = arith.constant 48 : index
      %get3A_4532 = tpu.vector_load %arg7[%get3A_4530, %get3A_4531] {strides = array<i32>} : memref<80x64xf32, #tpu.memory_space<vmem>>, vector<1x16xf32>,
      %get3A_4533 = vector.shape_cast %get3A_4532 : vector<1x16xf32> to vector<16xf32>
      %add3A_4534 = arith.addf %add3A_4528, %get3A_4533 : vector<16xf32>
      %get3A_4535 = arith.constant 79 : i32
      %get3A_4536 = arith.index_cast %get3A_4535 : i32 to index
      %get3A_4537 = arith.constant 48 : index
      %get3A_4538 = tpu.vector_load %arg7[%get3A_4536, %get3A_4537] {strides = array<i32>} : memref<80x64xf32, #tpu.memory_space<vmem>>, vector<1x16xf32>,
      %get3A_4539 = vector.shape_cast %get3A_4538 : vector<1x16xf32> to vector<16xf32>
      %add3A_4540 = arith.addf %add3A_4534, %get3A_4539 : vector<16xf32>
      %swap3A_4541 = arith.constant 7 : i32
      %swap3A_4542 = arith.index_cast %swap3A_4541 : i32 to index
      %swap3A_4543 = arith.constant 48 : index
      %swap3A_4544 = tpu.vector_load %arg9[%swap3A_4542, %swap3A_4543] {strides = array<i32>} : memref<8x128xf32, #tpu.memory_space<vmem>>, vector<1x16xf32>,
      %swap3A_4545 = vector.shape_cast %swap3A_4544 : vector<1x16xf32> to vector<16xf32>
      %swap3A_4546 = vector.shape_cast %add3A_4511 : vector<16xf32> to vector<1x16xf32>
      tpu.vector_store %arg9[%swap3A_4542, %swap3A_4543], %swap3A_4546 {strides = array<i32>} : memref<8x128xf32, #tpu.memory_space<vmem>>, vector<1x16xf32>,
      %swap3A_4547 = arith.constant 7 : i32
      %swap3A_4548 = arith.index_cast %swap3A_4547 : i32 to index
      %swap3A_4549 = arith.constant 112 : index
      %swap3A_4550 = tpu.vector_load %arg9[%swap3A_4548, %swap3A_4549] {strides = array<i32>} : memref<8x128xf32, #tpu.memory_space<vmem>>, vector<1x16xf32>,
      %swap3A_4551 = vector.shape_cast %swap3A_4550 : vector<1x16xf32> to vector<16xf32>
      %swap3A_4552 = vector.shape_cast %add3A_4540 : vector<16xf32> to vector<1x16xf32>
      tpu.vector_store %arg9[%swap3A_4548, %swap3A_4549], %swap3A_4552 {strides = array<i32>} : memref<8x128xf32, #tpu.memory_space<vmem>>, vector<1x16xf32>,
      %mul3A_4553 = arith.constant 8 : i32
      %mul3A_4554 = arith.muli %add3A_2301, %mul3A_4553 : i32
      %add3A_4555 = arith.addi %mul3A_4, %mul3A_4554 : i32
      %dma_start3A_4556 = arith.constant 0 : i32
      %dma_start3A_4557 = tpu.memref_slice %arg4[%add3A_4555, %dma_start3A_4556] : memref<16384x128xf32, #tpu.memory_space<hbm>> -> memref<8x128xf32, #tpu.memory_space<hbm>>
      %dma_start3A_4558 = arith.constant 0 : i32
      %dma_start3A_4559 = tpu.memref_slice %arg4[%add3A_4555, %dma_start3A_4558] : memref<16384x128xf32, #tpu.memory_space<hbm>> -> memref<8x128xf32, #tpu.memory_space<hbm>>
      tpu.enqueue_dma source(%arg9 : memref<8x128xf32, #tpu.memory_space<vmem>>) target(%dma_start3A_4559 : memref<8x128xf32, #tpu.memory_space<hbm>>) target_semaphore(%arg13 : memref<!tpu.dma_semaphore, #tpu.memory_space<semaphore_mem>>)
      %add3A_4560 = arith.constant 2 : i32
      %add3A_4561 = arith.addi %add3A_2301, %add3A_4560 : i32
      %lt3A_4562 = arith.constant 64 : i32
      %lt3A_4563 = arith.cmpi slt, %add3A_4561, %lt3A_4562 : i32
      %convert_element_type3A_4564 = arith.extui %lt3A_4563 : i1 to i32
      %cond3A_4565 = arith.constant 0 : i32
      %cond3A_4566 = arith.cmpi ne, %convert_element_type3A_4564, %cond3A_4565 : i32
      scf.if %cond3A_4566 {
        %add3A_4567 = arith.constant 2 : i32
        %add3A_4568 = arith.addi %add3A_2301, %add3A_4567 : i32
        %dma_start3A_4569 = arith.constant 0 : i32
        %dma_start3A_4570 = tpu.memref_slice %arg5[%add3A_4568, %dma_start3A_4569] : memref<64x80xi32, #tpu.memory_space<vmem>> -> memref<1x80xi32, #tpu.memory_space<vmem>>
        %dma_start3A_4571 = tpu.memref_squeeze %dma_start3A_4570 : memref<1x80xi32, #tpu.memory_space<vmem>> -> memref<80xi32, #tpu.memory_space<vmem>>
        %dma_start3A_4572 = arith.constant 0 : i32
        %dma_start3A_4573 = arith.constant 0 : i32
        %dma_start3A_4574 = tpu.memref_slice %arg2[%dma_start3A_4572, %dma_start3A_4573] : memref<1000005x64xf32, #tpu.memory_space<hbm>> -> memref<1000005x64xf32, #tpu.memory_space<hbm>>
        tpu.enqueue_indirect_dma source(%dma_start3A_4574 : memref<1000005x64xf32, #tpu.memory_space<hbm>>) target(%arg7 : memref<80x64xf32, #tpu.memory_space<vmem>>) offsets(%dma_start3A_4571 : memref<80xi32, #tpu.memory_space<vmem>>) semaphore(%arg11 : memref<!tpu.dma_semaphore, #tpu.memory_space<semaphore_mem>>)
      } else {
      }
    }
    %scan3A_22 = arith.constant 32 : i32
    %add3A_23 = arith.constant 496 : i32
    %add3A_24 = arith.addi %mul3A_4, %add3A_23 : i32
    %dma_wait3A = arith.constant 0 : i32
    %dma_wait3A_25 = tpu.memref_slice %arg4[%add3A_24, %dma_wait3A] : memref<16384x128xf32, #tpu.memory_space<hbm>> -> memref<8x128xf32, #tpu.memory_space<hbm>>
    %dma_wait3A_26 = arith.constant 0 : i32
    %dma_wait3A_27 = tpu.memref_slice %arg4[%add3A_24, %dma_wait3A_26] : memref<16384x128xf32, #tpu.memory_space<hbm>> -> memref<8x128xf32, #tpu.memory_space<hbm>>
    tpu.wait_dma2 semaphore(%arg12 : memref<!tpu.dma_semaphore, #tpu.memory_space<semaphore_mem>>) src(%arg8 : memref<8x128xf32, #tpu.memory_space<vmem>>) dst(%dma_wait3A_27 : memref<8x128xf32, #tpu.memory_space<hbm>>)
    %add3A_28 = arith.constant 504 : i32
    %add3A_29 = arith.addi %mul3A_4, %add3A_28 : i32
    %dma_wait3A_30 = arith.constant 0 : i32
    %dma_wait3A_31 = tpu.memref_slice %arg4[%add3A_29, %dma_wait3A_30] : memref<16384x128xf32, #tpu.memory_space<hbm>> -> memref<8x128xf32, #tpu.memory_space<hbm>>
    %dma_wait3A_32 = arith.constant 0 : i32
    %dma_wait3A_33 = tpu.memref_slice %arg4[%add3A_29, %dma_wait3A_32] : memref<16384x128xf32, #tpu.memory_space<hbm>> -> memref<8x128xf32, #tpu.memory_space<hbm>>
    tpu.wait_dma2 semaphore(%arg13 : memref<!tpu.dma_semaphore, #tpu.memory_space<semaphore_mem>>) src(%arg9 : memref<8x128xf32, #tpu.memory_space<vmem>>) dst(%dma_wait3A_33 : memref<8x128xf32, #tpu.memory_space<hbm>>)
    return
  }
}

</mosaic_0001>

<sc_bundles>
// kernel: _run.3.cloned.1.call-start
scs
__scs_entry_jumppad:
0x0: {  	(pc) =	sbr.rel $0x88, $3  }
0x1: {  	(tag) =	ssettag $0x0;
	lr =	simm.s32 $0x1  }
0x2: {  	[smem:$0x3F9F] =	sst lr;
	_ =	strace $0xD0000000  }
0x3: {  	_ = 	snop  }
0x4: {  	_ = 	snop  }
0x5: {  	_ = 	snop  }
0x6: {  	_ = 	snop  }
0x7: {  	_ = 	snop  }
__scs_overlays_trampoline_lowered:
0x8: {  	[smem:$0x3FAE] =	sst s0  }
0x9: {  	[smem:$0x3FAF] =	sst s1  }
0xa: {  	[smem:$0x3FB0] =	sst s2  }
0xb: {  	[smem:$0x3FB1] =	sst s3  }
0xc: {  	[smem:$0x3FB2] =	sst s4  }
0xd: {  	[smem:$0x3FB3] =	sst s5  }
0xe: {  	[smem:$0x3FB4] =	sst s6  }
0xf: {  	[smem:$0x3FB5] =	sst s7  }
0x10: {  	[smem:$0x3FB6] =	sst s8  }
0x11: {  	[smem:$0x3FB7] =	sst s9;
	s0 =	simm.s32 @!p0 $0x0  }
0x12: {  	s1 =	sld [smem:$0x3F9D];
	s0 =	simm.s32 @p0 $0x1  }
0x13: {  	[smem:$0x3FB8] =	sst s0;
	s0 =	simm.s32 @!p1 $0x0  }
0x14: {  	s2 =	sld [smem:$0x3F9C];
	s0 =	simm.s32 @p1 $0x1  }
0x15: {  	[smem:$0x3FB9] =	sst s0;
	s0 =	simm.s32 @!p2 $0x0  }
0x16: {  	s3 =	sld [smem:$0x3FDB];
	s0 =	simm.s32 @p2 $0x1  }
0x17: {  	s4 =	simm.s32 $0x1BF5;
	[smem:$0x3FBB] =	sst s0  }
0x18: {  	s0 =	sld [smem:$0x3F9E];
	_ =	swait.ge [sflag:s4], $0x0  }
0x19: {  	s7 =	sld [smem:$0x3F9F]  }
0x1a: {  	s8 =	sadd.s32 $0xFFFFE003, lr  }
0x1b: {  	s9 =	sadd.s32 $0xFFFFFEF7, lr;
	s5 =	simm.s32 $0xFFFFFFFF;
	p2 =	slt.u32 s8, $0xFFFFF086  }
0x1c: {  	p1 =	slt.u32 s9, $0xF7A;
	s5 =	simm.s32 @!p2 $0x0  }
0x1d: {  	s5 =	simm.s32 @p1 $0x1;
	p0 =	seq.s32 s7, s2  }
0x1e: {  	s7 =	smul.u32 @!p0 $0xF7A, s2;
	p2 =	seq.s32 @!p0 s5, $0x0  }
0x1f: {  	s9 =	smul.u32 $0xF7A, s1;
	s8 =	simm.s32 @!p0 $0x1BF5;
	p2 =	por !p2, p0  }
0x20: {  	[sflag:s8] =	ssyncset.s32 @!p0 $0xFFFFF086;
	s6 =	sadd.s32 @!p0 s3, s7;
	s7 =	simm.s32 @!p0 $0x108  }
0x21: {  	s3 =	sadd.s32 s3, s9;
	s6 =	sadd.s32 @!p0 $0x88, s6;
	s7 =	simm.s32 @p2 $0x1082  }
0x22: {  	[simem:s7], [sflag:s8] =	dma.local @!p0 [hbm:s6], $0xF7A  }
0x23: {  	s9 =	sor.u32 $0xD0000000, s2;
	s6 =	simm.s32 $0x108;
	_ =	swait.ge @!p0 [sflag:s8], $0x0  }
0x24: {  	s3 =	sadd.s32 $0x88, s3;
	s6 =	simm.s32 @!p1 $0x1082;
	[sflag:s4] =	ssyncset.s32 $0xFFFFF086  }
0x25: {  	[simem:s6], [sflag:s4] =	dma.local [hbm:s3], $0xF7A  }
0x26: {  	[smem:$0x3F9F] =	sst s1;
	(tag) =	ssettag s2;
	_ =	strace s9  }
0x27: {  	s1 =	sld [smem:$0x3FAF]  }
0x28: {  	s2 =	sld [smem:$0x3FB0]  }
0x29: {  	s4 =	sld [smem:$0x3FB2]  }
0x2a: {  	p0 =	seq.s32 s5, $0x0;
	s5 =	sld [smem:$0x3FB3]  }
0x2b: {  	s6 =	sld [smem:$0x3FB4]  }
0x2c: {  	s7 =	sld [smem:$0x3FB5]  }
0x2d: {  	s3 =	simm.s32 $0x108;
	s8 =	sld [smem:$0x3FB6]  }
0x2e: {  	s3 =	simm.s32 @!p0 $0x1082;
	s9 =	sld [smem:$0x3FB7]  }
0x2f: {  	lr =	sadd.s32 s0, s3;
	s0 =	sld [smem:$0x3FAE]  }
0x30: {  	s3 =	sld [smem:$0x3FB1]  }
0x31: {  	[smem:$0x3FBA] =	sst s10  }
0x32: {  	s10 =	sld [smem:$0x3FB8];
	_ =	sdelay $0x3  }
0x33: {  	p0 =	seq.s32 s10, $0x1;
	s10 =	sld [smem:$0x3FBA];
	_ =	sdelay $0x3  }
0x34: {  	[smem:$0x3FBA] =	sst s10  }
0x35: {  	s10 =	sld [smem:$0x3FB9];
	_ =	sdelay $0x3  }
0x36: {  	p1 =	seq.s32 s10, $0x1;
	s10 =	sld [smem:$0x3FBA];
	_ =	sdelay $0x3  }
0x37: {  	[smem:$0x3FBA] =	sst s10  }
0x38: {  	s10 =	sld [smem:$0x3FBB]  }
0x39: {  	_ = 	snop;
	(pc) =	sbr.ind lr, $3  }
0x3a: {  	_ = 	snop  }
0x3b: {  	_ = 	snop  }
0x3c: {  	p2 =	seq.s32 s10, $0x1;
	s10 =	sld [smem:$0x3FBA]  }
0x3d: {  	_ =	shalt  }
0x3e: {  	_ =	shalt  }
0x3f: {  	_ =	shalt  }
0x40: {  	_ =	shalt  }
0x41: {  	_ =	shalt  }
0x42: {  	_ =	shalt  }
0x43: {  	_ =	shalt  }
0x44: {  	_ =	shalt  }
0x45: {  	_ =	shalt  }
0x46: {  	_ =	shalt  }
0x47: {  	_ =	shalt  }
0x48: {  	_ =	shalt  }
0x49: {  	_ =	shalt  }
0x4a: {  	_ =	shalt  }
0x4b: {  	_ =	shalt  }
0x4c: {  	_ =	shalt  }
0x4d: {  	_ =	shalt  }
0x4e: {  	_ =	shalt  }
0x4f: {  	_ =	shalt  }
0x50: {  	_ =	shalt  }
0x51: {  	_ =	shalt  }
0x52: {  	_ =	shalt  }
0x53: {  	_ =	shalt  }
0x54: {  	_ =	shalt  }
0x55: {  	_ =	shalt  }
0x56: {  	_ =	shalt  }
0x57: {  	_ =	shalt  }
0x58: {  	_ =	shalt  }
0x59: {  	_ =	shalt  }
0x5a: {  	_ =	shalt  }
0x5b: {  	_ =	shalt  }
0x5c: {  	_ =	shalt  }
0x5d: {  	_ =	shalt  }
0x5e: {  	_ =	shalt  }
0x5f: {  	_ =	shalt  }
0x60: {  	_ =	shalt  }
0x61: {  	_ =	shalt  }
0x62: {  	_ =	shalt  }
0x63: {  	_ =	shalt  }
0x64: {  	_ =	shalt  }
0x65: {  	_ =	shalt  }
0x66: {  	_ =	shalt  }
0x67: {  	_ =	shalt  }
0x68: {  	_ =	shalt  }
0x69: {  	_ =	shalt  }
0x6a: {  	_ =	shalt  }
0x6b: {  	_ =	shalt  }
0x6c: {  	_ =	shalt  }
0x6d: {  	_ =	shalt  }
0x6e: {  	_ =	shalt  }
0x6f: {  	_ =	shalt  }
0x70: {  	_ =	shalt  }
0x71: {  	_ =	shalt  }
0x72: {  	_ =	shalt  }
0x73: {  	_ =	shalt  }
0x74: {  	_ =	shalt  }
0x75: {  	_ =	shalt  }
0x76: {  	_ =	shalt  }
0x77: {  	_ =	shalt  }
0x78: {  	_ =	shalt  }
0x79: {  	_ =	shalt  }
0x7a: {  	_ =	shalt  }
0x7b: {  	_ =	shalt  }
0x7c: {  	_ =	shalt  }
0x7d: {  	_ =	shalt  }
0x7e: {  	_ =	shalt  }
0x7f: {  	_ =	shalt  }
0x80: {  	_ =	shalt  }
0x81: {  	_ =	shalt  }
0x82: {  	_ =	shalt  }
0x83: {  	_ =	shalt  }
0x84: {  	_ =	shalt  }
0x85: {  	_ =	shalt  }
0x86: {  	_ =	shalt  }
0x87: {  	_ =	shalt  }
.Lfunc_end0:
.L_simem_size_0:
called_computation_lowered:
.L_overlay_start_0:
0x88: {  	s2 =	sld [smem:$0x3FD9]  }
0x89: {  	s3 =	sld [smem:$0x3FFE];
	_ =	sdelay $0x1  }
0x8a: {  	s1 =	srdreg.scid  }
0x8b: {  	s0 =	sand.u32 $0x1, s1  }
0x8c: {  	s17 =	sshll.u32 s0, $0xA;
	s2 =	sadd.s32 s3, s2  }
0x8d: {  	s2 =	sadd.s32 s2, s17  }
0x8e: {  	[smem:$0x3FC6] =	sst s2  }
0x8f: {  	_ = 	snop  }
0x90: {  	s2 =	sld [smem:$0x3FD0];
	(tm) =	ssettm $0x1  }
0x91: {  	s18 =	sld [smem:$0x3FFB];
	_ =	sdelay $0x3  }
0x92: {  	_ =	strace s18  }
0x93: {  	s3 =	sld [smem:$0x3FFC];
	_ =	sdelay $0x3  }
0x94: {  	_ =	strace s3  }
0x95: {  	s3 =	sld [smem:$0x3FFD];
	_ =	sdelay $0x3  }
0x96: {  	_ =	strace s3  }
0x97: {  	_ =	strace $0x8FFFFFFF  }
0x98: {  	s19 =	sld [smem:$0x3FDB];
	_ =	sdelay $0x1  }
0x99: {  	s4 =	simm.s32 $_scs_section_size  }
0x9a: {  	s5 =	simm.s32 $_size__tile_overlayer_lowered;
	s6 =	simm.s32 $_tile_overlayer_lowered  }
0x9b: {  	s22 =	simm.s32 $0x1BFF;
	s21 =	sshll.u32 s6, $0x1;
	s3 =	sadd.s32 s4, s19  }
0x9c: {  	s7 =	simm.s32 $0x0;
	s20 =	sshll.u32 s5, $0x1;
	s5 =	sadd.s32 s21, s3  }
0x9d: {  	[timem:s7], [sflag:s22] =	dma.local [hbm:s5], s20  }
0x9e: {  	_ =	swait.ge [sflag:s22], s20  }
0x9f: {  	s4 =	ssub.s32 $0x0, s20;
	[sflag:s22] =	ssyncset.done $0x0  }
0xa0: {  	[sflag:s22] =	ssyncadd.s32 s4;
	_ =	sdelay $0x1  }
0xa1: {  	s23 =	simm.s32 $0x1B8B  }
0xa2: {  	_ =	swait.ge [sflag:s23], $0x1  }
0xa3: {  	[sflag:s23] =	ssyncset.done $0x0  }
0xa4: {  	s25 =	simm.s32 $0x1B8E;
	s24 =	sld [smem:$0x3FFE];
	[sflag:s23] =	ssyncadd.s32 $0xFFFFFFFF  }
0xa5: {  	s26 =	simm.s32 $execute0_lowered;
	[smem:$0x3FD2] =	sst s25  }
0xa6: {  	s5 =	sshll.u32 s26, $0x1;
	_ =	strace $0x80000046;
	[dreg:$0x1] =	wrdreg $0xFFFFFFFF  }
0xa7: {  	s28 =	simm.s32 $_size_execute0_lowered;
	s3 =	sadd.s32 s3, s5;
	[dreg:$0x0] =	wrdreg $0x0  }
0xa8: {  	s5 =	sshll.u32 s28, $0x1;
	[dreg:$0x2] =	wrdreg s3  }
0xa9: {  	[dreg:$0x3] =	wrdreg s5  }
0xaa: {  	[dreg:$0x4] =	wrdreg $0xC0  }
0xab: {  	_ =	task [dreg:s7], $0x5FFFF  }
0xac: {  	[dreg:$0x1] =	wrdreg $0xFFFFFFFF  }
0xad: {  	[dreg:$0x0] =	wrdreg $0x60  }
0xae: {  	[dreg:$0x2] =	wrdreg s24  }
0xaf: {  	[dreg:$0x3] =	wrdreg s2  }
0xb0: {  	[dreg:$0x4] =	wrdreg $0x9  }
0xb1: {  	_ =	task.clear_ibuf [dreg:s7], $0x5FFFF;
	_ =	strace $0x90000046  }
0xb2: {  	s29 =	simm.s32 $0x9;
	_ =	strace $0x80000048  }
0xb3: {  	_ =	swait.ge [sflag:s29], $0x1  }
0xb4: {  	[sflag:s29] =	ssyncadd.s32 $0xFFFFFFFF  }
0xb5: {  	_ =	strace $0x90000048  }
0xb6: {  	_ =	sfence  }
0xb7: {  	s30 =	sld [smem:$0x0];
	_ =	sdelay $0x2  }
0xb8: {  	s31 =	sshll.u32 s1, $0xD;
	s1 =	sshrl.u32 s1, $0x2  }
0xb9: {  	s3 =	sand.u32 $0x4000, s31;
	s1 =	sadd.s32 s1, s30  }
0xba: {  	s0 =	sor.u32 s3, s0;
	s1 =	sshll.u32 s1, $0x11  }
0xbb: {  	s0 =	sor.u32 s1, s0  }
0xbc: {  	s0 =	sadd.s32 $0x8F2B, s0  }
0xbd: {  	[sflag:s0] =	ssyncadd.remote.s32 $0x1  }
0xbe: {  	_ =	sfence.sel $0xFFFF  }
0xbf: {  	[dreg:$0x0] =	wrdreg $0xFFFFFFFF;
	(pc) =	sbr.abs _section_cstart, $3  }
0xc0: {  	[dreg:$0x1] =	wrdreg $0xFFFFFFFF  }
0xc1: {  	_ =	task.clear_ibuf [dreg:s7], $0x2FFFF;
	_ =	strace $0x9FFFFFFF  }
0xc2: {  	(tm) =	ssettm $0x7FFFFFFF  }
0xc3: {  	_ =	shalt  }
tec
execute0_lowered:
.L_overlay_start_1:
0x0: {  	(tag) =	ssettag $0x1  }
0x1: {  	s0 =	srdreg.scid;
	s4 =	rddreg [dreg:$0x0]  }
0x2: {  	s6 =	rddreg [dreg:$0x1];
	s1 =	stileid.u32;
	s2 =	simm.s32 $0x0  }
0x3: {  	s9 =	simm.s32 $0x1400;
	s10 =	simm.s32 $0x2800;
	s11 =	simm.s32 $0x1  }
0x4: {  	s12 =	simm.s32 $0x3C00;
	s13 =	simm.s32 $0x2;
	s14 =	simm.s32 $0x4  }
0x5: {  	s15 =	simm.s32 $0x4000;
	s5 =	sand.u32 $0x1, s0;
	s0 =	rddreg [dreg:$0x2]  }
0x6: {  	s16 =	simm.s32 $0x3;
	s17 =	simm.s32 $0x0;
	[smem:$0x7FF] =	sst s2  }
0x7: {  	s31 =	sshll.u32 s1, $0xD;
	s3 =	sshll.u32 s5, $0x4;
	_ =	strace $0x80000047  }
.Ltmp0:
0x8: {  	s30 =	sshll.u32 s5, $0x11;
	s3 =	sor.u32 s1, s3;
	(pc) =	sbr.rel .LBB2_1-.Ltmp0, $4  }
0x9: {  	s8 =	ssub.s32 $0x2, s5;
	s6 =	sadd.s32 s30, s6;
	s7 =	smul.u32 $0x280, s3  }
0xa: {  	s29 =	sshrl.u32 s8, $0x1;
	s3 =	sadd.s32 $0xF42C00, s4;
	s6 =	sadd.s32 s31, s6  }
0xb: {  	s4 =	sadd.s32 s7, s4;
	s7 =	ssub.s32 s8, s29;
	s8 =	simm.s32 $0x50  }
0xc: {  	s4 =	sadd.s32 $0x600, s4;
	s5 =	smax.u32 s7, $0x1;
	s7 =	simm.s32 $0x5  }
.LBB2_8:
0xd: {  	s17 =	sadd.s32 $0x1, s17  }
0xe: {  	_ =	swait.ge [sflag:s16], $0x400;
	p0 =	sne.s32 s17, s5  }
.Ltmp1:
0xf: {  	[sflag:s16] =	ssyncset.done $0x0;
	(pc) =	sbr.rel @!p0 .LBB2_9-.Ltmp1, $4  }
0x10: {  	[sflag:s16] =	ssyncadd.s32 $0xFFFFFC00  }
0x11: {  	_ =	swait.ge [sflag:s14], $0x400  }
0x12: {  	[sflag:s14] =	ssyncset.done $0x0  }
0x13: {  	[sflag:s14] =	ssyncadd.s32 $0xFFFFFC00  }
.LBB2_1:
0x14: {  	[tilespmem:s2], [sflag:$0x5] =	stream.linear.gather [hbm4b:s4+s2], $0x1400, $0x38;
	[tilespmem:$0x4400] =	vst v63  }
0x15: {  	_ =	swait.ge [sflag:s7], $0x1400  }
0x16: {  	[sflag:s7] =	ssyncset.done $0x0  }
0x17: {  	[sflag:s7] =	ssyncadd.s32 $0xFFFFEC00  }
0x18: {  	[tilespmem:s9], [sflag:$0x1] =	stream.indirect.gather [hbm4b:s3+s8], $0x40, s2, s8, $0xb8;
	[tilespmem:$0x4400] =	vst v63  }
0x19: {  	s18 =	smov.u32 s6;
	s19 =	simm.s32 $0x0  }
0x1a: {  	[tilespmem:s10], [sflag:$0x2] =	stream.indirect.gather [hbm4b:s3+s8], $0x40, s8, s8, $0xb8;
	[tilespmem:$0x4400] =	vst v63  }
.LBB2_2:
0x1b: {  	_ =	swait.ge [sflag:s11], $0x1400  }
0x1c: {  	p0 =	seq.s32 s19, $0x0;
	[sflag:s11] =	ssyncset.done $0x0  }
0x1d: {  	s20 =	simm.s32 @!p0 $0x3;
	[sflag:s11] =	ssyncadd.s32 $0xFFFFEC00  }
0x1e: {  	_ =	swait.ge @!p0 [sflag:s20], $0x400  }
0x1f: {  	[sflag:s20] =	ssyncset.done @!p0 $0x0  }
0x20: {  	[sflag:s20] =	ssyncadd.s32 @!p0 $0xFFFFFC00  }
0x21: {  	v63 =	vld [tilespmem:$0x1760];
	_ =	sdelay $0x4  }
0x22: {  	[tilespmem:$0x1F5A0] =	vst v63;
	v63 =	vld [tilespmem:$0x1940];
	_ =	sdelay $0x4  }
0x23: {  	[tilespmem:$0x1F620] =	vst v63;
	v63 =	vld [tilespmem:$0x1A40];
	_ =	sdelay $0x4  }
0x24: {  	[tilespmem:$0x1F640] =	vst v63;
	v63 =	vld [tilespmem:$0x1B40];
	_ =	sdelay $0x4  }
0x25: {  	[tilespmem:$0x1F6E0] =	vst v63;
	v63 =	vld [tilespmem:$0x19D0];
	_ =	sdelay $0x4  }
0x26: {  	[tilespmem:$0x1F6D0] =	vst v63;
	v63 =	vld [tilespmem:$0x1AD0];
	_ =	sdelay $0x4  }
0x27: {  	[tilespmem:$0x1F6B0] =	vst v63;
	v63 =	vld [tilespmem:$0x1B10];
	_ =	sdelay $0x4  }
0x28: {  	[tilespmem:$0x1F6F0] =	vst v63;
	v63 =	vld [tilespmem:$0x1B50];
	_ =	sdelay $0x4  }
0x29: {  	[tilespmem:$0x1F730] =	vst v63;
	v63 =	vld [tilespmem:$0x1920];
	_ =	sdelay $0x4  }
0x2a: {  	[tilespmem:$0x1F710] =	vst v63;
	v63 =	vld [tilespmem:$0x1960];
	_ =	sdelay $0x4  }
0x2b: {  	[tilespmem:$0x1F720] =	vst v63;
	v63 =	vld [tilespmem:$0x19A0];
	_ =	sdelay $0x4  }
0x2c: {  	[tilespmem:$0x1F760] =	vst v63;
	v63 =	vld [tilespmem:$0x19E0];
	_ =	sdelay $0x4  }
0x2d: {  	[tilespmem:$0x1F7C0] =	vst v63;
	v63 =	vld [tilespmem:$0x1A20];
	_ =	sdelay $0x4  }
0x2e: {  	[tilespmem:$0x1F800] =	vst v63;
	v63 =	vld [tilespmem:$0x1A60];
	_ =	sdelay $0x4  }
0x2f: {  	[tilespmem:$0x1F740] =	vst v63;
	v63 =	vld [tilespmem:$0x1AA0];
	_ =	sdelay $0x4  }
0x30: {  	[tilespmem:$0x1F750] =	vst v63;
	v63 =	vld [tilespmem:$0x1AE0];
	_ =	sdelay $0x4  }
0x31: {  	[tilespmem:$0x1F790] =	vst v63;
	v63 =	vld [tilespmem:$0x1B20];
	_ =	sdelay $0x4  }
0x32: {  	[tilespmem:$0x1F7E0] =	vst v63;
	v63 =	vld [tilespmem:$0x1B60];
	_ =	sdelay $0x4  }
0x33: {  	[tilespmem:$0x1F820] =	vst v63;
	v63 =	vld [tilespmem:$0x1930];
	_ =	sdelay $0x4  }
0x34: {  	[tilespmem:$0x1F770] =	vst v63;
	v63 =	vld [tilespmem:$0x1970];
	_ =	sdelay $0x4  }
0x35: {  	[tilespmem:$0x1F780] =	vst v63;
	v63 =	vld [tilespmem:$0x19B0];
	_ =	sdelay $0x4  }
0x36: {  	[tilespmem:$0x1F7D0] =	vst v63;
	v63 =	vld [tilespmem:$0x19F0];
	_ =	sdelay $0x4  }
0x37: {  	[tilespmem:$0x1F810] =	vst v63;
	v63 =	vld [tilespmem:$0x1A30];
	_ =	sdelay $0x4  }
0x38: {  	[tilespmem:$0x1F840] =	vst v63;
	v63 =	vld [tilespmem:$0x1A70];
	_ =	sdelay $0x4  }
0x39: {  	[tilespmem:$0x1F7A0] =	vst v63;
	v63 =	vld [tilespmem:$0x1AB0];
	_ =	sdelay $0x4  }
0x3a: {  	[tilespmem:$0x1F7B0] =	vst v63;
	v63 =	vld [tilespmem:$0x1AF0];
	_ =	sdelay $0x4  }
0x3b: {  	[tilespmem:$0x1F7F0] =	vst v63;
	v63 =	vld [tilespmem:$0x1B30];
	_ =	sdelay $0x4  }
0x3c: {  	[tilespmem:$0x1F830] =	vst v63;
	v63 =	vld [tilespmem:$0x1B70];
	_ =	sdelay $0x4  }
0x3d: {  	[tilespmem:$0x1F870] =	vst v63;
	v63 =	vld [tilespmem:$0x1B80];
	_ =	sdelay $0x4  }
0x3e: {  	[tilespmem:$0x1F850] =	vst v63;
	v63 =	vld [tilespmem:$0x1BC0];
	_ =	sdelay $0x4  }
0x3f: {  	[tilespmem:$0x1F860] =	vst v63;
	v63 =	vld [tilespmem:$0x1C00];
	_ =	sdelay $0x4  }
0x40: {  	[tilespmem:$0x1F8A0] =	vst v63;
	v63 =	vld [tilespmem:$0x1C40];
	_ =	sdelay $0x4  }
0x41: {  	[tilespmem:$0x1F900] =	vst v63;
	v63 =	vld [tilespmem:$0x1C80];
	_ =	sdelay $0x4  }
0x42: {  	[tilespmem:$0x1F940] =	vst v63;
	v63 =	vld [tilespmem:$0x1CC0];
	_ =	sdelay $0x4  }
0x43: {  	[tilespmem:$0x1F880] =	vst v63;
	v63 =	vld [tilespmem:$0x1D00];
	_ =	sdelay $0x4  }
0x44: {  	[tilespmem:$0x1F890] =	vst v63;
	v63 =	vld [tilespmem:$0x1D40];
	_ =	sdelay $0x4  }
0x45: {  	[tilespmem:$0x1F8D0] =	vst v63;
	v63 =	vld [tilespmem:$0x1D80];
	_ =	sdelay $0x4  }
0x46: {  	[tilespmem:$0x1F920] =	vst v63;
	v63 =	vld [tilespmem:$0x1DC0];
	_ =	sdelay $0x4  }
0x47: {  	[tilespmem:$0x1F960] =	vst v63;
	v63 =	vld [tilespmem:$0x1B90];
	_ =	sdelay $0x1  }
0x48: {  	v16 =	vld [tilespmem:$0x1400]  }
0x49: {  	v12 =	vld [tilespmem:$0x1440]  }
0x4a: {  	v20 =	vld [tilespmem:$0x1480]  }
0x4b: {  	[tilespmem:$0x1F8B0] =	vst v63;
	v63 =	vld [tilespmem:$0x1BD0]  }
0x4c: {  	v40 =	vld [tilespmem:$0x14C0]  }
0x4d: {  	v0 =	vld [tilespmem:$0x1500]  }
0x4e: {  	v6 =	vld [tilespmem:$0x1540]  }
0x4f: {  	v4 =	vld [tilespmem:$0x1580]  }
0x50: {  	[tilespmem:$0x1F8C0] =	vst v63;
	v63 =	vld [tilespmem:$0x1C10]  }
0x51: {  	v13 =	vld [tilespmem:$0x15C0]  }
0x52: {  	v32 =	vld [tilespmem:$0x1600]  }
0x53: {  	v54 =	vld [tilespmem:$0x1640]  }
0x54: {  	v3 =	vld [tilespmem:$0x1410]  }
0x55: {  	[tilespmem:$0x1F910] =	vst v63;
	v63 =	vld [tilespmem:$0x1C50]  }
0x56: {  	v2 =	vld [tilespmem:$0x1450]  }
0x57: {  	v10 =	vld [tilespmem:$0x1490]  }
0x58: {  	v28 =	vld [tilespmem:$0x14D0]  }
0x59: {  	v45 =	vld [tilespmem:$0x1510]  }
0x5a: {  	[tilespmem:$0x1F950] =	vst v63;
	v63 =	vld [tilespmem:$0x1C90]  }
0x5b: {  	v1 =	vld [tilespmem:$0x1550]  }
0x5c: {  	v7 =	vld [tilespmem:$0x15D0]  }
0x5d: {  	v21 =	vld [tilespmem:$0x1610]  }
0x5e: {  	v39 =	vld [tilespmem:$0x1650]  }
0x5f: {  	[tilespmem:$0x1F980] =	vst v63;
	v63 =	vld [tilespmem:$0x1CD0]  }
0x60: {  	v24 =	vld [tilespmem:$0x1420]  }
0x61: {  	v22 =	vld [tilespmem:$0x1460]  }
0x62: {  	v36 =	vld [tilespmem:$0x14A0]  }
0x63: {  	v59 =	vld [tilespmem:$0x14E0]  }
0x64: {  	[tilespmem:$0x1F8E0] =	vst v63;
	v63 =	vld [tilespmem:$0x1D10]  }
0x65: {  	v5 =	vld [tilespmem:$0x1520]  }
0x66: {  	v18 =	vld [tilespmem:$0x1560]  }
0x67: {  	v14 =	vld [tilespmem:$0x15A0]  }
0x68: {  	v29 =	vld [tilespmem:$0x15E0]  }
0x69: {  	[tilespmem:$0x1F8F0] =	vst v63;
	v63 =	vld [tilespmem:$0x1D50]  }
0x6a: {  	v52 =	vld [tilespmem:$0x1620]  }
0x6b: {  	v50 =	vld [tilespmem:$0x1660]  }
0x6c: {  	v11 =	vld [tilespmem:$0x1430]  }
0x6d: {  	v9 =	vld [tilespmem:$0x1470]  }
0x6e: {  	[tilespmem:$0x1F930] =	vst v63;
	v63 =	vld [tilespmem:$0x1D90]  }
0x6f: {  	v25 =	vld [tilespmem:$0x14B0]  }
0x70: {  	v46 =	vld [tilespmem:$0x14F0]  }
0x71: {  	v51 =	vld [tilespmem:$0x1530]  }
0x72: {  	v8 =	vld [tilespmem:$0x1570]  }
0x73: {  	[tilespmem:$0x1F970] =	vst v63;
	v63 =	vld [tilespmem:$0x1DD0]  }
0x74: {  	v19 =	vld [tilespmem:$0x15F0]  }
0x75: {  	v37 =	vld [tilespmem:$0x1630]  }
0x76: {  	v56 =	vld [tilespmem:$0x1670]  }
0x77: {  	v41 =	vld [tilespmem:$0x1680]  }
0x78: {  	[tilespmem:$0x1F9B0] =	vst v63;
	v63 =	vld [tilespmem:$0x1BA0]  }
0x79: {  	v38 =	vld [tilespmem:$0x16C0]  }
0x7a: {  	v55 =	vld [tilespmem:$0x1700]  }
0x7b: {  	v15 =	vld [tilespmem:$0x1740]  }
0x7c: {  	v53 =	vld [tilespmem:$0x1780]  }
0x7d: {  	[tilespmem:$0x1F990] =	vst v63;
	v63 =	vld [tilespmem:$0x1BE0]  }
0x7e: {  	v33 =	vld [tilespmem:$0x17C0]  }
0x7f: {  	v30 =	vld [tilespmem:$0x1800]  }
0x80: {  	v47 =	vld [tilespmem:$0x1840]  }
0x81: {  	v57 =	vld [tilespmem:$0x1880]  }
0x82: {  	[tilespmem:$0x1F9A0] =	vst v63;
	v63 =	vld [tilespmem:$0x1C20]  }
0x83: {  	v58 =	vld [tilespmem:$0x18C0]  }
0x84: {  	v26 =	vld [tilespmem:$0x1690]  }
0x85: {  	v23 =	vld [tilespmem:$0x16D0]  }
0x86: {  	v42 =	vld [tilespmem:$0x1710]  }
0x87: {  	[tilespmem:$0x1F9E0] =	vst v63;
	v63 =	vld [tilespmem:$0x1C60]  }
0x88: {  	v60 =	vld [tilespmem:$0x1750]  }
0x89: {  	v61 =	vld [tilespmem:$0x1790]  }
0x8a: {  	v17 =	vld [tilespmem:$0x17D0]  }
0x8b: {  	v34 =	vld [tilespmem:$0x1850]  }
0x8c: {  	[tilespmem:$0x1FA40] =	vst v63;
	v63 =	vld [tilespmem:$0x1CA0]  }
0x8d: {  	v27 =	vld [tilespmem:$0x18D0]  }
0x8e: {  	v62 =	vld [tilespmem:$0x1720]  }
0x8f: {  	v31 =	vld [tilespmem:$0x17A0]  }
0x90: {  	v49 =	vld [tilespmem:$0x17E0]  }
0x91: {  	[tilespmem:$0x1FA80] =	vst v63;
	v63 =	vld [tilespmem:$0x1CE0]  }
0x92: {  	v48 =	vld [tilespmem:$0x1820]  }
0x93: {  	v35 =	vld [tilespmem:$0x1860]  }
0x94: {  	v43 =	vld [tilespmem:$0x18A0]  }
0x95: {  	v44 =	vld [tilespmem:$0x18E0];
	[tilespmem:$0x1F4D0] =	vst v0  }
0x96: {  	[tilespmem:$0x1F9C0] =	vst v63;
	v63 =	vld [tilespmem:$0x1D20]  }
0x97: {  	v0 =	vld [tilespmem:$0x1590];
	[tilespmem:$0x1F4E0] =	vst v5  }
0x98: {  	[tilespmem:$0x1F4F0] =	vst v50;
	v5 =	vld [tilespmem:$0x15B0]  }
0x99: {  	[tilespmem:$0x1F510] =	vst v15;
	v15 =	vld [tilespmem:$0x1810]  }
0x9a: {  	[tilespmem:$0x1F520] =	vst v57;
	v57 =	vld [tilespmem:$0x1890]  }
0x9b: {  	[tilespmem:$0x1F9D0] =	vst v63;
	v63 =	vld [tilespmem:$0x1D60]  }
0x9c: {  	[tilespmem:$0x1F560] =	vst v61;
	v61 =	vld [tilespmem:$0x16A0]  }
0x9d: {  	[tilespmem:$0x1F550] =	vst v58;
	v58 =	vld [tilespmem:$0x16E0]  }
0x9e: {  	[tilespmem:$0x1F5B0] =	vst v43;
	v43 =	vld [tilespmem:$0x16B0]  }
0x9f: {  	[tilespmem:$0x1F500] =	vst v51;
	v51 =	vld [tilespmem:$0x17B0]  }
0xa0: {  	[tilespmem:$0x1FA10] =	vst v63;
	v63 =	vld [tilespmem:$0x1DA0]  }
0xa1: {  	[tilespmem:$0x1F590] =	vst v35;
	v35 =	vld [tilespmem:$0x16F0]  }
0xa2: {  	[tilespmem:$0x1F580] =	vst v62;
	v62 =	vld [tilespmem:$0x1730]  }
0xa3: {  	[tilespmem:$0x1F530] =	vst v53;
	v50 =	vld [tilespmem:$0x1770]  }
0xa4: {  	[tilespmem:$0x1F600] =	vst v51;
	v51 =	vld [tilespmem:$0x1980]  }
0xa5: {  	[tilespmem:$0x1FA60] =	vst v63;
	v63 =	vld [tilespmem:$0x1DE0]  }
0xa6: {  	[tilespmem:$0x1F5C0] =	vst v31;
	v31 =	vld [tilespmem:$0x17F0]  }
0xa7: {  	[tilespmem:$0x1F540] =	vst v60;
	v53 =	vld [tilespmem:$0x18F0]  }
0xa8: {  	[tilespmem:$0x1F570] =	vst v27;
	v60 =	vld [tilespmem:$0x1900]  }
0xa9: {  	[tilespmem:$0x1F660] =	vst v51;
	v51 =	vld [tilespmem:$0x1A80]  }
0xaa: {  	[tilespmem:$0x1FAA0] =	vst v63;
	v63 =	vld [tilespmem:$0x1BB0]  }
0xab: {  	[tilespmem:$0x1F5E0] =	vst v44;
	v27 =	vld [tilespmem:$0x1830]  }
0xac: {  	[tilespmem:$0x1F630] =	vst v53;
	v53 =	vld [tilespmem:$0x19C0]  }
0xad: {  	[tilespmem:$0x1F610] =	vst v60;
	v60 =	vld [tilespmem:$0x1A00]  }
0xae: {  	[tilespmem:$0x1F650] =	vst v51;
	v51 =	vld [tilespmem:$0x1990]  }
0xaf: {  	[tilespmem:$0x1F9F0] =	vst v63;
	v63 =	vld [tilespmem:$0x1BF0]  }
0xb0: {  	v44 =	vld [tilespmem:$0x18B0];
	[tilespmem:$0x1F5D0] =	vst v50  }
0xb1: {  	[tilespmem:$0x1F680] =	vst v53;
	v53 =	vld [tilespmem:$0x1AC0]  }
0xb2: {  	[tilespmem:$0x1F6C0] =	vst v60;
	v60 =	vld [tilespmem:$0x1B00]  }
0xb3: {  	[tilespmem:$0x1F690] =	vst v51;
	v51 =	vld [tilespmem:$0x1A10]  }
0xb4: {  	[tilespmem:$0x1FA00] =	vst v63;
	v63 =	vld [tilespmem:$0x1C30]  }
0xb5: {  	v50 =	vld [tilespmem:$0x1870];
	[tilespmem:$0x1F5F0] =	vst v44  }
0xb6: {  	v44 =	vld [tilespmem:$0x1A90];
	[tilespmem:$0x1F670] =	vst v53  }
0xb7: {  	[tilespmem:$0x1F6A0] =	vst v60;
	v60 =	vld [tilespmem:$0x1910]  }
0xb8: {  	v53 =	vld [tilespmem:$0x1950];
	[tilespmem:$0x1F700] =	vst v51  }
0xb9: {  	v51 =	vld [tilespmem:$0x1A50];
	[tilespmem:$0x1FA50] =	vst v63  }
0xba: {  	v63 =	vld [tilespmem:$0x1C70];
	_ =	sdelay $0x4  }
0xbb: {  	[tilespmem:$0x1FA90] =	vst v63;
	v63 =	vld [tilespmem:$0x1CB0];
	_ =	sdelay $0x4  }
0xbc: {  	[tilespmem:$0x1FAC0] =	vst v63;
	v63 =	vld [tilespmem:$0x1CF0];
	_ =	sdelay $0x4  }
0xbd: {  	[tilespmem:$0x1FA20] =	vst v63;
	v63 =	vld [tilespmem:$0x1D30];
	_ =	sdelay $0x4  }
0xbe: {  	[tilespmem:$0x1FA30] =	vst v63;
	v63 =	vld [tilespmem:$0x1D70];
	_ =	sdelay $0x4  }
0xbf: {  	[tilespmem:$0x1FA70] =	vst v63;
	v63 =	vld [tilespmem:$0x1DB0];
	_ =	sdelay $0x4  }
0xc0: {  	[tilespmem:$0x1FAB0] =	vst v63;
	v63 =	vld [tilespmem:$0x1DF0];
	_ =	sdelay $0x4  }
0xc1: {  	[tilespmem:$0x1FAF0] =	vst v63;
	v63 =	vld [tilespmem:$0x1E00];
	_ =	sdelay $0x4  }
0xc2: {  	[tilespmem:$0x1FAD0] =	vst v63;
	v63 =	vld [tilespmem:$0x1E40];
	_ =	sdelay $0x4  }
0xc3: {  	[tilespmem:$0x1FAE0] =	vst v63;
	v63 =	vld [tilespmem:$0x1E80];
	_ =	sdelay $0x4  }
0xc4: {  	[tilespmem:$0x1FB20] =	vst v63;
	v63 =	vld [tilespmem:$0x1EC0];
	_ =	sdelay $0x4  }
0xc5: {  	[tilespmem:$0x1FB80] =	vst v63;
	v63 =	vld [tilespmem:$0x1F00];
	_ =	sdelay $0x4  }
0xc6: {  	[tilespmem:$0x1FBC0] =	vst v63;
	v63 =	vld [tilespmem:$0x1F40];
	_ =	sdelay $0x4  }
0xc7: {  	[tilespmem:$0x1FB00] =	vst v63;
	v63 =	vld [tilespmem:$0x1F80];
	_ =	sdelay $0x4  }
0xc8: {  	[tilespmem:$0x1FB10] =	vst v63;
	v63 =	vld [tilespmem:$0x1FC0];
	_ =	sdelay $0x4  }
0xc9: {  	[tilespmem:$0x1FB50] =	vst v63;
	v63 =	vld [tilespmem:$0x2000];
	_ =	sdelay $0x4  }
0xca: {  	[tilespmem:$0x1FBA0] =	vst v63;
	v63 =	vld [tilespmem:$0x2040];
	_ =	sdelay $0x4  }
0xcb: {  	[tilespmem:$0x1FBE0] =	vst v63;
	v63 =	vld [tilespmem:$0x1E10];
	_ =	sdelay $0x4  }
0xcc: {  	[tilespmem:$0x1FB30] =	vst v63;
	v63 =	vld [tilespmem:$0x1E50];
	_ =	sdelay $0x4  }
0xcd: {  	[tilespmem:$0x1FB40] =	vst v63;
	v63 =	vld [tilespmem:$0x1E90];
	_ =	sdelay $0x4  }
0xce: {  	[tilespmem:$0x1FB90] =	vst v63;
	v63 =	vld [tilespmem:$0x1ED0];
	_ =	sdelay $0x4  }
0xcf: {  	[tilespmem:$0x1FBD0] =	vst v63;
	v63 =	vld [tilespmem:$0x1F10];
	_ =	sdelay $0x4  }
0xd0: {  	[tilespmem:$0x1FC00] =	vst v63;
	v63 =	vld [tilespmem:$0x1F50];
	_ =	sdelay $0x4  }
0xd1: {  	[tilespmem:$0x1FB60] =	vst v63;
	v63 =	vld [tilespmem:$0x1F90];
	_ =	sdelay $0x4  }
0xd2: {  	[tilespmem:$0x1FB70] =	vst v63;
	v63 =	vld [tilespmem:$0x1FD0];
	_ =	sdelay $0x4  }
0xd3: {  	[tilespmem:$0x1FBB0] =	vst v63;
	v63 =	vld [tilespmem:$0x2010];
	_ =	sdelay $0x4  }
0xd4: {  	[tilespmem:$0x1FBF0] =	vst v63;
	v63 =	vld [tilespmem:$0x2050];
	_ =	sdelay $0x4  }
0xd5: {  	[tilespmem:$0x1FC30] =	vst v63;
	v63 =	vld [tilespmem:$0x1E20];
	_ =	sdelay $0x4  }
0xd6: {  	[tilespmem:$0x1FC10] =	vst v63;
	v63 =	vld [tilespmem:$0x1E60];
	_ =	sdelay $0x4  }
0xd7: {  	[tilespmem:$0x1FC20] =	vst v63;
	v63 =	vld [tilespmem:$0x1EA0];
	_ =	sdelay $0x4  }
0xd8: {  	[tilespmem:$0x1FC60] =	vst v63;
	v63 =	vld [tilespmem:$0x1EE0];
	_ =	sdelay $0x4  }
0xd9: {  	[tilespmem:$0x1FCC0] =	vst v63;
	v63 =	vld [tilespmem:$0x1F20];
	_ =	sdelay $0x3  }
0xda: {  	v0 =	vadd.f32 v0, v1  }
0xdb: {  	[tilespmem:$0x1FD00] =	vst v63;
	v63 =	vld [tilespmem:$0x1F60]  }
0xdc: {  	v12 =	vadd.f32 v12, v16;
	v0 =	vadd.f32 v7, v0;
	v16 =	vld [tilespmem:$0x1FB0]  }
0xdd: {  	v4 =	vadd.f32 v4, v6;
	v2 =	vadd.f32 v2, v3;
	v6 =	vld [tilespmem:$0x2080]  }
0xde: {  	v0 =	vadd.f32 v21, v0;
	v7 =	vld [tilespmem:$0x2100]  }
0xdf: {  	v24 =	vadd.f32 v22, v24;
	v2 =	vadd.f32 v10, v2;
	v10 =	vld [tilespmem:$0x2180]  }
0xe0: {  	v21 =	vadd.f32 v39, v0;
	v39 =	vadd.f32 v14, v18;
	[tilespmem:$0x1FC40] =	vst v63;
	v63 =	vld [tilespmem:$0x1FA0]  }
0xe1: {  	v1 =	vadd.f32 v36, v24;
	v24 =	vld [tilespmem:$0x20D0]  }
0xe2: {  	v0 =	vadd.f32 v29, v39;
	v29 =	vld [tilespmem:$0x2110]  }
0xe3: {  	v22 =	vadd.f32 v38, v41;
	v38 =	vld [tilespmem:$0x2190]  }
0xe4: {  	v41 =	vld [tilespmem:$0x1F510]  }
0xe5: {  	[tilespmem:$0x1FC50] =	vst v63;
	v63 =	vld [tilespmem:$0x1FE0]  }
0xe6: {  	v0 =	vadd.f32 v52, v0;
	v52 =	vld [tilespmem:$0x1F530]  }
0xe7: {  	v1 =	vadd.f32 v59, v1;
	v59 =	vld [tilespmem:$0x2290]  }
0xe8: {  	[tilespmem:$0x1FCB0] =	vst v16;
	v16 =	vadd.f32 v13, v4;
	v13 =	vld [tilespmem:$0x1F4D0]  }
0xe9: {  	[tilespmem:$0x1FDA0] =	vst v24;
	v24 =	vld [tilespmem:$0x1F5B0]  }
0xea: {  	[tilespmem:$0x1FC90] =	vst v63;
	v63 =	vld [tilespmem:$0x2020]  }
0xeb: {  	[tilespmem:$0x1FDE0] =	vst v29;
	v29 =	vld [tilespmem:$0x21E0]  }
0xec: {  	[tilespmem:$0x1FE30] =	vst v38;
	v38 =	vld [tilespmem:$0x2260]  }
0xed: {  	[tilespmem:$0x1FE20] =	vst v59;
	v59 =	vld [tilespmem:$0x22E0]  }
0xee: {  	v3 =	vadd.f32 v32, v16;
	v32 =	vld [tilespmem:$0x2140]  }
0xef: {  	v16 =	vadd.f32 v28, v2;
	[tilespmem:$0x1FCE0] =	vst v63;
	v63 =	vld [tilespmem:$0x2060]  }
0xf0: {  	v4 =	vadd.f32 v54, v3;
	v54 =	vld [tilespmem:$0x21C0]  }
0xf1: {  	v28 =	vadd.f32 v45, v16;
	v45 =	vadd.f32 v9, v11;
	v11 =	vld [tilespmem:$0x2200]  }
0xf2: {  	v9 =	vld [tilespmem:$0x2240]  }
0xf3: {  	v16 =	vld [tilespmem:$0x1F4F0]  }
0xf4: {  	[tilespmem:$0x1FD20] =	vst v63;
	v63 =	vld [tilespmem:$0x1E30]  }
0xf5: {  	[tilespmem:$0x1FE70] =	vst v29;
	v29 =	vld [tilespmem:$0x1F740]  }
0xf6: {  	[tilespmem:$0x1FEC0] =	vst v38;
	v38 =	vld [tilespmem:$0x1F790];
	v2 =	vadd.f32 v25, v45  }
0xf7: {  	v25 =	vadd.f32 v30, v33;
	v33 =	vadd.f32 v15, v17;
	v15 =	vld [tilespmem:$0x1F580]  }
0xf8: {  	v17 =	vld [tilespmem:$0x20E0]  }
0xf9: {  	[tilespmem:$0x1FC70] =	vst v63;
	v63 =	vld [tilespmem:$0x1E70]  }
0xfa: {  	v30 =	vadd.f32 v23, v26;
	v23 =	vld [tilespmem:$0x2160]  }
0xfb: {  	v26 =	vld [tilespmem:$0x1F5C0]  }
0xfc: {  	[tilespmem:$0x3C10] =	vst v28;
	v28 =	vld [tilespmem:$0x2460]  }
0xfd: {  	[tilespmem:$0x1FDD0] =	vst v32;
	v32 =	vld [tilespmem:$0x2150]  }
0xfe: {  	[tilespmem:$0x1FC80] =	vst v63;
	v63 =	vld [tilespmem:$0x1EB0]  }
0xff: {  	v14 =	vadd.f32 v46, v2;
	v2 =	vadd.f32 v42, v30;
	v42 =	vld [tilespmem:$0x21D0]  }
0x100: {  	v46 =	vld [tilespmem:$0x1F520]  }
0x101: {  	v30 =	vld [tilespmem:$0x1F5E0]  }
0x102: {  	v39 =	vadd.f32 v16, v0;
	v0 =	vadd.f32 v47, v25;
	v47 =	vld [tilespmem:$0x2210]  }
0x103: {  	[tilespmem:$0x1FCD0] =	vst v63;
	v63 =	vld [tilespmem:$0x1EF0]  }
0x104: {  	[tilespmem:$0x1FD70] =	vst v54;
	v54 =	vld [tilespmem:$0x1F540]  }
0x105: {  	[tilespmem:$0x1FD80] =	vst v11;
	v11 =	vld [tilespmem:$0x22D0]  }
0x106: {  	v25 =	vld [tilespmem:$0x21A0]  }
0x107: {  	v16 =	vadd.f32 v35, v43;
	v35 =	vld [tilespmem:$0x1F620]  }
0x108: {  	[tilespmem:$0x1FD10] =	vst v63;
	v63 =	vld [tilespmem:$0x1F30]  }
0x109: {  	[tilespmem:$0x3C50] =	vst v21;
	v43 =	vld [tilespmem:$0x1F640]  }
0x10a: {  	[tilespmem:$0x1FE50] =	vst v17;
	v17 =	vld [tilespmem:$0x1F6D0]  }
0x10b: {  	[tilespmem:$0x1FEE0] =	vst v23;
	v23 =	vld [tilespmem:$0x1F700]  }
0x10c: {  	[tilespmem:$0x1FE10] =	vst v32;
	v32 =	vld [tilespmem:$0x2220]  }
0x10d: {  	[tilespmem:$0x1FD40] =	vst v63;
	v63 =	vld [tilespmem:$0x1F70]  }
0x10e: {  	[tilespmem:$0x1FDB0] =	vst v42;
	v42 =	vld [tilespmem:$0x1F630]  }
0x10f: {  	[tilespmem:$0x1FE60] =	vst v11;
	v11 =	vld [tilespmem:$0x1F690]  }
0x110: {  	[tilespmem:$0x1FF20] =	vst v25;
	v25 =	vld [tilespmem:$0x1F720]  }
0x111: {  	[tilespmem:$0x3C40] =	vst v4;
	v21 =	vld [tilespmem:$0x1FBE0]  }
0x112: {  	v4 =	vld [tilespmem:$0x1FBF0];
	[tilespmem:$0x1FCA0] =	vst v63;
	v63 =	vadd.f32 v20, v12  }
0x113: {  	[tilespmem:$0x3C60] =	vst v39;
	v39 =	vld [tilespmem:$0x1FC30]  }
0x114: {  	v12 =	vld [tilespmem:$0x1FF0];
	v63 =	vadd.f32 v40, v63  }
0x115: {  	v20 =	vld [tilespmem:$0x2030]  }
0x116: {  	v40 =	vadd.f32 v13, v63;
	v13 =	vld [tilespmem:$0x1F4E0]  }
0x117: {  	v63 =	vadd.f32 v5, v8;
	v8 =	vld [tilespmem:$0x22C0]  }
0x118: {  	v5 =	vadd.f32 v58, v61;
	v58 =	vadd.f32 v53, v60;
	v60 =	vld [tilespmem:$0x1F670]  }
0x119: {  	v61 =	vadd.f32 v44, v51;
	v44 =	vld [tilespmem:$0x1F7B0]  }
0x11a: {  	v51 =	vld [tilespmem:$0x22F0]  }
0x11b: {  	v53 =	vld [tilespmem:$0x1F7E0]  }
0x11c: {  	[tilespmem:$0x1FCF0] =	vst v12;
	v12 =	vld [tilespmem:$0x2070]  }
0x11d: {  	[tilespmem:$0x1FD30] =	vst v20;
	v20 =	vld [tilespmem:$0x20C0]  }
0x11e: {  	v3 =	vadd.f32 v19, v63;
	v19 =	vld [tilespmem:$0x2090]  }
0x11f: {  	v63 =	vld [tilespmem:$0x1F560]  }
0x120: {  	[tilespmem:$0x3C00] =	vst v40;
	v40 =	vld [tilespmem:$0x23E0]  }
0x121: {  	v18 =	vadd.f32 v37, v3;
	v3 =	vadd.f32 v34, v33;
	v33 =	vld [tilespmem:$0x1F600]  }
0x122: {  	v34 =	vld [tilespmem:$0x1F610]  }
0x123: {  	v45 =	vadd.f32 v13, v1;
	v1 =	vadd.f32 v55, v22;
	v55 =	vld [tilespmem:$0x2250]  }
0x124: {  	v22 =	vld [tilespmem:$0x1F5A0]  }
0x125: {  	v13 =	vadd.f32 v48, v49;
	v48 =	vld [tilespmem:$0x1F650]  }
0x126: {  	v49 =	vld [tilespmem:$0x22A0]  }
0x127: {  	[tilespmem:$0x1FF90] =	vst v51;
	v51 =	vld [tilespmem:$0x1F920]  }
0x128: {  	[tilespmem:$0x1FD60] =	vst v12;
	v12 =	vld [tilespmem:$0x2280]  }
0x129: {  	[tilespmem:$0x1FD50] =	vst v20;
	v20 =	vld [tilespmem:$0x1F500]  }
0x12a: {  	v36 =	vadd.f32 v56, v18;
	v56 =	vld [tilespmem:$0x1F550]  }
0x12b: {  	v18 =	vld [tilespmem:$0x1F590]  }
0x12c: {  	[tilespmem:$0x1FD90] =	vst v19;
	v19 =	vadd.f32 v27, v31;
	v27 =	vld [tilespmem:$0x1F5D0]  }
0x12d: {  	v31 =	vld [tilespmem:$0x1F5F0]  }
0x12e: {  	v1 =	vadd.f32 v41, v1;
	[tilespmem:$0x3C20] =	vst v45;
	v45 =	vld [tilespmem:$0x24E0]  }
0x12f: {  	v57 =	vadd.f32 v57, v3;
	[tilespmem:$0x3C70] =	vst v36;
	v36 =	vld [tilespmem:$0x1FC90]  }
0x130: {  	v52 =	vadd.f32 v52, v1;
	v3 =	vadd.f32 v50, v19;
	v50 =	vld [tilespmem:$0x1F660]  }
0x131: {  	v1 =	vadd.f32 v54, v2;
	v2 =	vadd.f32 v62, v16;
	v62 =	vld [tilespmem:$0x20B0]  }
0x132: {  	v16 =	vld [tilespmem:$0x1F6C0]  }
0x133: {  	v19 =	vld [tilespmem:$0x1F6E0]  }
0x134: {  	[tilespmem:$0x1FF00] =	vst v49;
	v49 =	vld [tilespmem:$0x1F7C0]  }
0x135: {  	[tilespmem:$0x1FDF0] =	vst v12;
	v12 =	vld [tilespmem:$0x1F570]  }
0x136: {  	v37 =	vadd.f32 v20, v14;
	v14 =	vld [tilespmem:$0x20A0]  }
0x137: {  	v0 =	vadd.f32 v46, v0;
	v20 =	vld [tilespmem:$0x2120]  }
0x138: {  	v46 =	vadd.f32 v63, v1;
	v63 =	vld [tilespmem:$0x1F680]  }
0x139: {  	[tilespmem:$0x1FDC0] =	vst v47;
	v47 =	vadd.f32 v56, v0;
	v0 =	vadd.f32 v18, v13;
	v13 =	vld [tilespmem:$0x1F6A0]  }
0x13a: {  	v1 =	vadd.f32 v15, v5;
	v15 =	vld [tilespmem:$0x2130]  }
0x13b: {  	v18 =	vld [tilespmem:$0x2170]  }
0x13c: {  	v5 =	vld [tilespmem:$0x2540]  }
0x13d: {  	[tilespmem:$0x3C80] =	vst v52;
	v52 =	vld [tilespmem:$0x1FCC0]  }
0x13e: {  	v1 =	vadd.f32 v22, v1;
	v22 =	vld [tilespmem:$0x21B0]  }
0x13f: {  	v0 =	vadd.f32 v24, v0;
	v24 =	vld [tilespmem:$0x1F710]  }
0x140: {  	[tilespmem:$0x3C30] =	vst v37;
	v37 =	vld [tilespmem:$0x1FC70]  }
0x141: {  	[tilespmem:$0x3CC0] =	vst v47;
	v47 =	vld [tilespmem:$0x1FCE0]  }
0x142: {  	[tilespmem:$0x3C90] =	vst v46;
	v46 =	vld [tilespmem:$0x1FD00]  }
0x143: {  	v56 =	vadd.f32 v30, v0;
	v30 =	vld [tilespmem:$0x1F750]  }
0x144: {  	v0 =	vadd.f32 v31, v3;
	v31 =	vld [tilespmem:$0x1F760]  }
0x145: {  	v41 =	vadd.f32 v12, v57;
	v12 =	vld [tilespmem:$0x20F0]  }
0x146: {  	[tilespmem:$0x1FE40] =	vst v14;
	v14 =	vld [tilespmem:$0x1F6B0]  }
0x147: {  	[tilespmem:$0x1FE90] =	vst v20;
	v20 =	vld [tilespmem:$0x1F6F0]  }
0x148: {  	v57 =	vadd.f32 v26, v1;
	v26 =	vld [tilespmem:$0x21F0]  }
0x149: {  	v1 =	vadd.f32 v27, v2;
	v27 =	vld [tilespmem:$0x1F730]  }
0x14a: {  	v2 =	vadd.f32 v11, v58;
	v58 =	vld [tilespmem:$0x1F7F0]  }
0x14b: {  	v11 =	vld [tilespmem:$0x1F810]  }
0x14c: {  	[tilespmem:$0x1FEF0] =	vst v15;
	v15 =	vld [tilespmem:$0x2380]  }
0x14d: {  	[tilespmem:$0x1FF30] =	vst v18;
	v18 =	vld [tilespmem:$0x1F860]  }
0x14e: {  	[tilespmem:$0x1FFF0] =	vst v5;
	v5 =	vld [tilespmem:$0x1FA70]  }
0x14f: {  	v54 =	vadd.f32 v42, v0;
	v42 =	vld [tilespmem:$0x2230]  }
0x150: {  	v0 =	vadd.f32 v48, v43;
	v43 =	vld [tilespmem:$0x1F7A0]  }
0x151: {  	v48 =	vld [tilespmem:$0x22B0]  }
0x152: {  	[tilespmem:$0x3CE0] =	vst v56;
	v56 =	vld [tilespmem:$0x1FD60]  }
0x153: {  	[tilespmem:$0x1FE00] =	vst v55;
	v55 =	vadd.f32 v33, v1;
	v33 =	vld [tilespmem:$0x1F770]  }
0x154: {  	v1 =	vadd.f32 v35, v34;
	v34 =	vld [tilespmem:$0x1F780]  }
0x155: {  	v35 =	vld [tilespmem:$0x2270]  }
0x156: {  	[tilespmem:$0x1FF60] =	vst v22;
	v22 =	vld [tilespmem:$0x1F880]  }
0x157: {  	[tilespmem:$0x3CD0] =	vst v41;
	v41 =	vld [tilespmem:$0x1FD30]  }
0x158: {  	[tilespmem:$0x3CA0] =	vst v57;
	v57 =	vld [tilespmem:$0x1FD40]  }
0x159: {  	v1 =	vadd.f32 v50, v1;
	v50 =	vld [tilespmem:$0x1F7D0]  }
0x15a: {  	v0 =	vadd.f32 v60, v0;
	v3 =	vadd.f32 v14, v61;
	v61 =	vld [tilespmem:$0x2300]  }
0x15b: {  	[tilespmem:$0x1FEB0] =	vst v12;
	v12 =	vld [tilespmem:$0x2340]  }
0x15c: {  	v0 =	vadd.f32 v13, v0;
	v13 =	vld [tilespmem:$0x1F820]  }
0x15d: {  	v14 =	vld [tilespmem:$0x1F830]  }
0x15e: {  	[tilespmem:$0x1FFA0] =	vst v15;
	v15 =	vld [tilespmem:$0x1F9A0]  }
0x15f: {  	v1 =	vadd.f32 v63, v1;
	v63 =	vld [tilespmem:$0x1F800]  }
0x160: {  	[tilespmem:$0x1FF50] =	vst v48;
	v48 =	vld [tilespmem:$0x1F910]  }
0x161: {  	[tilespmem:$0x1FEA0] =	vst v62;
	v62 =	vadd.f32 v19, v0;
	v19 =	vld [tilespmem:$0x23C0]  }
0x162: {  	v0 =	vadd.f32 v20, v3;
	v20 =	vld [tilespmem:$0x1F870]  }
0x163: {  	v3 =	vadd.f32 v44, v43;
	v44 =	vld [tilespmem:$0x2440]  }
0x164: {  	[tilespmem:$0x1FF10] =	vst v35;
	v35 =	vld [tilespmem:$0x1F8E0]  }
0x165: {  	v43 =	vld [tilespmem:$0x1F900]  }
0x166: {  	[tilespmem:$0x1FE80] =	vst v32;
	v32 =	vadd.f32 v16, v1;
	v16 =	vld [tilespmem:$0x1F840]  }
0x167: {  	v1 =	vadd.f32 v17, v2;
	v17 =	vld [tilespmem:$0x1F850]  }
0x168: {  	v2 =	vadd.f32 v34, v33;
	v34 =	vld [tilespmem:$0x1F8D0]  }
0x169: {  	[tilespmem:$0x1FF40] =	vst v59;
	v59 =	vadd.f32 v27, v0;
	v27 =	vld [tilespmem:$0x1F8A0]  }
0x16a: {  	v0 =	vadd.f32 v30, v29;
	v29 =	vld [tilespmem:$0x1F8B0]  }
0x16b: {  	v3 =	vadd.f32 v58, v3;
	v58 =	vld [tilespmem:$0x2500]  }
0x16c: {  	[tilespmem:$0x3D40] =	vst v62;
	v62 =	vld [tilespmem:$0x1FDF0]  }
0x16d: {  	v60 =	vadd.f32 v23, v1;
	v23 =	vld [tilespmem:$0x1F890]  }
0x16e: {  	v1 =	vadd.f32 v25, v24;
	v25 =	vld [tilespmem:$0x2400]  }
0x16f: {  	v2 =	vadd.f32 v50, v2;
	v50 =	vld [tilespmem:$0x24C0]  }
0x170: {  	[tilespmem:$0x1FF70] =	vst v61;
	v61 =	vld [tilespmem:$0x1F940]  }
0x171: {  	[tilespmem:$0x1FF80] =	vst v12;
	v12 =	vld [tilespmem:$0x1F970]  }
0x172: {  	[tilespmem:$0x3D00] =	vst v32;
	v32 =	vld [tilespmem:$0x1FDD0]  }
0x173: {  	v0 =	vadd.f32 v38, v0;
	v38 =	vld [tilespmem:$0x1F8F0]  }
0x174: {  	[tilespmem:$0x3D50] =	vst v59;
	v59 =	vld [tilespmem:$0x2600]  }
0x175: {  	v1 =	vadd.f32 v31, v1;
	v31 =	vld [tilespmem:$0x1F8C0]  }
0x176: {  	[tilespmem:$0x1FFC0] =	vst v19;
	v19 =	vld [tilespmem:$0x1F9E0]  }
0x177: {  	[tilespmem:$0x3D10] =	vst v60;
	v60 =	vld [tilespmem:$0x1FE10]  }
0x178: {  	v0 =	vadd.f32 v53, v0;
	v53 =	vld [tilespmem:$0x1F930]  }
0x179: {  	v1 =	vadd.f32 v49, v1;
	v49 =	vld [tilespmem:$0x2480]  }
0x17a: {  	[tilespmem:$0x1FFD0] =	vst v58;
	v58 =	vld [tilespmem:$0x1FA60]  }
0x17b: {  	[tilespmem:$0x1FED0] =	vst v26;
	v26 =	vadd.f32 v13, v0;
	v13 =	vld [tilespmem:$0x1F980]  }
0x17c: {  	v0 =	vadd.f32 v14, v3;
	v14 =	vld [tilespmem:$0x1F990]  }
0x17d: {  	[tilespmem:$0x1FFB0] =	vst v50;
	v50 =	vld [tilespmem:$0x23D0]  }
0x17e: {  	v24 =	vadd.f32 v63, v1;
	v63 =	vld [tilespmem:$0x1F950]  }
0x17f: {  	v1 =	vadd.f32 v11, v2;
	v11 =	vld [tilespmem:$0x1F960]  }
0x180: {  	v3 =	vadd.f32 v38, v35;
	v35 =	vld [tilespmem:$0x1FA30]  }
0x181: {  	v38 =	vld [tilespmem:$0x1FA40]  }
0x182: {  	v33 =	vadd.f32 v20, v0;
	v20 =	vld [tilespmem:$0x1F9F0]  }
0x183: {  	v2 =	vadd.f32 v31, v29;
	v29 =	vld [tilespmem:$0x1FA00]  }
0x184: {  	v31 =	vld [tilespmem:$0x1FA10]  }
0x185: {  	[tilespmem:$0x3D60] =	vst v26;
	v26 =	vld [tilespmem:$0x1FE60]  }
0x186: {  	v3 =	vadd.f32 v53, v3;
	v53 =	vld [tilespmem:$0x2310]  }
0x187: {  	v30 =	vadd.f32 v16, v1;
	v16 =	vld [tilespmem:$0x1F9B0]  }
0x188: {  	v1 =	vadd.f32 v18, v17;
	v17 =	vld [tilespmem:$0x1F9C0]  }
0x189: {  	v0 =	vadd.f32 v23, v22;
	v18 =	vld [tilespmem:$0x1F9D0]  }
0x18a: {  	[tilespmem:$0x3D20] =	vst v24;
	v24 =	vld [tilespmem:$0x1FE30]  }
0x18b: {  	v0 =	vadd.f32 v34, v0;
	v34 =	vld [tilespmem:$0x1FA20]  }
0x18c: {  	v2 =	vadd.f32 v48, v2;
	v48 =	vld [tilespmem:$0x2410]  }
0x18d: {  	[tilespmem:$0x3D70] =	vst v33;
	v33 =	vld [tilespmem:$0x1FEC0]  }
0x18e: {  	v1 =	vadd.f32 v27, v1;
	[tilespmem:$0x3D30] =	vst v30;
	v30 =	vld [tilespmem:$0x1FE90]  }
0x18f: {  	v0 =	vadd.f32 v51, v0;
	v51 =	vld [tilespmem:$0x2390]  }
0x190: {  	v1 =	vadd.f32 v43, v1;
	v43 =	vld [tilespmem:$0x1FA50]  }
0x191: {  	v23 =	vadd.f32 v11, v0;
	v11 =	vld [tilespmem:$0x1FA80]  }
0x192: {  	v0 =	vadd.f32 v12, v3;
	v12 =	vld [tilespmem:$0x1FA90]  }
0x193: {  	v22 =	vadd.f32 v61, v1;
	v61 =	vld [tilespmem:$0x2350]  }
0x194: {  	v1 =	vadd.f32 v63, v2;
	v2 =	vadd.f32 v29, v20;
	v29 =	vld [tilespmem:$0x2490]  }
0x195: {  	v3 =	vadd.f32 v35, v34;
	v34 =	vld [tilespmem:$0x24D0]  }
0x196: {  	v20 =	vld [tilespmem:$0x1FAE0]  }
0x197: {  	v35 =	vld [tilespmem:$0x1FAF0]  }
0x198: {  	v27 =	vadd.f32 v16, v0;
	v0 =	vadd.f32 v18, v17;
	v17 =	vld [tilespmem:$0x1FAD0]  }
0x199: {  	[tilespmem:$0x3DC0] =	vst v23;
	v23 =	vld [tilespmem:$0x1FF00]  }
0x19a: {  	[tilespmem:$0x1FFE0] =	vst v25;
	v25 =	vadd.f32 v13, v1;
	v13 =	vld [tilespmem:$0x1FAA0]  }
0x19b: {  	v1 =	vadd.f32 v15, v14;
	v14 =	vld [tilespmem:$0x1FAB0]  }
0x19c: {  	v15 =	vld [tilespmem:$0x1FAC0]  }
0x19d: {  	[tilespmem:$0x3D80] =	vst v22;
	v22 =	vld [tilespmem:$0x1FEE0]  }
0x19e: {  	v0 =	vadd.f32 v31, v0;
	v31 =	vld [tilespmem:$0x2450]  }
0x19f: {  	v2 =	vadd.f32 v43, v2;
	v43 =	vld [tilespmem:$0x1FB10];
	v1 =	vadd.f32 v19, v1  }
0x1a0: {  	[tilespmem:$0x3DD0] =	vst v27;
	v27 =	vld [tilespmem:$0x1FF40]  }
0x1a1: {  	[tilespmem:$0x3D90] =	vst v25;
	v25 =	vld [tilespmem:$0x1FF20];
	v1 =	vadd.f32 v38, v1  }
0x1a2: {  	v63 =	vadd.f32 v58, v0;
	v58 =	vld [tilespmem:$0x2550]  }
0x1a3: {  	v16 =	vadd.f32 v11, v1;
	v11 =	vld [tilespmem:$0x1FB20]  }
0x1a4: {  	v2 =	vadd.f32 v12, v2;
	v12 =	vld [tilespmem:$0x1FB30]  }
0x1a5: {  	v38 =	vld [tilespmem:$0x1FB00];
	v18 =	vadd.f32 v13, v63  }
0x1a6: {  	v63 =	vld [tilespmem:$0x2510];
	v19 =	vadd.f32 v15, v2;
	v15 =	vadd.f32 v20, v17  }
0x1a7: {  	v17 =	vld [tilespmem:$0x1FB70]  }
0x1a8: {  	v3 =	vadd.f32 v5, v3;
	v0 =	vadd.f32 v11, v15;
	v15 =	vld [tilespmem:$0x1FB60]  }
0x1a9: {  	v13 =	vld [tilespmem:$0x1FB40]  }
0x1aa: {  	v3 =	vadd.f32 v14, v3;
	v14 =	vld [tilespmem:$0x1FB50]  }
0x1ab: {  	v11 =	vld [tilespmem:$0x1FB90]  }
0x1ac: {  	v5 =	vadd.f32 v43, v38;
	v43 =	vld [tilespmem:$0x1FB80]  }
0x1ad: {  	v20 =	vadd.f32 v35, v3;
	v3 =	vadd.f32 v17, v15;
	v15 =	vld [tilespmem:$0x1FBD0]  }
0x1ae: {  	v1 =	vadd.f32 v13, v12;
	v12 =	vld [tilespmem:$0x1FBA0]  }
0x1af: {  	v13 =	vld [tilespmem:$0x1FBB0]  }
0x1b0: {  	v2 =	vadd.f32 v14, v5;
	v14 =	vld [tilespmem:$0x1FBC0];
	v1 =	vadd.f32 v11, v1  }
0x1b1: {  	v11 =	vld [tilespmem:$0x1FC10]  }
0x1b2: {  	v1 =	vadd.f32 v15, v1;
	v15 =	vld [tilespmem:$0x1FC20]  }
0x1b3: {  	v35 =	vld [tilespmem:$0x2360]  }
0x1b4: {  	v5 =	vld [tilespmem:$0x1FC00]  }
0x1b5: {  	[tilespmem:$0x3DE0] =	vst v18;
	v18 =	vld [tilespmem:$0x1FF90];
	v0 =	vadd.f32 v43, v0  }
0x1b6: {  	v38 =	vld [tilespmem:$0x2320];
	v2 =	vadd.f32 v12, v2;
	v3 =	vadd.f32 v13, v3  }
0x1b7: {  	v12 =	vadd.f32 v14, v0;
	v0 =	vadd.f32 v15, v11;
	v15 =	vld [tilespmem:$0x1FC60]  }
0x1b8: {  	v3 =	vadd.f32 v4, v3;
	v4 =	vld [tilespmem:$0x1FC40]  }
0x1b9: {  	v13 =	vadd.f32 v5, v1;
	v5 =	vld [tilespmem:$0x1FC50]  }
0x1ba: {  	[tilespmem:$0x3DA0] =	vst v16;
	v16 =	vld [tilespmem:$0x1FF60]  }
0x1bb: {  	v43 =	vld [tilespmem:$0x2420]  }
0x1bc: {  	v0 =	vadd.f32 v15, v0;
	v15 =	vld [tilespmem:$0x1FC80]  }
0x1bd: {  	v38 =	vadd.f32 v35, v38;
	v35 =	vld [tilespmem:$0x2760]  }
0x1be: {  	v17 =	vld [tilespmem:$0x23A0];
	v1 =	vadd.f32 v5, v4  }
0x1bf: {  	v14 =	vadd.f32 v21, v2;
	v21 =	vld [tilespmem:$0x24A0]  }
0x1c0: {  	v1 =	vadd.f32 v36, v1;
	v36 =	vld [tilespmem:$0x1FCB0]  }
0x1c1: {  	v2 =	vadd.f32 v15, v37;
	v15 =	vld [tilespmem:$0x1FCA0]  }
0x1c2: {  	v5 =	vld [tilespmem:$0x1FD20]  }
0x1c3: {  	v1 =	vadd.f32 v47, v1;
	v47 =	vld [tilespmem:$0x1FCF0]  }
0x1c4: {  	v0 =	vadd.f32 v52, v0;
	v52 =	vld [tilespmem:$0x1FCD0]  }
0x1c5: {  	v11 =	vadd.f32 v39, v3;
	v39 =	vld [tilespmem:$0x2520]  }
0x1c6: {  	v4 =	vadd.f32 v46, v0;
	v46 =	vld [tilespmem:$0x1FD10];
	v36 =	vadd.f32 v36, v15  }
0x1c7: {  	v3 =	vld [tilespmem:$0x24B0]  }
0x1c8: {  	v5 =	vadd.f32 v5, v1;
	v1 =	vld [tilespmem:$0x26C0];
	v36 =	vadd.f32 v47, v36  }
0x1c9: {  	v0 =	vld [tilespmem:$0x1FD70];
	v2 =	vadd.f32 v52, v2  }
0x1ca: {  	v37 =	vld [tilespmem:$0x2560];
	v41 =	vadd.f32 v41, v36  }
0x1cb: {  	v52 =	vld [tilespmem:$0x2370];
	v2 =	vadd.f32 v46, v2  }
0x1cc: {  	v41 =	vadd.f32 v56, v41;
	v56 =	vld [tilespmem:$0x1FD80]  }
0x1cd: {  	v2 =	vadd.f32 v57, v2;
	v57 =	vld [tilespmem:$0x1FD50]  }
0x1ce: {  	v46 =	vld [tilespmem:$0x23F0]  }
0x1cf: {  	v15 =	vld [tilespmem:$0x2330]  }
0x1d0: {  	v47 =	vld [tilespmem:$0x23B0]  }
0x1d1: {  	v36 =	vld [tilespmem:$0x2430];
	v56 =	vadd.f32 v56, v0  }
0x1d2: {  	v57 =	vadd.f32 v57, v6;
	v6 =	vld [tilespmem:$0x2470]  }
0x1d3: {  	[tilespmem:$0x3CF0] =	vst v54;
	v54 =	vadd.f32 v9, v56;
	v56 =	vld [tilespmem:$0x1FDB0]  }
0x1d4: {  	[tilespmem:$0x3CB0] =	vst v55;
	v55 =	vadd.f32 v7, v57;
	v9 =	vld [tilespmem:$0x1FDC0]  }
0x1d5: {  	v57 =	vld [tilespmem:$0x1FD90]  }
0x1d6: {  	v32 =	vadd.f32 v32, v55;
	v54 =	vadd.f32 v62, v54;
	v62 =	vld [tilespmem:$0x1FE00]  }
0x1d7: {  	v52 =	vadd.f32 v52, v15;
	v7 =	vld [tilespmem:$0x1FDA0]  }
0x1d8: {  	v32 =	vadd.f32 v10, v32;
	v10 =	vld [tilespmem:$0x1FE20]  }
0x1d9: {  	[tilespmem:$0x3E10] =	vst v13;
	v13 =	vadd.f32 v47, v52;
	v55 =	vld [tilespmem:$0x1FDE0];
	v56 =	vadd.f32 v9, v56  }
0x1da: {  	[tilespmem:$0x3E70] =	vst v41;
	v41 =	vld [tilespmem:$0x25F0]  }
0x1db: {  	v13 =	vadd.f32 v46, v13;
	v46 =	vld [tilespmem:$0x2730];
	v56 =	vadd.f32 v62, v56  }
0x1dc: {  	v57 =	vadd.f32 v7, v57;
	v54 =	vadd.f32 v8, v54;
	v8 =	vld [tilespmem:$0x1FE40]  }
0x1dd: {  	v56 =	vadd.f32 v10, v56;
	v10 =	vld [tilespmem:$0x1FE50]  }
0x1de: {  	v0 =	vld [tilespmem:$0x1FEA0];
	v55 =	vadd.f32 v55, v57  }
0x1df: {  	v13 =	vadd.f32 v36, v13;
	v36 =	vld [tilespmem:$0x27A0]  }
0x1e0: {  	v7 =	vld [tilespmem:$0x24F0];
	v55 =	vadd.f32 v60, v55  }
0x1e1: {  	v26 =	vadd.f32 v26, v56;
	v56 =	vld [tilespmem:$0x1FE70]  }
0x1e2: {  	v24 =	vadd.f32 v24, v55;
	v55 =	vadd.f32 v10, v8;
	v10 =	vld [tilespmem:$0x1FE80]  }
0x1e3: {  	[tilespmem:$0x3E80] =	vst v32;
	v32 =	vld [tilespmem:$0x2720]  }
0x1e4: {  	v57 =	vld [tilespmem:$0x2570]  }
0x1e5: {  	v60 =	vld [tilespmem:$0x25C0]  }
0x1e6: {  	v30 =	vadd.f32 v30, v55;
	v55 =	vld [tilespmem:$0x1FEB0]  }
0x1e7: {  	v9 =	vld [tilespmem:$0x2530];
	v56 =	vadd.f32 v10, v56  }
0x1e8: {  	v22 =	vadd.f32 v22, v30;
	v30 =	vld [tilespmem:$0x1FEF0]  }
0x1e9: {  	v33 =	vadd.f32 v33, v56;
	v56 =	vld [tilespmem:$0x1FED0]  }
0x1ea: {  	v22 =	vadd.f32 v25, v22;
	v25 =	vld [tilespmem:$0x1FF30]  }
0x1eb: {  	v55 =	vadd.f32 v55, v0;
	v23 =	vadd.f32 v23, v33;
	v33 =	vld [tilespmem:$0x1FF10]  }
0x1ec: {  	v62 =	vld [tilespmem:$0x2580]  }
0x1ed: {  	v30 =	vadd.f32 v30, v55;
	v23 =	vadd.f32 v27, v23;
	v27 =	vld [tilespmem:$0x1FF50]  }
0x1ee: {  	v8 =	vld [tilespmem:$0x2640];
	v42 =	vadd.f32 v42, v56  }
0x1ef: {  	v10 =	vld [tilespmem:$0x2680];
	v25 =	vadd.f32 v25, v30  }
0x1f0: {  	v0 =	vld [tilespmem:$0x1FF70];
	v33 =	vadd.f32 v33, v42  }
0x1f1: {  	v16 =	vadd.f32 v16, v25;
	v25 =	vld [tilespmem:$0x1FF80]  }
0x1f2: {  	v55 =	vld [tilespmem:$0x2740];
	v27 =	vadd.f32 v27, v33  }
0x1f3: {  	v30 =	vld [tilespmem:$0x27C0]  }
0x1f4: {  	v18 =	vadd.f32 v18, v27;
	v27 =	vadd.f32 v49, v44;
	v49 =	vld [tilespmem:$0x1FFA0]  }
0x1f5: {  	v33 =	vld [tilespmem:$0x2590]  }
0x1f6: {  	v25 =	vadd.f32 v25, v0;
	v0 =	vld [tilespmem:$0x25D0]  }
0x1f7: {  	v56 =	vld [tilespmem:$0x2700]  }
0x1f8: {  	v44 =	vld [tilespmem:$0x2610]  }
0x1f9: {  	[tilespmem:$0x3DB0] =	vst v19;
	v19 =	vadd.f32 v49, v25;
	v25 =	vadd.f32 v61, v53;
	v61 =	vld [tilespmem:$0x1FFB0]  }
0x1fa: {  	v42 =	vld [tilespmem:$0x2780]  }
0x1fb: {  	v49 =	vld [tilespmem:$0x2650];
	v0 =	vadd.f32 v0, v33  }
0x1fc: {  	v53 =	vld [tilespmem:$0x1FFC0]  }
0x1fd: {  	v3 =	vadd.f32 v3, v6;
	v0 =	vadd.f32 v44, v0;
	v44 =	vld [tilespmem:$0x26F0]  }
0x1fe: {  	[tilespmem:$0x3DF0] =	vst v20;
	v20 =	vadd.f32 v61, v27;
	v27 =	vadd.f32 v29, v31;
	v29 =	vld [tilespmem:$0x2690]  }
0x1ff: {  	[tilespmem:$0x3E00] =	vst v12;
	v3 =	vadd.f32 v7, v3;
	v61 =	vadd.f32 v51, v25;
	v25 =	vld [tilespmem:$0x26D0]  }
0x200: {  	[tilespmem:$0x3E40] =	vst v14;
	v1 =	vadd.f32 v56, v1;
	v31 =	vld [tilespmem:$0x1FFD0]  }
0x201: {  	[tilespmem:$0x3E50] =	vst v11;
	v3 =	vadd.f32 v9, v3;
	v12 =	vadd.f32 v53, v19;
	v53 =	vld [tilespmem:$0x1FFE0]  }
0x202: {  	[tilespmem:$0x3E60] =	vst v5;
	v1 =	vadd.f32 v55, v1;
	v19 =	vld [tilespmem:$0x2750];
	v51 =	vadd.f32 v34, v27  }
0x203: {  	[tilespmem:$0x3E20] =	vst v4;
	v3 =	vadd.f32 v57, v3;
	v27 =	vld [tilespmem:$0x2710];
	v61 =	vadd.f32 v50, v61  }
0x204: {  	[tilespmem:$0x3E30] =	vst v2;
	v1 =	vadd.f32 v42, v1;
	v50 =	vld [tilespmem:$0x25A0];
	v34 =	vadd.f32 v63, v51  }
0x205: {  	[tilespmem:$0x3F30] =	vst v13;
	v4 =	vadd.f32 v48, v61;
	v48 =	vadd.f32 v21, v28;
	v28 =	vld [tilespmem:$0x26E0]  }
0x206: {  	[tilespmem:$0x3EC0] =	vst v54;
	v51 =	vadd.f32 v17, v38;
	v14 =	vadd.f32 v31, v20;
	v31 =	vld [tilespmem:$0x1FFF0]  }
0x207: {  	[tilespmem:$0x3E90] =	vst v24;
	v0 =	vadd.f32 v49, v0;
	v12 =	vadd.f32 v53, v12;
	v53 =	vld [tilespmem:$0x25E0]  }
0x208: {  	[tilespmem:$0x3ED0] =	vst v26;
	v1 =	vadd.f32 v30, v1;
	v2 =	vadd.f32 v40, v51;
	v40 =	vld [tilespmem:$0x25B0]  }
0x209: {  	[tilespmem:$0x3F70] =	vst v3;
	v61 =	vld [tilespmem:$0x2660];
	v0 =	vadd.f32 v29, v0;
	v5 =	vadd.f32 v58, v34  }
0x20a: {  	[tilespmem:$0x3EA0] =	vst v22;
	v63 =	vld [tilespmem:$0x26A0];
	v34 =	vadd.f32 v60, v62;
	v2 =	vadd.f32 v43, v2  }
0x20b: {  	[tilespmem:$0x3EE0] =	vst v23;
	v58 =	vld [tilespmem:$0x2620];
	v11 =	vadd.f32 v31, v14;
	v14 =	vadd.f32 v45, v48  }
0x20c: {  	[tilespmem:$0x3EB0] =	vst v16;
	v38 =	vld [tilespmem:$0x27E0];
	v9 =	vadd.f32 v32, v28;
	v49 =	vadd.f32 v53, v50  }
0x20d: {  	[tilespmem:$0x3EF0] =	vst v18;
	v48 =	vld [tilespmem:$0x2630];
	v52 =	vadd.f32 v41, v40;
	v14 =	vadd.f32 v39, v14  }
0x20e: {  	[tilespmem:$0x3FC0] =	vst v1;
	v20 =	vld [tilespmem:$0x2790];
	v54 =	vadd.f32 v35, v9;
	v39 =	vadd.f32 v27, v25  }
0x20f: {  	[tilespmem:$0x3F10] =	vst v4;
	v51 =	vld [tilespmem:$0x2670];
	v14 =	vadd.f32 v37, v14;
	v37 =	vadd.f32 v59, v34  }
0x210: {  	[tilespmem:$0x3F20] =	vst v2;
	v50 =	vld [tilespmem:$0x2770];
	v2 =	vadd.f32 v58, v49;
	v58 =	vadd.f32 v36, v54  }
0x211: {  	[tilespmem:$0x3F00] =	vst v12;
	v31 =	vld [tilespmem:$0x27D0];
	v43 =	vadd.f32 v19, v39;
	v8 =	vadd.f32 v8, v37  }
0x212: {  	[tilespmem:$0x3F90] =	vst v0;
	v53 =	vld [tilespmem:$0x27B0];
	v2 =	vadd.f32 v61, v2;
	v56 =	vadd.f32 v48, v52  }
0x213: {  	v55 =	vld [tilespmem:$0x26B0];
	[tilespmem:$0x3F50] =	vst v5;
	v45 =	vadd.f32 v10, v8;
	v8 =	vadd.f32 v46, v44  }
0x214: {  	v57 =	vld [tilespmem:$0x27F0];
	[tilespmem:$0x3F40] =	vst v11;
	v1 =	vadd.f32 v38, v58;
	v47 =	vadd.f32 v20, v43  }
0x215: {  	[tilespmem:$0x3F60] =	vst v14;
	v60 =	vadd.f32 v63, v2;
	v59 =	vadd.f32 v50, v8  }
0x216: {  	v61 =	vadd.f32 v51, v56;
	[tilespmem:$0x3FE0] =	vst v1  }
0x217: {  	p1 =	sne.s32 s19, $0x4D80;
	v5 =	vadd.f32 v31, v47;
	[tilespmem:$0x3FA0] =	vst v60;
	v3 =	vadd.f32 v53, v59  }
.Ltmp2:
0x218: {  	v62 =	vadd.f32 v55, v61;
	[tilespmem:$0x3F80] =	vst v45;
	(pc) =	sbr.rel @p1 .LBB2_4-.Ltmp2, $4  }
0x219: {  	[tilespmem:$0x3FD0] =	vst v5;
	v63 =	vadd.f32 v57, v3  }
0x21a: {  	[tilespmem:$0x3FB0] =	vst v62  }
0x21b: {  	[tilespmem:$0x3FF0] =	vst v63  }
0x21c: {  	[hbm4b:s18+s2] =	stream.linear.scatter [tilespmem:s12], [sflag:$0x3], $0x400, $0x38;
	[tilespmem:$0x4400] =	vst v63  }
.Ltmp3:
0x21d: {  	(pc) =	sbr.rel .LBB2_5-.Ltmp3, $4  }
0x21e: {  	_ = 	snop  }
0x21f: {  	_ =	swait.ge [sflag:s13], $0x1400  }
0x220: {  	[sflag:s13] =	ssyncset.done $0x0  }
0x221: {  	[sflag:s13] =	ssyncadd.s32 $0xFFFFEC00  }
.LBB2_4:
0x222: {  	s20 =	sshra.s32 s19, $0x2  }
.Ltmp4:
0x223: {  	s20 =	sadd.s32 $0xA0, s20;
	(pc) =	sbr.rel @p0 .LBB2_6-.Ltmp4, $4  }
0x224: {  	[tilespmem:s9], [sflag:$0x1] =	stream.indirect.gather [hbm4b:s3+s8], $0x40, s20, s8, $0xb8;
	[tilespmem:$0x4400] =	vst v63  }
0x225: {  	_ =	swait.ge [sflag:s13], $0x1400  }
0x226: {  	[sflag:s13] =	ssyncset.done $0x0  }
0x227: {  	[sflag:s13] =	ssyncadd.s32 $0xFFFFEC00  }
.LBB2_5:
0x228: {  	_ =	swait.ge [sflag:s14], $0x400  }
0x229: {  	[sflag:s14] =	ssyncset.done $0x0  }
0x22a: {  	[sflag:s14] =	ssyncadd.s32 $0xFFFFFC00  }
.LBB2_6:
0x22b: {  	v63 =	vld [tilespmem:$0x2B60];
	_ =	sdelay $0x4  }
0x22c: {  	[tilespmem:$0x1EA70] =	vst v63;
	v63 =	vld [tilespmem:$0x2D40];
	_ =	sdelay $0x4  }
0x22d: {  	[tilespmem:$0x1EAF0] =	vst v63;
	v63 =	vld [tilespmem:$0x2E40];
	_ =	sdelay $0x4  }
0x22e: {  	[tilespmem:$0x1EB10] =	vst v63;
	v63 =	vld [tilespmem:$0x2F40];
	_ =	sdelay $0x4  }
0x22f: {  	[tilespmem:$0x1EBB0] =	vst v63;
	v63 =	vld [tilespmem:$0x2DD0];
	_ =	sdelay $0x4  }
0x230: {  	[tilespmem:$0x1EBA0] =	vst v63;
	v63 =	vld [tilespmem:$0x2ED0];
	_ =	sdelay $0x4  }
0x231: {  	[tilespmem:$0x1EB80] =	vst v63;
	v63 =	vld [tilespmem:$0x2F10];
	_ =	sdelay $0x4  }
0x232: {  	[tilespmem:$0x1EBC0] =	vst v63;
	v63 =	vld [tilespmem:$0x2F50];
	_ =	sdelay $0x4  }
0x233: {  	[tilespmem:$0x1EC00] =	vst v63;
	v63 =	vld [tilespmem:$0x2D20];
	_ =	sdelay $0x4  }
0x234: {  	[tilespmem:$0x1EBE0] =	vst v63;
	v63 =	vld [tilespmem:$0x2D60];
	_ =	sdelay $0x4  }
0x235: {  	[tilespmem:$0x1EBF0] =	vst v63;
	v63 =	vld [tilespmem:$0x2DA0];
	_ =	sdelay $0x4  }
0x236: {  	[tilespmem:$0x1EC30] =	vst v63;
	v63 =	vld [tilespmem:$0x2DE0];
	_ =	sdelay $0x4  }
0x237: {  	[tilespmem:$0x1EC90] =	vst v63;
	v63 =	vld [tilespmem:$0x2E20];
	_ =	sdelay $0x4  }
0x238: {  	[tilespmem:$0x1ECD0] =	vst v63;
	v63 =	vld [tilespmem:$0x2E60];
	_ =	sdelay $0x4  }
0x239: {  	[tilespmem:$0x1EC10] =	vst v63;
	v63 =	vld [tilespmem:$0x2EA0];
	_ =	sdelay $0x4  }
0x23a: {  	[tilespmem:$0x1EC20] =	vst v63;
	v63 =	vld [tilespmem:$0x2EE0];
	_ =	sdelay $0x4  }
0x23b: {  	[tilespmem:$0x1EC60] =	vst v63;
	v63 =	vld [tilespmem:$0x2F20];
	_ =	sdelay $0x4  }
0x23c: {  	[tilespmem:$0x1ECB0] =	vst v63;
	v63 =	vld [tilespmem:$0x2F60];
	_ =	sdelay $0x4  }
0x23d: {  	[tilespmem:$0x1ECF0] =	vst v63;
	v63 =	vld [tilespmem:$0x2D30];
	_ =	sdelay $0x4  }
0x23e: {  	[tilespmem:$0x1EC40] =	vst v63;
	v63 =	vld [tilespmem:$0x2D70];
	_ =	sdelay $0x4  }
0x23f: {  	[tilespmem:$0x1EC50] =	vst v63;
	v63 =	vld [tilespmem:$0x2DB0];
	_ =	sdelay $0x4  }
0x240: {  	[tilespmem:$0x1ECA0] =	vst v63;
	v63 =	vld [tilespmem:$0x2DF0];
	_ =	sdelay $0x4  }
0x241: {  	[tilespmem:$0x1ECE0] =	vst v63;
	v63 =	vld [tilespmem:$0x2E30];
	_ =	sdelay $0x4  }
0x242: {  	[tilespmem:$0x1ED10] =	vst v63;
	v63 =	vld [tilespmem:$0x2E70];
	_ =	sdelay $0x4  }
0x243: {  	[tilespmem:$0x1EC70] =	vst v63;
	v63 =	vld [tilespmem:$0x2EB0];
	_ =	sdelay $0x4  }
0x244: {  	[tilespmem:$0x1EC80] =	vst v63;
	v63 =	vld [tilespmem:$0x2EF0];
	_ =	sdelay $0x4  }
0x245: {  	[tilespmem:$0x1ECC0] =	vst v63;
	v63 =	vld [tilespmem:$0x2F30];
	_ =	sdelay $0x4  }
0x246: {  	[tilespmem:$0x1ED00] =	vst v63;
	v63 =	vld [tilespmem:$0x2F70];
	_ =	sdelay $0x4  }
0x247: {  	[tilespmem:$0x1ED40] =	vst v63;
	v63 =	vld [tilespmem:$0x2F80];
	_ =	sdelay $0x4  }
0x248: {  	[tilespmem:$0x1ED20] =	vst v63;
	v63 =	vld [tilespmem:$0x2FC0];
	_ =	sdelay $0x4  }
0x249: {  	[tilespmem:$0x1ED30] =	vst v63;
	v63 =	vld [tilespmem:$0x3000];
	_ =	sdelay $0x4  }
0x24a: {  	[tilespmem:$0x1ED70] =	vst v63;
	v63 =	vld [tilespmem:$0x3040];
	_ =	sdelay $0x4  }
0x24b: {  	[tilespmem:$0x1EDD0] =	vst v63;
	v63 =	vld [tilespmem:$0x3080];
	_ =	sdelay $0x4  }
0x24c: {  	[tilespmem:$0x1EE10] =	vst v63;
	v63 =	vld [tilespmem:$0x30C0];
	_ =	sdelay $0x4  }
0x24d: {  	[tilespmem:$0x1ED50] =	vst v63;
	v63 =	vld [tilespmem:$0x3100];
	_ =	sdelay $0x4  }
0x24e: {  	[tilespmem:$0x1ED60] =	vst v63;
	v63 =	vld [tilespmem:$0x3140];
	_ =	sdelay $0x4  }
0x24f: {  	[tilespmem:$0x1EDA0] =	vst v63;
	v63 =	vld [tilespmem:$0x3180];
	_ =	sdelay $0x4  }
0x250: {  	[tilespmem:$0x1EDF0] =	vst v63;
	v63 =	vld [tilespmem:$0x31C0];
	_ =	sdelay $0x4  }
0x251: {  	[tilespmem:$0x1EE30] =	vst v63;
	v63 =	vld [tilespmem:$0x2F90];
	_ =	sdelay $0x1  }
0x252: {  	v16 =	vld [tilespmem:$0x2800]  }
0x253: {  	v12 =	vld [tilespmem:$0x2840]  }
0x254: {  	v20 =	vld [tilespmem:$0x2880]  }
0x255: {  	[tilespmem:$0x1ED80] =	vst v63;
	v63 =	vld [tilespmem:$0x2FD0]  }
0x256: {  	v40 =	vld [tilespmem:$0x28C0]  }
0x257: {  	v0 =	vld [tilespmem:$0x2900]  }
0x258: {  	v6 =	vld [tilespmem:$0x2940]  }
0x259: {  	v4 =	vld [tilespmem:$0x2980]  }
0x25a: {  	[tilespmem:$0x1ED90] =	vst v63;
	v63 =	vld [tilespmem:$0x3010]  }
0x25b: {  	v13 =	vld [tilespmem:$0x29C0]  }
0x25c: {  	v32 =	vld [tilespmem:$0x2A00]  }
0x25d: {  	v54 =	vld [tilespmem:$0x2A40]  }
0x25e: {  	v3 =	vld [tilespmem:$0x2810]  }
0x25f: {  	[tilespmem:$0x1EDE0] =	vst v63;
	v63 =	vld [tilespmem:$0x3050]  }
0x260: {  	v2 =	vld [tilespmem:$0x2850]  }
0x261: {  	v10 =	vld [tilespmem:$0x2890]  }
0x262: {  	v28 =	vld [tilespmem:$0x28D0]  }
0x263: {  	v45 =	vld [tilespmem:$0x2910]  }
0x264: {  	[tilespmem:$0x1EE20] =	vst v63;
	v63 =	vld [tilespmem:$0x3090]  }
0x265: {  	v1 =	vld [tilespmem:$0x2950]  }
0x266: {  	v7 =	vld [tilespmem:$0x29D0]  }
0x267: {  	v21 =	vld [tilespmem:$0x2A10]  }
0x268: {  	v39 =	vld [tilespmem:$0x2A50]  }
0x269: {  	[tilespmem:$0x1EE50] =	vst v63;
	v63 =	vld [tilespmem:$0x30D0]  }
0x26a: {  	v24 =	vld [tilespmem:$0x2820]  }
0x26b: {  	v22 =	vld [tilespmem:$0x2860]  }
0x26c: {  	v36 =	vld [tilespmem:$0x28A0]  }
0x26d: {  	v59 =	vld [tilespmem:$0x28E0]  }
0x26e: {  	[tilespmem:$0x1EDB0] =	vst v63;
	v63 =	vld [tilespmem:$0x3110]  }
0x26f: {  	v5 =	vld [tilespmem:$0x2920]  }
0x270: {  	v18 =	vld [tilespmem:$0x2960]  }
0x271: {  	v14 =	vld [tilespmem:$0x29A0]  }
0x272: {  	v29 =	vld [tilespmem:$0x29E0]  }
0x273: {  	[tilespmem:$0x1EDC0] =	vst v63;
	v63 =	vld [tilespmem:$0x3150]  }
0x274: {  	v52 =	vld [tilespmem:$0x2A20]  }
0x275: {  	v50 =	vld [tilespmem:$0x2A60]  }
0x276: {  	v11 =	vld [tilespmem:$0x2830]  }
0x277: {  	v9 =	vld [tilespmem:$0x2870]  }
0x278: {  	[tilespmem:$0x1EE00] =	vst v63;
	v63 =	vld [tilespmem:$0x3190]  }
0x279: {  	v25 =	vld [tilespmem:$0x28B0]  }
0x27a: {  	v46 =	vld [tilespmem:$0x28F0]  }
0x27b: {  	v51 =	vld [tilespmem:$0x2930]  }
0x27c: {  	v8 =	vld [tilespmem:$0x2970]  }
0x27d: {  	[tilespmem:$0x1EE40] =	vst v63;
	v63 =	vld [tilespmem:$0x31D0]  }
0x27e: {  	v19 =	vld [tilespmem:$0x29F0]  }
0x27f: {  	v37 =	vld [tilespmem:$0x2A30]  }
0x280: {  	v56 =	vld [tilespmem:$0x2A70]  }
0x281: {  	v41 =	vld [tilespmem:$0x2A80]  }
0x282: {  	[tilespmem:$0x1EE80] =	vst v63;
	v63 =	vld [tilespmem:$0x2FA0]  }
0x283: {  	v38 =	vld [tilespmem:$0x2AC0]  }
0x284: {  	v55 =	vld [tilespmem:$0x2B00]  }
0x285: {  	v15 =	vld [tilespmem:$0x2B40]  }
0x286: {  	v53 =	vld [tilespmem:$0x2B80]  }
0x287: {  	[tilespmem:$0x1EE60] =	vst v63;
	v63 =	vld [tilespmem:$0x2FE0]  }
0x288: {  	v33 =	vld [tilespmem:$0x2BC0]  }
0x289: {  	v30 =	vld [tilespmem:$0x2C00]  }
0x28a: {  	v47 =	vld [tilespmem:$0x2C40]  }
0x28b: {  	v57 =	vld [tilespmem:$0x2C80]  }
0x28c: {  	[tilespmem:$0x1EE70] =	vst v63;
	v63 =	vld [tilespmem:$0x3020]  }
0x28d: {  	v58 =	vld [tilespmem:$0x2CC0]  }
0x28e: {  	v26 =	vld [tilespmem:$0x2A90]  }
0x28f: {  	v23 =	vld [tilespmem:$0x2AD0]  }
0x290: {  	v42 =	vld [tilespmem:$0x2B10]  }
0x291: {  	[tilespmem:$0x1EEB0] =	vst v63;
	v63 =	vld [tilespmem:$0x3060]  }
0x292: {  	v60 =	vld [tilespmem:$0x2B50]  }
0x293: {  	v61 =	vld [tilespmem:$0x2B90]  }
0x294: {  	v17 =	vld [tilespmem:$0x2BD0]  }
0x295: {  	v34 =	vld [tilespmem:$0x2C50]  }
0x296: {  	[tilespmem:$0x1EF10] =	vst v63;
	v63 =	vld [tilespmem:$0x30A0]  }
0x297: {  	v27 =	vld [tilespmem:$0x2CD0]  }
0x298: {  	v62 =	vld [tilespmem:$0x2B20]  }
0x299: {  	v31 =	vld [tilespmem:$0x2BA0]  }
0x29a: {  	v49 =	vld [tilespmem:$0x2BE0]  }
0x29b: {  	[tilespmem:$0x1EF50] =	vst v63;
	v63 =	vld [tilespmem:$0x30E0]  }
0x29c: {  	v48 =	vld [tilespmem:$0x2C20]  }
0x29d: {  	v35 =	vld [tilespmem:$0x2C60]  }
0x29e: {  	v43 =	vld [tilespmem:$0x2CA0]  }
0x29f: {  	v44 =	vld [tilespmem:$0x2CE0];
	[tilespmem:$0x1E9A0] =	vst v0  }
0x2a0: {  	[tilespmem:$0x1EE90] =	vst v63;
	v63 =	vld [tilespmem:$0x3120]  }
0x2a1: {  	v0 =	vld [tilespmem:$0x2990];
	[tilespmem:$0x1E9B0] =	vst v5  }
0x2a2: {  	[tilespmem:$0x1E9C0] =	vst v50;
	v5 =	vld [tilespmem:$0x29B0]  }
0x2a3: {  	[tilespmem:$0x1E9E0] =	vst v15;
	v15 =	vld [tilespmem:$0x2C10]  }
0x2a4: {  	[tilespmem:$0x1E9F0] =	vst v57;
	v57 =	vld [tilespmem:$0x2C90]  }
0x2a5: {  	[tilespmem:$0x1EEA0] =	vst v63;
	v63 =	vld [tilespmem:$0x3160]  }
0x2a6: {  	[tilespmem:$0x1EA30] =	vst v61;
	v61 =	vld [tilespmem:$0x2AA0]  }
0x2a7: {  	[tilespmem:$0x1EA20] =	vst v58;
	v58 =	vld [tilespmem:$0x2AE0]  }
0x2a8: {  	[tilespmem:$0x1EA80] =	vst v43;
	v43 =	vld [tilespmem:$0x2AB0]  }
0x2a9: {  	[tilespmem:$0x1E9D0] =	vst v51;
	v51 =	vld [tilespmem:$0x2BB0]  }
0x2aa: {  	[tilespmem:$0x1EEE0] =	vst v63;
	v63 =	vld [tilespmem:$0x31A0]  }
0x2ab: {  	[tilespmem:$0x1EA60] =	vst v35;
	v35 =	vld [tilespmem:$0x2AF0]  }
0x2ac: {  	[tilespmem:$0x1EA50] =	vst v62;
	v62 =	vld [tilespmem:$0x2B30]  }
0x2ad: {  	[tilespmem:$0x1EA00] =	vst v53;
	v50 =	vld [tilespmem:$0x2B70]  }
0x2ae: {  	[tilespmem:$0x1EAD0] =	vst v51;
	v51 =	vld [tilespmem:$0x2D80]  }
0x2af: {  	[tilespmem:$0x1EF30] =	vst v63;
	v63 =	vld [tilespmem:$0x31E0]  }
0x2b0: {  	[tilespmem:$0x1EA90] =	vst v31;
	v31 =	vld [tilespmem:$0x2BF0]  }
0x2b1: {  	[tilespmem:$0x1EA10] =	vst v60;
	v53 =	vld [tilespmem:$0x2CF0]  }
0x2b2: {  	[tilespmem:$0x1EA40] =	vst v27;
	v60 =	vld [tilespmem:$0x2D00]  }
0x2b3: {  	[tilespmem:$0x1EB30] =	vst v51;
	v51 =	vld [tilespmem:$0x2E80]  }
0x2b4: {  	[tilespmem:$0x1EF70] =	vst v63;
	v63 =	vld [tilespmem:$0x2FB0]  }
0x2b5: {  	[tilespmem:$0x1EAB0] =	vst v44;
	v27 =	vld [tilespmem:$0x2C30]  }
0x2b6: {  	[tilespmem:$0x1EB00] =	vst v53;
	v53 =	vld [tilespmem:$0x2DC0]  }
0x2b7: {  	[tilespmem:$0x1EAE0] =	vst v60;
	v60 =	vld [tilespmem:$0x2E00]  }
0x2b8: {  	[tilespmem:$0x1EB20] =	vst v51;
	v51 =	vld [tilespmem:$0x2D90]  }
0x2b9: {  	[tilespmem:$0x1EEC0] =	vst v63;
	v63 =	vld [tilespmem:$0x2FF0]  }
0x2ba: {  	v44 =	vld [tilespmem:$0x2CB0];
	[tilespmem:$0x1EAA0] =	vst v50  }
0x2bb: {  	[tilespmem:$0x1EB50] =	vst v53;
	v53 =	vld [tilespmem:$0x2EC0]  }
0x2bc: {  	[tilespmem:$0x1EB90] =	vst v60;
	v60 =	vld [tilespmem:$0x2F00]  }
0x2bd: {  	[tilespmem:$0x1EB60] =	vst v51;
	v51 =	vld [tilespmem:$0x2E10]  }
0x2be: {  	[tilespmem:$0x1EED0] =	vst v63;
	v63 =	vld [tilespmem:$0x3030]  }
0x2bf: {  	v50 =	vld [tilespmem:$0x2C70];
	[tilespmem:$0x1EAC0] =	vst v44  }
0x2c0: {  	v44 =	vld [tilespmem:$0x2E90];
	[tilespmem:$0x1EB40] =	vst v53  }
0x2c1: {  	[tilespmem:$0x1EB70] =	vst v60;
	v60 =	vld [tilespmem:$0x2D10]  }
0x2c2: {  	v53 =	vld [tilespmem:$0x2D50];
	[tilespmem:$0x1EBD0] =	vst v51  }
0x2c3: {  	v51 =	vld [tilespmem:$0x2E50];
	[tilespmem:$0x1EF20] =	vst v63  }
0x2c4: {  	v63 =	vld [tilespmem:$0x3070];
	_ =	sdelay $0x4  }
0x2c5: {  	[tilespmem:$0x1EF60] =	vst v63;
	v63 =	vld [tilespmem:$0x30B0];
	_ =	sdelay $0x4  }
0x2c6: {  	[tilespmem:$0x1EF90] =	vst v63;
	v63 =	vld [tilespmem:$0x30F0];
	_ =	sdelay $0x4  }
0x2c7: {  	[tilespmem:$0x1EEF0] =	vst v63;
	v63 =	vld [tilespmem:$0x3130];
	_ =	sdelay $0x4  }
0x2c8: {  	[tilespmem:$0x1EF00] =	vst v63;
	v63 =	vld [tilespmem:$0x3170];
	_ =	sdelay $0x4  }
0x2c9: {  	[tilespmem:$0x1EF40] =	vst v63;
	v63 =	vld [tilespmem:$0x31B0];
	_ =	sdelay $0x4  }
0x2ca: {  	[tilespmem:$0x1EF80] =	vst v63;
	v63 =	vld [tilespmem:$0x31F0];
	_ =	sdelay $0x4  }
0x2cb: {  	[tilespmem:$0x1EFC0] =	vst v63;
	v63 =	vld [tilespmem:$0x3200];
	_ =	sdelay $0x4  }
0x2cc: {  	[tilespmem:$0x1EFA0] =	vst v63;
	v63 =	vld [tilespmem:$0x3240];
	_ =	sdelay $0x4  }
0x2cd: {  	[tilespmem:$0x1EFB0] =	vst v63;
	v63 =	vld [tilespmem:$0x3280];
	_ =	sdelay $0x4  }
0x2ce: {  	[tilespmem:$0x1EFF0] =	vst v63;
	v63 =	vld [tilespmem:$0x32C0];
	_ =	sdelay $0x4  }
0x2cf: {  	[tilespmem:$0x1F050] =	vst v63;
	v63 =	vld [tilespmem:$0x3300];
	_ =	sdelay $0x4  }
0x2d0: {  	[tilespmem:$0x1F090] =	vst v63;
	v63 =	vld [tilespmem:$0x3340];
	_ =	sdelay $0x4  }
0x2d1: {  	[tilespmem:$0x1EFD0] =	vst v63;
	v63 =	vld [tilespmem:$0x3380];
	_ =	sdelay $0x4  }
0x2d2: {  	[tilespmem:$0x1EFE0] =	vst v63;
	v63 =	vld [tilespmem:$0x33C0];
	_ =	sdelay $0x4  }
0x2d3: {  	[tilespmem:$0x1F020] =	vst v63;
	v63 =	vld [tilespmem:$0x3400];
	_ =	sdelay $0x4  }
0x2d4: {  	[tilespmem:$0x1F070] =	vst v63;
	v63 =	vld [tilespmem:$0x3440];
	_ =	sdelay $0x4  }
0x2d5: {  	[tilespmem:$0x1F0B0] =	vst v63;
	v63 =	vld [tilespmem:$0x3210];
	_ =	sdelay $0x4  }
0x2d6: {  	[tilespmem:$0x1F000] =	vst v63;
	v63 =	vld [tilespmem:$0x3250];
	_ =	sdelay $0x4  }
0x2d7: {  	[tilespmem:$0x1F010] =	vst v63;
	v63 =	vld [tilespmem:$0x3290];
	_ =	sdelay $0x4  }
0x2d8: {  	[tilespmem:$0x1F060] =	vst v63;
	v63 =	vld [tilespmem:$0x32D0];
	_ =	sdelay $0x4  }
0x2d9: {  	[tilespmem:$0x1F0A0] =	vst v63;
	v63 =	vld [tilespmem:$0x3310];
	_ =	sdelay $0x4  }
0x2da: {  	[tilespmem:$0x1F0D0] =	vst v63;
	v63 =	vld [tilespmem:$0x3350];
	_ =	sdelay $0x4  }
0x2db: {  	[tilespmem:$0x1F030] =	vst v63;
	v63 =	vld [tilespmem:$0x3390];
	_ =	sdelay $0x4  }
0x2dc: {  	[tilespmem:$0x1F040] =	vst v63;
	v63 =	vld [tilespmem:$0x33D0];
	_ =	sdelay $0x4  }
0x2dd: {  	[tilespmem:$0x1F080] =	vst v63;
	v63 =	vld [tilespmem:$0x3410];
	_ =	sdelay $0x4  }
0x2de: {  	[tilespmem:$0x1F0C0] =	vst v63;
	v63 =	vld [tilespmem:$0x3450];
	_ =	sdelay $0x4  }
0x2df: {  	[tilespmem:$0x1F100] =	vst v63;
	v63 =	vld [tilespmem:$0x3220];
	_ =	sdelay $0x4  }
0x2e0: {  	[tilespmem:$0x1F0E0] =	vst v63;
	v63 =	vld [tilespmem:$0x3260];
	_ =	sdelay $0x4  }
0x2e1: {  	[tilespmem:$0x1F0F0] =	vst v63;
	v63 =	vld [tilespmem:$0x32A0];
	_ =	sdelay $0x4  }
0x2e2: {  	[tilespmem:$0x1F130] =	vst v63;
	v63 =	vld [tilespmem:$0x32E0];
	_ =	sdelay $0x4  }
0x2e3: {  	[tilespmem:$0x1F190] =	vst v63;
	v63 =	vld [tilespmem:$0x3320];
	_ =	sdelay $0x3  }
0x2e4: {  	v0 =	vadd.f32 v0, v1  }
0x2e5: {  	[tilespmem:$0x1F1D0] =	vst v63;
	v63 =	vld [tilespmem:$0x3360]  }
0x2e6: {  	v12 =	vadd.f32 v12, v16;
	v0 =	vadd.f32 v7, v0;
	v16 =	vld [tilespmem:$0x33B0]  }
0x2e7: {  	v4 =	vadd.f32 v4, v6;
	v2 =	vadd.f32 v2, v3;
	v6 =	vld [tilespmem:$0x3480]  }
0x2e8: {  	v0 =	vadd.f32 v21, v0;
	v7 =	vld [tilespmem:$0x3500]  }
0x2e9: {  	v24 =	vadd.f32 v22, v24;
	v2 =	vadd.f32 v10, v2;
	v10 =	vld [tilespmem:$0x3580]  }
0x2ea: {  	v21 =	vadd.f32 v39, v0;
	v39 =	vadd.f32 v14, v18;
	[tilespmem:$0x1F110] =	vst v63;
	v63 =	vld [tilespmem:$0x33A0]  }
0x2eb: {  	v1 =	vadd.f32 v36, v24;
	v24 =	vld [tilespmem:$0x34D0]  }
0x2ec: {  	v0 =	vadd.f32 v29, v39;
	v29 =	vld [tilespmem:$0x3510]  }
0x2ed: {  	v22 =	vadd.f32 v38, v41;
	v38 =	vld [tilespmem:$0x3590]  }
0x2ee: {  	v41 =	vld [tilespmem:$0x1E9E0]  }
0x2ef: {  	[tilespmem:$0x1F120] =	vst v63;
	v63 =	vld [tilespmem:$0x33E0]  }
0x2f0: {  	v0 =	vadd.f32 v52, v0;
	v52 =	vld [tilespmem:$0x1EA00]  }
0x2f1: {  	v1 =	vadd.f32 v59, v1;
	v59 =	vld [tilespmem:$0x3690]  }
0x2f2: {  	[tilespmem:$0x1F180] =	vst v16;
	v16 =	vadd.f32 v13, v4;
	v13 =	vld [tilespmem:$0x1E9A0]  }
0x2f3: {  	[tilespmem:$0x1F270] =	vst v24;
	v24 =	vld [tilespmem:$0x1EA80]  }
0x2f4: {  	[tilespmem:$0x1F160] =	vst v63;
	v63 =	vld [tilespmem:$0x3420]  }
0x2f5: {  	[tilespmem:$0x1F2B0] =	vst v29;
	v29 =	vld [tilespmem:$0x35E0]  }
0x2f6: {  	[tilespmem:$0x1F300] =	vst v38;
	v38 =	vld [tilespmem:$0x3660]  }
0x2f7: {  	[tilespmem:$0x1F2F0] =	vst v59;
	v59 =	vld [tilespmem:$0x36E0]  }
0x2f8: {  	v3 =	vadd.f32 v32, v16;
	v32 =	vld [tilespmem:$0x3540]  }
0x2f9: {  	v16 =	vadd.f32 v28, v2;
	[tilespmem:$0x1F1B0] =	vst v63;
	v63 =	vld [tilespmem:$0x3460]  }
0x2fa: {  	v4 =	vadd.f32 v54, v3;
	v54 =	vld [tilespmem:$0x35C0]  }
0x2fb: {  	v28 =	vadd.f32 v45, v16;
	v45 =	vadd.f32 v9, v11;
	v11 =	vld [tilespmem:$0x3600]  }
0x2fc: {  	v9 =	vld [tilespmem:$0x3640]  }
0x2fd: {  	v16 =	vld [tilespmem:$0x1E9C0]  }
0x2fe: {  	[tilespmem:$0x1F1F0] =	vst v63;
	v63 =	vld [tilespmem:$0x3230]  }
0x2ff: {  	[tilespmem:$0x1F340] =	vst v29;
	v29 =	vld [tilespmem:$0x1EC10]  }
0x300: {  	[tilespmem:$0x1F390] =	vst v38;
	v38 =	vld [tilespmem:$0x1EC60];
	v2 =	vadd.f32 v25, v45  }
0x301: {  	v25 =	vadd.f32 v30, v33;
	v33 =	vadd.f32 v15, v17;
	v15 =	vld [tilespmem:$0x1EA50]  }
0x302: {  	v17 =	vld [tilespmem:$0x34E0]  }
0x303: {  	[tilespmem:$0x1F140] =	vst v63;
	v63 =	vld [tilespmem:$0x3270]  }
0x304: {  	v30 =	vadd.f32 v23, v26;
	v23 =	vld [tilespmem:$0x3560]  }
0x305: {  	v26 =	vld [tilespmem:$0x1EA90]  }
0x306: {  	[tilespmem:$0x4010] =	vst v28;
	v28 =	vld [tilespmem:$0x3860]  }
0x307: {  	[tilespmem:$0x1F2A0] =	vst v32;
	v32 =	vld [tilespmem:$0x3550]  }
0x308: {  	[tilespmem:$0x1F150] =	vst v63;
	v63 =	vld [tilespmem:$0x32B0]  }
0x309: {  	v14 =	vadd.f32 v46, v2;
	v2 =	vadd.f32 v42, v30;
	v42 =	vld [tilespmem:$0x35D0]  }
0x30a: {  	v46 =	vld [tilespmem:$0x1E9F0]  }
0x30b: {  	v30 =	vld [tilespmem:$0x1EAB0]  }
0x30c: {  	v39 =	vadd.f32 v16, v0;
	v0 =	vadd.f32 v47, v25;
	v47 =	vld [tilespmem:$0x3610]  }
0x30d: {  	[tilespmem:$0x1F1A0] =	vst v63;
	v63 =	vld [tilespmem:$0x32F0]  }
0x30e: {  	[tilespmem:$0x1F240] =	vst v54;
	v54 =	vld [tilespmem:$0x1EA10]  }
0x30f: {  	[tilespmem:$0x1F250] =	vst v11;
	v11 =	vld [tilespmem:$0x36D0]  }
0x310: {  	v25 =	vld [tilespmem:$0x35A0]  }
0x311: {  	v16 =	vadd.f32 v35, v43;
	v35 =	vld [tilespmem:$0x1EAF0]  }
0x312: {  	[tilespmem:$0x1F1E0] =	vst v63;
	v63 =	vld [tilespmem:$0x3330]  }
0x313: {  	[tilespmem:$0x4050] =	vst v21;
	v43 =	vld [tilespmem:$0x1EB10]  }
0x314: {  	[tilespmem:$0x1F320] =	vst v17;
	v17 =	vld [tilespmem:$0x1EBA0]  }
0x315: {  	[tilespmem:$0x1F3B0] =	vst v23;
	v23 =	vld [tilespmem:$0x1EBD0]  }
0x316: {  	[tilespmem:$0x1F2E0] =	vst v32;
	v32 =	vld [tilespmem:$0x3620]  }
0x317: {  	[tilespmem:$0x1F210] =	vst v63;
	v63 =	vld [tilespmem:$0x3370]  }
0x318: {  	[tilespmem:$0x1F280] =	vst v42;
	v42 =	vld [tilespmem:$0x1EB00]  }
0x319: {  	[tilespmem:$0x1F330] =	vst v11;
	v11 =	vld [tilespmem:$0x1EB60]  }
0x31a: {  	[tilespmem:$0x1F3F0] =	vst v25;
	v25 =	vld [tilespmem:$0x1EBF0]  }
0x31b: {  	[tilespmem:$0x4040] =	vst v4;
	v21 =	vld [tilespmem:$0x1F0B0]  }
0x31c: {  	v4 =	vld [tilespmem:$0x1F0C0];
	[tilespmem:$0x1F170] =	vst v63;
	v63 =	vadd.f32 v20, v12  }
0x31d: {  	[tilespmem:$0x4060] =	vst v39;
	v39 =	vld [tilespmem:$0x1F100]  }
0x31e: {  	v12 =	vld [tilespmem:$0x33F0];
	v63 =	vadd.f32 v40, v63  }
0x31f: {  	v20 =	vld [tilespmem:$0x3430]  }
0x320: {  	v40 =	vadd.f32 v13, v63;
	v13 =	vld [tilespmem:$0x1E9B0]  }
0x321: {  	v63 =	vadd.f32 v5, v8;
	v8 =	vld [tilespmem:$0x36C0]  }
0x322: {  	v5 =	vadd.f32 v58, v61;
	v58 =	vadd.f32 v53, v60;
	v60 =	vld [tilespmem:$0x1EB40]  }
0x323: {  	v61 =	vadd.f32 v44, v51;
	v44 =	vld [tilespmem:$0x1EC80]  }
0x324: {  	v51 =	vld [tilespmem:$0x36F0]  }
0x325: {  	v53 =	vld [tilespmem:$0x1ECB0]  }
0x326: {  	[tilespmem:$0x1F1C0] =	vst v12;
	v12 =	vld [tilespmem:$0x3470]  }
0x327: {  	[tilespmem:$0x1F200] =	vst v20;
	v20 =	vld [tilespmem:$0x34C0]  }
0x328: {  	v3 =	vadd.f32 v19, v63;
	v19 =	vld [tilespmem:$0x3490]  }
0x329: {  	v63 =	vld [tilespmem:$0x1EA30]  }
0x32a: {  	[tilespmem:$0x4000] =	vst v40;
	v40 =	vld [tilespmem:$0x37E0]  }
0x32b: {  	v18 =	vadd.f32 v37, v3;
	v3 =	vadd.f32 v34, v33;
	v33 =	vld [tilespmem:$0x1EAD0]  }
0x32c: {  	v34 =	vld [tilespmem:$0x1EAE0]  }
0x32d: {  	v45 =	vadd.f32 v13, v1;
	v1 =	vadd.f32 v55, v22;
	v55 =	vld [tilespmem:$0x3650]  }
0x32e: {  	v22 =	vld [tilespmem:$0x1EA70]  }
0x32f: {  	v13 =	vadd.f32 v48, v49;
	v48 =	vld [tilespmem:$0x1EB20]  }
0x330: {  	v49 =	vld [tilespmem:$0x36A0]  }
0x331: {  	[tilespmem:$0x1F460] =	vst v51;
	v51 =	vld [tilespmem:$0x1EDF0]  }
0x332: {  	[tilespmem:$0x1F230] =	vst v12;
	v12 =	vld [tilespmem:$0x3680]  }
0x333: {  	[tilespmem:$0x1F220] =	vst v20;
	v20 =	vld [tilespmem:$0x1E9D0]  }
0x334: {  	v36 =	vadd.f32 v56, v18;
	v56 =	vld [tilespmem:$0x1EA20]  }
0x335: {  	v18 =	vld [tilespmem:$0x1EA60]  }
0x336: {  	[tilespmem:$0x1F260] =	vst v19;
	v19 =	vadd.f32 v27, v31;
	v27 =	vld [tilespmem:$0x1EAA0]  }
0x337: {  	v31 =	vld [tilespmem:$0x1EAC0]  }
0x338: {  	v1 =	vadd.f32 v41, v1;
	[tilespmem:$0x4020] =	vst v45;
	v45 =	vld [tilespmem:$0x38E0]  }
0x339: {  	v57 =	vadd.f32 v57, v3;
	[tilespmem:$0x4070] =	vst v36;
	v36 =	vld [tilespmem:$0x1F160]  }
0x33a: {  	v52 =	vadd.f32 v52, v1;
	v3 =	vadd.f32 v50, v19;
	v50 =	vld [tilespmem:$0x1EB30]  }
0x33b: {  	v1 =	vadd.f32 v54, v2;
	v2 =	vadd.f32 v62, v16;
	v62 =	vld [tilespmem:$0x34B0]  }
0x33c: {  	v16 =	vld [tilespmem:$0x1EB90]  }
0x33d: {  	v19 =	vld [tilespmem:$0x1EBB0]  }
0x33e: {  	[tilespmem:$0x1F3D0] =	vst v49;
	v49 =	vld [tilespmem:$0x1EC90]  }
0x33f: {  	[tilespmem:$0x1F2C0] =	vst v12;
	v12 =	vld [tilespmem:$0x1EA40]  }
0x340: {  	v37 =	vadd.f32 v20, v14;
	v14 =	vld [tilespmem:$0x34A0]  }
0x341: {  	v0 =	vadd.f32 v46, v0;
	v20 =	vld [tilespmem:$0x3520]  }
0x342: {  	v46 =	vadd.f32 v63, v1;
	v63 =	vld [tilespmem:$0x1EB50]  }
0x343: {  	[tilespmem:$0x1F290] =	vst v47;
	v47 =	vadd.f32 v56, v0;
	v0 =	vadd.f32 v18, v13;
	v13 =	vld [tilespmem:$0x1EB70]  }
0x344: {  	v1 =	vadd.f32 v15, v5;
	v15 =	vld [tilespmem:$0x3530]  }
0x345: {  	v18 =	vld [tilespmem:$0x3570]  }
0x346: {  	v5 =	vld [tilespmem:$0x3940]  }
0x347: {  	[tilespmem:$0x4080] =	vst v52;
	v52 =	vld [tilespmem:$0x1F190]  }
0x348: {  	v1 =	vadd.f32 v22, v1;
	v22 =	vld [tilespmem:$0x35B0]  }
0x349: {  	v0 =	vadd.f32 v24, v0;
	v24 =	vld [tilespmem:$0x1EBE0]  }
0x34a: {  	[tilespmem:$0x4030] =	vst v37;
	v37 =	vld [tilespmem:$0x1F140]  }
0x34b: {  	[tilespmem:$0x40C0] =	vst v47;
	v47 =	vld [tilespmem:$0x1F1B0]  }
0x34c: {  	[tilespmem:$0x4090] =	vst v46;
	v46 =	vld [tilespmem:$0x1F1D0]  }
0x34d: {  	v56 =	vadd.f32 v30, v0;
	v30 =	vld [tilespmem:$0x1EC20]  }
0x34e: {  	v0 =	vadd.f32 v31, v3;
	v31 =	vld [tilespmem:$0x1EC30]  }
0x34f: {  	v41 =	vadd.f32 v12, v57;
	v12 =	vld [tilespmem:$0x34F0]  }
0x350: {  	[tilespmem:$0x1F310] =	vst v14;
	v14 =	vld [tilespmem:$0x1EB80]  }
0x351: {  	[tilespmem:$0x1F360] =	vst v20;
	v20 =	vld [tilespmem:$0x1EBC0]  }
0x352: {  	v57 =	vadd.f32 v26, v1;
	v26 =	vld [tilespmem:$0x35F0]  }
0x353: {  	v1 =	vadd.f32 v27, v2;
	v27 =	vld [tilespmem:$0x1EC00]  }
0x354: {  	v2 =	vadd.f32 v11, v58;
	v58 =	vld [tilespmem:$0x1ECC0]  }
0x355: {  	v11 =	vld [tilespmem:$0x1ECE0]  }
0x356: {  	[tilespmem:$0x1F3C0] =	vst v15;
	v15 =	vld [tilespmem:$0x3780]  }
0x357: {  	[tilespmem:$0x1F400] =	vst v18;
	v18 =	vld [tilespmem:$0x1ED30]  }
0x358: {  	[tilespmem:$0x1F4C0] =	vst v5;
	v5 =	vld [tilespmem:$0x1EF40]  }
0x359: {  	v54 =	vadd.f32 v42, v0;
	v42 =	vld [tilespmem:$0x3630]  }
0x35a: {  	v0 =	vadd.f32 v48, v43;
	v43 =	vld [tilespmem:$0x1EC70]  }
0x35b: {  	v48 =	vld [tilespmem:$0x36B0]  }
0x35c: {  	[tilespmem:$0x40E0] =	vst v56;
	v56 =	vld [tilespmem:$0x1F230]  }
0x35d: {  	[tilespmem:$0x1F2D0] =	vst v55;
	v55 =	vadd.f32 v33, v1;
	v33 =	vld [tilespmem:$0x1EC40]  }
0x35e: {  	v1 =	vadd.f32 v35, v34;
	v34 =	vld [tilespmem:$0x1EC50]  }
0x35f: {  	v35 =	vld [tilespmem:$0x3670]  }
0x360: {  	[tilespmem:$0x1F430] =	vst v22;
	v22 =	vld [tilespmem:$0x1ED50]  }
0x361: {  	[tilespmem:$0x40D0] =	vst v41;
	v41 =	vld [tilespmem:$0x1F200]  }
0x362: {  	[tilespmem:$0x40A0] =	vst v57;
	v57 =	vld [tilespmem:$0x1F210]  }
0x363: {  	v1 =	vadd.f32 v50, v1;
	v50 =	vld [tilespmem:$0x1ECA0]  }
0x364: {  	v0 =	vadd.f32 v60, v0;
	v3 =	vadd.f32 v14, v61;
	v61 =	vld [tilespmem:$0x3700]  }
0x365: {  	[tilespmem:$0x1F380] =	vst v12;
	v12 =	vld [tilespmem:$0x3740]  }
0x366: {  	v0 =	vadd.f32 v13, v0;
	v13 =	vld [tilespmem:$0x1ECF0]  }
0x367: {  	v14 =	vld [tilespmem:$0x1ED00]  }
0x368: {  	[tilespmem:$0x1F470] =	vst v15;
	v15 =	vld [tilespmem:$0x1EE70]  }
0x369: {  	v1 =	vadd.f32 v63, v1;
	v63 =	vld [tilespmem:$0x1ECD0]  }
0x36a: {  	[tilespmem:$0x1F420] =	vst v48;
	v48 =	vld [tilespmem:$0x1EDE0]  }
0x36b: {  	[tilespmem:$0x1F370] =	vst v62;
	v62 =	vadd.f32 v19, v0;
	v19 =	vld [tilespmem:$0x37C0]  }
0x36c: {  	v0 =	vadd.f32 v20, v3;
	v20 =	vld [tilespmem:$0x1ED40]  }
0x36d: {  	v3 =	vadd.f32 v44, v43;
	v44 =	vld [tilespmem:$0x3840]  }
0x36e: {  	[tilespmem:$0x1F3E0] =	vst v35;
	v35 =	vld [tilespmem:$0x1EDB0]  }
0x36f: {  	v43 =	vld [tilespmem:$0x1EDD0]  }
0x370: {  	[tilespmem:$0x1F350] =	vst v32;
	v32 =	vadd.f32 v16, v1;
	v16 =	vld [tilespmem:$0x1ED10]  }
0x371: {  	v1 =	vadd.f32 v17, v2;
	v17 =	vld [tilespmem:$0x1ED20]  }
0x372: {  	v2 =	vadd.f32 v34, v33;
	v34 =	vld [tilespmem:$0x1EDA0]  }
0x373: {  	[tilespmem:$0x1F410] =	vst v59;
	v59 =	vadd.f32 v27, v0;
	v27 =	vld [tilespmem:$0x1ED70]  }
0x374: {  	v0 =	vadd.f32 v30, v29;
	v29 =	vld [tilespmem:$0x1ED80]  }
0x375: {  	v3 =	vadd.f32 v58, v3;
	v58 =	vld [tilespmem:$0x3900]  }
0x376: {  	[tilespmem:$0x4140] =	vst v62;
	v62 =	vld [tilespmem:$0x1F2C0]  }
0x377: {  	v60 =	vadd.f32 v23, v1;
	v23 =	vld [tilespmem:$0x1ED60]  }
0x378: {  	v1 =	vadd.f32 v25, v24;
	v25 =	vld [tilespmem:$0x3800]  }
0x379: {  	v2 =	vadd.f32 v50, v2;
	v50 =	vld [tilespmem:$0x38C0]  }
0x37a: {  	[tilespmem:$0x1F440] =	vst v61;
	v61 =	vld [tilespmem:$0x1EE10]  }
0x37b: {  	[tilespmem:$0x1F450] =	vst v12;
	v12 =	vld [tilespmem:$0x1EE40]  }
0x37c: {  	[tilespmem:$0x4100] =	vst v32;
	v32 =	vld [tilespmem:$0x1F2A0]  }
0x37d: {  	v0 =	vadd.f32 v38, v0;
	v38 =	vld [tilespmem:$0x1EDC0]  }
0x37e: {  	[tilespmem:$0x4150] =	vst v59;
	v59 =	vld [tilespmem:$0x3A00]  }
0x37f: {  	v1 =	vadd.f32 v31, v1;
	v31 =	vld [tilespmem:$0x1ED90]  }
0x380: {  	[tilespmem:$0x1F490] =	vst v19;
	v19 =	vld [tilespmem:$0x1EEB0]  }
0x381: {  	[tilespmem:$0x4110] =	vst v60;
	v60 =	vld [tilespmem:$0x1F2E0]  }
0x382: {  	v0 =	vadd.f32 v53, v0;
	v53 =	vld [tilespmem:$0x1EE00]  }
0x383: {  	v1 =	vadd.f32 v49, v1;
	v49 =	vld [tilespmem:$0x3880]  }
0x384: {  	[tilespmem:$0x1F4A0] =	vst v58;
	v58 =	vld [tilespmem:$0x1EF30]  }
0x385: {  	[tilespmem:$0x1F3A0] =	vst v26;
	v26 =	vadd.f32 v13, v0;
	v13 =	vld [tilespmem:$0x1EE50]  }
0x386: {  	v0 =	vadd.f32 v14, v3;
	v14 =	vld [tilespmem:$0x1EE60]  }
0x387: {  	[tilespmem:$0x1F480] =	vst v50;
	v50 =	vld [tilespmem:$0x37D0]  }
0x388: {  	v24 =	vadd.f32 v63, v1;
	v63 =	vld [tilespmem:$0x1EE20]  }
0x389: {  	v1 =	vadd.f32 v11, v2;
	v11 =	vld [tilespmem:$0x1EE30]  }
0x38a: {  	v3 =	vadd.f32 v38, v35;
	v35 =	vld [tilespmem:$0x1EF00]  }
0x38b: {  	v38 =	vld [tilespmem:$0x1EF10]  }
0x38c: {  	v33 =	vadd.f32 v20, v0;
	v20 =	vld [tilespmem:$0x1EEC0]  }
0x38d: {  	v2 =	vadd.f32 v31, v29;
	v29 =	vld [tilespmem:$0x1EED0]  }
0x38e: {  	v31 =	vld [tilespmem:$0x1EEE0]  }
0x38f: {  	[tilespmem:$0x4160] =	vst v26;
	v26 =	vld [tilespmem:$0x1F330]  }
0x390: {  	v3 =	vadd.f32 v53, v3;
	v53 =	vld [tilespmem:$0x3710]  }
0x391: {  	v30 =	vadd.f32 v16, v1;
	v16 =	vld [tilespmem:$0x1EE80]  }
0x392: {  	v1 =	vadd.f32 v18, v17;
	v17 =	vld [tilespmem:$0x1EE90]  }
0x393: {  	v0 =	vadd.f32 v23, v22;
	v18 =	vld [tilespmem:$0x1EEA0]  }
0x394: {  	[tilespmem:$0x4120] =	vst v24;
	v24 =	vld [tilespmem:$0x1F300]  }
0x395: {  	v0 =	vadd.f32 v34, v0;
	v34 =	vld [tilespmem:$0x1EEF0]  }
0x396: {  	v2 =	vadd.f32 v48, v2;
	v48 =	vld [tilespmem:$0x3810]  }
0x397: {  	[tilespmem:$0x4170] =	vst v33;
	v33 =	vld [tilespmem:$0x1F390]  }
0x398: {  	v1 =	vadd.f32 v27, v1;
	[tilespmem:$0x4130] =	vst v30;
	v30 =	vld [tilespmem:$0x1F360]  }
0x399: {  	v0 =	vadd.f32 v51, v0;
	v51 =	vld [tilespmem:$0x3790]  }
0x39a: {  	v1 =	vadd.f32 v43, v1;
	v43 =	vld [tilespmem:$0x1EF20]  }
0x39b: {  	v23 =	vadd.f32 v11, v0;
	v11 =	vld [tilespmem:$0x1EF50]  }
0x39c: {  	v0 =	vadd.f32 v12, v3;
	v12 =	vld [tilespmem:$0x1EF60]  }
0x39d: {  	v22 =	vadd.f32 v61, v1;
	v61 =	vld [tilespmem:$0x3750]  }
0x39e: {  	v1 =	vadd.f32 v63, v2;
	v2 =	vadd.f32 v29, v20;
	v29 =	vld [tilespmem:$0x3890]  }
0x39f: {  	v3 =	vadd.f32 v35, v34;
	v34 =	vld [tilespmem:$0x38D0]  }
0x3a0: {  	v20 =	vld [tilespmem:$0x1EFB0]  }
0x3a1: {  	v35 =	vld [tilespmem:$0x1EFC0]  }
0x3a2: {  	v27 =	vadd.f32 v16, v0;
	v0 =	vadd.f32 v18, v17;
	v17 =	vld [tilespmem:$0x1EFA0]  }
0x3a3: {  	[tilespmem:$0x41C0] =	vst v23;
	v23 =	vld [tilespmem:$0x1F3D0]  }
0x3a4: {  	[tilespmem:$0x1F4B0] =	vst v25;
	v25 =	vadd.f32 v13, v1;
	v13 =	vld [tilespmem:$0x1EF70]  }
0x3a5: {  	v1 =	vadd.f32 v15, v14;
	v14 =	vld [tilespmem:$0x1EF80]  }
0x3a6: {  	v15 =	vld [tilespmem:$0x1EF90]  }
0x3a7: {  	[tilespmem:$0x4180] =	vst v22;
	v22 =	vld [tilespmem:$0x1F3B0]  }
0x3a8: {  	v0 =	vadd.f32 v31, v0;
	v31 =	vld [tilespmem:$0x3850]  }
0x3a9: {  	v2 =	vadd.f32 v43, v2;
	v43 =	vld [tilespmem:$0x1EFE0];
	v1 =	vadd.f32 v19, v1  }
0x3aa: {  	[tilespmem:$0x41D0] =	vst v27;
	v27 =	vld [tilespmem:$0x1F410]  }
0x3ab: {  	[tilespmem:$0x4190] =	vst v25;
	v25 =	vld [tilespmem:$0x1F3F0];
	v1 =	vadd.f32 v38, v1  }
0x3ac: {  	v63 =	vadd.f32 v58, v0;
	v58 =	vld [tilespmem:$0x3950]  }
0x3ad: {  	v16 =	vadd.f32 v11, v1;
	v11 =	vld [tilespmem:$0x1EFF0]  }
0x3ae: {  	v2 =	vadd.f32 v12, v2;
	v12 =	vld [tilespmem:$0x1F000]  }
0x3af: {  	v38 =	vld [tilespmem:$0x1EFD0];
	v18 =	vadd.f32 v13, v63  }
0x3b0: {  	v63 =	vld [tilespmem:$0x3910];
	v19 =	vadd.f32 v15, v2;
	v15 =	vadd.f32 v20, v17  }
0x3b1: {  	v17 =	vld [tilespmem:$0x1F040]  }
0x3b2: {  	v3 =	vadd.f32 v5, v3;
	v0 =	vadd.f32 v11, v15;
	v15 =	vld [tilespmem:$0x1F030]  }
0x3b3: {  	v13 =	vld [tilespmem:$0x1F010]  }
0x3b4: {  	v3 =	vadd.f32 v14, v3;
	v14 =	vld [tilespmem:$0x1F020]  }
0x3b5: {  	v11 =	vld [tilespmem:$0x1F060]  }
0x3b6: {  	v5 =	vadd.f32 v43, v38;
	v43 =	vld [tilespmem:$0x1F050]  }
0x3b7: {  	v20 =	vadd.f32 v35, v3;
	v3 =	vadd.f32 v17, v15;
	v15 =	vld [tilespmem:$0x1F0A0]  }
0x3b8: {  	v1 =	vadd.f32 v13, v12;
	v12 =	vld [tilespmem:$0x1F070]  }
0x3b9: {  	v13 =	vld [tilespmem:$0x1F080]  }
0x3ba: {  	v2 =	vadd.f32 v14, v5;
	v14 =	vld [tilespmem:$0x1F090];
	v1 =	vadd.f32 v11, v1  }
0x3bb: {  	v11 =	vld [tilespmem:$0x1F0E0]  }
0x3bc: {  	v1 =	vadd.f32 v15, v1;
	v15 =	vld [tilespmem:$0x1F0F0]  }
0x3bd: {  	v35 =	vld [tilespmem:$0x3760]  }
0x3be: {  	v5 =	vld [tilespmem:$0x1F0D0]  }
0x3bf: {  	[tilespmem:$0x41E0] =	vst v18;
	v18 =	vld [tilespmem:$0x1F460];
	v0 =	vadd.f32 v43, v0  }
0x3c0: {  	v38 =	vld [tilespmem:$0x3720];
	v2 =	vadd.f32 v12, v2;
	v3 =	vadd.f32 v13, v3  }
0x3c1: {  	v12 =	vadd.f32 v14, v0;
	v0 =	vadd.f32 v15, v11;
	v15 =	vld [tilespmem:$0x1F130]  }
0x3c2: {  	v3 =	vadd.f32 v4, v3;
	v4 =	vld [tilespmem:$0x1F110]  }
0x3c3: {  	v13 =	vadd.f32 v5, v1;
	v5 =	vld [tilespmem:$0x1F120]  }
0x3c4: {  	[tilespmem:$0x41A0] =	vst v16;
	v16 =	vld [tilespmem:$0x1F430]  }
0x3c5: {  	v43 =	vld [tilespmem:$0x3820]  }
0x3c6: {  	v0 =	vadd.f32 v15, v0;
	v15 =	vld [tilespmem:$0x1F150]  }
0x3c7: {  	v38 =	vadd.f32 v35, v38;
	v35 =	vld [tilespmem:$0x3B60]  }
0x3c8: {  	v17 =	vld [tilespmem:$0x37A0];
	v1 =	vadd.f32 v5, v4  }
0x3c9: {  	v14 =	vadd.f32 v21, v2;
	v21 =	vld [tilespmem:$0x38A0]  }
0x3ca: {  	v1 =	vadd.f32 v36, v1;
	v36 =	vld [tilespmem:$0x1F180]  }
0x3cb: {  	v2 =	vadd.f32 v15, v37;
	v15 =	vld [tilespmem:$0x1F170]  }
0x3cc: {  	v5 =	vld [tilespmem:$0x1F1F0]  }
0x3cd: {  	v1 =	vadd.f32 v47, v1;
	v47 =	vld [tilespmem:$0x1F1C0]  }
0x3ce: {  	v0 =	vadd.f32 v52, v0;
	v52 =	vld [tilespmem:$0x1F1A0]  }
0x3cf: {  	v11 =	vadd.f32 v39, v3;
	v39 =	vld [tilespmem:$0x3920]  }
0x3d0: {  	v4 =	vadd.f32 v46, v0;
	v46 =	vld [tilespmem:$0x1F1E0];
	v36 =	vadd.f32 v36, v15  }
0x3d1: {  	v3 =	vld [tilespmem:$0x38B0]  }
0x3d2: {  	v5 =	vadd.f32 v5, v1;
	v1 =	vld [tilespmem:$0x3AC0];
	v36 =	vadd.f32 v47, v36  }
0x3d3: {  	v0 =	vld [tilespmem:$0x1F240];
	v2 =	vadd.f32 v52, v2  }
0x3d4: {  	v37 =	vld [tilespmem:$0x3960];
	v41 =	vadd.f32 v41, v36  }
0x3d5: {  	v52 =	vld [tilespmem:$0x3770];
	v2 =	vadd.f32 v46, v2  }
0x3d6: {  	v41 =	vadd.f32 v56, v41;
	v56 =	vld [tilespmem:$0x1F250]  }
0x3d7: {  	v2 =	vadd.f32 v57, v2;
	v57 =	vld [tilespmem:$0x1F220]  }
0x3d8: {  	v46 =	vld [tilespmem:$0x37F0]  }
0x3d9: {  	v15 =	vld [tilespmem:$0x3730]  }
0x3da: {  	v47 =	vld [tilespmem:$0x37B0]  }
0x3db: {  	v36 =	vld [tilespmem:$0x3830];
	v56 =	vadd.f32 v56, v0  }
0x3dc: {  	v57 =	vadd.f32 v57, v6;
	v6 =	vld [tilespmem:$0x3870]  }
0x3dd: {  	[tilespmem:$0x40F0] =	vst v54;
	v54 =	vadd.f32 v9, v56;
	v56 =	vld [tilespmem:$0x1F280]  }
0x3de: {  	[tilespmem:$0x40B0] =	vst v55;
	v55 =	vadd.f32 v7, v57;
	v9 =	vld [tilespmem:$0x1F290]  }
0x3df: {  	v57 =	vld [tilespmem:$0x1F260]  }
0x3e0: {  	v32 =	vadd.f32 v32, v55;
	v54 =	vadd.f32 v62, v54;
	v62 =	vld [tilespmem:$0x1F2D0]  }
0x3e1: {  	v52 =	vadd.f32 v52, v15;
	v7 =	vld [tilespmem:$0x1F270]  }
0x3e2: {  	v32 =	vadd.f32 v10, v32;
	v10 =	vld [tilespmem:$0x1F2F0]  }
0x3e3: {  	[tilespmem:$0x4210] =	vst v13;
	v13 =	vadd.f32 v47, v52;
	v55 =	vld [tilespmem:$0x1F2B0];
	v56 =	vadd.f32 v9, v56  }
0x3e4: {  	[tilespmem:$0x4270] =	vst v41;
	v41 =	vld [tilespmem:$0x39F0]  }
0x3e5: {  	v13 =	vadd.f32 v46, v13;
	v46 =	vld [tilespmem:$0x3B30];
	v56 =	vadd.f32 v62, v56  }
0x3e6: {  	v57 =	vadd.f32 v7, v57;
	v54 =	vadd.f32 v8, v54;
	v8 =	vld [tilespmem:$0x1F310]  }
0x3e7: {  	v56 =	vadd.f32 v10, v56;
	v10 =	vld [tilespmem:$0x1F320]  }
0x3e8: {  	v0 =	vld [tilespmem:$0x1F370];
	v55 =	vadd.f32 v55, v57  }
0x3e9: {  	v13 =	vadd.f32 v36, v13;
	v36 =	vld [tilespmem:$0x3BA0]  }
0x3ea: {  	v7 =	vld [tilespmem:$0x38F0];
	v55 =	vadd.f32 v60, v55  }
0x3eb: {  	v26 =	vadd.f32 v26, v56;
	v56 =	vld [tilespmem:$0x1F340]  }
0x3ec: {  	v24 =	vadd.f32 v24, v55;
	v55 =	vadd.f32 v10, v8;
	v10 =	vld [tilespmem:$0x1F350]  }
0x3ed: {  	[tilespmem:$0x4280] =	vst v32;
	v32 =	vld [tilespmem:$0x3B20]  }
0x3ee: {  	v57 =	vld [tilespmem:$0x3970]  }
0x3ef: {  	v60 =	vld [tilespmem:$0x39C0]  }
0x3f0: {  	v30 =	vadd.f32 v30, v55;
	v55 =	vld [tilespmem:$0x1F380]  }
0x3f1: {  	v9 =	vld [tilespmem:$0x3930];
	v56 =	vadd.f32 v10, v56  }
0x3f2: {  	v22 =	vadd.f32 v22, v30;
	v30 =	vld [tilespmem:$0x1F3C0]  }
0x3f3: {  	v33 =	vadd.f32 v33, v56;
	v56 =	vld [tilespmem:$0x1F3A0]  }
0x3f4: {  	v22 =	vadd.f32 v25, v22;
	v25 =	vld [tilespmem:$0x1F400]  }
0x3f5: {  	v55 =	vadd.f32 v55, v0;
	v23 =	vadd.f32 v23, v33;
	v33 =	vld [tilespmem:$0x1F3E0]  }
0x3f6: {  	v62 =	vld [tilespmem:$0x3980]  }
0x3f7: {  	v30 =	vadd.f32 v30, v55;
	v23 =	vadd.f32 v27, v23;
	v27 =	vld [tilespmem:$0x1F420]  }
0x3f8: {  	v8 =	vld [tilespmem:$0x3A40];
	v42 =	vadd.f32 v42, v56  }
0x3f9: {  	v10 =	vld [tilespmem:$0x3A80];
	v25 =	vadd.f32 v25, v30  }
0x3fa: {  	v0 =	vld [tilespmem:$0x1F440];
	v33 =	vadd.f32 v33, v42  }
0x3fb: {  	v16 =	vadd.f32 v16, v25;
	v25 =	vld [tilespmem:$0x1F450]  }
0x3fc: {  	v55 =	vld [tilespmem:$0x3B40];
	v27 =	vadd.f32 v27, v33  }
0x3fd: {  	v30 =	vld [tilespmem:$0x3BC0]  }
0x3fe: {  	v18 =	vadd.f32 v18, v27;
	v27 =	vadd.f32 v49, v44;
	v49 =	vld [tilespmem:$0x1F470]  }
0x3ff: {  	v33 =	vld [tilespmem:$0x3990]  }
0x400: {  	v25 =	vadd.f32 v25, v0;
	v0 =	vld [tilespmem:$0x39D0]  }
0x401: {  	v56 =	vld [tilespmem:$0x3B00]  }
0x402: {  	v44 =	vld [tilespmem:$0x3A10]  }
0x403: {  	[tilespmem:$0x41B0] =	vst v19;
	v19 =	vadd.f32 v49, v25;
	v25 =	vadd.f32 v61, v53;
	v61 =	vld [tilespmem:$0x1F480]  }
0x404: {  	v42 =	vld [tilespmem:$0x3B80]  }
0x405: {  	v49 =	vld [tilespmem:$0x3A50];
	v0 =	vadd.f32 v0, v33  }
0x406: {  	v53 =	vld [tilespmem:$0x1F490]  }
0x407: {  	v3 =	vadd.f32 v3, v6;
	v0 =	vadd.f32 v44, v0;
	v44 =	vld [tilespmem:$0x3AF0]  }
0x408: {  	[tilespmem:$0x41F0] =	vst v20;
	v20 =	vadd.f32 v61, v27;
	v27 =	vadd.f32 v29, v31;
	v29 =	vld [tilespmem:$0x3A90]  }
0x409: {  	[tilespmem:$0x4200] =	vst v12;
	v3 =	vadd.f32 v7, v3;
	v61 =	vadd.f32 v51, v25;
	v25 =	vld [tilespmem:$0x3AD0]  }
0x40a: {  	[tilespmem:$0x4240] =	vst v14;
	v1 =	vadd.f32 v56, v1;
	v31 =	vld [tilespmem:$0x1F4A0]  }
0x40b: {  	[tilespmem:$0x4250] =	vst v11;
	v3 =	vadd.f32 v9, v3;
	v12 =	vadd.f32 v53, v19;
	v53 =	vld [tilespmem:$0x1F4B0]  }
0x40c: {  	[tilespmem:$0x4260] =	vst v5;
	v1 =	vadd.f32 v55, v1;
	v19 =	vld [tilespmem:$0x3B50];
	v51 =	vadd.f32 v34, v27  }
0x40d: {  	[tilespmem:$0x4220] =	vst v4;
	v3 =	vadd.f32 v57, v3;
	v27 =	vld [tilespmem:$0x3B10];
	v61 =	vadd.f32 v50, v61  }
0x40e: {  	[tilespmem:$0x4230] =	vst v2;
	v1 =	vadd.f32 v42, v1;
	v50 =	vld [tilespmem:$0x39A0];
	v34 =	vadd.f32 v63, v51  }
0x40f: {  	[tilespmem:$0x4330] =	vst v13;
	v4 =	vadd.f32 v48, v61;
	v48 =	vadd.f32 v21, v28;
	v28 =	vld [tilespmem:$0x3AE0]  }
0x410: {  	[tilespmem:$0x42C0] =	vst v54;
	v51 =	vadd.f32 v17, v38;
	v14 =	vadd.f32 v31, v20;
	v31 =	vld [tilespmem:$0x1F4C0]  }
0x411: {  	[tilespmem:$0x4290] =	vst v24;
	v0 =	vadd.f32 v49, v0;
	v12 =	vadd.f32 v53, v12;
	v53 =	vld [tilespmem:$0x39E0]  }
0x412: {  	[tilespmem:$0x42D0] =	vst v26;
	v1 =	vadd.f32 v30, v1;
	v2 =	vadd.f32 v40, v51;
	v40 =	vld [tilespmem:$0x39B0]  }
0x413: {  	[tilespmem:$0x4370] =	vst v3;
	v61 =	vld [tilespmem:$0x3A60];
	v0 =	vadd.f32 v29, v0;
	v5 =	vadd.f32 v58, v34  }
0x414: {  	[tilespmem:$0x42A0] =	vst v22;
	v63 =	vld [tilespmem:$0x3AA0];
	v34 =	vadd.f32 v60, v62;
	v2 =	vadd.f32 v43, v2  }
0x415: {  	[tilespmem:$0x42E0] =	vst v23;
	v58 =	vld [tilespmem:$0x3A20];
	v11 =	vadd.f32 v31, v14;
	v14 =	vadd.f32 v45, v48  }
0x416: {  	[tilespmem:$0x42B0] =	vst v16;
	v38 =	vld [tilespmem:$0x3BE0];
	v9 =	vadd.f32 v32, v28;
	v49 =	vadd.f32 v53, v50  }
0x417: {  	[tilespmem:$0x42F0] =	vst v18;
	v48 =	vld [tilespmem:$0x3A30];
	v52 =	vadd.f32 v41, v40;
	v14 =	vadd.f32 v39, v14  }
0x418: {  	[tilespmem:$0x43C0] =	vst v1;
	v20 =	vld [tilespmem:$0x3B90];
	v54 =	vadd.f32 v35, v9;
	v39 =	vadd.f32 v27, v25  }
0x419: {  	[tilespmem:$0x4310] =	vst v4;
	v51 =	vld [tilespmem:$0x3A70];
	v14 =	vadd.f32 v37, v14;
	v37 =	vadd.f32 v59, v34  }
0x41a: {  	[tilespmem:$0x4320] =	vst v2;
	v50 =	vld [tilespmem:$0x3B70];
	v2 =	vadd.f32 v58, v49;
	v58 =	vadd.f32 v36, v54  }
0x41b: {  	[tilespmem:$0x4300] =	vst v12;
	v31 =	vld [tilespmem:$0x3BD0];
	v43 =	vadd.f32 v19, v39;
	v8 =	vadd.f32 v8, v37  }
0x41c: {  	[tilespmem:$0x4390] =	vst v0;
	v53 =	vld [tilespmem:$0x3BB0];
	v2 =	vadd.f32 v61, v2;
	v56 =	vadd.f32 v48, v52  }
0x41d: {  	v55 =	vld [tilespmem:$0x3AB0];
	[tilespmem:$0x4350] =	vst v5;
	v45 =	vadd.f32 v10, v8;
	v8 =	vadd.f32 v46, v44  }
0x41e: {  	v57 =	vld [tilespmem:$0x3BF0];
	[tilespmem:$0x4340] =	vst v11;
	v1 =	vadd.f32 v38, v58;
	v47 =	vadd.f32 v20, v43  }
0x41f: {  	[tilespmem:$0x4360] =	vst v14;
	v60 =	vadd.f32 v63, v2;
	v59 =	vadd.f32 v50, v8  }
0x420: {  	v61 =	vadd.f32 v51, v56;
	[tilespmem:$0x43E0] =	vst v1  }
0x421: {  	p0 =	seq.s32 s19, $0x4D80;
	v5 =	vadd.f32 v31, v47;
	[tilespmem:$0x43A0] =	vst v60;
	v3 =	vadd.f32 v53, v59  }
.Ltmp5:
0x422: {  	v62 =	vadd.f32 v55, v61;
	[tilespmem:$0x4380] =	vst v45;
	(pc) =	sbr.rel @p0 .LBB2_8-.Ltmp5, $4  }
0x423: {  	[tilespmem:$0x43D0] =	vst v5;
	v63 =	vadd.f32 v57, v3  }
0x424: {  	[tilespmem:$0x43B0] =	vst v62  }
0x425: {  	s20 =	sadd.s32 $0x80, s18;
	[tilespmem:$0x43F0] =	vst v63  }
0x426: {  	[hbm4b:s20+s2] =	stream.linear.scatter [tilespmem:s15], [sflag:$0x4], $0x400, $0x38;
	[tilespmem:$0x4400] =	vst v63  }
.Ltmp6:
0x427: {  	(pc) =	sbr.rel .LBB2_2-.Ltmp6, $4  }
0x428: {  	_ = 	snop  }
0x429: {  	s20 =	sshra.s32 s19, $0x2  }
0x42a: {  	s19 =	sadd.s32 $0x280, s19;
	s18 =	sadd.s32 $0x100, s18;
	s20 =	sadd.s32 $0xF0, s20  }
0x42b: {  	[tilespmem:s10], [sflag:$0x2] =	stream.indirect.gather [hbm4b:s3+s8], $0x40, s20, s8, $0xb8;
	[tilespmem:$0x4400] =	vst v63  }
.LBB2_9:
0x42c: {  	_ =	sfence.sel $0x180000  }
0x42d: {  	[bflag:$0x0] =	sbarrier.arrive $0xFFFF  }
0x42e: {  	p0 =	sne.s32 s1, $0x0;
	_ =	strace $0x90000047  }
0x42f: {  	s0 =	sadd.s32 @!p0 $0x100000, s0;
	[bflag:$0x2] =	sbarrier.arrive $0xFFFF  }
0x430: {  	[sflag:s0] =	ssyncadd.tile.s32 @!p0 $0x1;
	_ =	shalt  }
.Lfunc_end2:
_tile_overlayer_lowered:
.L_overlay_start_2:
0x431: {  	(tag) =	ssettag $0x2  }
0x432: {  	s0 =	rddreg [dreg:$0x0];
	s2 =	stileid.u32  }
0x433: {  	s1 =	rddreg [dreg:$0x1];
	p0 =	sne.s32 s2, $0x0  }
0x434: {  	s3 =	rddreg [dreg:$0x2];
	[bflag:$0x3] =	sbarrier.arrive $0xFFFF;
	s2 =	simm.s32 @!p0 $0x1C05  }
0x435: {  	[timem:s3], [sflag:s2] =	dma.local @!p0 [hbm:s0], s1  }
0x436: {  	s0 =	simm.s32 @!p0 $0x5  }
0x437: {  	_ =	swait.ge @!p0 [sflag:s0], s1  }
0x438: {  	s1 =	ssub.s32 @!p0 $0x0, s1;
	[sflag:s0] =	ssyncset.done @!p0 $0x0  }
0x439: {  	[sflag:s0] =	ssyncadd.s32 @!p0 s1  }
0x43a: {  	[bflag:$0x3] =	sbarrier.arrive $0xFFFF  }
0x43b: {  	_ =	shalt  }

</sc_bundles>
